<compile_context>
chip_gen: v7x
topology: tpu7x:2x2x1
jax: 0.10.2.dev20260603
libtpu: 0.0.44.dev20260713+nightly
codegen_flags: <defaults>
</compile_context>

<pallas_src>
import functools

import jax
import jax.numpy as jnp
from jax import lax
from jax.experimental import pallas as pl
from jax.experimental.pallas import tpu as pltpu
from jax.experimental.pallas import tpu_sc as plsc

_N = 50000
_E = 800000
_D = 128
_H = 64
_HH = 32
_NPAD = 50048
_RPT = _NPAD // 16
_EPAD = 802816
_EPT = _EPAD // 16
_EK = 512
_NCHUNK = _EPT // _EK
_J = _EK // 128
_EPT32 = _EPAD // 32
_CK = 512
_CCH = _EPT32 // _CK

_mesh = plsc.VectorSubcoreMesh(core_axis_name="c", subcore_axis_name="s")



@functools.partial(
    pl.kernel,
    out_type=jax.ShapeDtypeStruct((2 * _NPAD, _HH), jnp.float32),
    mesh=_mesh,
    scratch_types=[
        pltpu.VMEM_SHARED((_NPAD, _HH), jnp.float32),
        pltpu.VMEM((_J, 128), jnp.int32),
        pltpu.VMEM((_J, 128), jnp.int32),
        pltpu.VMEM((_EK, _HH), jnp.float32),
        pltpu.SemaphoreType.DMA,
    ],
    compiler_params=pltpu.CompilerParams(use_tc_tiling_on_sc=False),
)
def _segsum(zA, zB, src2, dst2, zrows, out, acc, srcb, dstb, rows, sem):
    c = lax.axis_index("c")
    s = lax.axis_index("s")
    pltpu.sync_copy(zrows, acc.at[pl.ds(s * _RPT, _RPT)])
    plsc.subcore_barrier()

    @pl.loop(0, _NCHUNK)
    def _chunk(k):
        rowbase = s * (_EPT // 128) + k * _J
        pltpu.sync_copy(src2.at[pl.ds(rowbase, _J)], srcb)
        pltpu.sync_copy(dst2.at[pl.ds(rowbase, _J)], dstb)

        @pl.when(c == 0)
        def _():
            cps = [
                pltpu.async_copy(zA.at[srcb.at[j]],
                                 rows.at[pl.ds(j * 128, 128)], sem)
                for j in range(_J)
            ]
            for cp in cps:
                cp.wait()

        @pl.when(c == 1)
        def _():
            cps = [
                pltpu.async_copy(zB.at[srcb.at[j]],
                                 rows.at[pl.ds(j * 128, 128)], sem)
                for j in range(_J)
            ]
            for cp in cps:
                cp.wait()

        for j in range(_J):
            pltpu.sync_copy(rows.at[pl.ds(j * 128, 128)],
                            acc.at[dstb.at[j]], add=True)

    plsc.subcore_barrier()
    pltpu.sync_copy(acc.at[pl.ds(s * _RPT, _RPT)],
                    out.at[pl.ds(c * _NPAD + s * _RPT, _RPT)])



@functools.partial(
    pl.kernel,
    out_type=jax.ShapeDtypeStruct((32 * _NPAD,), jnp.float32),
    mesh=_mesh,
    scratch_types=[
        pltpu.VMEM((_NPAD,), jnp.float32),
        pltpu.VMEM((_CK,), jnp.int32),
    ],
    compiler_params=pltpu.CompilerParams(needs_layout_passes=False),
)
def _segcount(dst1, zcnt, out, cnt, dstb):
    c = lax.axis_index("c")
    s = lax.axis_index("s")
    w = c * 16 + s
    pltpu.sync_copy(zcnt, cnt)
    ones = jnp.full((16,), 1.0, jnp.float32)

    @pl.loop(0, _CCH)
    def _chunk(k):
        base = w * _EPT32 + k * _CK
        pltpu.sync_copy(dst1.at[pl.ds(base, _CK)], dstb)
        for t in range(_CK // 16):
            d = dstb[pl.ds(t * 16, 16)]
            plsc.addupdate_scatter(cnt, [d], ones)

    pltpu.sync_copy(cnt, out.at[pl.ds(w * _NPAD, _NPAD)])



def _proj_body(x, W, b, o):
    o[...] = jnp.dot(x[...], W[...],
                     preferred_element_type=jnp.float32) + b[...]


def _proj(x, W, b):
    n, d = x.shape
    blk = 2000
    return pl.pallas_call(
        _proj_body,
        grid=(n // blk,),
        in_specs=[
            pl.BlockSpec((blk, d), lambda i: (i, 0)),
            pl.BlockSpec((d, _H), lambda i: (0, 0)),
            pl.BlockSpec((1, _H), lambda i: (0, 0)),
        ],
        out_specs=pl.BlockSpec((blk, _H), lambda i: (i, 0)),
        out_shape=jax.ShapeDtypeStruct((n, _H), jnp.float32),
    )(x, W, b.reshape(1, _H))


def _zsplit_body(h, Wl, oA, oB):
    z = jnp.dot(h[...], Wl[...], preferred_element_type=jnp.float32)
    oA[...] = z[:, :_HH]
    oB[...] = z[:, _HH:]


def _zsplit(h, Wl):
    n = h.shape[0]
    blk = 2000
    return pl.pallas_call(
        _zsplit_body,
        grid=(n // blk,),
        in_specs=[
            pl.BlockSpec((blk, _H), lambda i: (i, 0)),
            pl.BlockSpec((_H, _H), lambda i: (0, 0)),
        ],
        out_specs=[
            pl.BlockSpec((blk, _HH), lambda i: (i, 0)),
            pl.BlockSpec((blk, _HH), lambda i: (i, 0)),
        ],
        out_shape=[
            jax.ShapeDtypeStruct((n, _HH), jnp.float32),
            jax.ShapeDtypeStruct((n, _HH), jnp.float32),
        ],
    )(h, Wl)


def _recip_body(cnt, o):
    total = jnp.sum(cnt[...], axis=0)
    o[...] = (1.0 / jnp.maximum(total, 1.0))[:, None]


def _recip(cnt32):
    blk = 2944
    return pl.pallas_call(
        _recip_body,
        grid=(_NPAD // blk,),
        in_specs=[pl.BlockSpec((32, blk), lambda i: (0, i))],
        out_specs=pl.BlockSpec((blk, 1), lambda i: (i, 0)),
        out_shape=jax.ShapeDtypeStruct((_NPAD, 1), jnp.float32),
    )(cnt32)


def _combine_body(S, r, h, Wr, b, o):
    o[...] = (S[...] * r[...]
              + jnp.dot(h[...], Wr[...], preferred_element_type=jnp.float32)
              + b[...])


def _combine_relu_body(S, r, h, Wr, b, o):
    o[...] = jnp.maximum(
        S[...] * r[...]
        + jnp.dot(h[...], Wr[...], preferred_element_type=jnp.float32)
        + b[...], 0.0)


def _combine(S, r, h, Wr, b, relu):
    n = h.shape[0]
    blk = 2000
    return pl.pallas_call(
        _combine_relu_body if relu else _combine_body,
        grid=(n // blk,),
        in_specs=[
            pl.BlockSpec((blk, _H), lambda i: (i, 0)),
            pl.BlockSpec((blk, 1), lambda i: (i, 0)),
            pl.BlockSpec((blk, _H), lambda i: (i, 0)),
            pl.BlockSpec((_H, _H), lambda i: (0, 0)),
            pl.BlockSpec((1, _H), lambda i: (0, 0)),
        ],
        out_specs=pl.BlockSpec((blk, _H), lambda i: (i, 0)),
        out_shape=jax.ShapeDtypeStruct((n, _H), jnp.float32),
    )(S, r, h, Wr, b.reshape(1, _H))



def _prep_edges(ei):
    src = ei[0].astype(jnp.int32)
    dst = ei[1].astype(jnp.int32)
    pad = _EPAD - _E
    src_p = jnp.concatenate([src, jnp.zeros((pad,), jnp.int32)])
    dst_p = jnp.concatenate([dst, jnp.full((pad,), _NPAD - 1, jnp.int32)])
    return src_p.reshape(-1, 128), dst_p.reshape(-1, 128), dst_p


def kernel(x_user, x_item, edge_index_ui, edge_index_iu,
           W_in_user, b_in_user, W_in_item, b_in_item,
           Wl_ui, bl_ui, Wr_ui, br_ui,
           Wl_iu, bl_iu, Wr_iu, br_iu):
    src2_ui, dst2_ui, dst1_ui = _prep_edges(edge_index_ui)
    src2_iu, dst2_iu, dst1_iu = _prep_edges(edge_index_iu)
    zrows = jnp.zeros((_RPT, _HH), jnp.float32)
    zcnt = jnp.zeros((_NPAD,), jnp.float32)

    cnt_ui = _segcount(dst1_ui, zcnt).reshape(32, _NPAD)
    cnt_iu = _segcount(dst1_iu, zcnt).reshape(32, _NPAD)
    recip_i = _recip(cnt_ui)[:_N]
    recip_u = _recip(cnt_iu)[:_N]

    h_u = _proj(x_user, W_in_user, b_in_user)
    h_i = _proj(x_item, W_in_item, b_in_item)

    for l in range(2):
        zA_u, zB_u = _zsplit(h_u, Wl_ui[l])
        Sh_i = _segsum(zA_u, zB_u, src2_ui, dst2_ui, zrows)
        S_i = jnp.concatenate([Sh_i[:_N], Sh_i[_NPAD:_NPAD + _N]], axis=1)
        zA_i, zB_i = _zsplit(h_i, Wl_iu[l])
        Sh_u = _segsum(zA_i, zB_i, src2_iu, dst2_iu, zrows)
        S_u = jnp.concatenate([Sh_u[:_N], Sh_u[_NPAD:_NPAD + _N]], axis=1)
        relu = l < 1
        h_i_new = _combine(S_i, recip_i, h_i, Wr_ui[l],
                           bl_ui[l] + br_ui[l], relu)
        h_u_new = _combine(S_u, recip_u, h_u, Wr_iu[l],
                           bl_iu[l] + br_iu[l], relu)
        h_u, h_i = h_u_new, h_i_new
    return (h_u, h_i)

# --- scband reference (transcript-rebuilt; emitter-appended) ---
"""Pipeline reference for scband-hetero-gcn-7928509628986 (READ-ONLY COPY).

The authoritative reference and input builder live on the scoring server;
editing this copy changes nothing except your own understanding.
"""

import jax, jax.numpy as jnp
import numpy as np

N_USER = 50000
N_ITEM = 50000
E = 800000
D_IN = 128
H = 64
NUM_LAYERS = 2


def setup_inputs(seed: int = 0) -> dict:
    key = jax.random.key(seed)
    ks = jax.random.split(key, 24)
    inp = {}
    inp['x_user'] = jax.random.normal(ks[0], (N_USER, D_IN), dtype=jnp.float32)
    inp['x_item'] = jax.random.normal(ks[1], (N_ITEM, D_IN), dtype=jnp.float32)
    inp['edge_index_ui'] = jnp.stack([
        jax.random.randint(ks[2], (E,), 0, N_USER),
        jax.random.randint(ks[3], (E,), 0, N_ITEM),
    ]).astype(jnp.int64)
    inp['edge_index_iu'] = jnp.stack([
        jax.random.randint(ks[4], (E,), 0, N_ITEM),
        jax.random.randint(ks[5], (E,), 0, N_USER),
    ]).astype(jnp.int64)
    s_in = 1.0 / np.sqrt(D_IN)
    s_h = 1.0 / np.sqrt(H)
    inp['W_in_user'] = jax.random.normal(ks[6], (D_IN, H), jnp.float32) * s_in
    inp['b_in_user'] = jnp.zeros((H,), jnp.float32)
    inp['W_in_item'] = jax.random.normal(ks[7], (D_IN, H), jnp.float32) * s_in
    inp['b_in_item'] = jnp.zeros((H,), jnp.float32)
    # SAGEConv weights per layer per edge type: lin_l (neighbor agg), lin_r (root)
    inp['Wl_ui'] = jax.random.normal(ks[8], (NUM_LAYERS, H, H), jnp.float32) * s_h
    inp['bl_ui'] = jnp.zeros((NUM_LAYERS, H), jnp.float32)
    inp['Wr_ui'] = jax.random.normal(ks[9], (NUM_LAYERS, H, H), jnp.float32) * s_h
    inp['br_ui'] = jnp.zeros((NUM_LAYERS, H), jnp.float32)
    inp['Wl_iu'] = jax.random.normal(ks[10], (NUM_LAYERS, H, H), jnp.float32) * s_h
    inp['bl_iu'] = jnp.zeros((NUM_LAYERS, H), jnp.float32)
    inp['Wr_iu'] = jax.random.normal(ks[11], (NUM_LAYERS, H, H), jnp.float32) * s_h
    inp['br_iu'] = jnp.zeros((NUM_LAYERS, H), jnp.float32)
    return inp


def _sage_mean_agg(h_src, src_idx, dst_idx, num_dst):
    msg = jnp.take(h_src, src_idx, axis=0)
    s = jax.ops.segment_sum(msg, dst_idx, num_segments=num_dst)
    cnt = jax.ops.segment_sum(jnp.ones_like(dst_idx, dtype=jnp.float32), dst_idx, num_segments=num_dst)
    return s / jnp.clip(cnt, 1.0)[:, None]


def reference(x_user, x_item, edge_index_ui, edge_index_iu,
              W_in_user, b_in_user, W_in_item, b_in_item,
              Wl_ui, bl_ui, Wr_ui, br_ui,
              Wl_iu, bl_iu, Wr_iu, br_iu):
    # input projection (features are nonzero randn so input_proj path is taken)
    h_u = x_user @ W_in_user + b_in_user
    h_i = x_item @ W_in_item + b_in_item
    src_ui, dst_ui = edge_index_ui[0], edge_index_ui[1]
    src_iu, dst_iu = edge_index_iu[0], edge_index_iu[1]
    for l in range(NUM_LAYERS):
        # user -> item SAGEConv (mean aggregation)
        agg_i = _sage_mean_agg(h_u, src_ui, dst_ui, N_ITEM)
        out_i = agg_i @ Wl_ui[l] + bl_ui[l] + h_i @ Wr_ui[l] + br_ui[l]
        # item -> user SAGEConv
        agg_u = _sage_mean_agg(h_i, src_iu, dst_iu, N_USER)
        out_u = agg_u @ Wl_iu[l] + bl_iu[l] + h_u @ Wr_iu[l] + br_iu[l]
        h_u, h_i = out_u, out_i
        if l < NUM_LAYERS - 1:
            h_u = jax.nn.relu(h_u)
            h_i = jax.nn.relu(h_i)
            # dropout is identity in eval mode
    return (h_u, h_i)

if __name__ == "__main__":
    import jax
    _d = setup_inputs()
    print(jax.jit(kernel)(*tuple(_d.values())))

</pallas_src>

<mosaic_0001>
#map = affine_map<(d0, d1) -> (0, 0)>
module attributes {stable_mosaic.version = 14 : i64} {
  func.func @_segsum(%arg0: i32, %arg1: i32, %arg2: memref<50000x32xf32, #tpu.memory_space<hbm>>, %arg3: memref<50000x32xf32, #tpu.memory_space<hbm>>, %arg4: memref<6272x128xi32, #tpu.memory_space<hbm>>, %arg5: memref<6272x128xi32, #tpu.memory_space<hbm>>, %arg6: memref<3128x32xf32, #tpu.memory_space<hbm>>, %arg7: memref<100096x32xf32, #tpu.memory_space<hbm>>, %arg8: memref<50048x32xf32, #tpu.memory_space<vmem_shared>>, %arg9: memref<4x128xi32, #tpu.memory_space<vmem>>, %arg10: memref<4x128xi32, #tpu.memory_space<vmem>>, %arg11: memref<512x32xf32, #tpu.memory_space<vmem>>, %arg12: memref<!tpu.dma_semaphore, #tpu.memory_space<semaphore_mem>>) attributes {dimension_semantics = [#tpu.dimension_semantics<core_parallel>, #tpu.dimension_semantics<subcore_parallel>], iteration_bounds = array<i64: 2, 16>, scalar_prefetch = 0 : i64, scratch_operands = 5 : i64, tpu.core_type = #tpu.core_type<sc_vector_subcore>, window_params = [{transform_indices = #map}, {transform_indices = #map}, {transform_indices = #map}, {transform_indices = #map}, {transform_indices = #map}, {transform_indices = #map}]} {
    %mul3A = arith.constant 3128 : i32
    %mul3A_0 = arith.muli %arg1, %mul3A : i32
    "tpu.region"() ({
      %run_scoped3A = tpu.sem_alloc : memref<!tpu.dma_semaphore, #tpu.memory_space<semaphore_mem>>
      %dma_start3A = arith.constant 0 : i32
      %dma_start3A_12 = tpu.memref_slice %arg8[%mul3A_0, %dma_start3A] : memref<50048x32xf32, #tpu.memory_space<vmem_shared>> -> memref<3128x32xf32, #tpu.memory_space<vmem_shared>>
      tpu.enqueue_dma source(%arg6 : memref<3128x32xf32, #tpu.memory_space<hbm>>) target(%dma_start3A_12 : memref<3128x32xf32, #tpu.memory_space<vmem_shared>>) target_semaphore(%run_scoped3A : memref<!tpu.dma_semaphore, #tpu.memory_space<semaphore_mem>>)
      %dma_wait3A = arith.constant 0 : i32
      %dma_wait3A_13 = tpu.memref_slice %arg8[%mul3A_0, %dma_wait3A] : memref<50048x32xf32, #tpu.memory_space<vmem_shared>> -> memref<3128x32xf32, #tpu.memory_space<vmem_shared>>
      tpu.wait_dma2 semaphore(%run_scoped3A : memref<!tpu.dma_semaphore, #tpu.memory_space<semaphore_mem>>) src(%arg6 : memref<3128x32xf32, #tpu.memory_space<hbm>>) dst(%dma_wait3A_13 : memref<3128x32xf32, #tpu.memory_space<vmem_shared>>)
      tpu.yield
    }) : () -> ()
    %barrier3A = arith.constant 0 : index
    tpu.barrier barrier_id(%barrier3A)
    %scan3A = arith.constant 0 : i32
    %scan3A_1 = arith.constant 98 : i32
    %scan3A_2 = arith.addi %scan3A, %scan3A_1 : i32
    %scan3A_3 = arith.constant 1 : i32
    scf.for %scan3A_12 = %scan3A to %scan3A_2 step %scan3A_3  : i32 {
      %mul3A_13 = arith.constant 1 : i32
      %mul3A_14 = arith.muli %scan3A_12, %mul3A_13 : i32
      %add3A_15 = arith.constant 0 : i32
      %add3A_16 = arith.addi %add3A_15, %mul3A_14 : i32
      %mul3A_17 = arith.constant 392 : i32
      %mul3A_18 = arith.muli %arg1, %mul3A_17 : i32
      %mul3A_19 = arith.constant 4 : i32
      %mul3A_20 = arith.muli %add3A_16, %mul3A_19 : i32
      %add3A_21 = arith.addi %mul3A_18, %mul3A_20 : i32
      "tpu.region"() ({
        %run_scoped3A_32 = tpu.sem_alloc : memref<!tpu.dma_semaphore, #tpu.memory_space<semaphore_mem>>
        %dma_start3A = arith.constant 0 : i32
        %dma_start3A_33 = tpu.memref_slice %arg4[%add3A_21, %dma_start3A] : memref<6272x128xi32, #tpu.memory_space<hbm>> -> memref<4x128xi32, #tpu.memory_space<hbm>>
        %dma_start3A_34 = arith.constant 0 : i32
        %dma_start3A_35 = tpu.memref_slice %arg4[%add3A_21, %dma_start3A_34] : memref<6272x128xi32, #tpu.memory_space<hbm>> -> memref<4x128xi32, #tpu.memory_space<hbm>>
        tpu.enqueue_dma source(%dma_start3A_35 : memref<4x128xi32, #tpu.memory_space<hbm>>) target(%arg9 : memref<4x128xi32, #tpu.memory_space<vmem>>) target_semaphore(%run_scoped3A_32 : memref<!tpu.dma_semaphore, #tpu.memory_space<semaphore_mem>>)
        %dma_wait3A = arith.constant 0 : i32
        %dma_wait3A_36 = tpu.memref_slice %arg4[%add3A_21, %dma_wait3A] : memref<6272x128xi32, #tpu.memory_space<hbm>> -> memref<4x128xi32, #tpu.memory_space<hbm>>
        %dma_wait3A_37 = arith.constant 0 : i32
        %dma_wait3A_38 = tpu.memref_slice %arg4[%add3A_21, %dma_wait3A_37] : memref<6272x128xi32, #tpu.memory_space<hbm>> -> memref<4x128xi32, #tpu.memory_space<hbm>>
        tpu.wait_dma2 semaphore(%run_scoped3A_32 : memref<!tpu.dma_semaphore, #tpu.memory_space<semaphore_mem>>) src(%dma_wait3A_38 : memref<4x128xi32, #tpu.memory_space<hbm>>) dst(%arg9 : memref<4x128xi32, #tpu.memory_space<vmem>>)
        tpu.yield
      }) : () -> ()
      "tpu.region"() ({
        %run_scoped3A_32 = tpu.sem_alloc : memref<!tpu.dma_semaphore, #tpu.memory_space<semaphore_mem>>
        %dma_start3A = arith.constant 0 : i32
        %dma_start3A_33 = tpu.memref_slice %arg5[%add3A_21, %dma_start3A] : memref<6272x128xi32, #tpu.memory_space<hbm>> -> memref<4x128xi32, #tpu.memory_space<hbm>>
        %dma_start3A_34 = arith.constant 0 : i32
        %dma_start3A_35 = tpu.memref_slice %arg5[%add3A_21, %dma_start3A_34] : memref<6272x128xi32, #tpu.memory_space<hbm>> -> memref<4x128xi32, #tpu.memory_space<hbm>>
        tpu.enqueue_dma source(%dma_start3A_35 : memref<4x128xi32, #tpu.memory_space<hbm>>) target(%arg10 : memref<4x128xi32, #tpu.memory_space<vmem>>) target_semaphore(%run_scoped3A_32 : memref<!tpu.dma_semaphore, #tpu.memory_space<semaphore_mem>>)
        %dma_wait3A = arith.constant 0 : i32
        %dma_wait3A_36 = tpu.memref_slice %arg5[%add3A_21, %dma_wait3A] : memref<6272x128xi32, #tpu.memory_space<hbm>> -> memref<4x128xi32, #tpu.memory_space<hbm>>
        %dma_wait3A_37 = arith.constant 0 : i32
        %dma_wait3A_38 = tpu.memref_slice %arg5[%add3A_21, %dma_wait3A_37] : memref<6272x128xi32, #tpu.memory_space<hbm>> -> memref<4x128xi32, #tpu.memory_space<hbm>>
        tpu.wait_dma2 semaphore(%run_scoped3A_32 : memref<!tpu.dma_semaphore, #tpu.memory_space<semaphore_mem>>) src(%dma_wait3A_38 : memref<4x128xi32, #tpu.memory_space<hbm>>) dst(%arg10 : memref<4x128xi32, #tpu.memory_space<vmem>>)
        tpu.yield
      }) : () -> ()
      %eq3A = arith.constant 0 : i32
      %eq3A_22 = arith.cmpi eq, %arg0, %eq3A : i32
      %convert_element_type3A = arith.extui %eq3A_22 : i1 to i32
      %cond3A = arith.constant 0 : i32
      %cond3A_23 = arith.cmpi ne, %convert_element_type3A, %cond3A : i32
      scf.if %cond3A_23 {
        %dma_start3A = arith.constant 0 : i32
        %dma_start3A_32 = arith.constant 0 : i32
        %dma_start3A_33 = arith.constant 0 : i32
        %dma_start3A_34 = tpu.memref_slice %arg11[%dma_start3A_32, %dma_start3A_33] : memref<512x32xf32, #tpu.memory_space<vmem>> -> memref<128x32xf32, #tpu.memory_space<vmem>>
        %dma_start3A_35 = arith.constant 0 : i32
        %dma_start3A_36 = tpu.memref_slice %arg9[%dma_start3A, %dma_start3A_35] : memref<4x128xi32, #tpu.memory_space<vmem>> -> memref<1x128xi32, #tpu.memory_space<vmem>>
        %dma_start3A_37 = tpu.memref_squeeze %dma_start3A_36 : memref<1x128xi32, #tpu.memory_space<vmem>> -> memref<128xi32, #tpu.memory_space<vmem>>
        %dma_start3A_38 = arith.constant 0 : i32
        %dma_start3A_39 = arith.constant 0 : i32
        %dma_start3A_40 = tpu.memref_slice %arg2[%dma_start3A_38, %dma_start3A_39] : memref<50000x32xf32, #tpu.memory_space<hbm>> -> memref<50000x32xf32, #tpu.memory_space<hbm>>
        tpu.enqueue_indirect_dma source(%dma_start3A_40 : memref<50000x32xf32, #tpu.memory_space<hbm>>) target(%dma_start3A_34 : memref<128x32xf32, #tpu.memory_space<vmem>>) offsets(%dma_start3A_37 : memref<128xi32, #tpu.memory_space<vmem>>) semaphore(%arg12 : memref<!tpu.dma_semaphore, #tpu.memory_space<semaphore_mem>>)
        %dma_start3A_41 = arith.constant 1 : i32
        %dma_start3A_42 = arith.constant 128 : i32
        %dma_start3A_43 = arith.constant 0 : i32
        %dma_start3A_44 = tpu.memref_slice %arg11[%dma_start3A_42, %dma_start3A_43] : memref<512x32xf32, #tpu.memory_space<vmem>> -> memref<128x32xf32, #tpu.memory_space<vmem>>
        %dma_start3A_45 = arith.constant 0 : i32
        %dma_start3A_46 = tpu.memref_slice %arg9[%dma_start3A_41, %dma_start3A_45] : memref<4x128xi32, #tpu.memory_space<vmem>> -> memref<1x128xi32, #tpu.memory_space<vmem>>
        %dma_start3A_47 = tpu.memref_squeeze %dma_start3A_46 : memref<1x128xi32, #tpu.memory_space<vmem>> -> memref<128xi32, #tpu.memory_space<vmem>>
        %dma_start3A_48 = arith.constant 0 : i32
        %dma_start3A_49 = arith.constant 0 : i32
        %dma_start3A_50 = tpu.memref_slice %arg2[%dma_start3A_48, %dma_start3A_49] : memref<50000x32xf32, #tpu.memory_space<hbm>> -> memref<50000x32xf32, #tpu.memory_space<hbm>>
        tpu.enqueue_indirect_dma source(%dma_start3A_50 : memref<50000x32xf32, #tpu.memory_space<hbm>>) target(%dma_start3A_44 : memref<128x32xf32, #tpu.memory_space<vmem>>) offsets(%dma_start3A_47 : memref<128xi32, #tpu.memory_space<vmem>>) semaphore(%arg12 : memref<!tpu.dma_semaphore, #tpu.memory_space<semaphore_mem>>)
        %dma_start3A_51 = arith.constant 2 : i32
        %dma_start3A_52 = arith.constant 256 : i32
        %dma_start3A_53 = arith.constant 0 : i32
        %dma_start3A_54 = tpu.memref_slice %arg11[%dma_start3A_52, %dma_start3A_53] : memref<512x32xf32, #tpu.memory_space<vmem>> -> memref<128x32xf32, #tpu.memory_space<vmem>>
        %dma_start3A_55 = arith.constant 0 : i32
        %dma_start3A_56 = tpu.memref_slice %arg9[%dma_start3A_51, %dma_start3A_55] : memref<4x128xi32, #tpu.memory_space<vmem>> -> memref<1x128xi32, #tpu.memory_space<vmem>>
        %dma_start3A_57 = tpu.memref_squeeze %dma_start3A_56 : memref<1x128xi32, #tpu.memory_space<vmem>> -> memref<128xi32, #tpu.memory_space<vmem>>
        %dma_start3A_58 = arith.constant 0 : i32
        %dma_start3A_59 = arith.constant 0 : i32
        %dma_start3A_60 = tpu.memref_slice %arg2[%dma_start3A_58, %dma_start3A_59] : memref<50000x32xf32, #tpu.memory_space<hbm>> -> memref<50000x32xf32, #tpu.memory_space<hbm>>
        tpu.enqueue_indirect_dma source(%dma_start3A_60 : memref<50000x32xf32, #tpu.memory_space<hbm>>) target(%dma_start3A_54 : memref<128x32xf32, #tpu.memory_space<vmem>>) offsets(%dma_start3A_57 : memref<128xi32, #tpu.memory_space<vmem>>) semaphore(%arg12 : memref<!tpu.dma_semaphore, #tpu.memory_space<semaphore_mem>>)
        %dma_start3A_61 = arith.constant 3 : i32
        %dma_start3A_62 = arith.constant 384 : i32
        %dma_start3A_63 = arith.constant 0 : i32
        %dma_start3A_64 = tpu.memref_slice %arg11[%dma_start3A_62, %dma_start3A_63] : memref<512x32xf32, #tpu.memory_space<vmem>> -> memref<128x32xf32, #tpu.memory_space<vmem>>
        %dma_start3A_65 = arith.constant 0 : i32
        %dma_start3A_66 = tpu.memref_slice %arg9[%dma_start3A_61, %dma_start3A_65] : memref<4x128xi32, #tpu.memory_space<vmem>> -> memref<1x128xi32, #tpu.memory_space<vmem>>
        %dma_start3A_67 = tpu.memref_squeeze %dma_start3A_66 : memref<1x128xi32, #tpu.memory_space<vmem>> -> memref<128xi32, #tpu.memory_space<vmem>>
        %dma_start3A_68 = arith.constant 0 : i32
        %dma_start3A_69 = arith.constant 0 : i32
        %dma_start3A_70 = tpu.memref_slice %arg2[%dma_start3A_68, %dma_start3A_69] : memref<50000x32xf32, #tpu.memory_space<hbm>> -> memref<50000x32xf32, #tpu.memory_space<hbm>>
        tpu.enqueue_indirect_dma source(%dma_start3A_70 : memref<50000x32xf32, #tpu.memory_space<hbm>>) target(%dma_start3A_64 : memref<128x32xf32, #tpu.memory_space<vmem>>) offsets(%dma_start3A_67 : memref<128xi32, #tpu.memory_space<vmem>>) semaphore(%arg12 : memref<!tpu.dma_semaphore, #tpu.memory_space<semaphore_mem>>)
        %dma_wait3A = arith.constant 0 : i32
        %dma_wait3A_71 = arith.constant 0 : i32
        %dma_wait3A_72 = arith.constant 0 : i32
        %dma_wait3A_73 = tpu.memref_slice %arg11[%dma_wait3A_71, %dma_wait3A_72] : memref<512x32xf32, #tpu.memory_space<vmem>> -> memref<128x32xf32, #tpu.memory_space<vmem>>
        %dma_wait3A_74 = arith.constant 0 : i32
        %dma_wait3A_75 = tpu.memref_slice %arg9[%dma_wait3A, %dma_wait3A_74] : memref<4x128xi32, #tpu.memory_space<vmem>> -> memref<1x128xi32, #tpu.memory_space<vmem>>
        %dma_wait3A_76 = tpu.memref_squeeze %dma_wait3A_75 : memref<1x128xi32, #tpu.memory_space<vmem>> -> memref<128xi32, #tpu.memory_space<vmem>>
        %dma_wait3A_77 = arith.constant 0 : i32
        %dma_wait3A_78 = arith.constant 0 : i32
        %dma_wait3A_79 = tpu.memref_slice %arg2[%dma_wait3A_77, %dma_wait3A_78] : memref<50000x32xf32, #tpu.memory_space<hbm>> -> memref<50000x32xf32, #tpu.memory_space<hbm>>
        tpu.wait_indirect_dma semaphore(%arg12 : memref<!tpu.dma_semaphore, #tpu.memory_space<semaphore_mem>>) src(%dma_wait3A_79 : memref<50000x32xf32, #tpu.memory_space<hbm>>) dst(%dma_wait3A_73 : memref<128x32xf32, #tpu.memory_space<vmem>>)
        %dma_wait3A_80 = arith.constant 1 : i32
        %dma_wait3A_81 = arith.constant 128 : i32
        %dma_wait3A_82 = arith.constant 0 : i32
        %dma_wait3A_83 = tpu.memref_slice %arg11[%dma_wait3A_81, %dma_wait3A_82] : memref<512x32xf32, #tpu.memory_space<vmem>> -> memref<128x32xf32, #tpu.memory_space<vmem>>
        %dma_wait3A_84 = arith.constant 0 : i32
        %dma_wait3A_85 = tpu.memref_slice %arg9[%dma_wait3A_80, %dma_wait3A_84] : memref<4x128xi32, #tpu.memory_space<vmem>> -> memref<1x128xi32, #tpu.memory_space<vmem>>
        %dma_wait3A_86 = tpu.memref_squeeze %dma_wait3A_85 : memref<1x128xi32, #tpu.memory_space<vmem>> -> memref<128xi32, #tpu.memory_space<vmem>>
        %dma_wait3A_87 = arith.constant 0 : i32
        %dma_wait3A_88 = arith.constant 0 : i32
        %dma_wait3A_89 = tpu.memref_slice %arg2[%dma_wait3A_87, %dma_wait3A_88] : memref<50000x32xf32, #tpu.memory_space<hbm>> -> memref<50000x32xf32, #tpu.memory_space<hbm>>
        tpu.wait_indirect_dma semaphore(%arg12 : memref<!tpu.dma_semaphore, #tpu.memory_space<semaphore_mem>>) src(%dma_wait3A_89 : memref<50000x32xf32, #tpu.memory_space<hbm>>) dst(%dma_wait3A_83 : memref<128x32xf32, #tpu.memory_space<vmem>>)
        %dma_wait3A_90 = arith.constant 2 : i32
        %dma_wait3A_91 = arith.constant 256 : i32
        %dma_wait3A_92 = arith.constant 0 : i32
        %dma_wait3A_93 = tpu.memref_slice %arg11[%dma_wait3A_91, %dma_wait3A_92] : memref<512x32xf32, #tpu.memory_space<vmem>> -> memref<128x32xf32, #tpu.memory_space<vmem>>
        %dma_wait3A_94 = arith.constant 0 : i32
        %dma_wait3A_95 = tpu.memref_slice %arg9[%dma_wait3A_90, %dma_wait3A_94] : memref<4x128xi32, #tpu.memory_space<vmem>> -> memref<1x128xi32, #tpu.memory_space<vmem>>
        %dma_wait3A_96 = tpu.memref_squeeze %dma_wait3A_95 : memref<1x128xi32, #tpu.memory_space<vmem>> -> memref<128xi32, #tpu.memory_space<vmem>>
        %dma_wait3A_97 = arith.constant 0 : i32
        %dma_wait3A_98 = arith.constant 0 : i32
        %dma_wait3A_99 = tpu.memref_slice %arg2[%dma_wait3A_97, %dma_wait3A_98] : memref<50000x32xf32, #tpu.memory_space<hbm>> -> memref<50000x32xf32, #tpu.memory_space<hbm>>
        tpu.wait_indirect_dma semaphore(%arg12 : memref<!tpu.dma_semaphore, #tpu.memory_space<semaphore_mem>>) src(%dma_wait3A_99 : memref<50000x32xf32, #tpu.memory_space<hbm>>) dst(%dma_wait3A_93 : memref<128x32xf32, #tpu.memory_space<vmem>>)
        %dma_wait3A_100 = arith.constant 3 : i32
        %dma_wait3A_101 = arith.constant 384 : i32
        %dma_wait3A_102 = arith.constant 0 : i32
        %dma_wait3A_103 = tpu.memref_slice %arg11[%dma_wait3A_101, %dma_wait3A_102] : memref<512x32xf32, #tpu.memory_space<vmem>> -> memref<128x32xf32, #tpu.memory_space<vmem>>
        %dma_wait3A_104 = arith.constant 0 : i32
        %dma_wait3A_105 = tpu.memref_slice %arg9[%dma_wait3A_100, %dma_wait3A_104] : memref<4x128xi32, #tpu.memory_space<vmem>> -> memref<1x128xi32, #tpu.memory_space<vmem>>
        %dma_wait3A_106 = tpu.memref_squeeze %dma_wait3A_105 : memref<1x128xi32, #tpu.memory_space<vmem>> -> memref<128xi32, #tpu.memory_space<vmem>>
        %dma_wait3A_107 = arith.constant 0 : i32
        %dma_wait3A_108 = arith.constant 0 : i32
        %dma_wait3A_109 = tpu.memref_slice %arg2[%dma_wait3A_107, %dma_wait3A_108] : memref<50000x32xf32, #tpu.memory_space<hbm>> -> memref<50000x32xf32, #tpu.memory_space<hbm>>
        tpu.wait_indirect_dma semaphore(%arg12 : memref<!tpu.dma_semaphore, #tpu.memory_space<semaphore_mem>>) src(%dma_wait3A_109 : memref<50000x32xf32, #tpu.memory_space<hbm>>) dst(%dma_wait3A_103 : memref<128x32xf32, #tpu.memory_space<vmem>>)
      } else {
      }
      %eq3A_24 = arith.constant 1 : i32
      %eq3A_25 = arith.cmpi eq, %arg0, %eq3A_24 : i32
      %convert_element_type3A_26 = arith.extui %eq3A_25 : i1 to i32
      %cond3A_27 = arith.constant 0 : i32
      %cond3A_28 = arith.cmpi ne, %convert_element_type3A_26, %cond3A_27 : i32
      scf.if %cond3A_28 {
        %dma_start3A = arith.constant 0 : i32
        %dma_start3A_32 = arith.constant 0 : i32
        %dma_start3A_33 = arith.constant 0 : i32
        %dma_start3A_34 = tpu.memref_slice %arg11[%dma_start3A_32, %dma_start3A_33] : memref<512x32xf32, #tpu.memory_space<vmem>> -> memref<128x32xf32, #tpu.memory_space<vmem>>
        %dma_start3A_35 = arith.constant 0 : i32
        %dma_start3A_36 = tpu.memref_slice %arg9[%dma_start3A, %dma_start3A_35] : memref<4x128xi32, #tpu.memory_space<vmem>> -> memref<1x128xi32, #tpu.memory_space<vmem>>
        %dma_start3A_37 = tpu.memref_squeeze %dma_start3A_36 : memref<1x128xi32, #tpu.memory_space<vmem>> -> memref<128xi32, #tpu.memory_space<vmem>>
        %dma_start3A_38 = arith.constant 0 : i32
        %dma_start3A_39 = arith.constant 0 : i32
        %dma_start3A_40 = tpu.memref_slice %arg3[%dma_start3A_38, %dma_start3A_39] : memref<50000x32xf32, #tpu.memory_space<hbm>> -> memref<50000x32xf32, #tpu.memory_space<hbm>>
        tpu.enqueue_indirect_dma source(%dma_start3A_40 : memref<50000x32xf32, #tpu.memory_space<hbm>>) target(%dma_start3A_34 : memref<128x32xf32, #tpu.memory_space<vmem>>) offsets(%dma_start3A_37 : memref<128xi32, #tpu.memory_space<vmem>>) semaphore(%arg12 : memref<!tpu.dma_semaphore, #tpu.memory_space<semaphore_mem>>)
        %dma_start3A_41 = arith.constant 1 : i32
        %dma_start3A_42 = arith.constant 128 : i32
        %dma_start3A_43 = arith.constant 0 : i32
        %dma_start3A_44 = tpu.memref_slice %arg11[%dma_start3A_42, %dma_start3A_43] : memref<512x32xf32, #tpu.memory_space<vmem>> -> memref<128x32xf32, #tpu.memory_space<vmem>>
        %dma_start3A_45 = arith.constant 0 : i32
        %dma_start3A_46 = tpu.memref_slice %arg9[%dma_start3A_41, %dma_start3A_45] : memref<4x128xi32, #tpu.memory_space<vmem>> -> memref<1x128xi32, #tpu.memory_space<vmem>>
        %dma_start3A_47 = tpu.memref_squeeze %dma_start3A_46 : memref<1x128xi32, #tpu.memory_space<vmem>> -> memref<128xi32, #tpu.memory_space<vmem>>
        %dma_start3A_48 = arith.constant 0 : i32
        %dma_start3A_49 = arith.constant 0 : i32
        %dma_start3A_50 = tpu.memref_slice %arg3[%dma_start3A_48, %dma_start3A_49] : memref<50000x32xf32, #tpu.memory_space<hbm>> -> memref<50000x32xf32, #tpu.memory_space<hbm>>
        tpu.enqueue_indirect_dma source(%dma_start3A_50 : memref<50000x32xf32, #tpu.memory_space<hbm>>) target(%dma_start3A_44 : memref<128x32xf32, #tpu.memory_space<vmem>>) offsets(%dma_start3A_47 : memref<128xi32, #tpu.memory_space<vmem>>) semaphore(%arg12 : memref<!tpu.dma_semaphore, #tpu.memory_space<semaphore_mem>>)
        %dma_start3A_51 = arith.constant 2 : i32
        %dma_start3A_52 = arith.constant 256 : i32
        %dma_start3A_53 = arith.constant 0 : i32
        %dma_start3A_54 = tpu.memref_slice %arg11[%dma_start3A_52, %dma_start3A_53] : memref<512x32xf32, #tpu.memory_space<vmem>> -> memref<128x32xf32, #tpu.memory_space<vmem>>
        %dma_start3A_55 = arith.constant 0 : i32
        %dma_start3A_56 = tpu.memref_slice %arg9[%dma_start3A_51, %dma_start3A_55] : memref<4x128xi32, #tpu.memory_space<vmem>> -> memref<1x128xi32, #tpu.memory_space<vmem>>
        %dma_start3A_57 = tpu.memref_squeeze %dma_start3A_56 : memref<1x128xi32, #tpu.memory_space<vmem>> -> memref<128xi32, #tpu.memory_space<vmem>>
        %dma_start3A_58 = arith.constant 0 : i32
        %dma_start3A_59 = arith.constant 0 : i32
        %dma_start3A_60 = tpu.memref_slice %arg3[%dma_start3A_58, %dma_start3A_59] : memref<50000x32xf32, #tpu.memory_space<hbm>> -> memref<50000x32xf32, #tpu.memory_space<hbm>>
        tpu.enqueue_indirect_dma source(%dma_start3A_60 : memref<50000x32xf32, #tpu.memory_space<hbm>>) target(%dma_start3A_54 : memref<128x32xf32, #tpu.memory_space<vmem>>) offsets(%dma_start3A_57 : memref<128xi32, #tpu.memory_space<vmem>>) semaphore(%arg12 : memref<!tpu.dma_semaphore, #tpu.memory_space<semaphore_mem>>)
        %dma_start3A_61 = arith.constant 3 : i32
        %dma_start3A_62 = arith.constant 384 : i32
        %dma_start3A_63 = arith.constant 0 : i32
        %dma_start3A_64 = tpu.memref_slice %arg11[%dma_start3A_62, %dma_start3A_63] : memref<512x32xf32, #tpu.memory_space<vmem>> -> memref<128x32xf32, #tpu.memory_space<vmem>>
        %dma_start3A_65 = arith.constant 0 : i32
        %dma_start3A_66 = tpu.memref_slice %arg9[%dma_start3A_61, %dma_start3A_65] : memref<4x128xi32, #tpu.memory_space<vmem>> -> memref<1x128xi32, #tpu.memory_space<vmem>>
        %dma_start3A_67 = tpu.memref_squeeze %dma_start3A_66 : memref<1x128xi32, #tpu.memory_space<vmem>> -> memref<128xi32, #tpu.memory_space<vmem>>
        %dma_start3A_68 = arith.constant 0 : i32
        %dma_start3A_69 = arith.constant 0 : i32
        %dma_start3A_70 = tpu.memref_slice %arg3[%dma_start3A_68, %dma_start3A_69] : memref<50000x32xf32, #tpu.memory_space<hbm>> -> memref<50000x32xf32, #tpu.memory_space<hbm>>
        tpu.enqueue_indirect_dma source(%dma_start3A_70 : memref<50000x32xf32, #tpu.memory_space<hbm>>) target(%dma_start3A_64 : memref<128x32xf32, #tpu.memory_space<vmem>>) offsets(%dma_start3A_67 : memref<128xi32, #tpu.memory_space<vmem>>) semaphore(%arg12 : memref<!tpu.dma_semaphore, #tpu.memory_space<semaphore_mem>>)
        %dma_wait3A = arith.constant 0 : i32
        %dma_wait3A_71 = arith.constant 0 : i32
        %dma_wait3A_72 = arith.constant 0 : i32
        %dma_wait3A_73 = tpu.memref_slice %arg11[%dma_wait3A_71, %dma_wait3A_72] : memref<512x32xf32, #tpu.memory_space<vmem>> -> memref<128x32xf32, #tpu.memory_space<vmem>>
        %dma_wait3A_74 = arith.constant 0 : i32
        %dma_wait3A_75 = tpu.memref_slice %arg9[%dma_wait3A, %dma_wait3A_74] : memref<4x128xi32, #tpu.memory_space<vmem>> -> memref<1x128xi32, #tpu.memory_space<vmem>>
        %dma_wait3A_76 = tpu.memref_squeeze %dma_wait3A_75 : memref<1x128xi32, #tpu.memory_space<vmem>> -> memref<128xi32, #tpu.memory_space<vmem>>
        %dma_wait3A_77 = arith.constant 0 : i32
        %dma_wait3A_78 = arith.constant 0 : i32
        %dma_wait3A_79 = tpu.memref_slice %arg3[%dma_wait3A_77, %dma_wait3A_78] : memref<50000x32xf32, #tpu.memory_space<hbm>> -> memref<50000x32xf32, #tpu.memory_space<hbm>>
        tpu.wait_indirect_dma semaphore(%arg12 : memref<!tpu.dma_semaphore, #tpu.memory_space<semaphore_mem>>) src(%dma_wait3A_79 : memref<50000x32xf32, #tpu.memory_space<hbm>>) dst(%dma_wait3A_73 : memref<128x32xf32, #tpu.memory_space<vmem>>)
        %dma_wait3A_80 = arith.constant 1 : i32
        %dma_wait3A_81 = arith.constant 128 : i32
        %dma_wait3A_82 = arith.constant 0 : i32
        %dma_wait3A_83 = tpu.memref_slice %arg11[%dma_wait3A_81, %dma_wait3A_82] : memref<512x32xf32, #tpu.memory_space<vmem>> -> memref<128x32xf32, #tpu.memory_space<vmem>>
        %dma_wait3A_84 = arith.constant 0 : i32
        %dma_wait3A_85 = tpu.memref_slice %arg9[%dma_wait3A_80, %dma_wait3A_84] : memref<4x128xi32, #tpu.memory_space<vmem>> -> memref<1x128xi32, #tpu.memory_space<vmem>>
        %dma_wait3A_86 = tpu.memref_squeeze %dma_wait3A_85 : memref<1x128xi32, #tpu.memory_space<vmem>> -> memref<128xi32, #tpu.memory_space<vmem>>
        %dma_wait3A_87 = arith.constant 0 : i32
        %dma_wait3A_88 = arith.constant 0 : i32
        %dma_wait3A_89 = tpu.memref_slice %arg3[%dma_wait3A_87, %dma_wait3A_88] : memref<50000x32xf32, #tpu.memory_space<hbm>> -> memref<50000x32xf32, #tpu.memory_space<hbm>>
        tpu.wait_indirect_dma semaphore(%arg12 : memref<!tpu.dma_semaphore, #tpu.memory_space<semaphore_mem>>) src(%dma_wait3A_89 : memref<50000x32xf32, #tpu.memory_space<hbm>>) dst(%dma_wait3A_83 : memref<128x32xf32, #tpu.memory_space<vmem>>)
        %dma_wait3A_90 = arith.constant 2 : i32
        %dma_wait3A_91 = arith.constant 256 : i32
        %dma_wait3A_92 = arith.constant 0 : i32
        %dma_wait3A_93 = tpu.memref_slice %arg11[%dma_wait3A_91, %dma_wait3A_92] : memref<512x32xf32, #tpu.memory_space<vmem>> -> memref<128x32xf32, #tpu.memory_space<vmem>>
        %dma_wait3A_94 = arith.constant 0 : i32
        %dma_wait3A_95 = tpu.memref_slice %arg9[%dma_wait3A_90, %dma_wait3A_94] : memref<4x128xi32, #tpu.memory_space<vmem>> -> memref<1x128xi32, #tpu.memory_space<vmem>>
        %dma_wait3A_96 = tpu.memref_squeeze %dma_wait3A_95 : memref<1x128xi32, #tpu.memory_space<vmem>> -> memref<128xi32, #tpu.memory_space<vmem>>
        %dma_wait3A_97 = arith.constant 0 : i32
        %dma_wait3A_98 = arith.constant 0 : i32
        %dma_wait3A_99 = tpu.memref_slice %arg3[%dma_wait3A_97, %dma_wait3A_98] : memref<50000x32xf32, #tpu.memory_space<hbm>> -> memref<50000x32xf32, #tpu.memory_space<hbm>>
        tpu.wait_indirect_dma semaphore(%arg12 : memref<!tpu.dma_semaphore, #tpu.memory_space<semaphore_mem>>) src(%dma_wait3A_99 : memref<50000x32xf32, #tpu.memory_space<hbm>>) dst(%dma_wait3A_93 : memref<128x32xf32, #tpu.memory_space<vmem>>)
        %dma_wait3A_100 = arith.constant 3 : i32
        %dma_wait3A_101 = arith.constant 384 : i32
        %dma_wait3A_102 = arith.constant 0 : i32
        %dma_wait3A_103 = tpu.memref_slice %arg11[%dma_wait3A_101, %dma_wait3A_102] : memref<512x32xf32, #tpu.memory_space<vmem>> -> memref<128x32xf32, #tpu.memory_space<vmem>>
        %dma_wait3A_104 = arith.constant 0 : i32
        %dma_wait3A_105 = tpu.memref_slice %arg9[%dma_wait3A_100, %dma_wait3A_104] : memref<4x128xi32, #tpu.memory_space<vmem>> -> memref<1x128xi32, #tpu.memory_space<vmem>>
        %dma_wait3A_106 = tpu.memref_squeeze %dma_wait3A_105 : memref<1x128xi32, #tpu.memory_space<vmem>> -> memref<128xi32, #tpu.memory_space<vmem>>
        %dma_wait3A_107 = arith.constant 0 : i32
        %dma_wait3A_108 = arith.constant 0 : i32
        %dma_wait3A_109 = tpu.memref_slice %arg3[%dma_wait3A_107, %dma_wait3A_108] : memref<50000x32xf32, #tpu.memory_space<hbm>> -> memref<50000x32xf32, #tpu.memory_space<hbm>>
        tpu.wait_indirect_dma semaphore(%arg12 : memref<!tpu.dma_semaphore, #tpu.memory_space<semaphore_mem>>) src(%dma_wait3A_109 : memref<50000x32xf32, #tpu.memory_space<hbm>>) dst(%dma_wait3A_103 : memref<128x32xf32, #tpu.memory_space<vmem>>)
      } else {
      }
      %run_scoped3A = arith.constant 0 : i32
      "tpu.region"() ({
        %run_scoped3A_32 = tpu.sem_alloc : memref<!tpu.dma_semaphore, #tpu.memory_space<semaphore_mem>>
        %dma_start3A = arith.constant 0 : i32
        %dma_start3A_33 = arith.constant 0 : i32
        %dma_start3A_34 = tpu.memref_slice %arg11[%dma_start3A, %dma_start3A_33] : memref<512x32xf32, #tpu.memory_space<vmem>> -> memref<128x32xf32, #tpu.memory_space<vmem>>
        %dma_start3A_35 = arith.constant 0 : i32
        %dma_start3A_36 = tpu.memref_slice %arg10[%run_scoped3A, %dma_start3A_35] : memref<4x128xi32, #tpu.memory_space<vmem>> -> memref<1x128xi32, #tpu.memory_space<vmem>>
        %dma_start3A_37 = tpu.memref_squeeze %dma_start3A_36 : memref<1x128xi32, #tpu.memory_space<vmem>> -> memref<128xi32, #tpu.memory_space<vmem>>
        %dma_start3A_38 = arith.constant 0 : i32
        %dma_start3A_39 = arith.constant 0 : i32
        %dma_start3A_40 = tpu.memref_slice %arg8[%dma_start3A_38, %dma_start3A_39] : memref<50048x32xf32, #tpu.memory_space<vmem_shared>> -> memref<50048x32xf32, #tpu.memory_space<vmem_shared>>
        tpu.enqueue_indirect_dma source(%dma_start3A_34 : memref<128x32xf32, #tpu.memory_space<vmem>>) target(%dma_start3A_40 : memref<50048x32xf32, #tpu.memory_space<vmem_shared>>) offsets(%dma_start3A_37 : memref<128xi32, #tpu.memory_space<vmem>>) semaphore(%run_scoped3A_32 : memref<!tpu.dma_semaphore, #tpu.memory_space<semaphore_mem>>) {add = true}
        %dma_wait3A = arith.constant 0 : i32
        %dma_wait3A_41 = arith.constant 0 : i32
        %dma_wait3A_42 = tpu.memref_slice %arg11[%dma_wait3A, %dma_wait3A_41] : memref<512x32xf32, #tpu.memory_space<vmem>> -> memref<128x32xf32, #tpu.memory_space<vmem>>
        %dma_wait3A_43 = arith.constant 0 : i32
        %dma_wait3A_44 = tpu.memref_slice %arg10[%run_scoped3A, %dma_wait3A_43] : memref<4x128xi32, #tpu.memory_space<vmem>> -> memref<1x128xi32, #tpu.memory_space<vmem>>
        %dma_wait3A_45 = tpu.memref_squeeze %dma_wait3A_44 : memref<1x128xi32, #tpu.memory_space<vmem>> -> memref<128xi32, #tpu.memory_space<vmem>>
        %dma_wait3A_46 = arith.constant 0 : i32
        %dma_wait3A_47 = arith.constant 0 : i32
        %dma_wait3A_48 = tpu.memref_slice %arg8[%dma_wait3A_46, %dma_wait3A_47] : memref<50048x32xf32, #tpu.memory_space<vmem_shared>> -> memref<50048x32xf32, #tpu.memory_space<vmem_shared>>
        tpu.wait_indirect_dma semaphore(%run_scoped3A_32 : memref<!tpu.dma_semaphore, #tpu.memory_space<semaphore_mem>>) src(%dma_wait3A_42 : memref<128x32xf32, #tpu.memory_space<vmem>>) dst(%dma_wait3A_48 : memref<50048x32xf32, #tpu.memory_space<vmem_shared>>)
        tpu.yield
      }) : () -> ()
      %run_scoped3A_29 = arith.constant 1 : i32
      "tpu.region"() ({
        %run_scoped3A_32 = tpu.sem_alloc : memref<!tpu.dma_semaphore, #tpu.memory_space<semaphore_mem>>
        %dma_start3A = arith.constant 128 : i32
        %dma_start3A_33 = arith.constant 0 : i32
        %dma_start3A_34 = tpu.memref_slice %arg11[%dma_start3A, %dma_start3A_33] : memref<512x32xf32, #tpu.memory_space<vmem>> -> memref<128x32xf32, #tpu.memory_space<vmem>>
        %dma_start3A_35 = arith.constant 0 : i32
        %dma_start3A_36 = tpu.memref_slice %arg10[%run_scoped3A_29, %dma_start3A_35] : memref<4x128xi32, #tpu.memory_space<vmem>> -> memref<1x128xi32, #tpu.memory_space<vmem>>
        %dma_start3A_37 = tpu.memref_squeeze %dma_start3A_36 : memref<1x128xi32, #tpu.memory_space<vmem>> -> memref<128xi32, #tpu.memory_space<vmem>>
        %dma_start3A_38 = arith.constant 0 : i32
        %dma_start3A_39 = arith.constant 0 : i32
        %dma_start3A_40 = tpu.memref_slice %arg8[%dma_start3A_38, %dma_start3A_39] : memref<50048x32xf32, #tpu.memory_space<vmem_shared>> -> memref<50048x32xf32, #tpu.memory_space<vmem_shared>>
        tpu.enqueue_indirect_dma source(%dma_start3A_34 : memref<128x32xf32, #tpu.memory_space<vmem>>) target(%dma_start3A_40 : memref<50048x32xf32, #tpu.memory_space<vmem_shared>>) offsets(%dma_start3A_37 : memref<128xi32, #tpu.memory_space<vmem>>) semaphore(%run_scoped3A_32 : memref<!tpu.dma_semaphore, #tpu.memory_space<semaphore_mem>>) {add = true}
        %dma_wait3A = arith.constant 128 : i32
        %dma_wait3A_41 = arith.constant 0 : i32
        %dma_wait3A_42 = tpu.memref_slice %arg11[%dma_wait3A, %dma_wait3A_41] : memref<512x32xf32, #tpu.memory_space<vmem>> -> memref<128x32xf32, #tpu.memory_space<vmem>>
        %dma_wait3A_43 = arith.constant 0 : i32
        %dma_wait3A_44 = tpu.memref_slice %arg10[%run_scoped3A_29, %dma_wait3A_43] : memref<4x128xi32, #tpu.memory_space<vmem>> -> memref<1x128xi32, #tpu.memory_space<vmem>>
        %dma_wait3A_45 = tpu.memref_squeeze %dma_wait3A_44 : memref<1x128xi32, #tpu.memory_space<vmem>> -> memref<128xi32, #tpu.memory_space<vmem>>
        %dma_wait3A_46 = arith.constant 0 : i32
        %dma_wait3A_47 = arith.constant 0 : i32
        %dma_wait3A_48 = tpu.memref_slice %arg8[%dma_wait3A_46, %dma_wait3A_47] : memref<50048x32xf32, #tpu.memory_space<vmem_shared>> -> memref<50048x32xf32, #tpu.memory_space<vmem_shared>>
        tpu.wait_indirect_dma semaphore(%run_scoped3A_32 : memref<!tpu.dma_semaphore, #tpu.memory_space<semaphore_mem>>) src(%dma_wait3A_42 : memref<128x32xf32, #tpu.memory_space<vmem>>) dst(%dma_wait3A_48 : memref<50048x32xf32, #tpu.memory_space<vmem_shared>>)
        tpu.yield
      }) : () -> ()
      %run_scoped3A_30 = arith.constant 2 : i32
      "tpu.region"() ({
        %run_scoped3A_32 = tpu.sem_alloc : memref<!tpu.dma_semaphore, #tpu.memory_space<semaphore_mem>>
        %dma_start3A = arith.constant 256 : i32
        %dma_start3A_33 = arith.constant 0 : i32
        %dma_start3A_34 = tpu.memref_slice %arg11[%dma_start3A, %dma_start3A_33] : memref<512x32xf32, #tpu.memory_space<vmem>> -> memref<128x32xf32, #tpu.memory_space<vmem>>
        %dma_start3A_35 = arith.constant 0 : i32
        %dma_start3A_36 = tpu.memref_slice %arg10[%run_scoped3A_30, %dma_start3A_35] : memref<4x128xi32, #tpu.memory_space<vmem>> -> memref<1x128xi32, #tpu.memory_space<vmem>>
        %dma_start3A_37 = tpu.memref_squeeze %dma_start3A_36 : memref<1x128xi32, #tpu.memory_space<vmem>> -> memref<128xi32, #tpu.memory_space<vmem>>
        %dma_start3A_38 = arith.constant 0 : i32
        %dma_start3A_39 = arith.constant 0 : i32
        %dma_start3A_40 = tpu.memref_slice %arg8[%dma_start3A_38, %dma_start3A_39] : memref<50048x32xf32, #tpu.memory_space<vmem_shared>> -> memref<50048x32xf32, #tpu.memory_space<vmem_shared>>
        tpu.enqueue_indirect_dma source(%dma_start3A_34 : memref<128x32xf32, #tpu.memory_space<vmem>>) target(%dma_start3A_40 : memref<50048x32xf32, #tpu.memory_space<vmem_shared>>) offsets(%dma_start3A_37 : memref<128xi32, #tpu.memory_space<vmem>>) semaphore(%run_scoped3A_32 : memref<!tpu.dma_semaphore, #tpu.memory_space<semaphore_mem>>) {add = true}
        %dma_wait3A = arith.constant 256 : i32
        %dma_wait3A_41 = arith.constant 0 : i32
        %dma_wait3A_42 = tpu.memref_slice %arg11[%dma_wait3A, %dma_wait3A_41] : memref<512x32xf32, #tpu.memory_space<vmem>> -> memref<128x32xf32, #tpu.memory_space<vmem>>
        %dma_wait3A_43 = arith.constant 0 : i32
        %dma_wait3A_44 = tpu.memref_slice %arg10[%run_scoped3A_30, %dma_wait3A_43] : memref<4x128xi32, #tpu.memory_space<vmem>> -> memref<1x128xi32, #tpu.memory_space<vmem>>
        %dma_wait3A_45 = tpu.memref_squeeze %dma_wait3A_44 : memref<1x128xi32, #tpu.memory_space<vmem>> -> memref<128xi32, #tpu.memory_space<vmem>>
        %dma_wait3A_46 = arith.constant 0 : i32
        %dma_wait3A_47 = arith.constant 0 : i32
        %dma_wait3A_48 = tpu.memref_slice %arg8[%dma_wait3A_46, %dma_wait3A_47] : memref<50048x32xf32, #tpu.memory_space<vmem_shared>> -> memref<50048x32xf32, #tpu.memory_space<vmem_shared>>
        tpu.wait_indirect_dma semaphore(%run_scoped3A_32 : memref<!tpu.dma_semaphore, #tpu.memory_space<semaphore_mem>>) src(%dma_wait3A_42 : memref<128x32xf32, #tpu.memory_space<vmem>>) dst(%dma_wait3A_48 : memref<50048x32xf32, #tpu.memory_space<vmem_shared>>)
        tpu.yield
      }) : () -> ()
      %run_scoped3A_31 = arith.constant 3 : i32
      "tpu.region"() ({
        %run_scoped3A_32 = tpu.sem_alloc : memref<!tpu.dma_semaphore, #tpu.memory_space<semaphore_mem>>
        %dma_start3A = arith.constant 384 : i32
        %dma_start3A_33 = arith.constant 0 : i32
        %dma_start3A_34 = tpu.memref_slice %arg11[%dma_start3A, %dma_start3A_33] : memref<512x32xf32, #tpu.memory_space<vmem>> -> memref<128x32xf32, #tpu.memory_space<vmem>>
        %dma_start3A_35 = arith.constant 0 : i32
        %dma_start3A_36 = tpu.memref_slice %arg10[%run_scoped3A_31, %dma_start3A_35] : memref<4x128xi32, #tpu.memory_space<vmem>> -> memref<1x128xi32, #tpu.memory_space<vmem>>
        %dma_start3A_37 = tpu.memref_squeeze %dma_start3A_36 : memref<1x128xi32, #tpu.memory_space<vmem>> -> memref<128xi32, #tpu.memory_space<vmem>>
        %dma_start3A_38 = arith.constant 0 : i32
        %dma_start3A_39 = arith.constant 0 : i32
        %dma_start3A_40 = tpu.memref_slice %arg8[%dma_start3A_38, %dma_start3A_39] : memref<50048x32xf32, #tpu.memory_space<vmem_shared>> -> memref<50048x32xf32, #tpu.memory_space<vmem_shared>>
        tpu.enqueue_indirect_dma source(%dma_start3A_34 : memref<128x32xf32, #tpu.memory_space<vmem>>) target(%dma_start3A_40 : memref<50048x32xf32, #tpu.memory_space<vmem_shared>>) offsets(%dma_start3A_37 : memref<128xi32, #tpu.memory_space<vmem>>) semaphore(%run_scoped3A_32 : memref<!tpu.dma_semaphore, #tpu.memory_space<semaphore_mem>>) {add = true}
        %dma_wait3A = arith.constant 384 : i32
        %dma_wait3A_41 = arith.constant 0 : i32
        %dma_wait3A_42 = tpu.memref_slice %arg11[%dma_wait3A, %dma_wait3A_41] : memref<512x32xf32, #tpu.memory_space<vmem>> -> memref<128x32xf32, #tpu.memory_space<vmem>>
        %dma_wait3A_43 = arith.constant 0 : i32
        %dma_wait3A_44 = tpu.memref_slice %arg10[%run_scoped3A_31, %dma_wait3A_43] : memref<4x128xi32, #tpu.memory_space<vmem>> -> memref<1x128xi32, #tpu.memory_space<vmem>>
        %dma_wait3A_45 = tpu.memref_squeeze %dma_wait3A_44 : memref<1x128xi32, #tpu.memory_space<vmem>> -> memref<128xi32, #tpu.memory_space<vmem>>
        %dma_wait3A_46 = arith.constant 0 : i32
        %dma_wait3A_47 = arith.constant 0 : i32
        %dma_wait3A_48 = tpu.memref_slice %arg8[%dma_wait3A_46, %dma_wait3A_47] : memref<50048x32xf32, #tpu.memory_space<vmem_shared>> -> memref<50048x32xf32, #tpu.memory_space<vmem_shared>>
        tpu.wait_indirect_dma semaphore(%run_scoped3A_32 : memref<!tpu.dma_semaphore, #tpu.memory_space<semaphore_mem>>) src(%dma_wait3A_42 : memref<128x32xf32, #tpu.memory_space<vmem>>) dst(%dma_wait3A_48 : memref<50048x32xf32, #tpu.memory_space<vmem_shared>>)
        tpu.yield
      }) : () -> ()
    }
    %scan3A_4 = arith.constant 98 : i32
    %barrier3A_5 = arith.constant 0 : index
    tpu.barrier barrier_id(%barrier3A_5)
    %mul3A_6 = arith.constant 3128 : i32
    %mul3A_7 = arith.muli %arg1, %mul3A_6 : i32
    %mul3A_8 = arith.constant 50048 : i32
    %mul3A_9 = arith.muli %arg0, %mul3A_8 : i32
    %mul3A_10 = arith.constant 3128 : i32
    %mul3A_11 = arith.muli %arg1, %mul3A_10 : i32
    %add3A = arith.addi %mul3A_9, %mul3A_11 : i32
    "tpu.region"() ({
      %run_scoped3A = tpu.sem_alloc : memref<!tpu.dma_semaphore, #tpu.memory_space<semaphore_mem>>
      %dma_start3A = arith.constant 0 : i32
      %dma_start3A_12 = tpu.memref_slice %arg7[%add3A, %dma_start3A] : memref<100096x32xf32, #tpu.memory_space<hbm>> -> memref<3128x32xf32, #tpu.memory_space<hbm>>
      %dma_start3A_13 = arith.constant 0 : i32
      %dma_start3A_14 = tpu.memref_slice %arg8[%mul3A_7, %dma_start3A_13] : memref<50048x32xf32, #tpu.memory_space<vmem_shared>> -> memref<3128x32xf32, #tpu.memory_space<vmem_shared>>
      tpu.enqueue_dma source(%dma_start3A_14 : memref<3128x32xf32, #tpu.memory_space<vmem_shared>>) target(%dma_start3A_12 : memref<3128x32xf32, #tpu.memory_space<hbm>>) target_semaphore(%run_scoped3A : memref<!tpu.dma_semaphore, #tpu.memory_space<semaphore_mem>>)
      %dma_wait3A = arith.constant 0 : i32
      %dma_wait3A_15 = tpu.memref_slice %arg7[%add3A, %dma_wait3A] : memref<100096x32xf32, #tpu.memory_space<hbm>> -> memref<3128x32xf32, #tpu.memory_space<hbm>>
      %dma_wait3A_16 = arith.constant 0 : i32
      %dma_wait3A_17 = tpu.memref_slice %arg8[%mul3A_7, %dma_wait3A_16] : memref<50048x32xf32, #tpu.memory_space<vmem_shared>> -> memref<3128x32xf32, #tpu.memory_space<vmem_shared>>
      tpu.wait_dma2 semaphore(%run_scoped3A : memref<!tpu.dma_semaphore, #tpu.memory_space<semaphore_mem>>) src(%dma_wait3A_17 : memref<3128x32xf32, #tpu.memory_space<vmem_shared>>) dst(%dma_wait3A_15 : memref<3128x32xf32, #tpu.memory_space<hbm>>)
      tpu.yield
    }) : () -> ()
    return
  }
}

#map = affine_map<(d0, d1) -> (0, 0)>
module attributes {stable_mosaic.version = 14 : i64} {
  func.func @_segsum(%arg0: i32, %arg1: i32, %arg2: memref<50000x32xf32, #tpu.memory_space<hbm>>, %arg3: memref<50000x32xf32, #tpu.memory_space<hbm>>, %arg4: memref<6272x128xi32, #tpu.memory_space<hbm>>, %arg5: memref<6272x128xi32, #tpu.memory_space<hbm>>, %arg6: memref<3128x32xf32, #tpu.memory_space<hbm>>, %arg7: memref<100096x32xf32, #tpu.memory_space<hbm>>, %arg8: memref<50048x32xf32, #tpu.memory_space<vmem_shared>>, %arg9: memref<4x128xi32, #tpu.memory_space<vmem>>, %arg10: memref<4x128xi32, #tpu.memory_space<vmem>>, %arg11: memref<512x32xf32, #tpu.memory_space<vmem>>, %arg12: memref<!tpu.dma_semaphore, #tpu.memory_space<semaphore_mem>>) attributes {dimension_semantics = [#tpu.dimension_semantics<core_parallel>, #tpu.dimension_semantics<subcore_parallel>], iteration_bounds = array<i64: 2, 16>, scalar_prefetch = 0 : i64, scratch_operands = 5 : i64, tpu.core_type = #tpu.core_type<sc_vector_subcore>, window_params = [{transform_indices = #map}, {transform_indices = #map}, {transform_indices = #map}, {transform_indices = #map}, {transform_indices = #map}, {transform_indices = #map}]} {
    %mul3A = arith.constant 3128 : i32
    %mul3A_0 = arith.muli %arg1, %mul3A : i32
    "tpu.region"() ({
      %run_scoped3A = tpu.sem_alloc : memref<!tpu.dma_semaphore, #tpu.memory_space<semaphore_mem>>
      %dma_start3A = arith.constant 0 : i32
      %dma_start3A_12 = tpu.memref_slice %arg8[%mul3A_0, %dma_start3A] : memref<50048x32xf32, #tpu.memory_space<vmem_shared>> -> memref<3128x32xf32, #tpu.memory_space<vmem_shared>>
      tpu.enqueue_dma source(%arg6 : memref<3128x32xf32, #tpu.memory_space<hbm>>) target(%dma_start3A_12 : memref<3128x32xf32, #tpu.memory_space<vmem_shared>>) target_semaphore(%run_scoped3A : memref<!tpu.dma_semaphore, #tpu.memory_space<semaphore_mem>>)
      %dma_wait3A = arith.constant 0 : i32
      %dma_wait3A_13 = tpu.memref_slice %arg8[%mul3A_0, %dma_wait3A] : memref<50048x32xf32, #tpu.memory_space<vmem_shared>> -> memref<3128x32xf32, #tpu.memory_space<vmem_shared>>
      tpu.wait_dma2 semaphore(%run_scoped3A : memref<!tpu.dma_semaphore, #tpu.memory_space<semaphore_mem>>) src(%arg6 : memref<3128x32xf32, #tpu.memory_space<hbm>>) dst(%dma_wait3A_13 : memref<3128x32xf32, #tpu.memory_space<vmem_shared>>)
      tpu.yield
    }) : () -> ()
    %barrier3A = arith.constant 0 : index
    tpu.barrier barrier_id(%barrier3A)
    %scan3A = arith.constant 0 : i32
    %scan3A_1 = arith.constant 98 : i32
    %scan3A_2 = arith.addi %scan3A, %scan3A_1 : i32
    %scan3A_3 = arith.constant 1 : i32
    scf.for %scan3A_12 = %scan3A to %scan3A_2 step %scan3A_3  : i32 {
      %mul3A_13 = arith.constant 1 : i32
      %mul3A_14 = arith.muli %scan3A_12, %mul3A_13 : i32
      %add3A_15 = arith.constant 0 : i32
      %add3A_16 = arith.addi %add3A_15, %mul3A_14 : i32
      %mul3A_17 = arith.constant 392 : i32
      %mul3A_18 = arith.muli %arg1, %mul3A_17 : i32
      %mul3A_19 = arith.constant 4 : i32
      %mul3A_20 = arith.muli %add3A_16, %mul3A_19 : i32
      %add3A_21 = arith.addi %mul3A_18, %mul3A_20 : i32
      "tpu.region"() ({
        %run_scoped3A_32 = tpu.sem_alloc : memref<!tpu.dma_semaphore, #tpu.memory_space<semaphore_mem>>
        %dma_start3A = arith.constant 0 : i32
        %dma_start3A_33 = tpu.memref_slice %arg4[%add3A_21, %dma_start3A] : memref<6272x128xi32, #tpu.memory_space<hbm>> -> memref<4x128xi32, #tpu.memory_space<hbm>>
        %dma_start3A_34 = arith.constant 0 : i32
        %dma_start3A_35 = tpu.memref_slice %arg4[%add3A_21, %dma_start3A_34] : memref<6272x128xi32, #tpu.memory_space<hbm>> -> memref<4x128xi32, #tpu.memory_space<hbm>>
        tpu.enqueue_dma source(%dma_start3A_35 : memref<4x128xi32, #tpu.memory_space<hbm>>) target(%arg9 : memref<4x128xi32, #tpu.memory_space<vmem>>) target_semaphore(%run_scoped3A_32 : memref<!tpu.dma_semaphore, #tpu.memory_space<semaphore_mem>>)
        %dma_wait3A = arith.constant 0 : i32
        %dma_wait3A_36 = tpu.memref_slice %arg4[%add3A_21, %dma_wait3A] : memref<6272x128xi32, #tpu.memory_space<hbm>> -> memref<4x128xi32, #tpu.memory_space<hbm>>
        %dma_wait3A_37 = arith.constant 0 : i32
        %dma_wait3A_38 = tpu.memref_slice %arg4[%add3A_21, %dma_wait3A_37] : memref<6272x128xi32, #tpu.memory_space<hbm>> -> memref<4x128xi32, #tpu.memory_space<hbm>>
        tpu.wait_dma2 semaphore(%run_scoped3A_32 : memref<!tpu.dma_semaphore, #tpu.memory_space<semaphore_mem>>) src(%dma_wait3A_38 : memref<4x128xi32, #tpu.memory_space<hbm>>) dst(%arg9 : memref<4x128xi32, #tpu.memory_space<vmem>>)
        tpu.yield
      }) : () -> ()
      "tpu.region"() ({
        %run_scoped3A_32 = tpu.sem_alloc : memref<!tpu.dma_semaphore, #tpu.memory_space<semaphore_mem>>
        %dma_start3A = arith.constant 0 : i32
        %dma_start3A_33 = tpu.memref_slice %arg5[%add3A_21, %dma_start3A] : memref<6272x128xi32, #tpu.memory_space<hbm>> -> memref<4x128xi32, #tpu.memory_space<hbm>>
        %dma_start3A_34 = arith.constant 0 : i32
        %dma_start3A_35 = tpu.memref_slice %arg5[%add3A_21, %dma_start3A_34] : memref<6272x128xi32, #tpu.memory_space<hbm>> -> memref<4x128xi32, #tpu.memory_space<hbm>>
        tpu.enqueue_dma source(%dma_start3A_35 : memref<4x128xi32, #tpu.memory_space<hbm>>) target(%arg10 : memref<4x128xi32, #tpu.memory_space<vmem>>) target_semaphore(%run_scoped3A_32 : memref<!tpu.dma_semaphore, #tpu.memory_space<semaphore_mem>>)
        %dma_wait3A = arith.constant 0 : i32
        %dma_wait3A_36 = tpu.memref_slice %arg5[%add3A_21, %dma_wait3A] : memref<6272x128xi32, #tpu.memory_space<hbm>> -> memref<4x128xi32, #tpu.memory_space<hbm>>
        %dma_wait3A_37 = arith.constant 0 : i32
        %dma_wait3A_38 = tpu.memref_slice %arg5[%add3A_21, %dma_wait3A_37] : memref<6272x128xi32, #tpu.memory_space<hbm>> -> memref<4x128xi32, #tpu.memory_space<hbm>>
        tpu.wait_dma2 semaphore(%run_scoped3A_32 : memref<!tpu.dma_semaphore, #tpu.memory_space<semaphore_mem>>) src(%dma_wait3A_38 : memref<4x128xi32, #tpu.memory_space<hbm>>) dst(%arg10 : memref<4x128xi32, #tpu.memory_space<vmem>>)
        tpu.yield
      }) : () -> ()
      %eq3A = arith.constant 0 : i32
      %eq3A_22 = arith.cmpi eq, %arg0, %eq3A : i32
      %convert_element_type3A = arith.extui %eq3A_22 : i1 to i32
      %cond3A = arith.constant 0 : i32
      %cond3A_23 = arith.cmpi ne, %convert_element_type3A, %cond3A : i32
      scf.if %cond3A_23 {
        %dma_start3A = arith.constant 0 : i32
        %dma_start3A_32 = arith.constant 0 : i32
        %dma_start3A_33 = arith.constant 0 : i32
        %dma_start3A_34 = tpu.memref_slice %arg11[%dma_start3A_32, %dma_start3A_33] : memref<512x32xf32, #tpu.memory_space<vmem>> -> memref<128x32xf32, #tpu.memory_space<vmem>>
        %dma_start3A_35 = arith.constant 0 : i32
        %dma_start3A_36 = tpu.memref_slice %arg9[%dma_start3A, %dma_start3A_35] : memref<4x128xi32, #tpu.memory_space<vmem>> -> memref<1x128xi32, #tpu.memory_space<vmem>>
        %dma_start3A_37 = tpu.memref_squeeze %dma_start3A_36 : memref<1x128xi32, #tpu.memory_space<vmem>> -> memref<128xi32, #tpu.memory_space<vmem>>
        %dma_start3A_38 = arith.constant 0 : i32
        %dma_start3A_39 = arith.constant 0 : i32
        %dma_start3A_40 = tpu.memref_slice %arg2[%dma_start3A_38, %dma_start3A_39] : memref<50000x32xf32, #tpu.memory_space<hbm>> -> memref<50000x32xf32, #tpu.memory_space<hbm>>
        tpu.enqueue_indirect_dma source(%dma_start3A_40 : memref<50000x32xf32, #tpu.memory_space<hbm>>) target(%dma_start3A_34 : memref<128x32xf32, #tpu.memory_space<vmem>>) offsets(%dma_start3A_37 : memref<128xi32, #tpu.memory_space<vmem>>) semaphore(%arg12 : memref<!tpu.dma_semaphore, #tpu.memory_space<semaphore_mem>>)
        %dma_start3A_41 = arith.constant 1 : i32
        %dma_start3A_42 = arith.constant 128 : i32
        %dma_start3A_43 = arith.constant 0 : i32
        %dma_start3A_44 = tpu.memref_slice %arg11[%dma_start3A_42, %dma_start3A_43] : memref<512x32xf32, #tpu.memory_space<vmem>> -> memref<128x32xf32, #tpu.memory_space<vmem>>
        %dma_start3A_45 = arith.constant 0 : i32
        %dma_start3A_46 = tpu.memref_slice %arg9[%dma_start3A_41, %dma_start3A_45] : memref<4x128xi32, #tpu.memory_space<vmem>> -> memref<1x128xi32, #tpu.memory_space<vmem>>
        %dma_start3A_47 = tpu.memref_squeeze %dma_start3A_46 : memref<1x128xi32, #tpu.memory_space<vmem>> -> memref<128xi32, #tpu.memory_space<vmem>>
        %dma_start3A_48 = arith.constant 0 : i32
        %dma_start3A_49 = arith.constant 0 : i32
        %dma_start3A_50 = tpu.memref_slice %arg2[%dma_start3A_48, %dma_start3A_49] : memref<50000x32xf32, #tpu.memory_space<hbm>> -> memref<50000x32xf32, #tpu.memory_space<hbm>>
        tpu.enqueue_indirect_dma source(%dma_start3A_50 : memref<50000x32xf32, #tpu.memory_space<hbm>>) target(%dma_start3A_44 : memref<128x32xf32, #tpu.memory_space<vmem>>) offsets(%dma_start3A_47 : memref<128xi32, #tpu.memory_space<vmem>>) semaphore(%arg12 : memref<!tpu.dma_semaphore, #tpu.memory_space<semaphore_mem>>)
        %dma_start3A_51 = arith.constant 2 : i32
        %dma_start3A_52 = arith.constant 256 : i32
        %dma_start3A_53 = arith.constant 0 : i32
        %dma_start3A_54 = tpu.memref_slice %arg11[%dma_start3A_52, %dma_start3A_53] : memref<512x32xf32, #tpu.memory_space<vmem>> -> memref<128x32xf32, #tpu.memory_space<vmem>>
        %dma_start3A_55 = arith.constant 0 : i32
        %dma_start3A_56 = tpu.memref_slice %arg9[%dma_start3A_51, %dma_start3A_55] : memref<4x128xi32, #tpu.memory_space<vmem>> -> memref<1x128xi32, #tpu.memory_space<vmem>>
        %dma_start3A_57 = tpu.memref_squeeze %dma_start3A_56 : memref<1x128xi32, #tpu.memory_space<vmem>> -> memref<128xi32, #tpu.memory_space<vmem>>
        %dma_start3A_58 = arith.constant 0 : i32
        %dma_start3A_59 = arith.constant 0 : i32
        %dma_start3A_60 = tpu.memref_slice %arg2[%dma_start3A_58, %dma_start3A_59] : memref<50000x32xf32, #tpu.memory_space<hbm>> -> memref<50000x32xf32, #tpu.memory_space<hbm>>
        tpu.enqueue_indirect_dma source(%dma_start3A_60 : memref<50000x32xf32, #tpu.memory_space<hbm>>) target(%dma_start3A_54 : memref<128x32xf32, #tpu.memory_space<vmem>>) offsets(%dma_start3A_57 : memref<128xi32, #tpu.memory_space<vmem>>) semaphore(%arg12 : memref<!tpu.dma_semaphore, #tpu.memory_space<semaphore_mem>>)
        %dma_start3A_61 = arith.constant 3 : i32
        %dma_start3A_62 = arith.constant 384 : i32
        %dma_start3A_63 = arith.constant 0 : i32
        %dma_start3A_64 = tpu.memref_slice %arg11[%dma_start3A_62, %dma_start3A_63] : memref<512x32xf32, #tpu.memory_space<vmem>> -> memref<128x32xf32, #tpu.memory_space<vmem>>
        %dma_start3A_65 = arith.constant 0 : i32
        %dma_start3A_66 = tpu.memref_slice %arg9[%dma_start3A_61, %dma_start3A_65] : memref<4x128xi32, #tpu.memory_space<vmem>> -> memref<1x128xi32, #tpu.memory_space<vmem>>
        %dma_start3A_67 = tpu.memref_squeeze %dma_start3A_66 : memref<1x128xi32, #tpu.memory_space<vmem>> -> memref<128xi32, #tpu.memory_space<vmem>>
        %dma_start3A_68 = arith.constant 0 : i32
        %dma_start3A_69 = arith.constant 0 : i32
        %dma_start3A_70 = tpu.memref_slice %arg2[%dma_start3A_68, %dma_start3A_69] : memref<50000x32xf32, #tpu.memory_space<hbm>> -> memref<50000x32xf32, #tpu.memory_space<hbm>>
        tpu.enqueue_indirect_dma source(%dma_start3A_70 : memref<50000x32xf32, #tpu.memory_space<hbm>>) target(%dma_start3A_64 : memref<128x32xf32, #tpu.memory_space<vmem>>) offsets(%dma_start3A_67 : memref<128xi32, #tpu.memory_space<vmem>>) semaphore(%arg12 : memref<!tpu.dma_semaphore, #tpu.memory_space<semaphore_mem>>)
        %dma_wait3A = arith.constant 0 : i32
        %dma_wait3A_71 = arith.constant 0 : i32
        %dma_wait3A_72 = arith.constant 0 : i32
        %dma_wait3A_73 = tpu.memref_slice %arg11[%dma_wait3A_71, %dma_wait3A_72] : memref<512x32xf32, #tpu.memory_space<vmem>> -> memref<128x32xf32, #tpu.memory_space<vmem>>
        %dma_wait3A_74 = arith.constant 0 : i32
        %dma_wait3A_75 = tpu.memref_slice %arg9[%dma_wait3A, %dma_wait3A_74] : memref<4x128xi32, #tpu.memory_space<vmem>> -> memref<1x128xi32, #tpu.memory_space<vmem>>
        %dma_wait3A_76 = tpu.memref_squeeze %dma_wait3A_75 : memref<1x128xi32, #tpu.memory_space<vmem>> -> memref<128xi32, #tpu.memory_space<vmem>>
        %dma_wait3A_77 = arith.constant 0 : i32
        %dma_wait3A_78 = arith.constant 0 : i32
        %dma_wait3A_79 = tpu.memref_slice %arg2[%dma_wait3A_77, %dma_wait3A_78] : memref<50000x32xf32, #tpu.memory_space<hbm>> -> memref<50000x32xf32, #tpu.memory_space<hbm>>
        tpu.wait_indirect_dma semaphore(%arg12 : memref<!tpu.dma_semaphore, #tpu.memory_space<semaphore_mem>>) src(%dma_wait3A_79 : memref<50000x32xf32, #tpu.memory_space<hbm>>) dst(%dma_wait3A_73 : memref<128x32xf32, #tpu.memory_space<vmem>>)
        %dma_wait3A_80 = arith.constant 1 : i32
        %dma_wait3A_81 = arith.constant 128 : i32
        %dma_wait3A_82 = arith.constant 0 : i32
        %dma_wait3A_83 = tpu.memref_slice %arg11[%dma_wait3A_81, %dma_wait3A_82] : memref<512x32xf32, #tpu.memory_space<vmem>> -> memref<128x32xf32, #tpu.memory_space<vmem>>
        %dma_wait3A_84 = arith.constant 0 : i32
        %dma_wait3A_85 = tpu.memref_slice %arg9[%dma_wait3A_80, %dma_wait3A_84] : memref<4x128xi32, #tpu.memory_space<vmem>> -> memref<1x128xi32, #tpu.memory_space<vmem>>
        %dma_wait3A_86 = tpu.memref_squeeze %dma_wait3A_85 : memref<1x128xi32, #tpu.memory_space<vmem>> -> memref<128xi32, #tpu.memory_space<vmem>>
        %dma_wait3A_87 = arith.constant 0 : i32
        %dma_wait3A_88 = arith.constant 0 : i32
        %dma_wait3A_89 = tpu.memref_slice %arg2[%dma_wait3A_87, %dma_wait3A_88] : memref<50000x32xf32, #tpu.memory_space<hbm>> -> memref<50000x32xf32, #tpu.memory_space<hbm>>
        tpu.wait_indirect_dma semaphore(%arg12 : memref<!tpu.dma_semaphore, #tpu.memory_space<semaphore_mem>>) src(%dma_wait3A_89 : memref<50000x32xf32, #tpu.memory_space<hbm>>) dst(%dma_wait3A_83 : memref<128x32xf32, #tpu.memory_space<vmem>>)
        %dma_wait3A_90 = arith.constant 2 : i32
        %dma_wait3A_91 = arith.constant 256 : i32
        %dma_wait3A_92 = arith.constant 0 : i32
        %dma_wait3A_93 = tpu.memref_slice %arg11[%dma_wait3A_91, %dma_wait3A_92] : memref<512x32xf32, #tpu.memory_space<vmem>> -> memref<128x32xf32, #tpu.memory_space<vmem>>
        %dma_wait3A_94 = arith.constant 0 : i32
        %dma_wait3A_95 = tpu.memref_slice %arg9[%dma_wait3A_90, %dma_wait3A_94] : memref<4x128xi32, #tpu.memory_space<vmem>> -> memref<1x128xi32, #tpu.memory_space<vmem>>
        %dma_wait3A_96 = tpu.memref_squeeze %dma_wait3A_95 : memref<1x128xi32, #tpu.memory_space<vmem>> -> memref<128xi32, #tpu.memory_space<vmem>>
        %dma_wait3A_97 = arith.constant 0 : i32
        %dma_wait3A_98 = arith.constant 0 : i32
        %dma_wait3A_99 = tpu.memref_slice %arg2[%dma_wait3A_97, %dma_wait3A_98] : memref<50000x32xf32, #tpu.memory_space<hbm>> -> memref<50000x32xf32, #tpu.memory_space<hbm>>
        tpu.wait_indirect_dma semaphore(%arg12 : memref<!tpu.dma_semaphore, #tpu.memory_space<semaphore_mem>>) src(%dma_wait3A_99 : memref<50000x32xf32, #tpu.memory_space<hbm>>) dst(%dma_wait3A_93 : memref<128x32xf32, #tpu.memory_space<vmem>>)
        %dma_wait3A_100 = arith.constant 3 : i32
        %dma_wait3A_101 = arith.constant 384 : i32
        %dma_wait3A_102 = arith.constant 0 : i32
        %dma_wait3A_103 = tpu.memref_slice %arg11[%dma_wait3A_101, %dma_wait3A_102] : memref<512x32xf32, #tpu.memory_space<vmem>> -> memref<128x32xf32, #tpu.memory_space<vmem>>
        %dma_wait3A_104 = arith.constant 0 : i32
        %dma_wait3A_105 = tpu.memref_slice %arg9[%dma_wait3A_100, %dma_wait3A_104] : memref<4x128xi32, #tpu.memory_space<vmem>> -> memref<1x128xi32, #tpu.memory_space<vmem>>
        %dma_wait3A_106 = tpu.memref_squeeze %dma_wait3A_105 : memref<1x128xi32, #tpu.memory_space<vmem>> -> memref<128xi32, #tpu.memory_space<vmem>>
        %dma_wait3A_107 = arith.constant 0 : i32
        %dma_wait3A_108 = arith.constant 0 : i32
        %dma_wait3A_109 = tpu.memref_slice %arg2[%dma_wait3A_107, %dma_wait3A_108] : memref<50000x32xf32, #tpu.memory_space<hbm>> -> memref<50000x32xf32, #tpu.memory_space<hbm>>
        tpu.wait_indirect_dma semaphore(%arg12 : memref<!tpu.dma_semaphore, #tpu.memory_space<semaphore_mem>>) src(%dma_wait3A_109 : memref<50000x32xf32, #tpu.memory_space<hbm>>) dst(%dma_wait3A_103 : memref<128x32xf32, #tpu.memory_space<vmem>>)
      } else {
      }
      %eq3A_24 = arith.constant 1 : i32
      %eq3A_25 = arith.cmpi eq, %arg0, %eq3A_24 : i32
      %convert_element_type3A_26 = arith.extui %eq3A_25 : i1 to i32
      %cond3A_27 = arith.constant 0 : i32
      %cond3A_28 = arith.cmpi ne, %convert_element_type3A_26, %cond3A_27 : i32
      scf.if %cond3A_28 {
        %dma_start3A = arith.constant 0 : i32
        %dma_start3A_32 = arith.constant 0 : i32
        %dma_start3A_33 = arith.constant 0 : i32
        %dma_start3A_34 = tpu.memref_slice %arg11[%dma_start3A_32, %dma_start3A_33] : memref<512x32xf32, #tpu.memory_space<vmem>> -> memref<128x32xf32, #tpu.memory_space<vmem>>
        %dma_start3A_35 = arith.constant 0 : i32
        %dma_start3A_36 = tpu.memref_slice %arg9[%dma_start3A, %dma_start3A_35] : memref<4x128xi32, #tpu.memory_space<vmem>> -> memref<1x128xi32, #tpu.memory_space<vmem>>
        %dma_start3A_37 = tpu.memref_squeeze %dma_start3A_36 : memref<1x128xi32, #tpu.memory_space<vmem>> -> memref<128xi32, #tpu.memory_space<vmem>>
        %dma_start3A_38 = arith.constant 0 : i32
        %dma_start3A_39 = arith.constant 0 : i32
        %dma_start3A_40 = tpu.memref_slice %arg3[%dma_start3A_38, %dma_start3A_39] : memref<50000x32xf32, #tpu.memory_space<hbm>> -> memref<50000x32xf32, #tpu.memory_space<hbm>>
        tpu.enqueue_indirect_dma source(%dma_start3A_40 : memref<50000x32xf32, #tpu.memory_space<hbm>>) target(%dma_start3A_34 : memref<128x32xf32, #tpu.memory_space<vmem>>) offsets(%dma_start3A_37 : memref<128xi32, #tpu.memory_space<vmem>>) semaphore(%arg12 : memref<!tpu.dma_semaphore, #tpu.memory_space<semaphore_mem>>)
        %dma_start3A_41 = arith.constant 1 : i32
        %dma_start3A_42 = arith.constant 128 : i32
        %dma_start3A_43 = arith.constant 0 : i32
        %dma_start3A_44 = tpu.memref_slice %arg11[%dma_start3A_42, %dma_start3A_43] : memref<512x32xf32, #tpu.memory_space<vmem>> -> memref<128x32xf32, #tpu.memory_space<vmem>>
        %dma_start3A_45 = arith.constant 0 : i32
        %dma_start3A_46 = tpu.memref_slice %arg9[%dma_start3A_41, %dma_start3A_45] : memref<4x128xi32, #tpu.memory_space<vmem>> -> memref<1x128xi32, #tpu.memory_space<vmem>>
        %dma_start3A_47 = tpu.memref_squeeze %dma_start3A_46 : memref<1x128xi32, #tpu.memory_space<vmem>> -> memref<128xi32, #tpu.memory_space<vmem>>
        %dma_start3A_48 = arith.constant 0 : i32
        %dma_start3A_49 = arith.constant 0 : i32
        %dma_start3A_50 = tpu.memref_slice %arg3[%dma_start3A_48, %dma_start3A_49] : memref<50000x32xf32, #tpu.memory_space<hbm>> -> memref<50000x32xf32, #tpu.memory_space<hbm>>
        tpu.enqueue_indirect_dma source(%dma_start3A_50 : memref<50000x32xf32, #tpu.memory_space<hbm>>) target(%dma_start3A_44 : memref<128x32xf32, #tpu.memory_space<vmem>>) offsets(%dma_start3A_47 : memref<128xi32, #tpu.memory_space<vmem>>) semaphore(%arg12 : memref<!tpu.dma_semaphore, #tpu.memory_space<semaphore_mem>>)
        %dma_start3A_51 = arith.constant 2 : i32
        %dma_start3A_52 = arith.constant 256 : i32
        %dma_start3A_53 = arith.constant 0 : i32
        %dma_start3A_54 = tpu.memref_slice %arg11[%dma_start3A_52, %dma_start3A_53] : memref<512x32xf32, #tpu.memory_space<vmem>> -> memref<128x32xf32, #tpu.memory_space<vmem>>
        %dma_start3A_55 = arith.constant 0 : i32
        %dma_start3A_56 = tpu.memref_slice %arg9[%dma_start3A_51, %dma_start3A_55] : memref<4x128xi32, #tpu.memory_space<vmem>> -> memref<1x128xi32, #tpu.memory_space<vmem>>
        %dma_start3A_57 = tpu.memref_squeeze %dma_start3A_56 : memref<1x128xi32, #tpu.memory_space<vmem>> -> memref<128xi32, #tpu.memory_space<vmem>>
        %dma_start3A_58 = arith.constant 0 : i32
        %dma_start3A_59 = arith.constant 0 : i32
        %dma_start3A_60 = tpu.memref_slice %arg3[%dma_start3A_58, %dma_start3A_59] : memref<50000x32xf32, #tpu.memory_space<hbm>> -> memref<50000x32xf32, #tpu.memory_space<hbm>>
        tpu.enqueue_indirect_dma source(%dma_start3A_60 : memref<50000x32xf32, #tpu.memory_space<hbm>>) target(%dma_start3A_54 : memref<128x32xf32, #tpu.memory_space<vmem>>) offsets(%dma_start3A_57 : memref<128xi32, #tpu.memory_space<vmem>>) semaphore(%arg12 : memref<!tpu.dma_semaphore, #tpu.memory_space<semaphore_mem>>)
        %dma_start3A_61 = arith.constant 3 : i32
        %dma_start3A_62 = arith.constant 384 : i32
        %dma_start3A_63 = arith.constant 0 : i32
        %dma_start3A_64 = tpu.memref_slice %arg11[%dma_start3A_62, %dma_start3A_63] : memref<512x32xf32, #tpu.memory_space<vmem>> -> memref<128x32xf32, #tpu.memory_space<vmem>>
        %dma_start3A_65 = arith.constant 0 : i32
        %dma_start3A_66 = tpu.memref_slice %arg9[%dma_start3A_61, %dma_start3A_65] : memref<4x128xi32, #tpu.memory_space<vmem>> -> memref<1x128xi32, #tpu.memory_space<vmem>>
        %dma_start3A_67 = tpu.memref_squeeze %dma_start3A_66 : memref<1x128xi32, #tpu.memory_space<vmem>> -> memref<128xi32, #tpu.memory_space<vmem>>
        %dma_start3A_68 = arith.constant 0 : i32
        %dma_start3A_69 = arith.constant 0 : i32
        %dma_start3A_70 = tpu.memref_slice %arg3[%dma_start3A_68, %dma_start3A_69] : memref<50000x32xf32, #tpu.memory_space<hbm>> -> memref<50000x32xf32, #tpu.memory_space<hbm>>
        tpu.enqueue_indirect_dma source(%dma_start3A_70 : memref<50000x32xf32, #tpu.memory_space<hbm>>) target(%dma_start3A_64 : memref<128x32xf32, #tpu.memory_space<vmem>>) offsets(%dma_start3A_67 : memref<128xi32, #tpu.memory_space<vmem>>) semaphore(%arg12 : memref<!tpu.dma_semaphore, #tpu.memory_space<semaphore_mem>>)
        %dma_wait3A = arith.constant 0 : i32
        %dma_wait3A_71 = arith.constant 0 : i32
        %dma_wait3A_72 = arith.constant 0 : i32
        %dma_wait3A_73 = tpu.memref_slice %arg11[%dma_wait3A_71, %dma_wait3A_72] : memref<512x32xf32, #tpu.memory_space<vmem>> -> memref<128x32xf32, #tpu.memory_space<vmem>>
        %dma_wait3A_74 = arith.constant 0 : i32
        %dma_wait3A_75 = tpu.memref_slice %arg9[%dma_wait3A, %dma_wait3A_74] : memref<4x128xi32, #tpu.memory_space<vmem>> -> memref<1x128xi32, #tpu.memory_space<vmem>>
        %dma_wait3A_76 = tpu.memref_squeeze %dma_wait3A_75 : memref<1x128xi32, #tpu.memory_space<vmem>> -> memref<128xi32, #tpu.memory_space<vmem>>
        %dma_wait3A_77 = arith.constant 0 : i32
        %dma_wait3A_78 = arith.constant 0 : i32
        %dma_wait3A_79 = tpu.memref_slice %arg3[%dma_wait3A_77, %dma_wait3A_78] : memref<50000x32xf32, #tpu.memory_space<hbm>> -> memref<50000x32xf32, #tpu.memory_space<hbm>>
        tpu.wait_indirect_dma semaphore(%arg12 : memref<!tpu.dma_semaphore, #tpu.memory_space<semaphore_mem>>) src(%dma_wait3A_79 : memref<50000x32xf32, #tpu.memory_space<hbm>>) dst(%dma_wait3A_73 : memref<128x32xf32, #tpu.memory_space<vmem>>)
        %dma_wait3A_80 = arith.constant 1 : i32
        %dma_wait3A_81 = arith.constant 128 : i32
        %dma_wait3A_82 = arith.constant 0 : i32
        %dma_wait3A_83 = tpu.memref_slice %arg11[%dma_wait3A_81, %dma_wait3A_82] : memref<512x32xf32, #tpu.memory_space<vmem>> -> memref<128x32xf32, #tpu.memory_space<vmem>>
        %dma_wait3A_84 = arith.constant 0 : i32
        %dma_wait3A_85 = tpu.memref_slice %arg9[%dma_wait3A_80, %dma_wait3A_84] : memref<4x128xi32, #tpu.memory_space<vmem>> -> memref<1x128xi32, #tpu.memory_space<vmem>>
        %dma_wait3A_86 = tpu.memref_squeeze %dma_wait3A_85 : memref<1x128xi32, #tpu.memory_space<vmem>> -> memref<128xi32, #tpu.memory_space<vmem>>
        %dma_wait3A_87 = arith.constant 0 : i32
        %dma_wait3A_88 = arith.constant 0 : i32
        %dma_wait3A_89 = tpu.memref_slice %arg3[%dma_wait3A_87, %dma_wait3A_88] : memref<50000x32xf32, #tpu.memory_space<hbm>> -> memref<50000x32xf32, #tpu.memory_space<hbm>>
        tpu.wait_indirect_dma semaphore(%arg12 : memref<!tpu.dma_semaphore, #tpu.memory_space<semaphore_mem>>) src(%dma_wait3A_89 : memref<50000x32xf32, #tpu.memory_space<hbm>>) dst(%dma_wait3A_83 : memref<128x32xf32, #tpu.memory_space<vmem>>)
        %dma_wait3A_90 = arith.constant 2 : i32
        %dma_wait3A_91 = arith.constant 256 : i32
        %dma_wait3A_92 = arith.constant 0 : i32
        %dma_wait3A_93 = tpu.memref_slice %arg11[%dma_wait3A_91, %dma_wait3A_92] : memref<512x32xf32, #tpu.memory_space<vmem>> -> memref<128x32xf32, #tpu.memory_space<vmem>>
        %dma_wait3A_94 = arith.constant 0 : i32
        %dma_wait3A_95 = tpu.memref_slice %arg9[%dma_wait3A_90, %dma_wait3A_94] : memref<4x128xi32, #tpu.memory_space<vmem>> -> memref<1x128xi32, #tpu.memory_space<vmem>>
        %dma_wait3A_96 = tpu.memref_squeeze %dma_wait3A_95 : memref<1x128xi32, #tpu.memory_space<vmem>> -> memref<128xi32, #tpu.memory_space<vmem>>
        %dma_wait3A_97 = arith.constant 0 : i32
        %dma_wait3A_98 = arith.constant 0 : i32
        %dma_wait3A_99 = tpu.memref_slice %arg3[%dma_wait3A_97, %dma_wait3A_98] : memref<50000x32xf32, #tpu.memory_space<hbm>> -> memref<50000x32xf32, #tpu.memory_space<hbm>>
        tpu.wait_indirect_dma semaphore(%arg12 : memref<!tpu.dma_semaphore, #tpu.memory_space<semaphore_mem>>) src(%dma_wait3A_99 : memref<50000x32xf32, #tpu.memory_space<hbm>>) dst(%dma_wait3A_93 : memref<128x32xf32, #tpu.memory_space<vmem>>)
        %dma_wait3A_100 = arith.constant 3 : i32
        %dma_wait3A_101 = arith.constant 384 : i32
        %dma_wait3A_102 = arith.constant 0 : i32
        %dma_wait3A_103 = tpu.memref_slice %arg11[%dma_wait3A_101, %dma_wait3A_102] : memref<512x32xf32, #tpu.memory_space<vmem>> -> memref<128x32xf32, #tpu.memory_space<vmem>>
        %dma_wait3A_104 = arith.constant 0 : i32
        %dma_wait3A_105 = tpu.memref_slice %arg9[%dma_wait3A_100, %dma_wait3A_104] : memref<4x128xi32, #tpu.memory_space<vmem>> -> memref<1x128xi32, #tpu.memory_space<vmem>>
        %dma_wait3A_106 = tpu.memref_squeeze %dma_wait3A_105 : memref<1x128xi32, #tpu.memory_space<vmem>> -> memref<128xi32, #tpu.memory_space<vmem>>
        %dma_wait3A_107 = arith.constant 0 : i32
        %dma_wait3A_108 = arith.constant 0 : i32
        %dma_wait3A_109 = tpu.memref_slice %arg3[%dma_wait3A_107, %dma_wait3A_108] : memref<50000x32xf32, #tpu.memory_space<hbm>> -> memref<50000x32xf32, #tpu.memory_space<hbm>>
        tpu.wait_indirect_dma semaphore(%arg12 : memref<!tpu.dma_semaphore, #tpu.memory_space<semaphore_mem>>) src(%dma_wait3A_109 : memref<50000x32xf32, #tpu.memory_space<hbm>>) dst(%dma_wait3A_103 : memref<128x32xf32, #tpu.memory_space<vmem>>)
      } else {
      }
      %run_scoped3A = arith.constant 0 : i32
      "tpu.region"() ({
        %run_scoped3A_32 = tpu.sem_alloc : memref<!tpu.dma_semaphore, #tpu.memory_space<semaphore_mem>>
        %dma_start3A = arith.constant 0 : i32
        %dma_start3A_33 = arith.constant 0 : i32
        %dma_start3A_34 = tpu.memref_slice %arg11[%dma_start3A, %dma_start3A_33] : memref<512x32xf32, #tpu.memory_space<vmem>> -> memref<128x32xf32, #tpu.memory_space<vmem>>
        %dma_start3A_35 = arith.constant 0 : i32
        %dma_start3A_36 = tpu.memref_slice %arg10[%run_scoped3A, %dma_start3A_35] : memref<4x128xi32, #tpu.memory_space<vmem>> -> memref<1x128xi32, #tpu.memory_space<vmem>>
        %dma_start3A_37 = tpu.memref_squeeze %dma_start3A_36 : memref<1x128xi32, #tpu.memory_space<vmem>> -> memref<128xi32, #tpu.memory_space<vmem>>
        %dma_start3A_38 = arith.constant 0 : i32
        %dma_start3A_39 = arith.constant 0 : i32
        %dma_start3A_40 = tpu.memref_slice %arg8[%dma_start3A_38, %dma_start3A_39] : memref<50048x32xf32, #tpu.memory_space<vmem_shared>> -> memref<50048x32xf32, #tpu.memory_space<vmem_shared>>
        tpu.enqueue_indirect_dma source(%dma_start3A_34 : memref<128x32xf32, #tpu.memory_space<vmem>>) target(%dma_start3A_40 : memref<50048x32xf32, #tpu.memory_space<vmem_shared>>) offsets(%dma_start3A_37 : memref<128xi32, #tpu.memory_space<vmem>>) semaphore(%run_scoped3A_32 : memref<!tpu.dma_semaphore, #tpu.memory_space<semaphore_mem>>) {add = true}
        %dma_wait3A = arith.constant 0 : i32
        %dma_wait3A_41 = arith.constant 0 : i32
        %dma_wait3A_42 = tpu.memref_slice %arg11[%dma_wait3A, %dma_wait3A_41] : memref<512x32xf32, #tpu.memory_space<vmem>> -> memref<128x32xf32, #tpu.memory_space<vmem>>
        %dma_wait3A_43 = arith.constant 0 : i32
        %dma_wait3A_44 = tpu.memref_slice %arg10[%run_scoped3A, %dma_wait3A_43] : memref<4x128xi32, #tpu.memory_space<vmem>> -> memref<1x128xi32, #tpu.memory_space<vmem>>
        %dma_wait3A_45 = tpu.memref_squeeze %dma_wait3A_44 : memref<1x128xi32, #tpu.memory_space<vmem>> -> memref<128xi32, #tpu.memory_space<vmem>>
        %dma_wait3A_46 = arith.constant 0 : i32
        %dma_wait3A_47 = arith.constant 0 : i32
        %dma_wait3A_48 = tpu.memref_slice %arg8[%dma_wait3A_46, %dma_wait3A_47] : memref<50048x32xf32, #tpu.memory_space<vmem_shared>> -> memref<50048x32xf32, #tpu.memory_space<vmem_shared>>
        tpu.wait_indirect_dma semaphore(%run_scoped3A_32 : memref<!tpu.dma_semaphore, #tpu.memory_space<semaphore_mem>>) src(%dma_wait3A_42 : memref<128x32xf32, #tpu.memory_space<vmem>>) dst(%dma_wait3A_48 : memref<50048x32xf32, #tpu.memory_space<vmem_shared>>)
        tpu.yield
      }) : () -> ()
      %run_scoped3A_29 = arith.constant 1 : i32
      "tpu.region"() ({
        %run_scoped3A_32 = tpu.sem_alloc : memref<!tpu.dma_semaphore, #tpu.memory_space<semaphore_mem>>
        %dma_start3A = arith.constant 128 : i32
        %dma_start3A_33 = arith.constant 0 : i32
        %dma_start3A_34 = tpu.memref_slice %arg11[%dma_start3A, %dma_start3A_33] : memref<512x32xf32, #tpu.memory_space<vmem>> -> memref<128x32xf32, #tpu.memory_space<vmem>>
        %dma_start3A_35 = arith.constant 0 : i32
        %dma_start3A_36 = tpu.memref_slice %arg10[%run_scoped3A_29, %dma_start3A_35] : memref<4x128xi32, #tpu.memory_space<vmem>> -> memref<1x128xi32, #tpu.memory_space<vmem>>
        %dma_start3A_37 = tpu.memref_squeeze %dma_start3A_36 : memref<1x128xi32, #tpu.memory_space<vmem>> -> memref<128xi32, #tpu.memory_space<vmem>>
        %dma_start3A_38 = arith.constant 0 : i32
        %dma_start3A_39 = arith.constant 0 : i32
        %dma_start3A_40 = tpu.memref_slice %arg8[%dma_start3A_38, %dma_start3A_39] : memref<50048x32xf32, #tpu.memory_space<vmem_shared>> -> memref<50048x32xf32, #tpu.memory_space<vmem_shared>>
        tpu.enqueue_indirect_dma source(%dma_start3A_34 : memref<128x32xf32, #tpu.memory_space<vmem>>) target(%dma_start3A_40 : memref<50048x32xf32, #tpu.memory_space<vmem_shared>>) offsets(%dma_start3A_37 : memref<128xi32, #tpu.memory_space<vmem>>) semaphore(%run_scoped3A_32 : memref<!tpu.dma_semaphore, #tpu.memory_space<semaphore_mem>>) {add = true}
        %dma_wait3A = arith.constant 128 : i32
        %dma_wait3A_41 = arith.constant 0 : i32
        %dma_wait3A_42 = tpu.memref_slice %arg11[%dma_wait3A, %dma_wait3A_41] : memref<512x32xf32, #tpu.memory_space<vmem>> -> memref<128x32xf32, #tpu.memory_space<vmem>>
        %dma_wait3A_43 = arith.constant 0 : i32
        %dma_wait3A_44 = tpu.memref_slice %arg10[%run_scoped3A_29, %dma_wait3A_43] : memref<4x128xi32, #tpu.memory_space<vmem>> -> memref<1x128xi32, #tpu.memory_space<vmem>>
        %dma_wait3A_45 = tpu.memref_squeeze %dma_wait3A_44 : memref<1x128xi32, #tpu.memory_space<vmem>> -> memref<128xi32, #tpu.memory_space<vmem>>
        %dma_wait3A_46 = arith.constant 0 : i32
        %dma_wait3A_47 = arith.constant 0 : i32
        %dma_wait3A_48 = tpu.memref_slice %arg8[%dma_wait3A_46, %dma_wait3A_47] : memref<50048x32xf32, #tpu.memory_space<vmem_shared>> -> memref<50048x32xf32, #tpu.memory_space<vmem_shared>>
        tpu.wait_indirect_dma semaphore(%run_scoped3A_32 : memref<!tpu.dma_semaphore, #tpu.memory_space<semaphore_mem>>) src(%dma_wait3A_42 : memref<128x32xf32, #tpu.memory_space<vmem>>) dst(%dma_wait3A_48 : memref<50048x32xf32, #tpu.memory_space<vmem_shared>>)
        tpu.yield
      }) : () -> ()
      %run_scoped3A_30 = arith.constant 2 : i32
      "tpu.region"() ({
        %run_scoped3A_32 = tpu.sem_alloc : memref<!tpu.dma_semaphore, #tpu.memory_space<semaphore_mem>>
        %dma_start3A = arith.constant 256 : i32
        %dma_start3A_33 = arith.constant 0 : i32
        %dma_start3A_34 = tpu.memref_slice %arg11[%dma_start3A, %dma_start3A_33] : memref<512x32xf32, #tpu.memory_space<vmem>> -> memref<128x32xf32, #tpu.memory_space<vmem>>
        %dma_start3A_35 = arith.constant 0 : i32
        %dma_start3A_36 = tpu.memref_slice %arg10[%run_scoped3A_30, %dma_start3A_35] : memref<4x128xi32, #tpu.memory_space<vmem>> -> memref<1x128xi32, #tpu.memory_space<vmem>>
        %dma_start3A_37 = tpu.memref_squeeze %dma_start3A_36 : memref<1x128xi32, #tpu.memory_space<vmem>> -> memref<128xi32, #tpu.memory_space<vmem>>
        %dma_start3A_38 = arith.constant 0 : i32
        %dma_start3A_39 = arith.constant 0 : i32
        %dma_start3A_40 = tpu.memref_slice %arg8[%dma_start3A_38, %dma_start3A_39] : memref<50048x32xf32, #tpu.memory_space<vmem_shared>> -> memref<50048x32xf32, #tpu.memory_space<vmem_shared>>
        tpu.enqueue_indirect_dma source(%dma_start3A_34 : memref<128x32xf32, #tpu.memory_space<vmem>>) target(%dma_start3A_40 : memref<50048x32xf32, #tpu.memory_space<vmem_shared>>) offsets(%dma_start3A_37 : memref<128xi32, #tpu.memory_space<vmem>>) semaphore(%run_scoped3A_32 : memref<!tpu.dma_semaphore, #tpu.memory_space<semaphore_mem>>) {add = true}
        %dma_wait3A = arith.constant 256 : i32
        %dma_wait3A_41 = arith.constant 0 : i32
        %dma_wait3A_42 = tpu.memref_slice %arg11[%dma_wait3A, %dma_wait3A_41] : memref<512x32xf32, #tpu.memory_space<vmem>> -> memref<128x32xf32, #tpu.memory_space<vmem>>
        %dma_wait3A_43 = arith.constant 0 : i32
        %dma_wait3A_44 = tpu.memref_slice %arg10[%run_scoped3A_30, %dma_wait3A_43] : memref<4x128xi32, #tpu.memory_space<vmem>> -> memref<1x128xi32, #tpu.memory_space<vmem>>
        %dma_wait3A_45 = tpu.memref_squeeze %dma_wait3A_44 : memref<1x128xi32, #tpu.memory_space<vmem>> -> memref<128xi32, #tpu.memory_space<vmem>>
        %dma_wait3A_46 = arith.constant 0 : i32
        %dma_wait3A_47 = arith.constant 0 : i32
        %dma_wait3A_48 = tpu.memref_slice %arg8[%dma_wait3A_46, %dma_wait3A_47] : memref<50048x32xf32, #tpu.memory_space<vmem_shared>> -> memref<50048x32xf32, #tpu.memory_space<vmem_shared>>
        tpu.wait_indirect_dma semaphore(%run_scoped3A_32 : memref<!tpu.dma_semaphore, #tpu.memory_space<semaphore_mem>>) src(%dma_wait3A_42 : memref<128x32xf32, #tpu.memory_space<vmem>>) dst(%dma_wait3A_48 : memref<50048x32xf32, #tpu.memory_space<vmem_shared>>)
        tpu.yield
      }) : () -> ()
      %run_scoped3A_31 = arith.constant 3 : i32
      "tpu.region"() ({
        %run_scoped3A_32 = tpu.sem_alloc : memref<!tpu.dma_semaphore, #tpu.memory_space<semaphore_mem>>
        %dma_start3A = arith.constant 384 : i32
        %dma_start3A_33 = arith.constant 0 : i32
        %dma_start3A_34 = tpu.memref_slice %arg11[%dma_start3A, %dma_start3A_33] : memref<512x32xf32, #tpu.memory_space<vmem>> -> memref<128x32xf32, #tpu.memory_space<vmem>>
        %dma_start3A_35 = arith.constant 0 : i32
        %dma_start3A_36 = tpu.memref_slice %arg10[%run_scoped3A_31, %dma_start3A_35] : memref<4x128xi32, #tpu.memory_space<vmem>> -> memref<1x128xi32, #tpu.memory_space<vmem>>
        %dma_start3A_37 = tpu.memref_squeeze %dma_start3A_36 : memref<1x128xi32, #tpu.memory_space<vmem>> -> memref<128xi32, #tpu.memory_space<vmem>>
        %dma_start3A_38 = arith.constant 0 : i32
        %dma_start3A_39 = arith.constant 0 : i32
        %dma_start3A_40 = tpu.memref_slice %arg8[%dma_start3A_38, %dma_start3A_39] : memref<50048x32xf32, #tpu.memory_space<vmem_shared>> -> memref<50048x32xf32, #tpu.memory_space<vmem_shared>>
        tpu.enqueue_indirect_dma source(%dma_start3A_34 : memref<128x32xf32, #tpu.memory_space<vmem>>) target(%dma_start3A_40 : memref<50048x32xf32, #tpu.memory_space<vmem_shared>>) offsets(%dma_start3A_37 : memref<128xi32, #tpu.memory_space<vmem>>) semaphore(%run_scoped3A_32 : memref<!tpu.dma_semaphore, #tpu.memory_space<semaphore_mem>>) {add = true}
        %dma_wait3A = arith.constant 384 : i32
        %dma_wait3A_41 = arith.constant 0 : i32
        %dma_wait3A_42 = tpu.memref_slice %arg11[%dma_wait3A, %dma_wait3A_41] : memref<512x32xf32, #tpu.memory_space<vmem>> -> memref<128x32xf32, #tpu.memory_space<vmem>>
        %dma_wait3A_43 = arith.constant 0 : i32
        %dma_wait3A_44 = tpu.memref_slice %arg10[%run_scoped3A_31, %dma_wait3A_43] : memref<4x128xi32, #tpu.memory_space<vmem>> -> memref<1x128xi32, #tpu.memory_space<vmem>>
        %dma_wait3A_45 = tpu.memref_squeeze %dma_wait3A_44 : memref<1x128xi32, #tpu.memory_space<vmem>> -> memref<128xi32, #tpu.memory_space<vmem>>
        %dma_wait3A_46 = arith.constant 0 : i32
        %dma_wait3A_47 = arith.constant 0 : i32
        %dma_wait3A_48 = tpu.memref_slice %arg8[%dma_wait3A_46, %dma_wait3A_47] : memref<50048x32xf32, #tpu.memory_space<vmem_shared>> -> memref<50048x32xf32, #tpu.memory_space<vmem_shared>>
        tpu.wait_indirect_dma semaphore(%run_scoped3A_32 : memref<!tpu.dma_semaphore, #tpu.memory_space<semaphore_mem>>) src(%dma_wait3A_42 : memref<128x32xf32, #tpu.memory_space<vmem>>) dst(%dma_wait3A_48 : memref<50048x32xf32, #tpu.memory_space<vmem_shared>>)
        tpu.yield
      }) : () -> ()
    }
    %scan3A_4 = arith.constant 98 : i32
    %barrier3A_5 = arith.constant 0 : index
    tpu.barrier barrier_id(%barrier3A_5)
    %mul3A_6 = arith.constant 3128 : i32
    %mul3A_7 = arith.muli %arg1, %mul3A_6 : i32
    %mul3A_8 = arith.constant 50048 : i32
    %mul3A_9 = arith.muli %arg0, %mul3A_8 : i32
    %mul3A_10 = arith.constant 3128 : i32
    %mul3A_11 = arith.muli %arg1, %mul3A_10 : i32
    %add3A = arith.addi %mul3A_9, %mul3A_11 : i32
    "tpu.region"() ({
      %run_scoped3A = tpu.sem_alloc : memref<!tpu.dma_semaphore, #tpu.memory_space<semaphore_mem>>
      %dma_start3A = arith.constant 0 : i32
      %dma_start3A_12 = tpu.memref_slice %arg7[%add3A, %dma_start3A] : memref<100096x32xf32, #tpu.memory_space<hbm>> -> memref<3128x32xf32, #tpu.memory_space<hbm>>
      %dma_start3A_13 = arith.constant 0 : i32
      %dma_start3A_14 = tpu.memref_slice %arg8[%mul3A_7, %dma_start3A_13] : memref<50048x32xf32, #tpu.memory_space<vmem_shared>> -> memref<3128x32xf32, #tpu.memory_space<vmem_shared>>
      tpu.enqueue_dma source(%dma_start3A_14 : memref<3128x32xf32, #tpu.memory_space<vmem_shared>>) target(%dma_start3A_12 : memref<3128x32xf32, #tpu.memory_space<hbm>>) target_semaphore(%run_scoped3A : memref<!tpu.dma_semaphore, #tpu.memory_space<semaphore_mem>>)
      %dma_wait3A = arith.constant 0 : i32
      %dma_wait3A_15 = tpu.memref_slice %arg7[%add3A, %dma_wait3A] : memref<100096x32xf32, #tpu.memory_space<hbm>> -> memref<3128x32xf32, #tpu.memory_space<hbm>>
      %dma_wait3A_16 = arith.constant 0 : i32
      %dma_wait3A_17 = tpu.memref_slice %arg8[%mul3A_7, %dma_wait3A_16] : memref<50048x32xf32, #tpu.memory_space<vmem_shared>> -> memref<3128x32xf32, #tpu.memory_space<vmem_shared>>
      tpu.wait_dma2 semaphore(%run_scoped3A : memref<!tpu.dma_semaphore, #tpu.memory_space<semaphore_mem>>) src(%dma_wait3A_17 : memref<3128x32xf32, #tpu.memory_space<vmem_shared>>) dst(%dma_wait3A_15 : memref<3128x32xf32, #tpu.memory_space<hbm>>)
      tpu.yield
    }) : () -> ()
    return
  }
}

#map = affine_map<(d0, d1) -> (0)>
module attributes {stable_mosaic.version = 14 : i64} {
  func.func @_segcount(%arg0: i32, %arg1: i32, %arg2: memref<802816xi32, #tpu.memory_space<hbm>>, %arg3: memref<50048xf32, #tpu.memory_space<hbm>>, %arg4: memref<1601536xf32, #tpu.memory_space<hbm>>, %arg5: memref<50048xf32, #tpu.memory_space<vmem>>, %arg6: memref<512xi32, #tpu.memory_space<vmem>>) attributes {dimension_semantics = [#tpu.dimension_semantics<core_parallel>, #tpu.dimension_semantics<subcore_parallel>], iteration_bounds = array<i64: 2, 16>, scalar_prefetch = 0 : i64, scratch_operands = 2 : i64, tpu.core_type = #tpu.core_type<sc_vector_subcore>, window_params = [{transform_indices = #map}, {transform_indices = #map}, {transform_indices = #map}]} {
    %mul3A = arith.constant 16 : i32
    %mul3A_0 = arith.muli %arg0, %mul3A : i32
    %add3A = arith.addi %mul3A_0, %arg1 : i32
    "tpu.region"() ({
      %run_scoped3A = tpu.sem_alloc : memref<!tpu.dma_semaphore, #tpu.memory_space<semaphore_mem>>
      tpu.enqueue_dma source(%arg3 : memref<50048xf32, #tpu.memory_space<hbm>>) target(%arg5 : memref<50048xf32, #tpu.memory_space<vmem>>) target_semaphore(%run_scoped3A : memref<!tpu.dma_semaphore, #tpu.memory_space<semaphore_mem>>)
      tpu.wait_dma2 semaphore(%run_scoped3A : memref<!tpu.dma_semaphore, #tpu.memory_space<semaphore_mem>>) src(%arg3 : memref<50048xf32, #tpu.memory_space<hbm>>) dst(%arg5 : memref<50048xf32, #tpu.memory_space<vmem>>)
      tpu.yield
    }) : () -> ()
    %broadcast_in_dim3A = arith.constant 1.000000e+00 : f32
    %broadcast_in_dim3A_1 = vector.broadcast %broadcast_in_dim3A : f32 to vector<16xf32>
    %scan3A = arith.constant 0 : i32
    %scan3A_2 = arith.constant 49 : i32
    %scan3A_3 = arith.addi %scan3A, %scan3A_2 : i32
    %scan3A_4 = arith.constant 1 : i32
    scf.for %scan3A_8 = %scan3A to %scan3A_3 step %scan3A_4  : i32 {
      %mul3A_9 = arith.constant 1 : i32
      %mul3A_10 = arith.muli %scan3A_8, %mul3A_9 : i32
      %add3A_11 = arith.constant 0 : i32
      %add3A_12 = arith.addi %add3A_11, %mul3A_10 : i32
      %mul3A_13 = arith.constant 25088 : i32
      %mul3A_14 = arith.muli %add3A, %mul3A_13 : i32
      %mul3A_15 = arith.constant 512 : i32
      %mul3A_16 = arith.muli %add3A_12, %mul3A_15 : i32
      %add3A_17 = arith.addi %mul3A_14, %mul3A_16 : i32
      "tpu.region"() ({
        %run_scoped3A = tpu.sem_alloc : memref<!tpu.dma_semaphore, #tpu.memory_space<semaphore_mem>>
        %dma_start3A = tpu.memref_slice %arg2[%add3A_17] : memref<802816xi32, #tpu.memory_space<hbm>> -> memref<512xi32, #tpu.memory_space<hbm>>
        %dma_start3A_81 = tpu.memref_slice %arg2[%add3A_17] : memref<802816xi32, #tpu.memory_space<hbm>> -> memref<512xi32, #tpu.memory_space<hbm>>
        tpu.enqueue_dma source(%dma_start3A_81 : memref<512xi32, #tpu.memory_space<hbm>>) target(%arg6 : memref<512xi32, #tpu.memory_space<vmem>>) target_semaphore(%run_scoped3A : memref<!tpu.dma_semaphore, #tpu.memory_space<semaphore_mem>>)
        %dma_wait3A = tpu.memref_slice %arg2[%add3A_17] : memref<802816xi32, #tpu.memory_space<hbm>> -> memref<512xi32, #tpu.memory_space<hbm>>
        %dma_wait3A_82 = tpu.memref_slice %arg2[%add3A_17] : memref<802816xi32, #tpu.memory_space<hbm>> -> memref<512xi32, #tpu.memory_space<hbm>>
        tpu.wait_dma2 semaphore(%run_scoped3A : memref<!tpu.dma_semaphore, #tpu.memory_space<semaphore_mem>>) src(%dma_wait3A_82 : memref<512xi32, #tpu.memory_space<hbm>>) dst(%arg6 : memref<512xi32, #tpu.memory_space<vmem>>)
        tpu.yield
      }) : () -> ()
      %get3A = arith.constant 0 : index
      %get3A_18 = tpu.vector_load %arg6[%get3A] {strides = array<i32>} : memref<512xi32, #tpu.memory_space<vmem>>, vector<16xi32>,
      tpu.vector_store_idx %arg5[%get3A_18], %broadcast_in_dim3A_1 {add = true} : memref<50048xf32, #tpu.memory_space<vmem>>[vector<16xi32>], vector<16xf32>,
      %get3A_19 = arith.constant 16 : index
      %get3A_20 = tpu.vector_load %arg6[%get3A_19] {strides = array<i32>} : memref<512xi32, #tpu.memory_space<vmem>>, vector<16xi32>,
      tpu.vector_store_idx %arg5[%get3A_20], %broadcast_in_dim3A_1 {add = true} : memref<50048xf32, #tpu.memory_space<vmem>>[vector<16xi32>], vector<16xf32>,
      %get3A_21 = arith.constant 32 : index
      %get3A_22 = tpu.vector_load %arg6[%get3A_21] {strides = array<i32>} : memref<512xi32, #tpu.memory_space<vmem>>, vector<16xi32>,
      tpu.vector_store_idx %arg5[%get3A_22], %broadcast_in_dim3A_1 {add = true} : memref<50048xf32, #tpu.memory_space<vmem>>[vector<16xi32>], vector<16xf32>,
      %get3A_23 = arith.constant 48 : index
      %get3A_24 = tpu.vector_load %arg6[%get3A_23] {strides = array<i32>} : memref<512xi32, #tpu.memory_space<vmem>>, vector<16xi32>,
      tpu.vector_store_idx %arg5[%get3A_24], %broadcast_in_dim3A_1 {add = true} : memref<50048xf32, #tpu.memory_space<vmem>>[vector<16xi32>], vector<16xf32>,
      %get3A_25 = arith.constant 64 : index
      %get3A_26 = tpu.vector_load %arg6[%get3A_25] {strides = array<i32>} : memref<512xi32, #tpu.memory_space<vmem>>, vector<16xi32>,
      tpu.vector_store_idx %arg5[%get3A_26], %broadcast_in_dim3A_1 {add = true} : memref<50048xf32, #tpu.memory_space<vmem>>[vector<16xi32>], vector<16xf32>,
      %get3A_27 = arith.constant 80 : index
      %get3A_28 = tpu.vector_load %arg6[%get3A_27] {strides = array<i32>} : memref<512xi32, #tpu.memory_space<vmem>>, vector<16xi32>,
      tpu.vector_store_idx %arg5[%get3A_28], %broadcast_in_dim3A_1 {add = true} : memref<50048xf32, #tpu.memory_space<vmem>>[vector<16xi32>], vector<16xf32>,
      %get3A_29 = arith.constant 96 : index
      %get3A_30 = tpu.vector_load %arg6[%get3A_29] {strides = array<i32>} : memref<512xi32, #tpu.memory_space<vmem>>, vector<16xi32>,
      tpu.vector_store_idx %arg5[%get3A_30], %broadcast_in_dim3A_1 {add = true} : memref<50048xf32, #tpu.memory_space<vmem>>[vector<16xi32>], vector<16xf32>,
      %get3A_31 = arith.constant 112 : index
      %get3A_32 = tpu.vector_load %arg6[%get3A_31] {strides = array<i32>} : memref<512xi32, #tpu.memory_space<vmem>>, vector<16xi32>,
      tpu.vector_store_idx %arg5[%get3A_32], %broadcast_in_dim3A_1 {add = true} : memref<50048xf32, #tpu.memory_space<vmem>>[vector<16xi32>], vector<16xf32>,
      %get3A_33 = arith.constant 128 : index
      %get3A_34 = tpu.vector_load %arg6[%get3A_33] {strides = array<i32>} : memref<512xi32, #tpu.memory_space<vmem>>, vector<16xi32>,
      tpu.vector_store_idx %arg5[%get3A_34], %broadcast_in_dim3A_1 {add = true} : memref<50048xf32, #tpu.memory_space<vmem>>[vector<16xi32>], vector<16xf32>,
      %get3A_35 = arith.constant 144 : index
      %get3A_36 = tpu.vector_load %arg6[%get3A_35] {strides = array<i32>} : memref<512xi32, #tpu.memory_space<vmem>>, vector<16xi32>,
      tpu.vector_store_idx %arg5[%get3A_36], %broadcast_in_dim3A_1 {add = true} : memref<50048xf32, #tpu.memory_space<vmem>>[vector<16xi32>], vector<16xf32>,
      %get3A_37 = arith.constant 160 : index
      %get3A_38 = tpu.vector_load %arg6[%get3A_37] {strides = array<i32>} : memref<512xi32, #tpu.memory_space<vmem>>, vector<16xi32>,
      tpu.vector_store_idx %arg5[%get3A_38], %broadcast_in_dim3A_1 {add = true} : memref<50048xf32, #tpu.memory_space<vmem>>[vector<16xi32>], vector<16xf32>,
      %get3A_39 = arith.constant 176 : index
      %get3A_40 = tpu.vector_load %arg6[%get3A_39] {strides = array<i32>} : memref<512xi32, #tpu.memory_space<vmem>>, vector<16xi32>,
      tpu.vector_store_idx %arg5[%get3A_40], %broadcast_in_dim3A_1 {add = true} : memref<50048xf32, #tpu.memory_space<vmem>>[vector<16xi32>], vector<16xf32>,
      %get3A_41 = arith.constant 192 : index
      %get3A_42 = tpu.vector_load %arg6[%get3A_41] {strides = array<i32>} : memref<512xi32, #tpu.memory_space<vmem>>, vector<16xi32>,
      tpu.vector_store_idx %arg5[%get3A_42], %broadcast_in_dim3A_1 {add = true} : memref<50048xf32, #tpu.memory_space<vmem>>[vector<16xi32>], vector<16xf32>,
      %get3A_43 = arith.constant 208 : index
      %get3A_44 = tpu.vector_load %arg6[%get3A_43] {strides = array<i32>} : memref<512xi32, #tpu.memory_space<vmem>>, vector<16xi32>,
      tpu.vector_store_idx %arg5[%get3A_44], %broadcast_in_dim3A_1 {add = true} : memref<50048xf32, #tpu.memory_space<vmem>>[vector<16xi32>], vector<16xf32>,
      %get3A_45 = arith.constant 224 : index
      %get3A_46 = tpu.vector_load %arg6[%get3A_45] {strides = array<i32>} : memref<512xi32, #tpu.memory_space<vmem>>, vector<16xi32>,
      tpu.vector_store_idx %arg5[%get3A_46], %broadcast_in_dim3A_1 {add = true} : memref<50048xf32, #tpu.memory_space<vmem>>[vector<16xi32>], vector<16xf32>,
      %get3A_47 = arith.constant 240 : index
      %get3A_48 = tpu.vector_load %arg6[%get3A_47] {strides = array<i32>} : memref<512xi32, #tpu.memory_space<vmem>>, vector<16xi32>,
      tpu.vector_store_idx %arg5[%get3A_48], %broadcast_in_dim3A_1 {add = true} : memref<50048xf32, #tpu.memory_space<vmem>>[vector<16xi32>], vector<16xf32>,
      %get3A_49 = arith.constant 256 : index
      %get3A_50 = tpu.vector_load %arg6[%get3A_49] {strides = array<i32>} : memref<512xi32, #tpu.memory_space<vmem>>, vector<16xi32>,
      tpu.vector_store_idx %arg5[%get3A_50], %broadcast_in_dim3A_1 {add = true} : memref<50048xf32, #tpu.memory_space<vmem>>[vector<16xi32>], vector<16xf32>,
      %get3A_51 = arith.constant 272 : index
      %get3A_52 = tpu.vector_load %arg6[%get3A_51] {strides = array<i32>} : memref<512xi32, #tpu.memory_space<vmem>>, vector<16xi32>,
      tpu.vector_store_idx %arg5[%get3A_52], %broadcast_in_dim3A_1 {add = true} : memref<50048xf32, #tpu.memory_space<vmem>>[vector<16xi32>], vector<16xf32>,
      %get3A_53 = arith.constant 288 : index
      %get3A_54 = tpu.vector_load %arg6[%get3A_53] {strides = array<i32>} : memref<512xi32, #tpu.memory_space<vmem>>, vector<16xi32>,
      tpu.vector_store_idx %arg5[%get3A_54], %broadcast_in_dim3A_1 {add = true} : memref<50048xf32, #tpu.memory_space<vmem>>[vector<16xi32>], vector<16xf32>,
      %get3A_55 = arith.constant 304 : index
      %get3A_56 = tpu.vector_load %arg6[%get3A_55] {strides = array<i32>} : memref<512xi32, #tpu.memory_space<vmem>>, vector<16xi32>,
      tpu.vector_store_idx %arg5[%get3A_56], %broadcast_in_dim3A_1 {add = true} : memref<50048xf32, #tpu.memory_space<vmem>>[vector<16xi32>], vector<16xf32>,
      %get3A_57 = arith.constant 320 : index
      %get3A_58 = tpu.vector_load %arg6[%get3A_57] {strides = array<i32>} : memref<512xi32, #tpu.memory_space<vmem>>, vector<16xi32>,
      tpu.vector_store_idx %arg5[%get3A_58], %broadcast_in_dim3A_1 {add = true} : memref<50048xf32, #tpu.memory_space<vmem>>[vector<16xi32>], vector<16xf32>,
      %get3A_59 = arith.constant 336 : index
      %get3A_60 = tpu.vector_load %arg6[%get3A_59] {strides = array<i32>} : memref<512xi32, #tpu.memory_space<vmem>>, vector<16xi32>,
      tpu.vector_store_idx %arg5[%get3A_60], %broadcast_in_dim3A_1 {add = true} : memref<50048xf32, #tpu.memory_space<vmem>>[vector<16xi32>], vector<16xf32>,
      %get3A_61 = arith.constant 352 : index
      %get3A_62 = tpu.vector_load %arg6[%get3A_61] {strides = array<i32>} : memref<512xi32, #tpu.memory_space<vmem>>, vector<16xi32>,
      tpu.vector_store_idx %arg5[%get3A_62], %broadcast_in_dim3A_1 {add = true} : memref<50048xf32, #tpu.memory_space<vmem>>[vector<16xi32>], vector<16xf32>,
      %get3A_63 = arith.constant 368 : index
      %get3A_64 = tpu.vector_load %arg6[%get3A_63] {strides = array<i32>} : memref<512xi32, #tpu.memory_space<vmem>>, vector<16xi32>,
      tpu.vector_store_idx %arg5[%get3A_64], %broadcast_in_dim3A_1 {add = true} : memref<50048xf32, #tpu.memory_space<vmem>>[vector<16xi32>], vector<16xf32>,
      %get3A_65 = arith.constant 384 : index
      %get3A_66 = tpu.vector_load %arg6[%get3A_65] {strides = array<i32>} : memref<512xi32, #tpu.memory_space<vmem>>, vector<16xi32>,
      tpu.vector_store_idx %arg5[%get3A_66], %broadcast_in_dim3A_1 {add = true} : memref<50048xf32, #tpu.memory_space<vmem>>[vector<16xi32>], vector<16xf32>,
      %get3A_67 = arith.constant 400 : index
      %get3A_68 = tpu.vector_load %arg6[%get3A_67] {strides = array<i32>} : memref<512xi32, #tpu.memory_space<vmem>>, vector<16xi32>,
      tpu.vector_store_idx %arg5[%get3A_68], %broadcast_in_dim3A_1 {add = true} : memref<50048xf32, #tpu.memory_space<vmem>>[vector<16xi32>], vector<16xf32>,
      %get3A_69 = arith.constant 416 : index
      %get3A_70 = tpu.vector_load %arg6[%get3A_69] {strides = array<i32>} : memref<512xi32, #tpu.memory_space<vmem>>, vector<16xi32>,
      tpu.vector_store_idx %arg5[%get3A_70], %broadcast_in_dim3A_1 {add = true} : memref<50048xf32, #tpu.memory_space<vmem>>[vector<16xi32>], vector<16xf32>,
      %get3A_71 = arith.constant 432 : index
      %get3A_72 = tpu.vector_load %arg6[%get3A_71] {strides = array<i32>} : memref<512xi32, #tpu.memory_space<vmem>>, vector<16xi32>,
      tpu.vector_store_idx %arg5[%get3A_72], %broadcast_in_dim3A_1 {add = true} : memref<50048xf32, #tpu.memory_space<vmem>>[vector<16xi32>], vector<16xf32>,
      %get3A_73 = arith.constant 448 : index
      %get3A_74 = tpu.vector_load %arg6[%get3A_73] {strides = array<i32>} : memref<512xi32, #tpu.memory_space<vmem>>, vector<16xi32>,
      tpu.vector_store_idx %arg5[%get3A_74], %broadcast_in_dim3A_1 {add = true} : memref<50048xf32, #tpu.memory_space<vmem>>[vector<16xi32>], vector<16xf32>,
      %get3A_75 = arith.constant 464 : index
      %get3A_76 = tpu.vector_load %arg6[%get3A_75] {strides = array<i32>} : memref<512xi32, #tpu.memory_space<vmem>>, vector<16xi32>,
      tpu.vector_store_idx %arg5[%get3A_76], %broadcast_in_dim3A_1 {add = true} : memref<50048xf32, #tpu.memory_space<vmem>>[vector<16xi32>], vector<16xf32>,
      %get3A_77 = arith.constant 480 : index
      %get3A_78 = tpu.vector_load %arg6[%get3A_77] {strides = array<i32>} : memref<512xi32, #tpu.memory_space<vmem>>, vector<16xi32>,
      tpu.vector_store_idx %arg5[%get3A_78], %broadcast_in_dim3A_1 {add = true} : memref<50048xf32, #tpu.memory_space<vmem>>[vector<16xi32>], vector<16xf32>,
      %get3A_79 = arith.constant 496 : index
      %get3A_80 = tpu.vector_load %arg6[%get3A_79] {strides = array<i32>} : memref<512xi32, #tpu.memory_space<vmem>>, vector<16xi32>,
      tpu.vector_store_idx %arg5[%get3A_80], %broadcast_in_dim3A_1 {add = true} : memref<50048xf32, #tpu.memory_space<vmem>>[vector<16xi32>], vector<16xf32>,
    }
    %scan3A_5 = arith.constant 49 : i32
    %mul3A_6 = arith.constant 50048 : i32
    %mul3A_7 = arith.muli %add3A, %mul3A_6 : i32
    "tpu.region"() ({
      %run_scoped3A = tpu.sem_alloc : memref<!tpu.dma_semaphore, #tpu.memory_space<semaphore_mem>>
      %dma_start3A = tpu.memref_slice %arg4[%mul3A_7] : memref<1601536xf32, #tpu.memory_space<hbm>> -> memref<50048xf32, #tpu.memory_space<hbm>>
      %dma_start3A_8 = tpu.memref_slice %arg4[%mul3A_7] : memref<1601536xf32, #tpu.memory_space<hbm>> -> memref<50048xf32, #tpu.memory_space<hbm>>
      tpu.enqueue_dma source(%arg5 : memref<50048xf32, #tpu.memory_space<vmem>>) target(%dma_start3A_8 : memref<50048xf32, #tpu.memory_space<hbm>>) target_semaphore(%run_scoped3A : memref<!tpu.dma_semaphore, #tpu.memory_space<semaphore_mem>>)
      %dma_wait3A = tpu.memref_slice %arg4[%mul3A_7] : memref<1601536xf32, #tpu.memory_space<hbm>> -> memref<50048xf32, #tpu.memory_space<hbm>>
      %dma_wait3A_9 = tpu.memref_slice %arg4[%mul3A_7] : memref<1601536xf32, #tpu.memory_space<hbm>> -> memref<50048xf32, #tpu.memory_space<hbm>>
      tpu.wait_dma2 semaphore(%run_scoped3A : memref<!tpu.dma_semaphore, #tpu.memory_space<semaphore_mem>>) src(%arg5 : memref<50048xf32, #tpu.memory_space<vmem>>) dst(%dma_wait3A_9 : memref<50048xf32, #tpu.memory_space<hbm>>)
      tpu.yield
    }) : () -> ()
    return
  }
}

#map = affine_map<(d0, d1) -> (0)>
module attributes {stable_mosaic.version = 14 : i64} {
  func.func @_segcount(%arg0: i32, %arg1: i32, %arg2: memref<802816xi32, #tpu.memory_space<hbm>>, %arg3: memref<50048xf32, #tpu.memory_space<hbm>>, %arg4: memref<1601536xf32, #tpu.memory_space<hbm>>, %arg5: memref<50048xf32, #tpu.memory_space<vmem>>, %arg6: memref<512xi32, #tpu.memory_space<vmem>>) attributes {dimension_semantics = [#tpu.dimension_semantics<core_parallel>, #tpu.dimension_semantics<subcore_parallel>], iteration_bounds = array<i64: 2, 16>, scalar_prefetch = 0 : i64, scratch_operands = 2 : i64, tpu.core_type = #tpu.core_type<sc_vector_subcore>, window_params = [{transform_indices = #map}, {transform_indices = #map}, {transform_indices = #map}]} {
    %mul3A = arith.constant 16 : i32
    %mul3A_0 = arith.muli %arg0, %mul3A : i32
    %add3A = arith.addi %mul3A_0, %arg1 : i32
    "tpu.region"() ({
      %run_scoped3A = tpu.sem_alloc : memref<!tpu.dma_semaphore, #tpu.memory_space<semaphore_mem>>
      tpu.enqueue_dma source(%arg3 : memref<50048xf32, #tpu.memory_space<hbm>>) target(%arg5 : memref<50048xf32, #tpu.memory_space<vmem>>) target_semaphore(%run_scoped3A : memref<!tpu.dma_semaphore, #tpu.memory_space<semaphore_mem>>)
      tpu.wait_dma2 semaphore(%run_scoped3A : memref<!tpu.dma_semaphore, #tpu.memory_space<semaphore_mem>>) src(%arg3 : memref<50048xf32, #tpu.memory_space<hbm>>) dst(%arg5 : memref<50048xf32, #tpu.memory_space<vmem>>)
      tpu.yield
    }) : () -> ()
    %broadcast_in_dim3A = arith.constant 1.000000e+00 : f32
    %broadcast_in_dim3A_1 = vector.broadcast %broadcast_in_dim3A : f32 to vector<16xf32>
    %scan3A = arith.constant 0 : i32
    %scan3A_2 = arith.constant 49 : i32
    %scan3A_3 = arith.addi %scan3A, %scan3A_2 : i32
    %scan3A_4 = arith.constant 1 : i32
    scf.for %scan3A_8 = %scan3A to %scan3A_3 step %scan3A_4  : i32 {
      %mul3A_9 = arith.constant 1 : i32
      %mul3A_10 = arith.muli %scan3A_8, %mul3A_9 : i32
      %add3A_11 = arith.constant 0 : i32
      %add3A_12 = arith.addi %add3A_11, %mul3A_10 : i32
      %mul3A_13 = arith.constant 25088 : i32
      %mul3A_14 = arith.muli %add3A, %mul3A_13 : i32
      %mul3A_15 = arith.constant 512 : i32
      %mul3A_16 = arith.muli %add3A_12, %mul3A_15 : i32
      %add3A_17 = arith.addi %mul3A_14, %mul3A_16 : i32
      "tpu.region"() ({
        %run_scoped3A = tpu.sem_alloc : memref<!tpu.dma_semaphore, #tpu.memory_space<semaphore_mem>>
        %dma_start3A = tpu.memref_slice %arg2[%add3A_17] : memref<802816xi32, #tpu.memory_space<hbm>> -> memref<512xi32, #tpu.memory_space<hbm>>
        %dma_start3A_81 = tpu.memref_slice %arg2[%add3A_17] : memref<802816xi32, #tpu.memory_space<hbm>> -> memref<512xi32, #tpu.memory_space<hbm>>
        tpu.enqueue_dma source(%dma_start3A_81 : memref<512xi32, #tpu.memory_space<hbm>>) target(%arg6 : memref<512xi32, #tpu.memory_space<vmem>>) target_semaphore(%run_scoped3A : memref<!tpu.dma_semaphore, #tpu.memory_space<semaphore_mem>>)
        %dma_wait3A = tpu.memref_slice %arg2[%add3A_17] : memref<802816xi32, #tpu.memory_space<hbm>> -> memref<512xi32, #tpu.memory_space<hbm>>
        %dma_wait3A_82 = tpu.memref_slice %arg2[%add3A_17] : memref<802816xi32, #tpu.memory_space<hbm>> -> memref<512xi32, #tpu.memory_space<hbm>>
        tpu.wait_dma2 semaphore(%run_scoped3A : memref<!tpu.dma_semaphore, #tpu.memory_space<semaphore_mem>>) src(%dma_wait3A_82 : memref<512xi32, #tpu.memory_space<hbm>>) dst(%arg6 : memref<512xi32, #tpu.memory_space<vmem>>)
        tpu.yield
      }) : () -> ()
      %get3A = arith.constant 0 : index
      %get3A_18 = tpu.vector_load %arg6[%get3A] {strides = array<i32>} : memref<512xi32, #tpu.memory_space<vmem>>, vector<16xi32>,
      tpu.vector_store_idx %arg5[%get3A_18], %broadcast_in_dim3A_1 {add = true} : memref<50048xf32, #tpu.memory_space<vmem>>[vector<16xi32>], vector<16xf32>,
      %get3A_19 = arith.constant 16 : index
      %get3A_20 = tpu.vector_load %arg6[%get3A_19] {strides = array<i32>} : memref<512xi32, #tpu.memory_space<vmem>>, vector<16xi32>,
      tpu.vector_store_idx %arg5[%get3A_20], %broadcast_in_dim3A_1 {add = true} : memref<50048xf32, #tpu.memory_space<vmem>>[vector<16xi32>], vector<16xf32>,
      %get3A_21 = arith.constant 32 : index
      %get3A_22 = tpu.vector_load %arg6[%get3A_21] {strides = array<i32>} : memref<512xi32, #tpu.memory_space<vmem>>, vector<16xi32>,
      tpu.vector_store_idx %arg5[%get3A_22], %broadcast_in_dim3A_1 {add = true} : memref<50048xf32, #tpu.memory_space<vmem>>[vector<16xi32>], vector<16xf32>,
      %get3A_23 = arith.constant 48 : index
      %get3A_24 = tpu.vector_load %arg6[%get3A_23] {strides = array<i32>} : memref<512xi32, #tpu.memory_space<vmem>>, vector<16xi32>,
      tpu.vector_store_idx %arg5[%get3A_24], %broadcast_in_dim3A_1 {add = true} : memref<50048xf32, #tpu.memory_space<vmem>>[vector<16xi32>], vector<16xf32>,
      %get3A_25 = arith.constant 64 : index
      %get3A_26 = tpu.vector_load %arg6[%get3A_25] {strides = array<i32>} : memref<512xi32, #tpu.memory_space<vmem>>, vector<16xi32>,
      tpu.vector_store_idx %arg5[%get3A_26], %broadcast_in_dim3A_1 {add = true} : memref<50048xf32, #tpu.memory_space<vmem>>[vector<16xi32>], vector<16xf32>,
      %get3A_27 = arith.constant 80 : index
      %get3A_28 = tpu.vector_load %arg6[%get3A_27] {strides = array<i32>} : memref<512xi32, #tpu.memory_space<vmem>>, vector<16xi32>,
      tpu.vector_store_idx %arg5[%get3A_28], %broadcast_in_dim3A_1 {add = true} : memref<50048xf32, #tpu.memory_space<vmem>>[vector<16xi32>], vector<16xf32>,
      %get3A_29 = arith.constant 96 : index
      %get3A_30 = tpu.vector_load %arg6[%get3A_29] {strides = array<i32>} : memref<512xi32, #tpu.memory_space<vmem>>, vector<16xi32>,
      tpu.vector_store_idx %arg5[%get3A_30], %broadcast_in_dim3A_1 {add = true} : memref<50048xf32, #tpu.memory_space<vmem>>[vector<16xi32>], vector<16xf32>,
      %get3A_31 = arith.constant 112 : index
      %get3A_32 = tpu.vector_load %arg6[%get3A_31] {strides = array<i32>} : memref<512xi32, #tpu.memory_space<vmem>>, vector<16xi32>,
      tpu.vector_store_idx %arg5[%get3A_32], %broadcast_in_dim3A_1 {add = true} : memref<50048xf32, #tpu.memory_space<vmem>>[vector<16xi32>], vector<16xf32>,
      %get3A_33 = arith.constant 128 : index
      %get3A_34 = tpu.vector_load %arg6[%get3A_33] {strides = array<i32>} : memref<512xi32, #tpu.memory_space<vmem>>, vector<16xi32>,
      tpu.vector_store_idx %arg5[%get3A_34], %broadcast_in_dim3A_1 {add = true} : memref<50048xf32, #tpu.memory_space<vmem>>[vector<16xi32>], vector<16xf32>,
      %get3A_35 = arith.constant 144 : index
      %get3A_36 = tpu.vector_load %arg6[%get3A_35] {strides = array<i32>} : memref<512xi32, #tpu.memory_space<vmem>>, vector<16xi32>,
      tpu.vector_store_idx %arg5[%get3A_36], %broadcast_in_dim3A_1 {add = true} : memref<50048xf32, #tpu.memory_space<vmem>>[vector<16xi32>], vector<16xf32>,
      %get3A_37 = arith.constant 160 : index
      %get3A_38 = tpu.vector_load %arg6[%get3A_37] {strides = array<i32>} : memref<512xi32, #tpu.memory_space<vmem>>, vector<16xi32>,
      tpu.vector_store_idx %arg5[%get3A_38], %broadcast_in_dim3A_1 {add = true} : memref<50048xf32, #tpu.memory_space<vmem>>[vector<16xi32>], vector<16xf32>,
      %get3A_39 = arith.constant 176 : index
      %get3A_40 = tpu.vector_load %arg6[%get3A_39] {strides = array<i32>} : memref<512xi32, #tpu.memory_space<vmem>>, vector<16xi32>,
      tpu.vector_store_idx %arg5[%get3A_40], %broadcast_in_dim3A_1 {add = true} : memref<50048xf32, #tpu.memory_space<vmem>>[vector<16xi32>], vector<16xf32>,
      %get3A_41 = arith.constant 192 : index
      %get3A_42 = tpu.vector_load %arg6[%get3A_41] {strides = array<i32>} : memref<512xi32, #tpu.memory_space<vmem>>, vector<16xi32>,
      tpu.vector_store_idx %arg5[%get3A_42], %broadcast_in_dim3A_1 {add = true} : memref<50048xf32, #tpu.memory_space<vmem>>[vector<16xi32>], vector<16xf32>,
      %get3A_43 = arith.constant 208 : index
      %get3A_44 = tpu.vector_load %arg6[%get3A_43] {strides = array<i32>} : memref<512xi32, #tpu.memory_space<vmem>>, vector<16xi32>,
      tpu.vector_store_idx %arg5[%get3A_44], %broadcast_in_dim3A_1 {add = true} : memref<50048xf32, #tpu.memory_space<vmem>>[vector<16xi32>], vector<16xf32>,
      %get3A_45 = arith.constant 224 : index
      %get3A_46 = tpu.vector_load %arg6[%get3A_45] {strides = array<i32>} : memref<512xi32, #tpu.memory_space<vmem>>, vector<16xi32>,
      tpu.vector_store_idx %arg5[%get3A_46], %broadcast_in_dim3A_1 {add = true} : memref<50048xf32, #tpu.memory_space<vmem>>[vector<16xi32>], vector<16xf32>,
      %get3A_47 = arith.constant 240 : index
      %get3A_48 = tpu.vector_load %arg6[%get3A_47] {strides = array<i32>} : memref<512xi32, #tpu.memory_space<vmem>>, vector<16xi32>,
      tpu.vector_store_idx %arg5[%get3A_48], %broadcast_in_dim3A_1 {add = true} : memref<50048xf32, #tpu.memory_space<vmem>>[vector<16xi32>], vector<16xf32>,
      %get3A_49 = arith.constant 256 : index
      %get3A_50 = tpu.vector_load %arg6[%get3A_49] {strides = array<i32>} : memref<512xi32, #tpu.memory_space<vmem>>, vector<16xi32>,
      tpu.vector_store_idx %arg5[%get3A_50], %broadcast_in_dim3A_1 {add = true} : memref<50048xf32, #tpu.memory_space<vmem>>[vector<16xi32>], vector<16xf32>,
      %get3A_51 = arith.constant 272 : index
      %get3A_52 = tpu.vector_load %arg6[%get3A_51] {strides = array<i32>} : memref<512xi32, #tpu.memory_space<vmem>>, vector<16xi32>,
      tpu.vector_store_idx %arg5[%get3A_52], %broadcast_in_dim3A_1 {add = true} : memref<50048xf32, #tpu.memory_space<vmem>>[vector<16xi32>], vector<16xf32>,
      %get3A_53 = arith.constant 288 : index
      %get3A_54 = tpu.vector_load %arg6[%get3A_53] {strides = array<i32>} : memref<512xi32, #tpu.memory_space<vmem>>, vector<16xi32>,
      tpu.vector_store_idx %arg5[%get3A_54], %broadcast_in_dim3A_1 {add = true} : memref<50048xf32, #tpu.memory_space<vmem>>[vector<16xi32>], vector<16xf32>,
      %get3A_55 = arith.constant 304 : index
      %get3A_56 = tpu.vector_load %arg6[%get3A_55] {strides = array<i32>} : memref<512xi32, #tpu.memory_space<vmem>>, vector<16xi32>,
      tpu.vector_store_idx %arg5[%get3A_56], %broadcast_in_dim3A_1 {add = true} : memref<50048xf32, #tpu.memory_space<vmem>>[vector<16xi32>], vector<16xf32>,
      %get3A_57 = arith.constant 320 : index
      %get3A_58 = tpu.vector_load %arg6[%get3A_57] {strides = array<i32>} : memref<512xi32, #tpu.memory_space<vmem>>, vector<16xi32>,
      tpu.vector_store_idx %arg5[%get3A_58], %broadcast_in_dim3A_1 {add = true} : memref<50048xf32, #tpu.memory_space<vmem>>[vector<16xi32>], vector<16xf32>,
      %get3A_59 = arith.constant 336 : index
      %get3A_60 = tpu.vector_load %arg6[%get3A_59] {strides = array<i32>} : memref<512xi32, #tpu.memory_space<vmem>>, vector<16xi32>,
      tpu.vector_store_idx %arg5[%get3A_60], %broadcast_in_dim3A_1 {add = true} : memref<50048xf32, #tpu.memory_space<vmem>>[vector<16xi32>], vector<16xf32>,
      %get3A_61 = arith.constant 352 : index
      %get3A_62 = tpu.vector_load %arg6[%get3A_61] {strides = array<i32>} : memref<512xi32, #tpu.memory_space<vmem>>, vector<16xi32>,
      tpu.vector_store_idx %arg5[%get3A_62], %broadcast_in_dim3A_1 {add = true} : memref<50048xf32, #tpu.memory_space<vmem>>[vector<16xi32>], vector<16xf32>,
      %get3A_63 = arith.constant 368 : index
      %get3A_64 = tpu.vector_load %arg6[%get3A_63] {strides = array<i32>} : memref<512xi32, #tpu.memory_space<vmem>>, vector<16xi32>,
      tpu.vector_store_idx %arg5[%get3A_64], %broadcast_in_dim3A_1 {add = true} : memref<50048xf32, #tpu.memory_space<vmem>>[vector<16xi32>], vector<16xf32>,
      %get3A_65 = arith.constant 384 : index
      %get3A_66 = tpu.vector_load %arg6[%get3A_65] {strides = array<i32>} : memref<512xi32, #tpu.memory_space<vmem>>, vector<16xi32>,
      tpu.vector_store_idx %arg5[%get3A_66], %broadcast_in_dim3A_1 {add = true} : memref<50048xf32, #tpu.memory_space<vmem>>[vector<16xi32>], vector<16xf32>,
      %get3A_67 = arith.constant 400 : index
      %get3A_68 = tpu.vector_load %arg6[%get3A_67] {strides = array<i32>} : memref<512xi32, #tpu.memory_space<vmem>>, vector<16xi32>,
      tpu.vector_store_idx %arg5[%get3A_68], %broadcast_in_dim3A_1 {add = true} : memref<50048xf32, #tpu.memory_space<vmem>>[vector<16xi32>], vector<16xf32>,
      %get3A_69 = arith.constant 416 : index
      %get3A_70 = tpu.vector_load %arg6[%get3A_69] {strides = array<i32>} : memref<512xi32, #tpu.memory_space<vmem>>, vector<16xi32>,
      tpu.vector_store_idx %arg5[%get3A_70], %broadcast_in_dim3A_1 {add = true} : memref<50048xf32, #tpu.memory_space<vmem>>[vector<16xi32>], vector<16xf32>,
      %get3A_71 = arith.constant 432 : index
      %get3A_72 = tpu.vector_load %arg6[%get3A_71] {strides = array<i32>} : memref<512xi32, #tpu.memory_space<vmem>>, vector<16xi32>,
      tpu.vector_store_idx %arg5[%get3A_72], %broadcast_in_dim3A_1 {add = true} : memref<50048xf32, #tpu.memory_space<vmem>>[vector<16xi32>], vector<16xf32>,
      %get3A_73 = arith.constant 448 : index
      %get3A_74 = tpu.vector_load %arg6[%get3A_73] {strides = array<i32>} : memref<512xi32, #tpu.memory_space<vmem>>, vector<16xi32>,
      tpu.vector_store_idx %arg5[%get3A_74], %broadcast_in_dim3A_1 {add = true} : memref<50048xf32, #tpu.memory_space<vmem>>[vector<16xi32>], vector<16xf32>,
      %get3A_75 = arith.constant 464 : index
      %get3A_76 = tpu.vector_load %arg6[%get3A_75] {strides = array<i32>} : memref<512xi32, #tpu.memory_space<vmem>>, vector<16xi32>,
      tpu.vector_store_idx %arg5[%get3A_76], %broadcast_in_dim3A_1 {add = true} : memref<50048xf32, #tpu.memory_space<vmem>>[vector<16xi32>], vector<16xf32>,
      %get3A_77 = arith.constant 480 : index
      %get3A_78 = tpu.vector_load %arg6[%get3A_77] {strides = array<i32>} : memref<512xi32, #tpu.memory_space<vmem>>, vector<16xi32>,
      tpu.vector_store_idx %arg5[%get3A_78], %broadcast_in_dim3A_1 {add = true} : memref<50048xf32, #tpu.memory_space<vmem>>[vector<16xi32>], vector<16xf32>,
      %get3A_79 = arith.constant 496 : index
      %get3A_80 = tpu.vector_load %arg6[%get3A_79] {strides = array<i32>} : memref<512xi32, #tpu.memory_space<vmem>>, vector<16xi32>,
      tpu.vector_store_idx %arg5[%get3A_80], %broadcast_in_dim3A_1 {add = true} : memref<50048xf32, #tpu.memory_space<vmem>>[vector<16xi32>], vector<16xf32>,
    }
    %scan3A_5 = arith.constant 49 : i32
    %mul3A_6 = arith.constant 50048 : i32
    %mul3A_7 = arith.muli %add3A, %mul3A_6 : i32
    "tpu.region"() ({
      %run_scoped3A = tpu.sem_alloc : memref<!tpu.dma_semaphore, #tpu.memory_space<semaphore_mem>>
      %dma_start3A = tpu.memref_slice %arg4[%mul3A_7] : memref<1601536xf32, #tpu.memory_space<hbm>> -> memref<50048xf32, #tpu.memory_space<hbm>>
      %dma_start3A_8 = tpu.memref_slice %arg4[%mul3A_7] : memref<1601536xf32, #tpu.memory_space<hbm>> -> memref<50048xf32, #tpu.memory_space<hbm>>
      tpu.enqueue_dma source(%arg5 : memref<50048xf32, #tpu.memory_space<vmem>>) target(%dma_start3A_8 : memref<50048xf32, #tpu.memory_space<hbm>>) target_semaphore(%run_scoped3A : memref<!tpu.dma_semaphore, #tpu.memory_space<semaphore_mem>>)
      %dma_wait3A = tpu.memref_slice %arg4[%mul3A_7] : memref<1601536xf32, #tpu.memory_space<hbm>> -> memref<50048xf32, #tpu.memory_space<hbm>>
      %dma_wait3A_9 = tpu.memref_slice %arg4[%mul3A_7] : memref<1601536xf32, #tpu.memory_space<hbm>> -> memref<50048xf32, #tpu.memory_space<hbm>>
      tpu.wait_dma2 semaphore(%run_scoped3A : memref<!tpu.dma_semaphore, #tpu.memory_space<semaphore_mem>>) src(%arg5 : memref<50048xf32, #tpu.memory_space<vmem>>) dst(%dma_wait3A_9 : memref<50048xf32, #tpu.memory_space<hbm>>)
      tpu.yield
    }) : () -> ()
    return
  }
}

#map = affine_map<(d0, d1) -> (0, 0)>
module attributes {stable_mosaic.version = 14 : i64} {
  func.func @_segsum(%arg0: i32, %arg1: i32, %arg2: memref<50000x32xf32, #tpu.memory_space<hbm>>, %arg3: memref<50000x32xf32, #tpu.memory_space<hbm>>, %arg4: memref<6272x128xi32, #tpu.memory_space<hbm>>, %arg5: memref<6272x128xi32, #tpu.memory_space<hbm>>, %arg6: memref<3128x32xf32, #tpu.memory_space<hbm>>, %arg7: memref<100096x32xf32, #tpu.memory_space<hbm>>, %arg8: memref<50048x32xf32, #tpu.memory_space<vmem_shared>>, %arg9: memref<4x128xi32, #tpu.memory_space<vmem>>, %arg10: memref<4x128xi32, #tpu.memory_space<vmem>>, %arg11: memref<512x32xf32, #tpu.memory_space<vmem>>, %arg12: memref<!tpu.dma_semaphore, #tpu.memory_space<semaphore_mem>>) attributes {dimension_semantics = [#tpu.dimension_semantics<core_parallel>, #tpu.dimension_semantics<subcore_parallel>], iteration_bounds = array<i64: 2, 16>, scalar_prefetch = 0 : i64, scratch_operands = 5 : i64, tpu.core_type = #tpu.core_type<sc_vector_subcore>, window_params = [{transform_indices = #map}, {transform_indices = #map}, {transform_indices = #map}, {transform_indices = #map}, {transform_indices = #map}, {transform_indices = #map}]} {
    %mul3A = arith.constant 3128 : i32
    %mul3A_0 = arith.muli %arg1, %mul3A : i32
    "tpu.region"() ({
      %run_scoped3A = tpu.sem_alloc : memref<!tpu.dma_semaphore, #tpu.memory_space<semaphore_mem>>
      %dma_start3A = arith.constant 0 : i32
      %dma_start3A_12 = tpu.memref_slice %arg8[%mul3A_0, %dma_start3A] : memref<50048x32xf32, #tpu.memory_space<vmem_shared>> -> memref<3128x32xf32, #tpu.memory_space<vmem_shared>>
      tpu.enqueue_dma source(%arg6 : memref<3128x32xf32, #tpu.memory_space<hbm>>) target(%dma_start3A_12 : memref<3128x32xf32, #tpu.memory_space<vmem_shared>>) target_semaphore(%run_scoped3A : memref<!tpu.dma_semaphore, #tpu.memory_space<semaphore_mem>>)
      %dma_wait3A = arith.constant 0 : i32
      %dma_wait3A_13 = tpu.memref_slice %arg8[%mul3A_0, %dma_wait3A] : memref<50048x32xf32, #tpu.memory_space<vmem_shared>> -> memref<3128x32xf32, #tpu.memory_space<vmem_shared>>
      tpu.wait_dma2 semaphore(%run_scoped3A : memref<!tpu.dma_semaphore, #tpu.memory_space<semaphore_mem>>) src(%arg6 : memref<3128x32xf32, #tpu.memory_space<hbm>>) dst(%dma_wait3A_13 : memref<3128x32xf32, #tpu.memory_space<vmem_shared>>)
      tpu.yield
    }) : () -> ()
    %barrier3A = arith.constant 0 : index
    tpu.barrier barrier_id(%barrier3A)
    %scan3A = arith.constant 0 : i32
    %scan3A_1 = arith.constant 98 : i32
    %scan3A_2 = arith.addi %scan3A, %scan3A_1 : i32
    %scan3A_3 = arith.constant 1 : i32
    scf.for %scan3A_12 = %scan3A to %scan3A_2 step %scan3A_3  : i32 {
      %mul3A_13 = arith.constant 1 : i32
      %mul3A_14 = arith.muli %scan3A_12, %mul3A_13 : i32
      %add3A_15 = arith.constant 0 : i32
      %add3A_16 = arith.addi %add3A_15, %mul3A_14 : i32
      %mul3A_17 = arith.constant 392 : i32
      %mul3A_18 = arith.muli %arg1, %mul3A_17 : i32
      %mul3A_19 = arith.constant 4 : i32
      %mul3A_20 = arith.muli %add3A_16, %mul3A_19 : i32
      %add3A_21 = arith.addi %mul3A_18, %mul3A_20 : i32
      "tpu.region"() ({
        %run_scoped3A_32 = tpu.sem_alloc : memref<!tpu.dma_semaphore, #tpu.memory_space<semaphore_mem>>
        %dma_start3A = arith.constant 0 : i32
        %dma_start3A_33 = tpu.memref_slice %arg4[%add3A_21, %dma_start3A] : memref<6272x128xi32, #tpu.memory_space<hbm>> -> memref<4x128xi32, #tpu.memory_space<hbm>>
        %dma_start3A_34 = arith.constant 0 : i32
        %dma_start3A_35 = tpu.memref_slice %arg4[%add3A_21, %dma_start3A_34] : memref<6272x128xi32, #tpu.memory_space<hbm>> -> memref<4x128xi32, #tpu.memory_space<hbm>>
        tpu.enqueue_dma source(%dma_start3A_35 : memref<4x128xi32, #tpu.memory_space<hbm>>) target(%arg9 : memref<4x128xi32, #tpu.memory_space<vmem>>) target_semaphore(%run_scoped3A_32 : memref<!tpu.dma_semaphore, #tpu.memory_space<semaphore_mem>>)
        %dma_wait3A = arith.constant 0 : i32
        %dma_wait3A_36 = tpu.memref_slice %arg4[%add3A_21, %dma_wait3A] : memref<6272x128xi32, #tpu.memory_space<hbm>> -> memref<4x128xi32, #tpu.memory_space<hbm>>
        %dma_wait3A_37 = arith.constant 0 : i32
        %dma_wait3A_38 = tpu.memref_slice %arg4[%add3A_21, %dma_wait3A_37] : memref<6272x128xi32, #tpu.memory_space<hbm>> -> memref<4x128xi32, #tpu.memory_space<hbm>>
        tpu.wait_dma2 semaphore(%run_scoped3A_32 : memref<!tpu.dma_semaphore, #tpu.memory_space<semaphore_mem>>) src(%dma_wait3A_38 : memref<4x128xi32, #tpu.memory_space<hbm>>) dst(%arg9 : memref<4x128xi32, #tpu.memory_space<vmem>>)
        tpu.yield
      }) : () -> ()
      "tpu.region"() ({
        %run_scoped3A_32 = tpu.sem_alloc : memref<!tpu.dma_semaphore, #tpu.memory_space<semaphore_mem>>
        %dma_start3A = arith.constant 0 : i32
        %dma_start3A_33 = tpu.memref_slice %arg5[%add3A_21, %dma_start3A] : memref<6272x128xi32, #tpu.memory_space<hbm>> -> memref<4x128xi32, #tpu.memory_space<hbm>>
        %dma_start3A_34 = arith.constant 0 : i32
        %dma_start3A_35 = tpu.memref_slice %arg5[%add3A_21, %dma_start3A_34] : memref<6272x128xi32, #tpu.memory_space<hbm>> -> memref<4x128xi32, #tpu.memory_space<hbm>>
        tpu.enqueue_dma source(%dma_start3A_35 : memref<4x128xi32, #tpu.memory_space<hbm>>) target(%arg10 : memref<4x128xi32, #tpu.memory_space<vmem>>) target_semaphore(%run_scoped3A_32 : memref<!tpu.dma_semaphore, #tpu.memory_space<semaphore_mem>>)
        %dma_wait3A = arith.constant 0 : i32
        %dma_wait3A_36 = tpu.memref_slice %arg5[%add3A_21, %dma_wait3A] : memref<6272x128xi32, #tpu.memory_space<hbm>> -> memref<4x128xi32, #tpu.memory_space<hbm>>
        %dma_wait3A_37 = arith.constant 0 : i32
        %dma_wait3A_38 = tpu.memref_slice %arg5[%add3A_21, %dma_wait3A_37] : memref<6272x128xi32, #tpu.memory_space<hbm>> -> memref<4x128xi32, #tpu.memory_space<hbm>>
        tpu.wait_dma2 semaphore(%run_scoped3A_32 : memref<!tpu.dma_semaphore, #tpu.memory_space<semaphore_mem>>) src(%dma_wait3A_38 : memref<4x128xi32, #tpu.memory_space<hbm>>) dst(%arg10 : memref<4x128xi32, #tpu.memory_space<vmem>>)
        tpu.yield
      }) : () -> ()
      %eq3A = arith.constant 0 : i32
      %eq3A_22 = arith.cmpi eq, %arg0, %eq3A : i32
      %convert_element_type3A = arith.extui %eq3A_22 : i1 to i32
      %cond3A = arith.constant 0 : i32
      %cond3A_23 = arith.cmpi ne, %convert_element_type3A, %cond3A : i32
      scf.if %cond3A_23 {
        %dma_start3A = arith.constant 0 : i32
        %dma_start3A_32 = arith.constant 0 : i32
        %dma_start3A_33 = arith.constant 0 : i32
        %dma_start3A_34 = tpu.memref_slice %arg11[%dma_start3A_32, %dma_start3A_33] : memref<512x32xf32, #tpu.memory_space<vmem>> -> memref<128x32xf32, #tpu.memory_space<vmem>>
        %dma_start3A_35 = arith.constant 0 : i32
        %dma_start3A_36 = tpu.memref_slice %arg9[%dma_start3A, %dma_start3A_35] : memref<4x128xi32, #tpu.memory_space<vmem>> -> memref<1x128xi32, #tpu.memory_space<vmem>>
        %dma_start3A_37 = tpu.memref_squeeze %dma_start3A_36 : memref<1x128xi32, #tpu.memory_space<vmem>> -> memref<128xi32, #tpu.memory_space<vmem>>
        %dma_start3A_38 = arith.constant 0 : i32
        %dma_start3A_39 = arith.constant 0 : i32
        %dma_start3A_40 = tpu.memref_slice %arg2[%dma_start3A_38, %dma_start3A_39] : memref<50000x32xf32, #tpu.memory_space<hbm>> -> memref<50000x32xf32, #tpu.memory_space<hbm>>
        tpu.enqueue_indirect_dma source(%dma_start3A_40 : memref<50000x32xf32, #tpu.memory_space<hbm>>) target(%dma_start3A_34 : memref<128x32xf32, #tpu.memory_space<vmem>>) offsets(%dma_start3A_37 : memref<128xi32, #tpu.memory_space<vmem>>) semaphore(%arg12 : memref<!tpu.dma_semaphore, #tpu.memory_space<semaphore_mem>>)
        %dma_start3A_41 = arith.constant 1 : i32
        %dma_start3A_42 = arith.constant 128 : i32
        %dma_start3A_43 = arith.constant 0 : i32
        %dma_start3A_44 = tpu.memref_slice %arg11[%dma_start3A_42, %dma_start3A_43] : memref<512x32xf32, #tpu.memory_space<vmem>> -> memref<128x32xf32, #tpu.memory_space<vmem>>
        %dma_start3A_45 = arith.constant 0 : i32
        %dma_start3A_46 = tpu.memref_slice %arg9[%dma_start3A_41, %dma_start3A_45] : memref<4x128xi32, #tpu.memory_space<vmem>> -> memref<1x128xi32, #tpu.memory_space<vmem>>
        %dma_start3A_47 = tpu.memref_squeeze %dma_start3A_46 : memref<1x128xi32, #tpu.memory_space<vmem>> -> memref<128xi32, #tpu.memory_space<vmem>>
        %dma_start3A_48 = arith.constant 0 : i32
        %dma_start3A_49 = arith.constant 0 : i32
        %dma_start3A_50 = tpu.memref_slice %arg2[%dma_start3A_48, %dma_start3A_49] : memref<50000x32xf32, #tpu.memory_space<hbm>> -> memref<50000x32xf32, #tpu.memory_space<hbm>>
        tpu.enqueue_indirect_dma source(%dma_start3A_50 : memref<50000x32xf32, #tpu.memory_space<hbm>>) target(%dma_start3A_44 : memref<128x32xf32, #tpu.memory_space<vmem>>) offsets(%dma_start3A_47 : memref<128xi32, #tpu.memory_space<vmem>>) semaphore(%arg12 : memref<!tpu.dma_semaphore, #tpu.memory_space<semaphore_mem>>)
        %dma_start3A_51 = arith.constant 2 : i32
        %dma_start3A_52 = arith.constant 256 : i32
        %dma_start3A_53 = arith.constant 0 : i32
        %dma_start3A_54 = tpu.memref_slice %arg11[%dma_start3A_52, %dma_start3A_53] : memref<512x32xf32, #tpu.memory_space<vmem>> -> memref<128x32xf32, #tpu.memory_space<vmem>>
        %dma_start3A_55 = arith.constant 0 : i32
        %dma_start3A_56 = tpu.memref_slice %arg9[%dma_start3A_51, %dma_start3A_55] : memref<4x128xi32, #tpu.memory_space<vmem>> -> memref<1x128xi32, #tpu.memory_space<vmem>>
        %dma_start3A_57 = tpu.memref_squeeze %dma_start3A_56 : memref<1x128xi32, #tpu.memory_space<vmem>> -> memref<128xi32, #tpu.memory_space<vmem>>
        %dma_start3A_58 = arith.constant 0 : i32
        %dma_start3A_59 = arith.constant 0 : i32
        %dma_start3A_60 = tpu.memref_slice %arg2[%dma_start3A_58, %dma_start3A_59] : memref<50000x32xf32, #tpu.memory_space<hbm>> -> memref<50000x32xf32, #tpu.memory_space<hbm>>
        tpu.enqueue_indirect_dma source(%dma_start3A_60 : memref<50000x32xf32, #tpu.memory_space<hbm>>) target(%dma_start3A_54 : memref<128x32xf32, #tpu.memory_space<vmem>>) offsets(%dma_start3A_57 : memref<128xi32, #tpu.memory_space<vmem>>) semaphore(%arg12 : memref<!tpu.dma_semaphore, #tpu.memory_space<semaphore_mem>>)
        %dma_start3A_61 = arith.constant 3 : i32
        %dma_start3A_62 = arith.constant 384 : i32
        %dma_start3A_63 = arith.constant 0 : i32
        %dma_start3A_64 = tpu.memref_slice %arg11[%dma_start3A_62, %dma_start3A_63] : memref<512x32xf32, #tpu.memory_space<vmem>> -> memref<128x32xf32, #tpu.memory_space<vmem>>
        %dma_start3A_65 = arith.constant 0 : i32
        %dma_start3A_66 = tpu.memref_slice %arg9[%dma_start3A_61, %dma_start3A_65] : memref<4x128xi32, #tpu.memory_space<vmem>> -> memref<1x128xi32, #tpu.memory_space<vmem>>
        %dma_start3A_67 = tpu.memref_squeeze %dma_start3A_66 : memref<1x128xi32, #tpu.memory_space<vmem>> -> memref<128xi32, #tpu.memory_space<vmem>>
        %dma_start3A_68 = arith.constant 0 : i32
        %dma_start3A_69 = arith.constant 0 : i32
        %dma_start3A_70 = tpu.memref_slice %arg2[%dma_start3A_68, %dma_start3A_69] : memref<50000x32xf32, #tpu.memory_space<hbm>> -> memref<50000x32xf32, #tpu.memory_space<hbm>>
        tpu.enqueue_indirect_dma source(%dma_start3A_70 : memref<50000x32xf32, #tpu.memory_space<hbm>>) target(%dma_start3A_64 : memref<128x32xf32, #tpu.memory_space<vmem>>) offsets(%dma_start3A_67 : memref<128xi32, #tpu.memory_space<vmem>>) semaphore(%arg12 : memref<!tpu.dma_semaphore, #tpu.memory_space<semaphore_mem>>)
        %dma_wait3A = arith.constant 0 : i32
        %dma_wait3A_71 = arith.constant 0 : i32
        %dma_wait3A_72 = arith.constant 0 : i32
        %dma_wait3A_73 = tpu.memref_slice %arg11[%dma_wait3A_71, %dma_wait3A_72] : memref<512x32xf32, #tpu.memory_space<vmem>> -> memref<128x32xf32, #tpu.memory_space<vmem>>
        %dma_wait3A_74 = arith.constant 0 : i32
        %dma_wait3A_75 = tpu.memref_slice %arg9[%dma_wait3A, %dma_wait3A_74] : memref<4x128xi32, #tpu.memory_space<vmem>> -> memref<1x128xi32, #tpu.memory_space<vmem>>
        %dma_wait3A_76 = tpu.memref_squeeze %dma_wait3A_75 : memref<1x128xi32, #tpu.memory_space<vmem>> -> memref<128xi32, #tpu.memory_space<vmem>>
        %dma_wait3A_77 = arith.constant 0 : i32
        %dma_wait3A_78 = arith.constant 0 : i32
        %dma_wait3A_79 = tpu.memref_slice %arg2[%dma_wait3A_77, %dma_wait3A_78] : memref<50000x32xf32, #tpu.memory_space<hbm>> -> memref<50000x32xf32, #tpu.memory_space<hbm>>
        tpu.wait_indirect_dma semaphore(%arg12 : memref<!tpu.dma_semaphore, #tpu.memory_space<semaphore_mem>>) src(%dma_wait3A_79 : memref<50000x32xf32, #tpu.memory_space<hbm>>) dst(%dma_wait3A_73 : memref<128x32xf32, #tpu.memory_space<vmem>>)
        %dma_wait3A_80 = arith.constant 1 : i32
        %dma_wait3A_81 = arith.constant 128 : i32
        %dma_wait3A_82 = arith.constant 0 : i32
        %dma_wait3A_83 = tpu.memref_slice %arg11[%dma_wait3A_81, %dma_wait3A_82] : memref<512x32xf32, #tpu.memory_space<vmem>> -> memref<128x32xf32, #tpu.memory_space<vmem>>
        %dma_wait3A_84 = arith.constant 0 : i32
        %dma_wait3A_85 = tpu.memref_slice %arg9[%dma_wait3A_80, %dma_wait3A_84] : memref<4x128xi32, #tpu.memory_space<vmem>> -> memref<1x128xi32, #tpu.memory_space<vmem>>
        %dma_wait3A_86 = tpu.memref_squeeze %dma_wait3A_85 : memref<1x128xi32, #tpu.memory_space<vmem>> -> memref<128xi32, #tpu.memory_space<vmem>>
        %dma_wait3A_87 = arith.constant 0 : i32
        %dma_wait3A_88 = arith.constant 0 : i32
        %dma_wait3A_89 = tpu.memref_slice %arg2[%dma_wait3A_87, %dma_wait3A_88] : memref<50000x32xf32, #tpu.memory_space<hbm>> -> memref<50000x32xf32, #tpu.memory_space<hbm>>
        tpu.wait_indirect_dma semaphore(%arg12 : memref<!tpu.dma_semaphore, #tpu.memory_space<semaphore_mem>>) src(%dma_wait3A_89 : memref<50000x32xf32, #tpu.memory_space<hbm>>) dst(%dma_wait3A_83 : memref<128x32xf32, #tpu.memory_space<vmem>>)
        %dma_wait3A_90 = arith.constant 2 : i32
        %dma_wait3A_91 = arith.constant 256 : i32
        %dma_wait3A_92 = arith.constant 0 : i32
        %dma_wait3A_93 = tpu.memref_slice %arg11[%dma_wait3A_91, %dma_wait3A_92] : memref<512x32xf32, #tpu.memory_space<vmem>> -> memref<128x32xf32, #tpu.memory_space<vmem>>
        %dma_wait3A_94 = arith.constant 0 : i32
        %dma_wait3A_95 = tpu.memref_slice %arg9[%dma_wait3A_90, %dma_wait3A_94] : memref<4x128xi32, #tpu.memory_space<vmem>> -> memref<1x128xi32, #tpu.memory_space<vmem>>
        %dma_wait3A_96 = tpu.memref_squeeze %dma_wait3A_95 : memref<1x128xi32, #tpu.memory_space<vmem>> -> memref<128xi32, #tpu.memory_space<vmem>>
        %dma_wait3A_97 = arith.constant 0 : i32
        %dma_wait3A_98 = arith.constant 0 : i32
        %dma_wait3A_99 = tpu.memref_slice %arg2[%dma_wait3A_97, %dma_wait3A_98] : memref<50000x32xf32, #tpu.memory_space<hbm>> -> memref<50000x32xf32, #tpu.memory_space<hbm>>
        tpu.wait_indirect_dma semaphore(%arg12 : memref<!tpu.dma_semaphore, #tpu.memory_space<semaphore_mem>>) src(%dma_wait3A_99 : memref<50000x32xf32, #tpu.memory_space<hbm>>) dst(%dma_wait3A_93 : memref<128x32xf32, #tpu.memory_space<vmem>>)
        %dma_wait3A_100 = arith.constant 3 : i32
        %dma_wait3A_101 = arith.constant 384 : i32
        %dma_wait3A_102 = arith.constant 0 : i32
        %dma_wait3A_103 = tpu.memref_slice %arg11[%dma_wait3A_101, %dma_wait3A_102] : memref<512x32xf32, #tpu.memory_space<vmem>> -> memref<128x32xf32, #tpu.memory_space<vmem>>
        %dma_wait3A_104 = arith.constant 0 : i32
        %dma_wait3A_105 = tpu.memref_slice %arg9[%dma_wait3A_100, %dma_wait3A_104] : memref<4x128xi32, #tpu.memory_space<vmem>> -> memref<1x128xi32, #tpu.memory_space<vmem>>
        %dma_wait3A_106 = tpu.memref_squeeze %dma_wait3A_105 : memref<1x128xi32, #tpu.memory_space<vmem>> -> memref<128xi32, #tpu.memory_space<vmem>>
        %dma_wait3A_107 = arith.constant 0 : i32
        %dma_wait3A_108 = arith.constant 0 : i32
        %dma_wait3A_109 = tpu.memref_slice %arg2[%dma_wait3A_107, %dma_wait3A_108] : memref<50000x32xf32, #tpu.memory_space<hbm>> -> memref<50000x32xf32, #tpu.memory_space<hbm>>
        tpu.wait_indirect_dma semaphore(%arg12 : memref<!tpu.dma_semaphore, #tpu.memory_space<semaphore_mem>>) src(%dma_wait3A_109 : memref<50000x32xf32, #tpu.memory_space<hbm>>) dst(%dma_wait3A_103 : memref<128x32xf32, #tpu.memory_space<vmem>>)
      } else {
      }
      %eq3A_24 = arith.constant 1 : i32
      %eq3A_25 = arith.cmpi eq, %arg0, %eq3A_24 : i32
      %convert_element_type3A_26 = arith.extui %eq3A_25 : i1 to i32
      %cond3A_27 = arith.constant 0 : i32
      %cond3A_28 = arith.cmpi ne, %convert_element_type3A_26, %cond3A_27 : i32
      scf.if %cond3A_28 {
        %dma_start3A = arith.constant 0 : i32
        %dma_start3A_32 = arith.constant 0 : i32
        %dma_start3A_33 = arith.constant 0 : i32
        %dma_start3A_34 = tpu.memref_slice %arg11[%dma_start3A_32, %dma_start3A_33] : memref<512x32xf32, #tpu.memory_space<vmem>> -> memref<128x32xf32, #tpu.memory_space<vmem>>
        %dma_start3A_35 = arith.constant 0 : i32
        %dma_start3A_36 = tpu.memref_slice %arg9[%dma_start3A, %dma_start3A_35] : memref<4x128xi32, #tpu.memory_space<vmem>> -> memref<1x128xi32, #tpu.memory_space<vmem>>
        %dma_start3A_37 = tpu.memref_squeeze %dma_start3A_36 : memref<1x128xi32, #tpu.memory_space<vmem>> -> memref<128xi32, #tpu.memory_space<vmem>>
        %dma_start3A_38 = arith.constant 0 : i32
        %dma_start3A_39 = arith.constant 0 : i32
        %dma_start3A_40 = tpu.memref_slice %arg3[%dma_start3A_38, %dma_start3A_39] : memref<50000x32xf32, #tpu.memory_space<hbm>> -> memref<50000x32xf32, #tpu.memory_space<hbm>>
        tpu.enqueue_indirect_dma source(%dma_start3A_40 : memref<50000x32xf32, #tpu.memory_space<hbm>>) target(%dma_start3A_34 : memref<128x32xf32, #tpu.memory_space<vmem>>) offsets(%dma_start3A_37 : memref<128xi32, #tpu.memory_space<vmem>>) semaphore(%arg12 : memref<!tpu.dma_semaphore, #tpu.memory_space<semaphore_mem>>)
        %dma_start3A_41 = arith.constant 1 : i32
        %dma_start3A_42 = arith.constant 128 : i32
        %dma_start3A_43 = arith.constant 0 : i32
        %dma_start3A_44 = tpu.memref_slice %arg11[%dma_start3A_42, %dma_start3A_43] : memref<512x32xf32, #tpu.memory_space<vmem>> -> memref<128x32xf32, #tpu.memory_space<vmem>>
        %dma_start3A_45 = arith.constant 0 : i32
        %dma_start3A_46 = tpu.memref_slice %arg9[%dma_start3A_41, %dma_start3A_45] : memref<4x128xi32, #tpu.memory_space<vmem>> -> memref<1x128xi32, #tpu.memory_space<vmem>>
        %dma_start3A_47 = tpu.memref_squeeze %dma_start3A_46 : memref<1x128xi32, #tpu.memory_space<vmem>> -> memref<128xi32, #tpu.memory_space<vmem>>
        %dma_start3A_48 = arith.constant 0 : i32
        %dma_start3A_49 = arith.constant 0 : i32
        %dma_start3A_50 = tpu.memref_slice %arg3[%dma_start3A_48, %dma_start3A_49] : memref<50000x32xf32, #tpu.memory_space<hbm>> -> memref<50000x32xf32, #tpu.memory_space<hbm>>
        tpu.enqueue_indirect_dma source(%dma_start3A_50 : memref<50000x32xf32, #tpu.memory_space<hbm>>) target(%dma_start3A_44 : memref<128x32xf32, #tpu.memory_space<vmem>>) offsets(%dma_start3A_47 : memref<128xi32, #tpu.memory_space<vmem>>) semaphore(%arg12 : memref<!tpu.dma_semaphore, #tpu.memory_space<semaphore_mem>>)
        %dma_start3A_51 = arith.constant 2 : i32
        %dma_start3A_52 = arith.constant 256 : i32
        %dma_start3A_53 = arith.constant 0 : i32
        %dma_start3A_54 = tpu.memref_slice %arg11[%dma_start3A_52, %dma_start3A_53] : memref<512x32xf32, #tpu.memory_space<vmem>> -> memref<128x32xf32, #tpu.memory_space<vmem>>
        %dma_start3A_55 = arith.constant 0 : i32
        %dma_start3A_56 = tpu.memref_slice %arg9[%dma_start3A_51, %dma_start3A_55] : memref<4x128xi32, #tpu.memory_space<vmem>> -> memref<1x128xi32, #tpu.memory_space<vmem>>
        %dma_start3A_57 = tpu.memref_squeeze %dma_start3A_56 : memref<1x128xi32, #tpu.memory_space<vmem>> -> memref<128xi32, #tpu.memory_space<vmem>>
        %dma_start3A_58 = arith.constant 0 : i32
        %dma_start3A_59 = arith.constant 0 : i32
        %dma_start3A_60 = tpu.memref_slice %arg3[%dma_start3A_58, %dma_start3A_59] : memref<50000x32xf32, #tpu.memory_space<hbm>> -> memref<50000x32xf32, #tpu.memory_space<hbm>>
        tpu.enqueue_indirect_dma source(%dma_start3A_60 : memref<50000x32xf32, #tpu.memory_space<hbm>>) target(%dma_start3A_54 : memref<128x32xf32, #tpu.memory_space<vmem>>) offsets(%dma_start3A_57 : memref<128xi32, #tpu.memory_space<vmem>>) semaphore(%arg12 : memref<!tpu.dma_semaphore, #tpu.memory_space<semaphore_mem>>)
        %dma_start3A_61 = arith.constant 3 : i32
        %dma_start3A_62 = arith.constant 384 : i32
        %dma_start3A_63 = arith.constant 0 : i32
        %dma_start3A_64 = tpu.memref_slice %arg11[%dma_start3A_62, %dma_start3A_63] : memref<512x32xf32, #tpu.memory_space<vmem>> -> memref<128x32xf32, #tpu.memory_space<vmem>>
        %dma_start3A_65 = arith.constant 0 : i32
        %dma_start3A_66 = tpu.memref_slice %arg9[%dma_start3A_61, %dma_start3A_65] : memref<4x128xi32, #tpu.memory_space<vmem>> -> memref<1x128xi32, #tpu.memory_space<vmem>>
        %dma_start3A_67 = tpu.memref_squeeze %dma_start3A_66 : memref<1x128xi32, #tpu.memory_space<vmem>> -> memref<128xi32, #tpu.memory_space<vmem>>
        %dma_start3A_68 = arith.constant 0 : i32
        %dma_start3A_69 = arith.constant 0 : i32
        %dma_start3A_70 = tpu.memref_slice %arg3[%dma_start3A_68, %dma_start3A_69] : memref<50000x32xf32, #tpu.memory_space<hbm>> -> memref<50000x32xf32, #tpu.memory_space<hbm>>
        tpu.enqueue_indirect_dma source(%dma_start3A_70 : memref<50000x32xf32, #tpu.memory_space<hbm>>) target(%dma_start3A_64 : memref<128x32xf32, #tpu.memory_space<vmem>>) offsets(%dma_start3A_67 : memref<128xi32, #tpu.memory_space<vmem>>) semaphore(%arg12 : memref<!tpu.dma_semaphore, #tpu.memory_space<semaphore_mem>>)
        %dma_wait3A = arith.constant 0 : i32
        %dma_wait3A_71 = arith.constant 0 : i32
        %dma_wait3A_72 = arith.constant 0 : i32
        %dma_wait3A_73 = tpu.memref_slice %arg11[%dma_wait3A_71, %dma_wait3A_72] : memref<512x32xf32, #tpu.memory_space<vmem>> -> memref<128x32xf32, #tpu.memory_space<vmem>>
        %dma_wait3A_74 = arith.constant 0 : i32
        %dma_wait3A_75 = tpu.memref_slice %arg9[%dma_wait3A, %dma_wait3A_74] : memref<4x128xi32, #tpu.memory_space<vmem>> -> memref<1x128xi32, #tpu.memory_space<vmem>>
        %dma_wait3A_76 = tpu.memref_squeeze %dma_wait3A_75 : memref<1x128xi32, #tpu.memory_space<vmem>> -> memref<128xi32, #tpu.memory_space<vmem>>
        %dma_wait3A_77 = arith.constant 0 : i32
        %dma_wait3A_78 = arith.constant 0 : i32
        %dma_wait3A_79 = tpu.memref_slice %arg3[%dma_wait3A_77, %dma_wait3A_78] : memref<50000x32xf32, #tpu.memory_space<hbm>> -> memref<50000x32xf32, #tpu.memory_space<hbm>>
        tpu.wait_indirect_dma semaphore(%arg12 : memref<!tpu.dma_semaphore, #tpu.memory_space<semaphore_mem>>) src(%dma_wait3A_79 : memref<50000x32xf32, #tpu.memory_space<hbm>>) dst(%dma_wait3A_73 : memref<128x32xf32, #tpu.memory_space<vmem>>)
        %dma_wait3A_80 = arith.constant 1 : i32
        %dma_wait3A_81 = arith.constant 128 : i32
        %dma_wait3A_82 = arith.constant 0 : i32
        %dma_wait3A_83 = tpu.memref_slice %arg11[%dma_wait3A_81, %dma_wait3A_82] : memref<512x32xf32, #tpu.memory_space<vmem>> -> memref<128x32xf32, #tpu.memory_space<vmem>>
        %dma_wait3A_84 = arith.constant 0 : i32
        %dma_wait3A_85 = tpu.memref_slice %arg9[%dma_wait3A_80, %dma_wait3A_84] : memref<4x128xi32, #tpu.memory_space<vmem>> -> memref<1x128xi32, #tpu.memory_space<vmem>>
        %dma_wait3A_86 = tpu.memref_squeeze %dma_wait3A_85 : memref<1x128xi32, #tpu.memory_space<vmem>> -> memref<128xi32, #tpu.memory_space<vmem>>
        %dma_wait3A_87 = arith.constant 0 : i32
        %dma_wait3A_88 = arith.constant 0 : i32
        %dma_wait3A_89 = tpu.memref_slice %arg3[%dma_wait3A_87, %dma_wait3A_88] : memref<50000x32xf32, #tpu.memory_space<hbm>> -> memref<50000x32xf32, #tpu.memory_space<hbm>>
        tpu.wait_indirect_dma semaphore(%arg12 : memref<!tpu.dma_semaphore, #tpu.memory_space<semaphore_mem>>) src(%dma_wait3A_89 : memref<50000x32xf32, #tpu.memory_space<hbm>>) dst(%dma_wait3A_83 : memref<128x32xf32, #tpu.memory_space<vmem>>)
        %dma_wait3A_90 = arith.constant 2 : i32
        %dma_wait3A_91 = arith.constant 256 : i32
        %dma_wait3A_92 = arith.constant 0 : i32
        %dma_wait3A_93 = tpu.memref_slice %arg11[%dma_wait3A_91, %dma_wait3A_92] : memref<512x32xf32, #tpu.memory_space<vmem>> -> memref<128x32xf32, #tpu.memory_space<vmem>>
        %dma_wait3A_94 = arith.constant 0 : i32
        %dma_wait3A_95 = tpu.memref_slice %arg9[%dma_wait3A_90, %dma_wait3A_94] : memref<4x128xi32, #tpu.memory_space<vmem>> -> memref<1x128xi32, #tpu.memory_space<vmem>>
        %dma_wait3A_96 = tpu.memref_squeeze %dma_wait3A_95 : memref<1x128xi32, #tpu.memory_space<vmem>> -> memref<128xi32, #tpu.memory_space<vmem>>
        %dma_wait3A_97 = arith.constant 0 : i32
        %dma_wait3A_98 = arith.constant 0 : i32
        %dma_wait3A_99 = tpu.memref_slice %arg3[%dma_wait3A_97, %dma_wait3A_98] : memref<50000x32xf32, #tpu.memory_space<hbm>> -> memref<50000x32xf32, #tpu.memory_space<hbm>>
        tpu.wait_indirect_dma semaphore(%arg12 : memref<!tpu.dma_semaphore, #tpu.memory_space<semaphore_mem>>) src(%dma_wait3A_99 : memref<50000x32xf32, #tpu.memory_space<hbm>>) dst(%dma_wait3A_93 : memref<128x32xf32, #tpu.memory_space<vmem>>)
        %dma_wait3A_100 = arith.constant 3 : i32
        %dma_wait3A_101 = arith.constant 384 : i32
        %dma_wait3A_102 = arith.constant 0 : i32
        %dma_wait3A_103 = tpu.memref_slice %arg11[%dma_wait3A_101, %dma_wait3A_102] : memref<512x32xf32, #tpu.memory_space<vmem>> -> memref<128x32xf32, #tpu.memory_space<vmem>>
        %dma_wait3A_104 = arith.constant 0 : i32
        %dma_wait3A_105 = tpu.memref_slice %arg9[%dma_wait3A_100, %dma_wait3A_104] : memref<4x128xi32, #tpu.memory_space<vmem>> -> memref<1x128xi32, #tpu.memory_space<vmem>>
        %dma_wait3A_106 = tpu.memref_squeeze %dma_wait3A_105 : memref<1x128xi32, #tpu.memory_space<vmem>> -> memref<128xi32, #tpu.memory_space<vmem>>
        %dma_wait3A_107 = arith.constant 0 : i32
        %dma_wait3A_108 = arith.constant 0 : i32
        %dma_wait3A_109 = tpu.memref_slice %arg3[%dma_wait3A_107, %dma_wait3A_108] : memref<50000x32xf32, #tpu.memory_space<hbm>> -> memref<50000x32xf32, #tpu.memory_space<hbm>>
        tpu.wait_indirect_dma semaphore(%arg12 : memref<!tpu.dma_semaphore, #tpu.memory_space<semaphore_mem>>) src(%dma_wait3A_109 : memref<50000x32xf32, #tpu.memory_space<hbm>>) dst(%dma_wait3A_103 : memref<128x32xf32, #tpu.memory_space<vmem>>)
      } else {
      }
      %run_scoped3A = arith.constant 0 : i32
      "tpu.region"() ({
        %run_scoped3A_32 = tpu.sem_alloc : memref<!tpu.dma_semaphore, #tpu.memory_space<semaphore_mem>>
        %dma_start3A = arith.constant 0 : i32
        %dma_start3A_33 = arith.constant 0 : i32
        %dma_start3A_34 = tpu.memref_slice %arg11[%dma_start3A, %dma_start3A_33] : memref<512x32xf32, #tpu.memory_space<vmem>> -> memref<128x32xf32, #tpu.memory_space<vmem>>
        %dma_start3A_35 = arith.constant 0 : i32
        %dma_start3A_36 = tpu.memref_slice %arg10[%run_scoped3A, %dma_start3A_35] : memref<4x128xi32, #tpu.memory_space<vmem>> -> memref<1x128xi32, #tpu.memory_space<vmem>>
        %dma_start3A_37 = tpu.memref_squeeze %dma_start3A_36 : memref<1x128xi32, #tpu.memory_space<vmem>> -> memref<128xi32, #tpu.memory_space<vmem>>
        %dma_start3A_38 = arith.constant 0 : i32
        %dma_start3A_39 = arith.constant 0 : i32
        %dma_start3A_40 = tpu.memref_slice %arg8[%dma_start3A_38, %dma_start3A_39] : memref<50048x32xf32, #tpu.memory_space<vmem_shared>> -> memref<50048x32xf32, #tpu.memory_space<vmem_shared>>
        tpu.enqueue_indirect_dma source(%dma_start3A_34 : memref<128x32xf32, #tpu.memory_space<vmem>>) target(%dma_start3A_40 : memref<50048x32xf32, #tpu.memory_space<vmem_shared>>) offsets(%dma_start3A_37 : memref<128xi32, #tpu.memory_space<vmem>>) semaphore(%run_scoped3A_32 : memref<!tpu.dma_semaphore, #tpu.memory_space<semaphore_mem>>) {add = true}
        %dma_wait3A = arith.constant 0 : i32
        %dma_wait3A_41 = arith.constant 0 : i32
        %dma_wait3A_42 = tpu.memref_slice %arg11[%dma_wait3A, %dma_wait3A_41] : memref<512x32xf32, #tpu.memory_space<vmem>> -> memref<128x32xf32, #tpu.memory_space<vmem>>
        %dma_wait3A_43 = arith.constant 0 : i32
        %dma_wait3A_44 = tpu.memref_slice %arg10[%run_scoped3A, %dma_wait3A_43] : memref<4x128xi32, #tpu.memory_space<vmem>> -> memref<1x128xi32, #tpu.memory_space<vmem>>
        %dma_wait3A_45 = tpu.memref_squeeze %dma_wait3A_44 : memref<1x128xi32, #tpu.memory_space<vmem>> -> memref<128xi32, #tpu.memory_space<vmem>>
        %dma_wait3A_46 = arith.constant 0 : i32
        %dma_wait3A_47 = arith.constant 0 : i32
        %dma_wait3A_48 = tpu.memref_slice %arg8[%dma_wait3A_46, %dma_wait3A_47] : memref<50048x32xf32, #tpu.memory_space<vmem_shared>> -> memref<50048x32xf32, #tpu.memory_space<vmem_shared>>
        tpu.wait_indirect_dma semaphore(%run_scoped3A_32 : memref<!tpu.dma_semaphore, #tpu.memory_space<semaphore_mem>>) src(%dma_wait3A_42 : memref<128x32xf32, #tpu.memory_space<vmem>>) dst(%dma_wait3A_48 : memref<50048x32xf32, #tpu.memory_space<vmem_shared>>)
        tpu.yield
      }) : () -> ()
      %run_scoped3A_29 = arith.constant 1 : i32
      "tpu.region"() ({
        %run_scoped3A_32 = tpu.sem_alloc : memref<!tpu.dma_semaphore, #tpu.memory_space<semaphore_mem>>
        %dma_start3A = arith.constant 128 : i32
        %dma_start3A_33 = arith.constant 0 : i32
        %dma_start3A_34 = tpu.memref_slice %arg11[%dma_start3A, %dma_start3A_33] : memref<512x32xf32, #tpu.memory_space<vmem>> -> memref<128x32xf32, #tpu.memory_space<vmem>>
        %dma_start3A_35 = arith.constant 0 : i32
        %dma_start3A_36 = tpu.memref_slice %arg10[%run_scoped3A_29, %dma_start3A_35] : memref<4x128xi32, #tpu.memory_space<vmem>> -> memref<1x128xi32, #tpu.memory_space<vmem>>
        %dma_start3A_37 = tpu.memref_squeeze %dma_start3A_36 : memref<1x128xi32, #tpu.memory_space<vmem>> -> memref<128xi32, #tpu.memory_space<vmem>>
        %dma_start3A_38 = arith.constant 0 : i32
        %dma_start3A_39 = arith.constant 0 : i32
        %dma_start3A_40 = tpu.memref_slice %arg8[%dma_start3A_38, %dma_start3A_39] : memref<50048x32xf32, #tpu.memory_space<vmem_shared>> -> memref<50048x32xf32, #tpu.memory_space<vmem_shared>>
        tpu.enqueue_indirect_dma source(%dma_start3A_34 : memref<128x32xf32, #tpu.memory_space<vmem>>) target(%dma_start3A_40 : memref<50048x32xf32, #tpu.memory_space<vmem_shared>>) offsets(%dma_start3A_37 : memref<128xi32, #tpu.memory_space<vmem>>) semaphore(%run_scoped3A_32 : memref<!tpu.dma_semaphore, #tpu.memory_space<semaphore_mem>>) {add = true}
        %dma_wait3A = arith.constant 128 : i32
        %dma_wait3A_41 = arith.constant 0 : i32
        %dma_wait3A_42 = tpu.memref_slice %arg11[%dma_wait3A, %dma_wait3A_41] : memref<512x32xf32, #tpu.memory_space<vmem>> -> memref<128x32xf32, #tpu.memory_space<vmem>>
        %dma_wait3A_43 = arith.constant 0 : i32
        %dma_wait3A_44 = tpu.memref_slice %arg10[%run_scoped3A_29, %dma_wait3A_43] : memref<4x128xi32, #tpu.memory_space<vmem>> -> memref<1x128xi32, #tpu.memory_space<vmem>>
        %dma_wait3A_45 = tpu.memref_squeeze %dma_wait3A_44 : memref<1x128xi32, #tpu.memory_space<vmem>> -> memref<128xi32, #tpu.memory_space<vmem>>
        %dma_wait3A_46 = arith.constant 0 : i32
        %dma_wait3A_47 = arith.constant 0 : i32
        %dma_wait3A_48 = tpu.memref_slice %arg8[%dma_wait3A_46, %dma_wait3A_47] : memref<50048x32xf32, #tpu.memory_space<vmem_shared>> -> memref<50048x32xf32, #tpu.memory_space<vmem_shared>>
        tpu.wait_indirect_dma semaphore(%run_scoped3A_32 : memref<!tpu.dma_semaphore, #tpu.memory_space<semaphore_mem>>) src(%dma_wait3A_42 : memref<128x32xf32, #tpu.memory_space<vmem>>) dst(%dma_wait3A_48 : memref<50048x32xf32, #tpu.memory_space<vmem_shared>>)
        tpu.yield
      }) : () -> ()
      %run_scoped3A_30 = arith.constant 2 : i32
      "tpu.region"() ({
        %run_scoped3A_32 = tpu.sem_alloc : memref<!tpu.dma_semaphore, #tpu.memory_space<semaphore_mem>>
        %dma_start3A = arith.constant 256 : i32
        %dma_start3A_33 = arith.constant 0 : i32
        %dma_start3A_34 = tpu.memref_slice %arg11[%dma_start3A, %dma_start3A_33] : memref<512x32xf32, #tpu.memory_space<vmem>> -> memref<128x32xf32, #tpu.memory_space<vmem>>
        %dma_start3A_35 = arith.constant 0 : i32
        %dma_start3A_36 = tpu.memref_slice %arg10[%run_scoped3A_30, %dma_start3A_35] : memref<4x128xi32, #tpu.memory_space<vmem>> -> memref<1x128xi32, #tpu.memory_space<vmem>>
        %dma_start3A_37 = tpu.memref_squeeze %dma_start3A_36 : memref<1x128xi32, #tpu.memory_space<vmem>> -> memref<128xi32, #tpu.memory_space<vmem>>
        %dma_start3A_38 = arith.constant 0 : i32
        %dma_start3A_39 = arith.constant 0 : i32
        %dma_start3A_40 = tpu.memref_slice %arg8[%dma_start3A_38, %dma_start3A_39] : memref<50048x32xf32, #tpu.memory_space<vmem_shared>> -> memref<50048x32xf32, #tpu.memory_space<vmem_shared>>
        tpu.enqueue_indirect_dma source(%dma_start3A_34 : memref<128x32xf32, #tpu.memory_space<vmem>>) target(%dma_start3A_40 : memref<50048x32xf32, #tpu.memory_space<vmem_shared>>) offsets(%dma_start3A_37 : memref<128xi32, #tpu.memory_space<vmem>>) semaphore(%run_scoped3A_32 : memref<!tpu.dma_semaphore, #tpu.memory_space<semaphore_mem>>) {add = true}
        %dma_wait3A = arith.constant 256 : i32
        %dma_wait3A_41 = arith.constant 0 : i32
        %dma_wait3A_42 = tpu.memref_slice %arg11[%dma_wait3A, %dma_wait3A_41] : memref<512x32xf32, #tpu.memory_space<vmem>> -> memref<128x32xf32, #tpu.memory_space<vmem>>
        %dma_wait3A_43 = arith.constant 0 : i32
        %dma_wait3A_44 = tpu.memref_slice %arg10[%run_scoped3A_30, %dma_wait3A_43] : memref<4x128xi32, #tpu.memory_space<vmem>> -> memref<1x128xi32, #tpu.memory_space<vmem>>
        %dma_wait3A_45 = tpu.memref_squeeze %dma_wait3A_44 : memref<1x128xi32, #tpu.memory_space<vmem>> -> memref<128xi32, #tpu.memory_space<vmem>>
        %dma_wait3A_46 = arith.constant 0 : i32
        %dma_wait3A_47 = arith.constant 0 : i32
        %dma_wait3A_48 = tpu.memref_slice %arg8[%dma_wait3A_46, %dma_wait3A_47] : memref<50048x32xf32, #tpu.memory_space<vmem_shared>> -> memref<50048x32xf32, #tpu.memory_space<vmem_shared>>
        tpu.wait_indirect_dma semaphore(%run_scoped3A_32 : memref<!tpu.dma_semaphore, #tpu.memory_space<semaphore_mem>>) src(%dma_wait3A_42 : memref<128x32xf32, #tpu.memory_space<vmem>>) dst(%dma_wait3A_48 : memref<50048x32xf32, #tpu.memory_space<vmem_shared>>)
        tpu.yield
      }) : () -> ()
      %run_scoped3A_31 = arith.constant 3 : i32
      "tpu.region"() ({
        %run_scoped3A_32 = tpu.sem_alloc : memref<!tpu.dma_semaphore, #tpu.memory_space<semaphore_mem>>
        %dma_start3A = arith.constant 384 : i32
        %dma_start3A_33 = arith.constant 0 : i32
        %dma_start3A_34 = tpu.memref_slice %arg11[%dma_start3A, %dma_start3A_33] : memref<512x32xf32, #tpu.memory_space<vmem>> -> memref<128x32xf32, #tpu.memory_space<vmem>>
        %dma_start3A_35 = arith.constant 0 : i32
        %dma_start3A_36 = tpu.memref_slice %arg10[%run_scoped3A_31, %dma_start3A_35] : memref<4x128xi32, #tpu.memory_space<vmem>> -> memref<1x128xi32, #tpu.memory_space<vmem>>
        %dma_start3A_37 = tpu.memref_squeeze %dma_start3A_36 : memref<1x128xi32, #tpu.memory_space<vmem>> -> memref<128xi32, #tpu.memory_space<vmem>>
        %dma_start3A_38 = arith.constant 0 : i32
        %dma_start3A_39 = arith.constant 0 : i32
        %dma_start3A_40 = tpu.memref_slice %arg8[%dma_start3A_38, %dma_start3A_39] : memref<50048x32xf32, #tpu.memory_space<vmem_shared>> -> memref<50048x32xf32, #tpu.memory_space<vmem_shared>>
        tpu.enqueue_indirect_dma source(%dma_start3A_34 : memref<128x32xf32, #tpu.memory_space<vmem>>) target(%dma_start3A_40 : memref<50048x32xf32, #tpu.memory_space<vmem_shared>>) offsets(%dma_start3A_37 : memref<128xi32, #tpu.memory_space<vmem>>) semaphore(%run_scoped3A_32 : memref<!tpu.dma_semaphore, #tpu.memory_space<semaphore_mem>>) {add = true}
        %dma_wait3A = arith.constant 384 : i32
        %dma_wait3A_41 = arith.constant 0 : i32
        %dma_wait3A_42 = tpu.memref_slice %arg11[%dma_wait3A, %dma_wait3A_41] : memref<512x32xf32, #tpu.memory_space<vmem>> -> memref<128x32xf32, #tpu.memory_space<vmem>>
        %dma_wait3A_43 = arith.constant 0 : i32
        %dma_wait3A_44 = tpu.memref_slice %arg10[%run_scoped3A_31, %dma_wait3A_43] : memref<4x128xi32, #tpu.memory_space<vmem>> -> memref<1x128xi32, #tpu.memory_space<vmem>>
        %dma_wait3A_45 = tpu.memref_squeeze %dma_wait3A_44 : memref<1x128xi32, #tpu.memory_space<vmem>> -> memref<128xi32, #tpu.memory_space<vmem>>
        %dma_wait3A_46 = arith.constant 0 : i32
        %dma_wait3A_47 = arith.constant 0 : i32
        %dma_wait3A_48 = tpu.memref_slice %arg8[%dma_wait3A_46, %dma_wait3A_47] : memref<50048x32xf32, #tpu.memory_space<vmem_shared>> -> memref<50048x32xf32, #tpu.memory_space<vmem_shared>>
        tpu.wait_indirect_dma semaphore(%run_scoped3A_32 : memref<!tpu.dma_semaphore, #tpu.memory_space<semaphore_mem>>) src(%dma_wait3A_42 : memref<128x32xf32, #tpu.memory_space<vmem>>) dst(%dma_wait3A_48 : memref<50048x32xf32, #tpu.memory_space<vmem_shared>>)
        tpu.yield
      }) : () -> ()
    }
    %scan3A_4 = arith.constant 98 : i32
    %barrier3A_5 = arith.constant 0 : index
    tpu.barrier barrier_id(%barrier3A_5)
    %mul3A_6 = arith.constant 3128 : i32
    %mul3A_7 = arith.muli %arg1, %mul3A_6 : i32
    %mul3A_8 = arith.constant 50048 : i32
    %mul3A_9 = arith.muli %arg0, %mul3A_8 : i32
    %mul3A_10 = arith.constant 3128 : i32
    %mul3A_11 = arith.muli %arg1, %mul3A_10 : i32
    %add3A = arith.addi %mul3A_9, %mul3A_11 : i32
    "tpu.region"() ({
      %run_scoped3A = tpu.sem_alloc : memref<!tpu.dma_semaphore, #tpu.memory_space<semaphore_mem>>
      %dma_start3A = arith.constant 0 : i32
      %dma_start3A_12 = tpu.memref_slice %arg7[%add3A, %dma_start3A] : memref<100096x32xf32, #tpu.memory_space<hbm>> -> memref<3128x32xf32, #tpu.memory_space<hbm>>
      %dma_start3A_13 = arith.constant 0 : i32
      %dma_start3A_14 = tpu.memref_slice %arg8[%mul3A_7, %dma_start3A_13] : memref<50048x32xf32, #tpu.memory_space<vmem_shared>> -> memref<3128x32xf32, #tpu.memory_space<vmem_shared>>
      tpu.enqueue_dma source(%dma_start3A_14 : memref<3128x32xf32, #tpu.memory_space<vmem_shared>>) target(%dma_start3A_12 : memref<3128x32xf32, #tpu.memory_space<hbm>>) target_semaphore(%run_scoped3A : memref<!tpu.dma_semaphore, #tpu.memory_space<semaphore_mem>>)
      %dma_wait3A = arith.constant 0 : i32
      %dma_wait3A_15 = tpu.memref_slice %arg7[%add3A, %dma_wait3A] : memref<100096x32xf32, #tpu.memory_space<hbm>> -> memref<3128x32xf32, #tpu.memory_space<hbm>>
      %dma_wait3A_16 = arith.constant 0 : i32
      %dma_wait3A_17 = tpu.memref_slice %arg8[%mul3A_7, %dma_wait3A_16] : memref<50048x32xf32, #tpu.memory_space<vmem_shared>> -> memref<3128x32xf32, #tpu.memory_space<vmem_shared>>
      tpu.wait_dma2 semaphore(%run_scoped3A : memref<!tpu.dma_semaphore, #tpu.memory_space<semaphore_mem>>) src(%dma_wait3A_17 : memref<3128x32xf32, #tpu.memory_space<vmem_shared>>) dst(%dma_wait3A_15 : memref<3128x32xf32, #tpu.memory_space<hbm>>)
      tpu.yield
    }) : () -> ()
    return
  }
}

#map = affine_map<(d0, d1) -> (0, 0)>
module attributes {stable_mosaic.version = 14 : i64} {
  func.func @_segsum(%arg0: i32, %arg1: i32, %arg2: memref<50000x32xf32, #tpu.memory_space<hbm>>, %arg3: memref<50000x32xf32, #tpu.memory_space<hbm>>, %arg4: memref<6272x128xi32, #tpu.memory_space<hbm>>, %arg5: memref<6272x128xi32, #tpu.memory_space<hbm>>, %arg6: memref<3128x32xf32, #tpu.memory_space<hbm>>, %arg7: memref<100096x32xf32, #tpu.memory_space<hbm>>, %arg8: memref<50048x32xf32, #tpu.memory_space<vmem_shared>>, %arg9: memref<4x128xi32, #tpu.memory_space<vmem>>, %arg10: memref<4x128xi32, #tpu.memory_space<vmem>>, %arg11: memref<512x32xf32, #tpu.memory_space<vmem>>, %arg12: memref<!tpu.dma_semaphore, #tpu.memory_space<semaphore_mem>>) attributes {dimension_semantics = [#tpu.dimension_semantics<core_parallel>, #tpu.dimension_semantics<subcore_parallel>], iteration_bounds = array<i64: 2, 16>, scalar_prefetch = 0 : i64, scratch_operands = 5 : i64, tpu.core_type = #tpu.core_type<sc_vector_subcore>, window_params = [{transform_indices = #map}, {transform_indices = #map}, {transform_indices = #map}, {transform_indices = #map}, {transform_indices = #map}, {transform_indices = #map}]} {
    %mul3A = arith.constant 3128 : i32
    %mul3A_0 = arith.muli %arg1, %mul3A : i32
    "tpu.region"() ({
      %run_scoped3A = tpu.sem_alloc : memref<!tpu.dma_semaphore, #tpu.memory_space<semaphore_mem>>
      %dma_start3A = arith.constant 0 : i32
      %dma_start3A_12 = tpu.memref_slice %arg8[%mul3A_0, %dma_start3A] : memref<50048x32xf32, #tpu.memory_space<vmem_shared>> -> memref<3128x32xf32, #tpu.memory_space<vmem_shared>>
      tpu.enqueue_dma source(%arg6 : memref<3128x32xf32, #tpu.memory_space<hbm>>) target(%dma_start3A_12 : memref<3128x32xf32, #tpu.memory_space<vmem_shared>>) target_semaphore(%run_scoped3A : memref<!tpu.dma_semaphore, #tpu.memory_space<semaphore_mem>>)
      %dma_wait3A = arith.constant 0 : i32
      %dma_wait3A_13 = tpu.memref_slice %arg8[%mul3A_0, %dma_wait3A] : memref<50048x32xf32, #tpu.memory_space<vmem_shared>> -> memref<3128x32xf32, #tpu.memory_space<vmem_shared>>
      tpu.wait_dma2 semaphore(%run_scoped3A : memref<!tpu.dma_semaphore, #tpu.memory_space<semaphore_mem>>) src(%arg6 : memref<3128x32xf32, #tpu.memory_space<hbm>>) dst(%dma_wait3A_13 : memref<3128x32xf32, #tpu.memory_space<vmem_shared>>)
      tpu.yield
    }) : () -> ()
    %barrier3A = arith.constant 0 : index
    tpu.barrier barrier_id(%barrier3A)
    %scan3A = arith.constant 0 : i32
    %scan3A_1 = arith.constant 98 : i32
    %scan3A_2 = arith.addi %scan3A, %scan3A_1 : i32
    %scan3A_3 = arith.constant 1 : i32
    scf.for %scan3A_12 = %scan3A to %scan3A_2 step %scan3A_3  : i32 {
      %mul3A_13 = arith.constant 1 : i32
      %mul3A_14 = arith.muli %scan3A_12, %mul3A_13 : i32
      %add3A_15 = arith.constant 0 : i32
      %add3A_16 = arith.addi %add3A_15, %mul3A_14 : i32
      %mul3A_17 = arith.constant 392 : i32
      %mul3A_18 = arith.muli %arg1, %mul3A_17 : i32
      %mul3A_19 = arith.constant 4 : i32
      %mul3A_20 = arith.muli %add3A_16, %mul3A_19 : i32
      %add3A_21 = arith.addi %mul3A_18, %mul3A_20 : i32
      "tpu.region"() ({
        %run_scoped3A_32 = tpu.sem_alloc : memref<!tpu.dma_semaphore, #tpu.memory_space<semaphore_mem>>
        %dma_start3A = arith.constant 0 : i32
        %dma_start3A_33 = tpu.memref_slice %arg4[%add3A_21, %dma_start3A] : memref<6272x128xi32, #tpu.memory_space<hbm>> -> memref<4x128xi32, #tpu.memory_space<hbm>>
        %dma_start3A_34 = arith.constant 0 : i32
        %dma_start3A_35 = tpu.memref_slice %arg4[%add3A_21, %dma_start3A_34] : memref<6272x128xi32, #tpu.memory_space<hbm>> -> memref<4x128xi32, #tpu.memory_space<hbm>>
        tpu.enqueue_dma source(%dma_start3A_35 : memref<4x128xi32, #tpu.memory_space<hbm>>) target(%arg9 : memref<4x128xi32, #tpu.memory_space<vmem>>) target_semaphore(%run_scoped3A_32 : memref<!tpu.dma_semaphore, #tpu.memory_space<semaphore_mem>>)
        %dma_wait3A = arith.constant 0 : i32
        %dma_wait3A_36 = tpu.memref_slice %arg4[%add3A_21, %dma_wait3A] : memref<6272x128xi32, #tpu.memory_space<hbm>> -> memref<4x128xi32, #tpu.memory_space<hbm>>
        %dma_wait3A_37 = arith.constant 0 : i32
        %dma_wait3A_38 = tpu.memref_slice %arg4[%add3A_21, %dma_wait3A_37] : memref<6272x128xi32, #tpu.memory_space<hbm>> -> memref<4x128xi32, #tpu.memory_space<hbm>>
        tpu.wait_dma2 semaphore(%run_scoped3A_32 : memref<!tpu.dma_semaphore, #tpu.memory_space<semaphore_mem>>) src(%dma_wait3A_38 : memref<4x128xi32, #tpu.memory_space<hbm>>) dst(%arg9 : memref<4x128xi32, #tpu.memory_space<vmem>>)
        tpu.yield
      }) : () -> ()
      "tpu.region"() ({
        %run_scoped3A_32 = tpu.sem_alloc : memref<!tpu.dma_semaphore, #tpu.memory_space<semaphore_mem>>
        %dma_start3A = arith.constant 0 : i32
        %dma_start3A_33 = tpu.memref_slice %arg5[%add3A_21, %dma_start3A] : memref<6272x128xi32, #tpu.memory_space<hbm>> -> memref<4x128xi32, #tpu.memory_space<hbm>>
        %dma_start3A_34 = arith.constant 0 : i32
        %dma_start3A_35 = tpu.memref_slice %arg5[%add3A_21, %dma_start3A_34] : memref<6272x128xi32, #tpu.memory_space<hbm>> -> memref<4x128xi32, #tpu.memory_space<hbm>>
        tpu.enqueue_dma source(%dma_start3A_35 : memref<4x128xi32, #tpu.memory_space<hbm>>) target(%arg10 : memref<4x128xi32, #tpu.memory_space<vmem>>) target_semaphore(%run_scoped3A_32 : memref<!tpu.dma_semaphore, #tpu.memory_space<semaphore_mem>>)
        %dma_wait3A = arith.constant 0 : i32
        %dma_wait3A_36 = tpu.memref_slice %arg5[%add3A_21, %dma_wait3A] : memref<6272x128xi32, #tpu.memory_space<hbm>> -> memref<4x128xi32, #tpu.memory_space<hbm>>
        %dma_wait3A_37 = arith.constant 0 : i32
        %dma_wait3A_38 = tpu.memref_slice %arg5[%add3A_21, %dma_wait3A_37] : memref<6272x128xi32, #tpu.memory_space<hbm>> -> memref<4x128xi32, #tpu.memory_space<hbm>>
        tpu.wait_dma2 semaphore(%run_scoped3A_32 : memref<!tpu.dma_semaphore, #tpu.memory_space<semaphore_mem>>) src(%dma_wait3A_38 : memref<4x128xi32, #tpu.memory_space<hbm>>) dst(%arg10 : memref<4x128xi32, #tpu.memory_space<vmem>>)
        tpu.yield
      }) : () -> ()
      %eq3A = arith.constant 0 : i32
      %eq3A_22 = arith.cmpi eq, %arg0, %eq3A : i32
      %convert_element_type3A = arith.extui %eq3A_22 : i1 to i32
      %cond3A = arith.constant 0 : i32
      %cond3A_23 = arith.cmpi ne, %convert_element_type3A, %cond3A : i32
      scf.if %cond3A_23 {
        %dma_start3A = arith.constant 0 : i32
        %dma_start3A_32 = arith.constant 0 : i32
        %dma_start3A_33 = arith.constant 0 : i32
        %dma_start3A_34 = tpu.memref_slice %arg11[%dma_start3A_32, %dma_start3A_33] : memref<512x32xf32, #tpu.memory_space<vmem>> -> memref<128x32xf32, #tpu.memory_space<vmem>>
        %dma_start3A_35 = arith.constant 0 : i32
        %dma_start3A_36 = tpu.memref_slice %arg9[%dma_start3A, %dma_start3A_35] : memref<4x128xi32, #tpu.memory_space<vmem>> -> memref<1x128xi32, #tpu.memory_space<vmem>>
        %dma_start3A_37 = tpu.memref_squeeze %dma_start3A_36 : memref<1x128xi32, #tpu.memory_space<vmem>> -> memref<128xi32, #tpu.memory_space<vmem>>
        %dma_start3A_38 = arith.constant 0 : i32
        %dma_start3A_39 = arith.constant 0 : i32
        %dma_start3A_40 = tpu.memref_slice %arg2[%dma_start3A_38, %dma_start3A_39] : memref<50000x32xf32, #tpu.memory_space<hbm>> -> memref<50000x32xf32, #tpu.memory_space<hbm>>
        tpu.enqueue_indirect_dma source(%dma_start3A_40 : memref<50000x32xf32, #tpu.memory_space<hbm>>) target(%dma_start3A_34 : memref<128x32xf32, #tpu.memory_space<vmem>>) offsets(%dma_start3A_37 : memref<128xi32, #tpu.memory_space<vmem>>) semaphore(%arg12 : memref<!tpu.dma_semaphore, #tpu.memory_space<semaphore_mem>>)
        %dma_start3A_41 = arith.constant 1 : i32
        %dma_start3A_42 = arith.constant 128 : i32
        %dma_start3A_43 = arith.constant 0 : i32
        %dma_start3A_44 = tpu.memref_slice %arg11[%dma_start3A_42, %dma_start3A_43] : memref<512x32xf32, #tpu.memory_space<vmem>> -> memref<128x32xf32, #tpu.memory_space<vmem>>
        %dma_start3A_45 = arith.constant 0 : i32
        %dma_start3A_46 = tpu.memref_slice %arg9[%dma_start3A_41, %dma_start3A_45] : memref<4x128xi32, #tpu.memory_space<vmem>> -> memref<1x128xi32, #tpu.memory_space<vmem>>
        %dma_start3A_47 = tpu.memref_squeeze %dma_start3A_46 : memref<1x128xi32, #tpu.memory_space<vmem>> -> memref<128xi32, #tpu.memory_space<vmem>>
        %dma_start3A_48 = arith.constant 0 : i32
        %dma_start3A_49 = arith.constant 0 : i32
        %dma_start3A_50 = tpu.memref_slice %arg2[%dma_start3A_48, %dma_start3A_49] : memref<50000x32xf32, #tpu.memory_space<hbm>> -> memref<50000x32xf32, #tpu.memory_space<hbm>>
        tpu.enqueue_indirect_dma source(%dma_start3A_50 : memref<50000x32xf32, #tpu.memory_space<hbm>>) target(%dma_start3A_44 : memref<128x32xf32, #tpu.memory_space<vmem>>) offsets(%dma_start3A_47 : memref<128xi32, #tpu.memory_space<vmem>>) semaphore(%arg12 : memref<!tpu.dma_semaphore, #tpu.memory_space<semaphore_mem>>)
        %dma_start3A_51 = arith.constant 2 : i32
        %dma_start3A_52 = arith.constant 256 : i32
        %dma_start3A_53 = arith.constant 0 : i32
        %dma_start3A_54 = tpu.memref_slice %arg11[%dma_start3A_52, %dma_start3A_53] : memref<512x32xf32, #tpu.memory_space<vmem>> -> memref<128x32xf32, #tpu.memory_space<vmem>>
        %dma_start3A_55 = arith.constant 0 : i32
        %dma_start3A_56 = tpu.memref_slice %arg9[%dma_start3A_51, %dma_start3A_55] : memref<4x128xi32, #tpu.memory_space<vmem>> -> memref<1x128xi32, #tpu.memory_space<vmem>>
        %dma_start3A_57 = tpu.memref_squeeze %dma_start3A_56 : memref<1x128xi32, #tpu.memory_space<vmem>> -> memref<128xi32, #tpu.memory_space<vmem>>
        %dma_start3A_58 = arith.constant 0 : i32
        %dma_start3A_59 = arith.constant 0 : i32
        %dma_start3A_60 = tpu.memref_slice %arg2[%dma_start3A_58, %dma_start3A_59] : memref<50000x32xf32, #tpu.memory_space<hbm>> -> memref<50000x32xf32, #tpu.memory_space<hbm>>
        tpu.enqueue_indirect_dma source(%dma_start3A_60 : memref<50000x32xf32, #tpu.memory_space<hbm>>) target(%dma_start3A_54 : memref<128x32xf32, #tpu.memory_space<vmem>>) offsets(%dma_start3A_57 : memref<128xi32, #tpu.memory_space<vmem>>) semaphore(%arg12 : memref<!tpu.dma_semaphore, #tpu.memory_space<semaphore_mem>>)
        %dma_start3A_61 = arith.constant 3 : i32
        %dma_start3A_62 = arith.constant 384 : i32
        %dma_start3A_63 = arith.constant 0 : i32
        %dma_start3A_64 = tpu.memref_slice %arg11[%dma_start3A_62, %dma_start3A_63] : memref<512x32xf32, #tpu.memory_space<vmem>> -> memref<128x32xf32, #tpu.memory_space<vmem>>
        %dma_start3A_65 = arith.constant 0 : i32
        %dma_start3A_66 = tpu.memref_slice %arg9[%dma_start3A_61, %dma_start3A_65] : memref<4x128xi32, #tpu.memory_space<vmem>> -> memref<1x128xi32, #tpu.memory_space<vmem>>
        %dma_start3A_67 = tpu.memref_squeeze %dma_start3A_66 : memref<1x128xi32, #tpu.memory_space<vmem>> -> memref<128xi32, #tpu.memory_space<vmem>>
        %dma_start3A_68 = arith.constant 0 : i32
        %dma_start3A_69 = arith.constant 0 : i32
        %dma_start3A_70 = tpu.memref_slice %arg2[%dma_start3A_68, %dma_start3A_69] : memref<50000x32xf32, #tpu.memory_space<hbm>> -> memref<50000x32xf32, #tpu.memory_space<hbm>>
        tpu.enqueue_indirect_dma source(%dma_start3A_70 : memref<50000x32xf32, #tpu.memory_space<hbm>>) target(%dma_start3A_64 : memref<128x32xf32, #tpu.memory_space<vmem>>) offsets(%dma_start3A_67 : memref<128xi32, #tpu.memory_space<vmem>>) semaphore(%arg12 : memref<!tpu.dma_semaphore, #tpu.memory_space<semaphore_mem>>)
        %dma_wait3A = arith.constant 0 : i32
        %dma_wait3A_71 = arith.constant 0 : i32
        %dma_wait3A_72 = arith.constant 0 : i32
        %dma_wait3A_73 = tpu.memref_slice %arg11[%dma_wait3A_71, %dma_wait3A_72] : memref<512x32xf32, #tpu.memory_space<vmem>> -> memref<128x32xf32, #tpu.memory_space<vmem>>
        %dma_wait3A_74 = arith.constant 0 : i32
        %dma_wait3A_75 = tpu.memref_slice %arg9[%dma_wait3A, %dma_wait3A_74] : memref<4x128xi32, #tpu.memory_space<vmem>> -> memref<1x128xi32, #tpu.memory_space<vmem>>
        %dma_wait3A_76 = tpu.memref_squeeze %dma_wait3A_75 : memref<1x128xi32, #tpu.memory_space<vmem>> -> memref<128xi32, #tpu.memory_space<vmem>>
        %dma_wait3A_77 = arith.constant 0 : i32
        %dma_wait3A_78 = arith.constant 0 : i32
        %dma_wait3A_79 = tpu.memref_slice %arg2[%dma_wait3A_77, %dma_wait3A_78] : memref<50000x32xf32, #tpu.memory_space<hbm>> -> memref<50000x32xf32, #tpu.memory_space<hbm>>
        tpu.wait_indirect_dma semaphore(%arg12 : memref<!tpu.dma_semaphore, #tpu.memory_space<semaphore_mem>>) src(%dma_wait3A_79 : memref<50000x32xf32, #tpu.memory_space<hbm>>) dst(%dma_wait3A_73 : memref<128x32xf32, #tpu.memory_space<vmem>>)
        %dma_wait3A_80 = arith.constant 1 : i32
        %dma_wait3A_81 = arith.constant 128 : i32
        %dma_wait3A_82 = arith.constant 0 : i32
        %dma_wait3A_83 = tpu.memref_slice %arg11[%dma_wait3A_81, %dma_wait3A_82] : memref<512x32xf32, #tpu.memory_space<vmem>> -> memref<128x32xf32, #tpu.memory_space<vmem>>
        %dma_wait3A_84 = arith.constant 0 : i32
        %dma_wait3A_85 = tpu.memref_slice %arg9[%dma_wait3A_80, %dma_wait3A_84] : memref<4x128xi32, #tpu.memory_space<vmem>> -> memref<1x128xi32, #tpu.memory_space<vmem>>
        %dma_wait3A_86 = tpu.memref_squeeze %dma_wait3A_85 : memref<1x128xi32, #tpu.memory_space<vmem>> -> memref<128xi32, #tpu.memory_space<vmem>>
        %dma_wait3A_87 = arith.constant 0 : i32
        %dma_wait3A_88 = arith.constant 0 : i32
        %dma_wait3A_89 = tpu.memref_slice %arg2[%dma_wait3A_87, %dma_wait3A_88] : memref<50000x32xf32, #tpu.memory_space<hbm>> -> memref<50000x32xf32, #tpu.memory_space<hbm>>
        tpu.wait_indirect_dma semaphore(%arg12 : memref<!tpu.dma_semaphore, #tpu.memory_space<semaphore_mem>>) src(%dma_wait3A_89 : memref<50000x32xf32, #tpu.memory_space<hbm>>) dst(%dma_wait3A_83 : memref<128x32xf32, #tpu.memory_space<vmem>>)
        %dma_wait3A_90 = arith.constant 2 : i32
        %dma_wait3A_91 = arith.constant 256 : i32
        %dma_wait3A_92 = arith.constant 0 : i32
        %dma_wait3A_93 = tpu.memref_slice %arg11[%dma_wait3A_91, %dma_wait3A_92] : memref<512x32xf32, #tpu.memory_space<vmem>> -> memref<128x32xf32, #tpu.memory_space<vmem>>
        %dma_wait3A_94 = arith.constant 0 : i32
        %dma_wait3A_95 = tpu.memref_slice %arg9[%dma_wait3A_90, %dma_wait3A_94] : memref<4x128xi32, #tpu.memory_space<vmem>> -> memref<1x128xi32, #tpu.memory_space<vmem>>
        %dma_wait3A_96 = tpu.memref_squeeze %dma_wait3A_95 : memref<1x128xi32, #tpu.memory_space<vmem>> -> memref<128xi32, #tpu.memory_space<vmem>>
        %dma_wait3A_97 = arith.constant 0 : i32
        %dma_wait3A_98 = arith.constant 0 : i32
        %dma_wait3A_99 = tpu.memref_slice %arg2[%dma_wait3A_97, %dma_wait3A_98] : memref<50000x32xf32, #tpu.memory_space<hbm>> -> memref<50000x32xf32, #tpu.memory_space<hbm>>
        tpu.wait_indirect_dma semaphore(%arg12 : memref<!tpu.dma_semaphore, #tpu.memory_space<semaphore_mem>>) src(%dma_wait3A_99 : memref<50000x32xf32, #tpu.memory_space<hbm>>) dst(%dma_wait3A_93 : memref<128x32xf32, #tpu.memory_space<vmem>>)
        %dma_wait3A_100 = arith.constant 3 : i32
        %dma_wait3A_101 = arith.constant 384 : i32
        %dma_wait3A_102 = arith.constant 0 : i32
        %dma_wait3A_103 = tpu.memref_slice %arg11[%dma_wait3A_101, %dma_wait3A_102] : memref<512x32xf32, #tpu.memory_space<vmem>> -> memref<128x32xf32, #tpu.memory_space<vmem>>
        %dma_wait3A_104 = arith.constant 0 : i32
        %dma_wait3A_105 = tpu.memref_slice %arg9[%dma_wait3A_100, %dma_wait3A_104] : memref<4x128xi32, #tpu.memory_space<vmem>> -> memref<1x128xi32, #tpu.memory_space<vmem>>
        %dma_wait3A_106 = tpu.memref_squeeze %dma_wait3A_105 : memref<1x128xi32, #tpu.memory_space<vmem>> -> memref<128xi32, #tpu.memory_space<vmem>>
        %dma_wait3A_107 = arith.constant 0 : i32
        %dma_wait3A_108 = arith.constant 0 : i32
        %dma_wait3A_109 = tpu.memref_slice %arg2[%dma_wait3A_107, %dma_wait3A_108] : memref<50000x32xf32, #tpu.memory_space<hbm>> -> memref<50000x32xf32, #tpu.memory_space<hbm>>
        tpu.wait_indirect_dma semaphore(%arg12 : memref<!tpu.dma_semaphore, #tpu.memory_space<semaphore_mem>>) src(%dma_wait3A_109 : memref<50000x32xf32, #tpu.memory_space<hbm>>) dst(%dma_wait3A_103 : memref<128x32xf32, #tpu.memory_space<vmem>>)
      } else {
      }
      %eq3A_24 = arith.constant 1 : i32
      %eq3A_25 = arith.cmpi eq, %arg0, %eq3A_24 : i32
      %convert_element_type3A_26 = arith.extui %eq3A_25 : i1 to i32
      %cond3A_27 = arith.constant 0 : i32
      %cond3A_28 = arith.cmpi ne, %convert_element_type3A_26, %cond3A_27 : i32
      scf.if %cond3A_28 {
        %dma_start3A = arith.constant 0 : i32
        %dma_start3A_32 = arith.constant 0 : i32
        %dma_start3A_33 = arith.constant 0 : i32
        %dma_start3A_34 = tpu.memref_slice %arg11[%dma_start3A_32, %dma_start3A_33] : memref<512x32xf32, #tpu.memory_space<vmem>> -> memref<128x32xf32, #tpu.memory_space<vmem>>
        %dma_start3A_35 = arith.constant 0 : i32
        %dma_start3A_36 = tpu.memref_slice %arg9[%dma_start3A, %dma_start3A_35] : memref<4x128xi32, #tpu.memory_space<vmem>> -> memref<1x128xi32, #tpu.memory_space<vmem>>
        %dma_start3A_37 = tpu.memref_squeeze %dma_start3A_36 : memref<1x128xi32, #tpu.memory_space<vmem>> -> memref<128xi32, #tpu.memory_space<vmem>>
        %dma_start3A_38 = arith.constant 0 : i32
        %dma_start3A_39 = arith.constant 0 : i32
        %dma_start3A_40 = tpu.memref_slice %arg3[%dma_start3A_38, %dma_start3A_39] : memref<50000x32xf32, #tpu.memory_space<hbm>> -> memref<50000x32xf32, #tpu.memory_space<hbm>>
        tpu.enqueue_indirect_dma source(%dma_start3A_40 : memref<50000x32xf32, #tpu.memory_space<hbm>>) target(%dma_start3A_34 : memref<128x32xf32, #tpu.memory_space<vmem>>) offsets(%dma_start3A_37 : memref<128xi32, #tpu.memory_space<vmem>>) semaphore(%arg12 : memref<!tpu.dma_semaphore, #tpu.memory_space<semaphore_mem>>)
        %dma_start3A_41 = arith.constant 1 : i32
        %dma_start3A_42 = arith.constant 128 : i32
        %dma_start3A_43 = arith.constant 0 : i32
        %dma_start3A_44 = tpu.memref_slice %arg11[%dma_start3A_42, %dma_start3A_43] : memref<512x32xf32, #tpu.memory_space<vmem>> -> memref<128x32xf32, #tpu.memory_space<vmem>>
        %dma_start3A_45 = arith.constant 0 : i32
        %dma_start3A_46 = tpu.memref_slice %arg9[%dma_start3A_41, %dma_start3A_45] : memref<4x128xi32, #tpu.memory_space<vmem>> -> memref<1x128xi32, #tpu.memory_space<vmem>>
        %dma_start3A_47 = tpu.memref_squeeze %dma_start3A_46 : memref<1x128xi32, #tpu.memory_space<vmem>> -> memref<128xi32, #tpu.memory_space<vmem>>
        %dma_start3A_48 = arith.constant 0 : i32
        %dma_start3A_49 = arith.constant 0 : i32
        %dma_start3A_50 = tpu.memref_slice %arg3[%dma_start3A_48, %dma_start3A_49] : memref<50000x32xf32, #tpu.memory_space<hbm>> -> memref<50000x32xf32, #tpu.memory_space<hbm>>
        tpu.enqueue_indirect_dma source(%dma_start3A_50 : memref<50000x32xf32, #tpu.memory_space<hbm>>) target(%dma_start3A_44 : memref<128x32xf32, #tpu.memory_space<vmem>>) offsets(%dma_start3A_47 : memref<128xi32, #tpu.memory_space<vmem>>) semaphore(%arg12 : memref<!tpu.dma_semaphore, #tpu.memory_space<semaphore_mem>>)
        %dma_start3A_51 = arith.constant 2 : i32
        %dma_start3A_52 = arith.constant 256 : i32
        %dma_start3A_53 = arith.constant 0 : i32
        %dma_start3A_54 = tpu.memref_slice %arg11[%dma_start3A_52, %dma_start3A_53] : memref<512x32xf32, #tpu.memory_space<vmem>> -> memref<128x32xf32, #tpu.memory_space<vmem>>
        %dma_start3A_55 = arith.constant 0 : i32
        %dma_start3A_56 = tpu.memref_slice %arg9[%dma_start3A_51, %dma_start3A_55] : memref<4x128xi32, #tpu.memory_space<vmem>> -> memref<1x128xi32, #tpu.memory_space<vmem>>
        %dma_start3A_57 = tpu.memref_squeeze %dma_start3A_56 : memref<1x128xi32, #tpu.memory_space<vmem>> -> memref<128xi32, #tpu.memory_space<vmem>>
        %dma_start3A_58 = arith.constant 0 : i32
        %dma_start3A_59 = arith.constant 0 : i32
        %dma_start3A_60 = tpu.memref_slice %arg3[%dma_start3A_58, %dma_start3A_59] : memref<50000x32xf32, #tpu.memory_space<hbm>> -> memref<50000x32xf32, #tpu.memory_space<hbm>>
        tpu.enqueue_indirect_dma source(%dma_start3A_60 : memref<50000x32xf32, #tpu.memory_space<hbm>>) target(%dma_start3A_54 : memref<128x32xf32, #tpu.memory_space<vmem>>) offsets(%dma_start3A_57 : memref<128xi32, #tpu.memory_space<vmem>>) semaphore(%arg12 : memref<!tpu.dma_semaphore, #tpu.memory_space<semaphore_mem>>)
        %dma_start3A_61 = arith.constant 3 : i32
        %dma_start3A_62 = arith.constant 384 : i32
        %dma_start3A_63 = arith.constant 0 : i32
        %dma_start3A_64 = tpu.memref_slice %arg11[%dma_start3A_62, %dma_start3A_63] : memref<512x32xf32, #tpu.memory_space<vmem>> -> memref<128x32xf32, #tpu.memory_space<vmem>>
        %dma_start3A_65 = arith.constant 0 : i32
        %dma_start3A_66 = tpu.memref_slice %arg9[%dma_start3A_61, %dma_start3A_65] : memref<4x128xi32, #tpu.memory_space<vmem>> -> memref<1x128xi32, #tpu.memory_space<vmem>>
        %dma_start3A_67 = tpu.memref_squeeze %dma_start3A_66 : memref<1x128xi32, #tpu.memory_space<vmem>> -> memref<128xi32, #tpu.memory_space<vmem>>
        %dma_start3A_68 = arith.constant 0 : i32
        %dma_start3A_69 = arith.constant 0 : i32
        %dma_start3A_70 = tpu.memref_slice %arg3[%dma_start3A_68, %dma_start3A_69] : memref<50000x32xf32, #tpu.memory_space<hbm>> -> memref<50000x32xf32, #tpu.memory_space<hbm>>
        tpu.enqueue_indirect_dma source(%dma_start3A_70 : memref<50000x32xf32, #tpu.memory_space<hbm>>) target(%dma_start3A_64 : memref<128x32xf32, #tpu.memory_space<vmem>>) offsets(%dma_start3A_67 : memref<128xi32, #tpu.memory_space<vmem>>) semaphore(%arg12 : memref<!tpu.dma_semaphore, #tpu.memory_space<semaphore_mem>>)
        %dma_wait3A = arith.constant 0 : i32
        %dma_wait3A_71 = arith.constant 0 : i32
        %dma_wait3A_72 = arith.constant 0 : i32
        %dma_wait3A_73 = tpu.memref_slice %arg11[%dma_wait3A_71, %dma_wait3A_72] : memref<512x32xf32, #tpu.memory_space<vmem>> -> memref<128x32xf32, #tpu.memory_space<vmem>>
        %dma_wait3A_74 = arith.constant 0 : i32
        %dma_wait3A_75 = tpu.memref_slice %arg9[%dma_wait3A, %dma_wait3A_74] : memref<4x128xi32, #tpu.memory_space<vmem>> -> memref<1x128xi32, #tpu.memory_space<vmem>>
        %dma_wait3A_76 = tpu.memref_squeeze %dma_wait3A_75 : memref<1x128xi32, #tpu.memory_space<vmem>> -> memref<128xi32, #tpu.memory_space<vmem>>
        %dma_wait3A_77 = arith.constant 0 : i32
        %dma_wait3A_78 = arith.constant 0 : i32
        %dma_wait3A_79 = tpu.memref_slice %arg3[%dma_wait3A_77, %dma_wait3A_78] : memref<50000x32xf32, #tpu.memory_space<hbm>> -> memref<50000x32xf32, #tpu.memory_space<hbm>>
        tpu.wait_indirect_dma semaphore(%arg12 : memref<!tpu.dma_semaphore, #tpu.memory_space<semaphore_mem>>) src(%dma_wait3A_79 : memref<50000x32xf32, #tpu.memory_space<hbm>>) dst(%dma_wait3A_73 : memref<128x32xf32, #tpu.memory_space<vmem>>)
        %dma_wait3A_80 = arith.constant 1 : i32
        %dma_wait3A_81 = arith.constant 128 : i32
        %dma_wait3A_82 = arith.constant 0 : i32
        %dma_wait3A_83 = tpu.memref_slice %arg11[%dma_wait3A_81, %dma_wait3A_82] : memref<512x32xf32, #tpu.memory_space<vmem>> -> memref<128x32xf32, #tpu.memory_space<vmem>>
        %dma_wait3A_84 = arith.constant 0 : i32
        %dma_wait3A_85 = tpu.memref_slice %arg9[%dma_wait3A_80, %dma_wait3A_84] : memref<4x128xi32, #tpu.memory_space<vmem>> -> memref<1x128xi32, #tpu.memory_space<vmem>>
        %dma_wait3A_86 = tpu.memref_squeeze %dma_wait3A_85 : memref<1x128xi32, #tpu.memory_space<vmem>> -> memref<128xi32, #tpu.memory_space<vmem>>
        %dma_wait3A_87 = arith.constant 0 : i32
        %dma_wait3A_88 = arith.constant 0 : i32
        %dma_wait3A_89 = tpu.memref_slice %arg3[%dma_wait3A_87, %dma_wait3A_88] : memref<50000x32xf32, #tpu.memory_space<hbm>> -> memref<50000x32xf32, #tpu.memory_space<hbm>>
        tpu.wait_indirect_dma semaphore(%arg12 : memref<!tpu.dma_semaphore, #tpu.memory_space<semaphore_mem>>) src(%dma_wait3A_89 : memref<50000x32xf32, #tpu.memory_space<hbm>>) dst(%dma_wait3A_83 : memref<128x32xf32, #tpu.memory_space<vmem>>)
        %dma_wait3A_90 = arith.constant 2 : i32
        %dma_wait3A_91 = arith.constant 256 : i32
        %dma_wait3A_92 = arith.constant 0 : i32
        %dma_wait3A_93 = tpu.memref_slice %arg11[%dma_wait3A_91, %dma_wait3A_92] : memref<512x32xf32, #tpu.memory_space<vmem>> -> memref<128x32xf32, #tpu.memory_space<vmem>>
        %dma_wait3A_94 = arith.constant 0 : i32
        %dma_wait3A_95 = tpu.memref_slice %arg9[%dma_wait3A_90, %dma_wait3A_94] : memref<4x128xi32, #tpu.memory_space<vmem>> -> memref<1x128xi32, #tpu.memory_space<vmem>>
        %dma_wait3A_96 = tpu.memref_squeeze %dma_wait3A_95 : memref<1x128xi32, #tpu.memory_space<vmem>> -> memref<128xi32, #tpu.memory_space<vmem>>
        %dma_wait3A_97 = arith.constant 0 : i32
        %dma_wait3A_98 = arith.constant 0 : i32
        %dma_wait3A_99 = tpu.memref_slice %arg3[%dma_wait3A_97, %dma_wait3A_98] : memref<50000x32xf32, #tpu.memory_space<hbm>> -> memref<50000x32xf32, #tpu.memory_space<hbm>>
        tpu.wait_indirect_dma semaphore(%arg12 : memref<!tpu.dma_semaphore, #tpu.memory_space<semaphore_mem>>) src(%dma_wait3A_99 : memref<50000x32xf32, #tpu.memory_space<hbm>>) dst(%dma_wait3A_93 : memref<128x32xf32, #tpu.memory_space<vmem>>)
        %dma_wait3A_100 = arith.constant 3 : i32
        %dma_wait3A_101 = arith.constant 384 : i32
        %dma_wait3A_102 = arith.constant 0 : i32
        %dma_wait3A_103 = tpu.memref_slice %arg11[%dma_wait3A_101, %dma_wait3A_102] : memref<512x32xf32, #tpu.memory_space<vmem>> -> memref<128x32xf32, #tpu.memory_space<vmem>>
        %dma_wait3A_104 = arith.constant 0 : i32
        %dma_wait3A_105 = tpu.memref_slice %arg9[%dma_wait3A_100, %dma_wait3A_104] : memref<4x128xi32, #tpu.memory_space<vmem>> -> memref<1x128xi32, #tpu.memory_space<vmem>>
        %dma_wait3A_106 = tpu.memref_squeeze %dma_wait3A_105 : memref<1x128xi32, #tpu.memory_space<vmem>> -> memref<128xi32, #tpu.memory_space<vmem>>
        %dma_wait3A_107 = arith.constant 0 : i32
        %dma_wait3A_108 = arith.constant 0 : i32
        %dma_wait3A_109 = tpu.memref_slice %arg3[%dma_wait3A_107, %dma_wait3A_108] : memref<50000x32xf32, #tpu.memory_space<hbm>> -> memref<50000x32xf32, #tpu.memory_space<hbm>>
        tpu.wait_indirect_dma semaphore(%arg12 : memref<!tpu.dma_semaphore, #tpu.memory_space<semaphore_mem>>) src(%dma_wait3A_109 : memref<50000x32xf32, #tpu.memory_space<hbm>>) dst(%dma_wait3A_103 : memref<128x32xf32, #tpu.memory_space<vmem>>)
      } else {
      }
      %run_scoped3A = arith.constant 0 : i32
      "tpu.region"() ({
        %run_scoped3A_32 = tpu.sem_alloc : memref<!tpu.dma_semaphore, #tpu.memory_space<semaphore_mem>>
        %dma_start3A = arith.constant 0 : i32
        %dma_start3A_33 = arith.constant 0 : i32
        %dma_start3A_34 = tpu.memref_slice %arg11[%dma_start3A, %dma_start3A_33] : memref<512x32xf32, #tpu.memory_space<vmem>> -> memref<128x32xf32, #tpu.memory_space<vmem>>
        %dma_start3A_35 = arith.constant 0 : i32
        %dma_start3A_36 = tpu.memref_slice %arg10[%run_scoped3A, %dma_start3A_35] : memref<4x128xi32, #tpu.memory_space<vmem>> -> memref<1x128xi32, #tpu.memory_space<vmem>>
        %dma_start3A_37 = tpu.memref_squeeze %dma_start3A_36 : memref<1x128xi32, #tpu.memory_space<vmem>> -> memref<128xi32, #tpu.memory_space<vmem>>
        %dma_start3A_38 = arith.constant 0 : i32
        %dma_start3A_39 = arith.constant 0 : i32
        %dma_start3A_40 = tpu.memref_slice %arg8[%dma_start3A_38, %dma_start3A_39] : memref<50048x32xf32, #tpu.memory_space<vmem_shared>> -> memref<50048x32xf32, #tpu.memory_space<vmem_shared>>
        tpu.enqueue_indirect_dma source(%dma_start3A_34 : memref<128x32xf32, #tpu.memory_space<vmem>>) target(%dma_start3A_40 : memref<50048x32xf32, #tpu.memory_space<vmem_shared>>) offsets(%dma_start3A_37 : memref<128xi32, #tpu.memory_space<vmem>>) semaphore(%run_scoped3A_32 : memref<!tpu.dma_semaphore, #tpu.memory_space<semaphore_mem>>) {add = true}
        %dma_wait3A = arith.constant 0 : i32
        %dma_wait3A_41 = arith.constant 0 : i32
        %dma_wait3A_42 = tpu.memref_slice %arg11[%dma_wait3A, %dma_wait3A_41] : memref<512x32xf32, #tpu.memory_space<vmem>> -> memref<128x32xf32, #tpu.memory_space<vmem>>
        %dma_wait3A_43 = arith.constant 0 : i32
        %dma_wait3A_44 = tpu.memref_slice %arg10[%run_scoped3A, %dma_wait3A_43] : memref<4x128xi32, #tpu.memory_space<vmem>> -> memref<1x128xi32, #tpu.memory_space<vmem>>
        %dma_wait3A_45 = tpu.memref_squeeze %dma_wait3A_44 : memref<1x128xi32, #tpu.memory_space<vmem>> -> memref<128xi32, #tpu.memory_space<vmem>>
        %dma_wait3A_46 = arith.constant 0 : i32
        %dma_wait3A_47 = arith.constant 0 : i32
        %dma_wait3A_48 = tpu.memref_slice %arg8[%dma_wait3A_46, %dma_wait3A_47] : memref<50048x32xf32, #tpu.memory_space<vmem_shared>> -> memref<50048x32xf32, #tpu.memory_space<vmem_shared>>
        tpu.wait_indirect_dma semaphore(%run_scoped3A_32 : memref<!tpu.dma_semaphore, #tpu.memory_space<semaphore_mem>>) src(%dma_wait3A_42 : memref<128x32xf32, #tpu.memory_space<vmem>>) dst(%dma_wait3A_48 : memref<50048x32xf32, #tpu.memory_space<vmem_shared>>)
        tpu.yield
      }) : () -> ()
      %run_scoped3A_29 = arith.constant 1 : i32
      "tpu.region"() ({
        %run_scoped3A_32 = tpu.sem_alloc : memref<!tpu.dma_semaphore, #tpu.memory_space<semaphore_mem>>
        %dma_start3A = arith.constant 128 : i32
        %dma_start3A_33 = arith.constant 0 : i32
        %dma_start3A_34 = tpu.memref_slice %arg11[%dma_start3A, %dma_start3A_33] : memref<512x32xf32, #tpu.memory_space<vmem>> -> memref<128x32xf32, #tpu.memory_space<vmem>>
        %dma_start3A_35 = arith.constant 0 : i32
        %dma_start3A_36 = tpu.memref_slice %arg10[%run_scoped3A_29, %dma_start3A_35] : memref<4x128xi32, #tpu.memory_space<vmem>> -> memref<1x128xi32, #tpu.memory_space<vmem>>
        %dma_start3A_37 = tpu.memref_squeeze %dma_start3A_36 : memref<1x128xi32, #tpu.memory_space<vmem>> -> memref<128xi32, #tpu.memory_space<vmem>>
        %dma_start3A_38 = arith.constant 0 : i32
        %dma_start3A_39 = arith.constant 0 : i32
        %dma_start3A_40 = tpu.memref_slice %arg8[%dma_start3A_38, %dma_start3A_39] : memref<50048x32xf32, #tpu.memory_space<vmem_shared>> -> memref<50048x32xf32, #tpu.memory_space<vmem_shared>>
        tpu.enqueue_indirect_dma source(%dma_start3A_34 : memref<128x32xf32, #tpu.memory_space<vmem>>) target(%dma_start3A_40 : memref<50048x32xf32, #tpu.memory_space<vmem_shared>>) offsets(%dma_start3A_37 : memref<128xi32, #tpu.memory_space<vmem>>) semaphore(%run_scoped3A_32 : memref<!tpu.dma_semaphore, #tpu.memory_space<semaphore_mem>>) {add = true}
        %dma_wait3A = arith.constant 128 : i32
        %dma_wait3A_41 = arith.constant 0 : i32
        %dma_wait3A_42 = tpu.memref_slice %arg11[%dma_wait3A, %dma_wait3A_41] : memref<512x32xf32, #tpu.memory_space<vmem>> -> memref<128x32xf32, #tpu.memory_space<vmem>>
        %dma_wait3A_43 = arith.constant 0 : i32
        %dma_wait3A_44 = tpu.memref_slice %arg10[%run_scoped3A_29, %dma_wait3A_43] : memref<4x128xi32, #tpu.memory_space<vmem>> -> memref<1x128xi32, #tpu.memory_space<vmem>>
        %dma_wait3A_45 = tpu.memref_squeeze %dma_wait3A_44 : memref<1x128xi32, #tpu.memory_space<vmem>> -> memref<128xi32, #tpu.memory_space<vmem>>
        %dma_wait3A_46 = arith.constant 0 : i32
        %dma_wait3A_47 = arith.constant 0 : i32
        %dma_wait3A_48 = tpu.memref_slice %arg8[%dma_wait3A_46, %dma_wait3A_47] : memref<50048x32xf32, #tpu.memory_space<vmem_shared>> -> memref<50048x32xf32, #tpu.memory_space<vmem_shared>>
        tpu.wait_indirect_dma semaphore(%run_scoped3A_32 : memref<!tpu.dma_semaphore, #tpu.memory_space<semaphore_mem>>) src(%dma_wait3A_42 : memref<128x32xf32, #tpu.memory_space<vmem>>) dst(%dma_wait3A_48 : memref<50048x32xf32, #tpu.memory_space<vmem_shared>>)
        tpu.yield
      }) : () -> ()
      %run_scoped3A_30 = arith.constant 2 : i32
      "tpu.region"() ({
        %run_scoped3A_32 = tpu.sem_alloc : memref<!tpu.dma_semaphore, #tpu.memory_space<semaphore_mem>>
        %dma_start3A = arith.constant 256 : i32
        %dma_start3A_33 = arith.constant 0 : i32
        %dma_start3A_34 = tpu.memref_slice %arg11[%dma_start3A, %dma_start3A_33] : memref<512x32xf32, #tpu.memory_space<vmem>> -> memref<128x32xf32, #tpu.memory_space<vmem>>
        %dma_start3A_35 = arith.constant 0 : i32
        %dma_start3A_36 = tpu.memref_slice %arg10[%run_scoped3A_30, %dma_start3A_35] : memref<4x128xi32, #tpu.memory_space<vmem>> -> memref<1x128xi32, #tpu.memory_space<vmem>>
        %dma_start3A_37 = tpu.memref_squeeze %dma_start3A_36 : memref<1x128xi32, #tpu.memory_space<vmem>> -> memref<128xi32, #tpu.memory_space<vmem>>
        %dma_start3A_38 = arith.constant 0 : i32
        %dma_start3A_39 = arith.constant 0 : i32
        %dma_start3A_40 = tpu.memref_slice %arg8[%dma_start3A_38, %dma_start3A_39] : memref<50048x32xf32, #tpu.memory_space<vmem_shared>> -> memref<50048x32xf32, #tpu.memory_space<vmem_shared>>
        tpu.enqueue_indirect_dma source(%dma_start3A_34 : memref<128x32xf32, #tpu.memory_space<vmem>>) target(%dma_start3A_40 : memref<50048x32xf32, #tpu.memory_space<vmem_shared>>) offsets(%dma_start3A_37 : memref<128xi32, #tpu.memory_space<vmem>>) semaphore(%run_scoped3A_32 : memref<!tpu.dma_semaphore, #tpu.memory_space<semaphore_mem>>) {add = true}
        %dma_wait3A = arith.constant 256 : i32
        %dma_wait3A_41 = arith.constant 0 : i32
        %dma_wait3A_42 = tpu.memref_slice %arg11[%dma_wait3A, %dma_wait3A_41] : memref<512x32xf32, #tpu.memory_space<vmem>> -> memref<128x32xf32, #tpu.memory_space<vmem>>
        %dma_wait3A_43 = arith.constant 0 : i32
        %dma_wait3A_44 = tpu.memref_slice %arg10[%run_scoped3A_30, %dma_wait3A_43] : memref<4x128xi32, #tpu.memory_space<vmem>> -> memref<1x128xi32, #tpu.memory_space<vmem>>
        %dma_wait3A_45 = tpu.memref_squeeze %dma_wait3A_44 : memref<1x128xi32, #tpu.memory_space<vmem>> -> memref<128xi32, #tpu.memory_space<vmem>>
        %dma_wait3A_46 = arith.constant 0 : i32
        %dma_wait3A_47 = arith.constant 0 : i32
        %dma_wait3A_48 = tpu.memref_slice %arg8[%dma_wait3A_46, %dma_wait3A_47] : memref<50048x32xf32, #tpu.memory_space<vmem_shared>> -> memref<50048x32xf32, #tpu.memory_space<vmem_shared>>
        tpu.wait_indirect_dma semaphore(%run_scoped3A_32 : memref<!tpu.dma_semaphore, #tpu.memory_space<semaphore_mem>>) src(%dma_wait3A_42 : memref<128x32xf32, #tpu.memory_space<vmem>>) dst(%dma_wait3A_48 : memref<50048x32xf32, #tpu.memory_space<vmem_shared>>)
        tpu.yield
      }) : () -> ()
      %run_scoped3A_31 = arith.constant 3 : i32
      "tpu.region"() ({
        %run_scoped3A_32 = tpu.sem_alloc : memref<!tpu.dma_semaphore, #tpu.memory_space<semaphore_mem>>
        %dma_start3A = arith.constant 384 : i32
        %dma_start3A_33 = arith.constant 0 : i32
        %dma_start3A_34 = tpu.memref_slice %arg11[%dma_start3A, %dma_start3A_33] : memref<512x32xf32, #tpu.memory_space<vmem>> -> memref<128x32xf32, #tpu.memory_space<vmem>>
        %dma_start3A_35 = arith.constant 0 : i32
        %dma_start3A_36 = tpu.memref_slice %arg10[%run_scoped3A_31, %dma_start3A_35] : memref<4x128xi32, #tpu.memory_space<vmem>> -> memref<1x128xi32, #tpu.memory_space<vmem>>
        %dma_start3A_37 = tpu.memref_squeeze %dma_start3A_36 : memref<1x128xi32, #tpu.memory_space<vmem>> -> memref<128xi32, #tpu.memory_space<vmem>>
        %dma_start3A_38 = arith.constant 0 : i32
        %dma_start3A_39 = arith.constant 0 : i32
        %dma_start3A_40 = tpu.memref_slice %arg8[%dma_start3A_38, %dma_start3A_39] : memref<50048x32xf32, #tpu.memory_space<vmem_shared>> -> memref<50048x32xf32, #tpu.memory_space<vmem_shared>>
        tpu.enqueue_indirect_dma source(%dma_start3A_34 : memref<128x32xf32, #tpu.memory_space<vmem>>) target(%dma_start3A_40 : memref<50048x32xf32, #tpu.memory_space<vmem_shared>>) offsets(%dma_start3A_37 : memref<128xi32, #tpu.memory_space<vmem>>) semaphore(%run_scoped3A_32 : memref<!tpu.dma_semaphore, #tpu.memory_space<semaphore_mem>>) {add = true}
        %dma_wait3A = arith.constant 384 : i32
        %dma_wait3A_41 = arith.constant 0 : i32
        %dma_wait3A_42 = tpu.memref_slice %arg11[%dma_wait3A, %dma_wait3A_41] : memref<512x32xf32, #tpu.memory_space<vmem>> -> memref<128x32xf32, #tpu.memory_space<vmem>>
        %dma_wait3A_43 = arith.constant 0 : i32
        %dma_wait3A_44 = tpu.memref_slice %arg10[%run_scoped3A_31, %dma_wait3A_43] : memref<4x128xi32, #tpu.memory_space<vmem>> -> memref<1x128xi32, #tpu.memory_space<vmem>>
        %dma_wait3A_45 = tpu.memref_squeeze %dma_wait3A_44 : memref<1x128xi32, #tpu.memory_space<vmem>> -> memref<128xi32, #tpu.memory_space<vmem>>
        %dma_wait3A_46 = arith.constant 0 : i32
        %dma_wait3A_47 = arith.constant 0 : i32
        %dma_wait3A_48 = tpu.memref_slice %arg8[%dma_wait3A_46, %dma_wait3A_47] : memref<50048x32xf32, #tpu.memory_space<vmem_shared>> -> memref<50048x32xf32, #tpu.memory_space<vmem_shared>>
        tpu.wait_indirect_dma semaphore(%run_scoped3A_32 : memref<!tpu.dma_semaphore, #tpu.memory_space<semaphore_mem>>) src(%dma_wait3A_42 : memref<128x32xf32, #tpu.memory_space<vmem>>) dst(%dma_wait3A_48 : memref<50048x32xf32, #tpu.memory_space<vmem_shared>>)
        tpu.yield
      }) : () -> ()
    }
    %scan3A_4 = arith.constant 98 : i32
    %barrier3A_5 = arith.constant 0 : index
    tpu.barrier barrier_id(%barrier3A_5)
    %mul3A_6 = arith.constant 3128 : i32
    %mul3A_7 = arith.muli %arg1, %mul3A_6 : i32
    %mul3A_8 = arith.constant 50048 : i32
    %mul3A_9 = arith.muli %arg0, %mul3A_8 : i32
    %mul3A_10 = arith.constant 3128 : i32
    %mul3A_11 = arith.muli %arg1, %mul3A_10 : i32
    %add3A = arith.addi %mul3A_9, %mul3A_11 : i32
    "tpu.region"() ({
      %run_scoped3A = tpu.sem_alloc : memref<!tpu.dma_semaphore, #tpu.memory_space<semaphore_mem>>
      %dma_start3A = arith.constant 0 : i32
      %dma_start3A_12 = tpu.memref_slice %arg7[%add3A, %dma_start3A] : memref<100096x32xf32, #tpu.memory_space<hbm>> -> memref<3128x32xf32, #tpu.memory_space<hbm>>
      %dma_start3A_13 = arith.constant 0 : i32
      %dma_start3A_14 = tpu.memref_slice %arg8[%mul3A_7, %dma_start3A_13] : memref<50048x32xf32, #tpu.memory_space<vmem_shared>> -> memref<3128x32xf32, #tpu.memory_space<vmem_shared>>
      tpu.enqueue_dma source(%dma_start3A_14 : memref<3128x32xf32, #tpu.memory_space<vmem_shared>>) target(%dma_start3A_12 : memref<3128x32xf32, #tpu.memory_space<hbm>>) target_semaphore(%run_scoped3A : memref<!tpu.dma_semaphore, #tpu.memory_space<semaphore_mem>>)
      %dma_wait3A = arith.constant 0 : i32
      %dma_wait3A_15 = tpu.memref_slice %arg7[%add3A, %dma_wait3A] : memref<100096x32xf32, #tpu.memory_space<hbm>> -> memref<3128x32xf32, #tpu.memory_space<hbm>>
      %dma_wait3A_16 = arith.constant 0 : i32
      %dma_wait3A_17 = tpu.memref_slice %arg8[%mul3A_7, %dma_wait3A_16] : memref<50048x32xf32, #tpu.memory_space<vmem_shared>> -> memref<3128x32xf32, #tpu.memory_space<vmem_shared>>
      tpu.wait_dma2 semaphore(%run_scoped3A : memref<!tpu.dma_semaphore, #tpu.memory_space<semaphore_mem>>) src(%dma_wait3A_17 : memref<3128x32xf32, #tpu.memory_space<vmem_shared>>) dst(%dma_wait3A_15 : memref<3128x32xf32, #tpu.memory_space<hbm>>)
      tpu.yield
    }) : () -> ()
    return
  }
}

module attributes {stable_mosaic.version = 14 : i64} {
  func.func @_proj_body(%arg0: i32, %arg1: memref<2000x128xf32, #tpu.memory_space<vmem>>, %arg2: memref<128x64xf32, #tpu.memory_space<vmem>>, %arg3: memref<1x64xf32, #tpu.memory_space<vmem>>, %arg4: memref<2000x64xf32, #tpu.memory_space<vmem>>) attributes {dimension_semantics = [#tpu.dimension_semantics<arbitrary>], iteration_bounds = array<i64: 25>, scalar_prefetch = 0 : i64, scratch_operands = 0 : i64, tpu.core_type = #tpu.core_type<tc>, window_params = [{transform_indices = @transform_0, window_bounds = array<i64: 2000, 128>}, {pipeline_mode = #tpu.pipeline_mode<synchronous>, transform_indices = @transform_1, window_bounds = array<i64: 128, 64>}, {pipeline_mode = #tpu.pipeline_mode<synchronous>, transform_indices = @transform_2, window_bounds = array<i64: 1, 64>}, {transform_indices = @transform_3, window_bounds = array<i64: 2000, 64>}]} {
    %get3A = arith.constant 0 : index
    %get3A_0 = arith.constant 0 : index
    %get3A_1 = vector.load %arg1[%get3A, %get3A_0] : memref<2000x128xf32, #tpu.memory_space<vmem>>, vector<2000x128xf32>
    %get3A_2 = arith.constant 0 : index
    %get3A_3 = arith.constant 0 : index
    %get3A_4 = vector.load %arg2[%get3A_2, %get3A_3] : memref<128x64xf32, #tpu.memory_space<vmem>>, vector<128x64xf32>
    %dot_general3A = arith.constant dense<0.000000e+00> : vector<2000x64xf32>
    %dot_general3A_5 = tpu.matmul %get3A_1, %get3A_4, %dot_general3A {dimension_numbers = #tpu.dot_dimension_numbers<[1], [0], [0], [1], [0, 0, 1, 1], [], []>, transpose_lhs_hint = false} : vector<2000x128xf32>, vector<128x64xf32>, vector<2000x64xf32> -> vector<2000x64xf32>
    %get3A_6 = arith.constant 0 : index
    %get3A_7 = arith.constant 0 : index
    %get3A_8 = vector.load %arg3[%get3A_6, %get3A_7] : memref<1x64xf32, #tpu.memory_space<vmem>>, vector<1x64xf32>
    %add3A = vector.broadcast %get3A_8 : vector<1x64xf32> to vector<2000x64xf32>
    %add3A_9 = arith.addf %dot_general3A_5, %add3A : vector<2000x64xf32>
    %swap3A = arith.constant 0 : index
    %swap3A_10 = arith.constant 0 : index
    %swap3A_11 = vector.load %arg4[%swap3A, %swap3A_10] : memref<2000x64xf32, #tpu.memory_space<vmem>>, vector<2000x64xf32>
    tpu.vector_store %arg4[%swap3A, %swap3A_10], %add3A_9 {strides = array<i32>} : memref<2000x64xf32, #tpu.memory_space<vmem>>, vector<2000x64xf32>,
    return
  }
  func.func @transform_0(%arg0: i32) -> (i32, i32) {
    %c0_i32 = arith.constant 0 : i32
    %c0_i32_0 = arith.constant 0 : i32
    return %arg0, %c0_i32 : i32, i32
  }
  func.func @transform_1(%arg0: i32) -> (i32, i32) {
    %c0_i32 = arith.constant 0 : i32
    %c0_i32_0 = arith.constant 0 : i32
    %c0_i32_1 = arith.constant 0 : i32
    return %c0_i32, %c0_i32_0 : i32, i32
  }
  func.func @transform_2(%arg0: i32) -> (i32, i32) {
    %c0_i32 = arith.constant 0 : i32
    %c0_i32_0 = arith.constant 0 : i32
    %c0_i32_1 = arith.constant 0 : i32
    return %c0_i32, %c0_i32_0 : i32, i32
  }
  func.func @transform_3(%arg0: i32) -> (i32, i32) {
    %c0_i32 = arith.constant 0 : i32
    %c0_i32_0 = arith.constant 0 : i32
    return %arg0, %c0_i32 : i32, i32
  }
}

module attributes {stable_mosaic.version = 14 : i64} {
  func.func @_zsplit_body(%arg0: i32, %arg1: memref<2000x64xf32, #tpu.memory_space<vmem>>, %arg2: memref<64x64xf32, #tpu.memory_space<vmem>>, %arg3: memref<2000x32xf32, #tpu.memory_space<vmem>>, %arg4: memref<2000x32xf32, #tpu.memory_space<vmem>>) attributes {dimension_semantics = [#tpu.dimension_semantics<arbitrary>], iteration_bounds = array<i64: 25>, scalar_prefetch = 0 : i64, scratch_operands = 0 : i64, tpu.core_type = #tpu.core_type<tc>, window_params = [{transform_indices = @transform_0, window_bounds = array<i64: 2000, 64>}, {pipeline_mode = #tpu.pipeline_mode<synchronous>, transform_indices = @transform_1, window_bounds = array<i64: 64, 64>}, {transform_indices = @transform_2, window_bounds = array<i64: 2000, 32>}, {transform_indices = @transform_3, window_bounds = array<i64: 2000, 32>}]} {
    %get3A = arith.constant 0 : index
    %get3A_0 = arith.constant 0 : index
    %get3A_1 = vector.load %arg1[%get3A, %get3A_0] : memref<2000x64xf32, #tpu.memory_space<vmem>>, vector<2000x64xf32>
    %get3A_2 = arith.constant 0 : index
    %get3A_3 = arith.constant 0 : index
    %get3A_4 = vector.load %arg2[%get3A_2, %get3A_3] : memref<64x64xf32, #tpu.memory_space<vmem>>, vector<64x64xf32>
    %dot_general3A = arith.constant dense<0.000000e+00> : vector<2000x64xf32>
    %dot_general3A_5 = tpu.matmul %get3A_1, %get3A_4, %dot_general3A {dimension_numbers = #tpu.dot_dimension_numbers<[1], [0], [0], [1], [0, 0, 1, 1], [], []>, transpose_lhs_hint = false} : vector<2000x64xf32>, vector<64x64xf32>, vector<2000x64xf32> -> vector<2000x64xf32>
    %slice3A = vector.extract_strided_slice %dot_general3A_5 {offsets = [0, 0], sizes = [2000, 32], strides = [1, 1]} : vector<2000x64xf32> to vector<2000x32xf32>
    %swap3A = arith.constant 0 : index
    %swap3A_6 = arith.constant 0 : index
    %swap3A_7 = vector.load %arg3[%swap3A, %swap3A_6] : memref<2000x32xf32, #tpu.memory_space<vmem>>, vector<2000x32xf32>
    tpu.vector_store %arg3[%swap3A, %swap3A_6], %slice3A {strides = array<i32>} : memref<2000x32xf32, #tpu.memory_space<vmem>>, vector<2000x32xf32>,
    %slice3A_8 = vector.extract_strided_slice %dot_general3A_5 {offsets = [0, 32], sizes = [2000, 32], strides = [1, 1]} : vector<2000x64xf32> to vector<2000x32xf32>
    %swap3A_9 = arith.constant 0 : index
    %swap3A_10 = arith.constant 0 : index
    %swap3A_11 = vector.load %arg4[%swap3A_9, %swap3A_10] : memref<2000x32xf32, #tpu.memory_space<vmem>>, vector<2000x32xf32>
    tpu.vector_store %arg4[%swap3A_9, %swap3A_10], %slice3A_8 {strides = array<i32>} : memref<2000x32xf32, #tpu.memory_space<vmem>>, vector<2000x32xf32>,
    return
  }
  func.func @transform_0(%arg0: i32) -> (i32, i32) {
    %c0_i32 = arith.constant 0 : i32
    %c0_i32_0 = arith.constant 0 : i32
    return %arg0, %c0_i32 : i32, i32
  }
  func.func @transform_1(%arg0: i32) -> (i32, i32) {
    %c0_i32 = arith.constant 0 : i32
    %c0_i32_0 = arith.constant 0 : i32
    %c0_i32_1 = arith.constant 0 : i32
    return %c0_i32, %c0_i32_0 : i32, i32
  }
  func.func @transform_2(%arg0: i32) -> (i32, i32) {
    %c0_i32 = arith.constant 0 : i32
    %c0_i32_0 = arith.constant 0 : i32
    return %arg0, %c0_i32 : i32, i32
  }
  func.func @transform_3(%arg0: i32) -> (i32, i32) {
    %c0_i32 = arith.constant 0 : i32
    %c0_i32_0 = arith.constant 0 : i32
    return %arg0, %c0_i32 : i32, i32
  }
}

module attributes {stable_mosaic.version = 14 : i64} {
  func.func @_recip_body(%arg0: i32, %arg1: memref<32x2944xf32, #tpu.memory_space<vmem>>, %arg2: memref<2944x1xf32, #tpu.memory_space<vmem>>) attributes {dimension_semantics = [#tpu.dimension_semantics<arbitrary>], iteration_bounds = array<i64: 17>, scalar_prefetch = 0 : i64, scratch_operands = 0 : i64, tpu.core_type = #tpu.core_type<tc>, window_params = [{transform_indices = @transform_0, window_bounds = array<i64: 32, 2944>}, {transform_indices = @transform_1, window_bounds = array<i64: 2944, 1>}]} {
    %get3A = arith.constant 0 : index
    %get3A_0 = arith.constant 0 : index
    %get3A_1 = vector.load %arg1[%get3A, %get3A_0] : memref<32x2944xf32, #tpu.memory_space<vmem>>, vector<32x2944xf32>
    %reduce_sum3A = arith.constant dense<0.000000e+00> : vector<2944xf32>
    %reduce_sum3A_2 = vector.multi_reduction <add>, %get3A_1, %reduce_sum3A [0] : vector<32x2944xf32> to vector<2944xf32>
    %max3A = arith.constant 1.000000e+00 : f32
    %max3A_3 = vector.broadcast %max3A : f32 to vector<2944xf32>
    %max3A_4 = arith.maximumf %reduce_sum3A_2, %max3A_3 : vector<2944xf32>
    %div3A = arith.constant 1.000000e+00 : f32
    %div3A_5 = vector.broadcast %div3A : f32 to vector<2944xf32>
    %div3A_6 = arith.divf %div3A_5, %max3A_4 : vector<2944xf32>
    %broadcast_in_dim3A = vector.shape_cast %div3A_6 : vector<2944xf32> to vector<2944x1xf32>
    %swap3A = arith.constant 0 : index
    %swap3A_7 = arith.constant 0 : index
    %swap3A_8 = vector.load %arg2[%swap3A, %swap3A_7] : memref<2944x1xf32, #tpu.memory_space<vmem>>, vector<2944x1xf32>
    tpu.vector_store %arg2[%swap3A, %swap3A_7], %broadcast_in_dim3A {strides = array<i32>} : memref<2944x1xf32, #tpu.memory_space<vmem>>, vector<2944x1xf32>,
    return
  }
  func.func @transform_0(%arg0: i32) -> (i32, i32) {
    %c0_i32 = arith.constant 0 : i32
    %c0_i32_0 = arith.constant 0 : i32
    return %c0_i32, %arg0 : i32, i32
  }
  func.func @transform_1(%arg0: i32) -> (i32, i32) {
    %c0_i32 = arith.constant 0 : i32
    %c0_i32_0 = arith.constant 0 : i32
    return %arg0, %c0_i32 : i32, i32
  }
}

module attributes {stable_mosaic.version = 14 : i64} {
  func.func @_combine_relu_body(%arg0: i32, %arg1: memref<2000x64xf32, #tpu.memory_space<vmem>>, %arg2: memref<2000x1xf32, #tpu.memory_space<vmem>>, %arg3: memref<2000x64xf32, #tpu.memory_space<vmem>>, %arg4: memref<64x64xf32, #tpu.memory_space<vmem>>, %arg5: memref<1x64xf32, #tpu.memory_space<vmem>>, %arg6: memref<2000x64xf32, #tpu.memory_space<vmem>>) attributes {dimension_semantics = [#tpu.dimension_semantics<arbitrary>], iteration_bounds = array<i64: 25>, scalar_prefetch = 0 : i64, scratch_operands = 0 : i64, tpu.core_type = #tpu.core_type<tc>, window_params = [{transform_indices = @transform_0, window_bounds = array<i64: 2000, 64>}, {transform_indices = @transform_1, window_bounds = array<i64: 2000, 1>}, {transform_indices = @transform_2, window_bounds = array<i64: 2000, 64>}, {pipeline_mode = #tpu.pipeline_mode<synchronous>, transform_indices = @transform_3, window_bounds = array<i64: 64, 64>}, {pipeline_mode = #tpu.pipeline_mode<synchronous>, transform_indices = @transform_4, window_bounds = array<i64: 1, 64>}, {transform_indices = @transform_5, window_bounds = array<i64: 2000, 64>}]} {
    %get3A = arith.constant 0 : index
    %get3A_0 = arith.constant 0 : index
    %get3A_1 = vector.load %arg1[%get3A, %get3A_0] : memref<2000x64xf32, #tpu.memory_space<vmem>>, vector<2000x64xf32>
    %get3A_2 = arith.constant 0 : index
    %get3A_3 = arith.constant 0 : index
    %get3A_4 = vector.load %arg2[%get3A_2, %get3A_3] : memref<2000x1xf32, #tpu.memory_space<vmem>>, vector<2000x1xf32>
    %mul3A = vector.broadcast %get3A_4 : vector<2000x1xf32> to vector<2000x64xf32>
    %mul3A_5 = arith.mulf %get3A_1, %mul3A : vector<2000x64xf32>
    %get3A_6 = arith.constant 0 : index
    %get3A_7 = arith.constant 0 : index
    %get3A_8 = vector.load %arg3[%get3A_6, %get3A_7] : memref<2000x64xf32, #tpu.memory_space<vmem>>, vector<2000x64xf32>
    %get3A_9 = arith.constant 0 : index
    %get3A_10 = arith.constant 0 : index
    %get3A_11 = vector.load %arg4[%get3A_9, %get3A_10] : memref<64x64xf32, #tpu.memory_space<vmem>>, vector<64x64xf32>
    %dot_general3A = arith.constant dense<0.000000e+00> : vector<2000x64xf32>
    %dot_general3A_12 = tpu.matmul %get3A_8, %get3A_11, %dot_general3A {dimension_numbers = #tpu.dot_dimension_numbers<[1], [0], [0], [1], [0, 0, 1, 1], [], []>, transpose_lhs_hint = false} : vector<2000x64xf32>, vector<64x64xf32>, vector<2000x64xf32> -> vector<2000x64xf32>
    %add3A = arith.addf %mul3A_5, %dot_general3A_12 : vector<2000x64xf32>
    %get3A_13 = arith.constant 0 : index
    %get3A_14 = arith.constant 0 : index
    %get3A_15 = vector.load %arg5[%get3A_13, %get3A_14] : memref<1x64xf32, #tpu.memory_space<vmem>>, vector<1x64xf32>
    %add3A_16 = vector.broadcast %get3A_15 : vector<1x64xf32> to vector<2000x64xf32>
    %add3A_17 = arith.addf %add3A, %add3A_16 : vector<2000x64xf32>
    %max3A = arith.constant 0.000000e+00 : f32
    %max3A_18 = vector.broadcast %max3A : f32 to vector<2000x64xf32>
    %max3A_19 = arith.maximumf %add3A_17, %max3A_18 : vector<2000x64xf32>
    %swap3A = arith.constant 0 : index
    %swap3A_20 = arith.constant 0 : index
    %swap3A_21 = vector.load %arg6[%swap3A, %swap3A_20] : memref<2000x64xf32, #tpu.memory_space<vmem>>, vector<2000x64xf32>
    tpu.vector_store %arg6[%swap3A, %swap3A_20], %max3A_19 {strides = array<i32>} : memref<2000x64xf32, #tpu.memory_space<vmem>>, vector<2000x64xf32>,
    return
  }
  func.func @transform_0(%arg0: i32) -> (i32, i32) {
    %c0_i32 = arith.constant 0 : i32
    %c0_i32_0 = arith.constant 0 : i32
    return %arg0, %c0_i32 : i32, i32
  }
  func.func @transform_1(%arg0: i32) -> (i32, i32) {
    %c0_i32 = arith.constant 0 : i32
    %c0_i32_0 = arith.constant 0 : i32
    return %arg0, %c0_i32 : i32, i32
  }
  func.func @transform_2(%arg0: i32) -> (i32, i32) {
    %c0_i32 = arith.constant 0 : i32
    %c0_i32_0 = arith.constant 0 : i32
    return %arg0, %c0_i32 : i32, i32
  }
  func.func @transform_3(%arg0: i32) -> (i32, i32) {
    %c0_i32 = arith.constant 0 : i32
    %c0_i32_0 = arith.constant 0 : i32
    %c0_i32_1 = arith.constant 0 : i32
    return %c0_i32, %c0_i32_0 : i32, i32
  }
  func.func @transform_4(%arg0: i32) -> (i32, i32) {
    %c0_i32 = arith.constant 0 : i32
    %c0_i32_0 = arith.constant 0 : i32
    %c0_i32_1 = arith.constant 0 : i32
    return %c0_i32, %c0_i32_0 : i32, i32
  }
  func.func @transform_5(%arg0: i32) -> (i32, i32) {
    %c0_i32 = arith.constant 0 : i32
    %c0_i32_0 = arith.constant 0 : i32
    return %arg0, %c0_i32 : i32, i32
  }
}

module attributes {stable_mosaic.version = 14 : i64} {
  func.func @_combine_body(%arg0: i32, %arg1: memref<2000x64xf32, #tpu.memory_space<vmem>>, %arg2: memref<2000x1xf32, #tpu.memory_space<vmem>>, %arg3: memref<2000x64xf32, #tpu.memory_space<vmem>>, %arg4: memref<64x64xf32, #tpu.memory_space<vmem>>, %arg5: memref<1x64xf32, #tpu.memory_space<vmem>>, %arg6: memref<2000x64xf32, #tpu.memory_space<vmem>>) attributes {dimension_semantics = [#tpu.dimension_semantics<arbitrary>], iteration_bounds = array<i64: 25>, scalar_prefetch = 0 : i64, scratch_operands = 0 : i64, tpu.core_type = #tpu.core_type<tc>, window_params = [{transform_indices = @transform_0, window_bounds = array<i64: 2000, 64>}, {transform_indices = @transform_1, window_bounds = array<i64: 2000, 1>}, {transform_indices = @transform_2, window_bounds = array<i64: 2000, 64>}, {pipeline_mode = #tpu.pipeline_mode<synchronous>, transform_indices = @transform_3, window_bounds = array<i64: 64, 64>}, {pipeline_mode = #tpu.pipeline_mode<synchronous>, transform_indices = @transform_4, window_bounds = array<i64: 1, 64>}, {transform_indices = @transform_5, window_bounds = array<i64: 2000, 64>}]} {
    %get3A = arith.constant 0 : index
    %get3A_0 = arith.constant 0 : index
    %get3A_1 = vector.load %arg1[%get3A, %get3A_0] : memref<2000x64xf32, #tpu.memory_space<vmem>>, vector<2000x64xf32>
    %get3A_2 = arith.constant 0 : index
    %get3A_3 = arith.constant 0 : index
    %get3A_4 = vector.load %arg2[%get3A_2, %get3A_3] : memref<2000x1xf32, #tpu.memory_space<vmem>>, vector<2000x1xf32>
    %mul3A = vector.broadcast %get3A_4 : vector<2000x1xf32> to vector<2000x64xf32>
    %mul3A_5 = arith.mulf %get3A_1, %mul3A : vector<2000x64xf32>
    %get3A_6 = arith.constant 0 : index
    %get3A_7 = arith.constant 0 : index
    %get3A_8 = vector.load %arg3[%get3A_6, %get3A_7] : memref<2000x64xf32, #tpu.memory_space<vmem>>, vector<2000x64xf32>
    %get3A_9 = arith.constant 0 : index
    %get3A_10 = arith.constant 0 : index
    %get3A_11 = vector.load %arg4[%get3A_9, %get3A_10] : memref<64x64xf32, #tpu.memory_space<vmem>>, vector<64x64xf32>
    %dot_general3A = arith.constant dense<0.000000e+00> : vector<2000x64xf32>
    %dot_general3A_12 = tpu.matmul %get3A_8, %get3A_11, %dot_general3A {dimension_numbers = #tpu.dot_dimension_numbers<[1], [0], [0], [1], [0, 0, 1, 1], [], []>, transpose_lhs_hint = false} : vector<2000x64xf32>, vector<64x64xf32>, vector<2000x64xf32> -> vector<2000x64xf32>
    %add3A = arith.addf %mul3A_5, %dot_general3A_12 : vector<2000x64xf32>
    %get3A_13 = arith.constant 0 : index
    %get3A_14 = arith.constant 0 : index
    %get3A_15 = vector.load %arg5[%get3A_13, %get3A_14] : memref<1x64xf32, #tpu.memory_space<vmem>>, vector<1x64xf32>
    %add3A_16 = vector.broadcast %get3A_15 : vector<1x64xf32> to vector<2000x64xf32>
    %add3A_17 = arith.addf %add3A, %add3A_16 : vector<2000x64xf32>
    %swap3A = arith.constant 0 : index
    %swap3A_18 = arith.constant 0 : index
    %swap3A_19 = vector.load %arg6[%swap3A, %swap3A_18] : memref<2000x64xf32, #tpu.memory_space<vmem>>, vector<2000x64xf32>
    tpu.vector_store %arg6[%swap3A, %swap3A_18], %add3A_17 {strides = array<i32>} : memref<2000x64xf32, #tpu.memory_space<vmem>>, vector<2000x64xf32>,
    return
  }
  func.func @transform_0(%arg0: i32) -> (i32, i32) {
    %c0_i32 = arith.constant 0 : i32
    %c0_i32_0 = arith.constant 0 : i32
    return %arg0, %c0_i32 : i32, i32
  }
  func.func @transform_1(%arg0: i32) -> (i32, i32) {
    %c0_i32 = arith.constant 0 : i32
    %c0_i32_0 = arith.constant 0 : i32
    return %arg0, %c0_i32 : i32, i32
  }
  func.func @transform_2(%arg0: i32) -> (i32, i32) {
    %c0_i32 = arith.constant 0 : i32
    %c0_i32_0 = arith.constant 0 : i32
    return %arg0, %c0_i32 : i32, i32
  }
  func.func @transform_3(%arg0: i32) -> (i32, i32) {
    %c0_i32 = arith.constant 0 : i32
    %c0_i32_0 = arith.constant 0 : i32
    %c0_i32_1 = arith.constant 0 : i32
    return %c0_i32, %c0_i32_0 : i32, i32
  }
  func.func @transform_4(%arg0: i32) -> (i32, i32) {
    %c0_i32 = arith.constant 0 : i32
    %c0_i32_0 = arith.constant 0 : i32
    %c0_i32_1 = arith.constant 0 : i32
    return %c0_i32, %c0_i32_0 : i32, i32
  }
  func.func @transform_5(%arg0: i32) -> (i32, i32) {
    %c0_i32 = arith.constant 0 : i32
    %c0_i32_0 = arith.constant 0 : i32
    return %arg0, %c0_i32 : i32, i32
  }
}

</mosaic_0001>

<sc_bundles>
// kernel: kernel.20.cloned.1.call-start
scs
__scs_entry_jumppad:
0x0: {  	(pc) =	sbr.rel $0x88, $3  }
0x1: {  	(tag) =	ssettag $0x0;
	lr =	simm.s32 $0x1  }
0x2: {  	[smem:$0x3F91] =	sst lr;
	_ =	strace $0xD0000000  }
0x3: {  	_ = 	snop  }
0x4: {  	_ = 	snop  }
0x5: {  	_ = 	snop  }
0x6: {  	_ = 	snop  }
0x7: {  	_ = 	snop  }
__scs_overlays_trampoline_lowered:
0x8: {  	[smem:$0x3FA0] =	sst s0  }
0x9: {  	[smem:$0x3FA1] =	sst s1  }
0xa: {  	[smem:$0x3FA2] =	sst s2  }
0xb: {  	[smem:$0x3FA3] =	sst s3  }
0xc: {  	[smem:$0x3FA4] =	sst s4  }
0xd: {  	[smem:$0x3FA5] =	sst s5  }
0xe: {  	[smem:$0x3FA6] =	sst s6  }
0xf: {  	[smem:$0x3FA7] =	sst s7  }
0x10: {  	[smem:$0x3FA8] =	sst s8  }
0x11: {  	[smem:$0x3FA9] =	sst s9;
	s0 =	simm.s32 @!p0 $0x0  }
0x12: {  	s1 =	sld [smem:$0x3F8F];
	s0 =	simm.s32 @p0 $0x1  }
0x13: {  	[smem:$0x3FAA] =	sst s0;
	s0 =	simm.s32 @!p1 $0x0  }
0x14: {  	s2 =	sld [smem:$0x3F8E];
	s0 =	simm.s32 @p1 $0x1  }
0x15: {  	[smem:$0x3FAB] =	sst s0;
	s0 =	simm.s32 @!p2 $0x0  }
0x16: {  	s3 =	sld [smem:$0x3FDB];
	s0 =	simm.s32 @p2 $0x1  }
0x17: {  	s4 =	simm.s32 $0x1BF5;
	[smem:$0x3FAD] =	sst s0  }
0x18: {  	s0 =	sld [smem:$0x3F90];
	_ =	swait.ge [sflag:s4], $0x0  }
0x19: {  	s7 =	sld [smem:$0x3F91]  }
0x1a: {  	s8 =	sadd.s32 $0xFFFFE003, lr  }
0x1b: {  	s9 =	sadd.s32 $0xFFFFFEF7, lr;
	s5 =	simm.s32 $0xFFFFFFFF;
	p2 =	slt.u32 s8, $0xFFFFF086  }
0x1c: {  	p1 =	slt.u32 s9, $0xF7A;
	s5 =	simm.s32 @!p2 $0x0  }
0x1d: {  	s5 =	simm.s32 @p1 $0x1;
	p0 =	seq.s32 s7, s2  }
0x1e: {  	s7 =	smul.u32 @!p0 $0xF7A, s2;
	p2 =	seq.s32 @!p0 s5, $0x0  }
0x1f: {  	s9 =	smul.u32 $0xF7A, s1;
	s8 =	simm.s32 @!p0 $0x1BF5;
	p2 =	por !p2, p0  }
0x20: {  	[sflag:s8] =	ssyncset.s32 @!p0 $0xFFFFF086;
	s6 =	sadd.s32 @!p0 s3, s7;
	s7 =	simm.s32 @!p0 $0x108  }
0x21: {  	s3 =	sadd.s32 s3, s9;
	s6 =	sadd.s32 @!p0 $0x88, s6;
	s7 =	simm.s32 @p2 $0x1082  }
0x22: {  	[simem:s7], [sflag:s8] =	dma.local @!p0 [hbm:s6], $0xF7A  }
0x23: {  	s9 =	sor.u32 $0xD0000000, s2;
	s6 =	simm.s32 $0x108;
	_ =	swait.ge @!p0 [sflag:s8], $0x0  }
0x24: {  	s3 =	sadd.s32 $0x88, s3;
	s6 =	simm.s32 @!p1 $0x1082;
	[sflag:s4] =	ssyncset.s32 $0xFFFFF086  }
0x25: {  	[simem:s6], [sflag:s4] =	dma.local [hbm:s3], $0xF7A  }
0x26: {  	[smem:$0x3F91] =	sst s1;
	(tag) =	ssettag s2;
	_ =	strace s9  }
0x27: {  	s1 =	sld [smem:$0x3FA1]  }
0x28: {  	s2 =	sld [smem:$0x3FA2]  }
0x29: {  	s4 =	sld [smem:$0x3FA4]  }
0x2a: {  	p0 =	seq.s32 s5, $0x0;
	s5 =	sld [smem:$0x3FA5]  }
0x2b: {  	s6 =	sld [smem:$0x3FA6]  }
0x2c: {  	s7 =	sld [smem:$0x3FA7]  }
0x2d: {  	s3 =	simm.s32 $0x108;
	s8 =	sld [smem:$0x3FA8]  }
0x2e: {  	s3 =	simm.s32 @!p0 $0x1082;
	s9 =	sld [smem:$0x3FA9]  }
0x2f: {  	lr =	sadd.s32 s0, s3;
	s0 =	sld [smem:$0x3FA0]  }
0x30: {  	s3 =	sld [smem:$0x3FA3]  }
0x31: {  	[smem:$0x3FAC] =	sst s10  }
0x32: {  	s10 =	sld [smem:$0x3FAA];
	_ =	sdelay $0x3  }
0x33: {  	p0 =	seq.s32 s10, $0x1;
	s10 =	sld [smem:$0x3FAC];
	_ =	sdelay $0x3  }
0x34: {  	[smem:$0x3FAC] =	sst s10  }
0x35: {  	s10 =	sld [smem:$0x3FAB];
	_ =	sdelay $0x3  }
0x36: {  	p1 =	seq.s32 s10, $0x1;
	s10 =	sld [smem:$0x3FAC];
	_ =	sdelay $0x3  }
0x37: {  	[smem:$0x3FAC] =	sst s10  }
0x38: {  	s10 =	sld [smem:$0x3FAD]  }
0x39: {  	_ = 	snop;
	(pc) =	sbr.ind lr, $3  }
0x3a: {  	_ = 	snop  }
0x3b: {  	_ = 	snop  }
0x3c: {  	p2 =	seq.s32 s10, $0x1;
	s10 =	sld [smem:$0x3FAC]  }
0x3d: {  	_ =	shalt  }
0x3e: {  	_ =	shalt  }
0x3f: {  	_ =	shalt  }
0x40: {  	_ =	shalt  }
0x41: {  	_ =	shalt  }
0x42: {  	_ =	shalt  }
0x43: {  	_ =	shalt  }
0x44: {  	_ =	shalt  }
0x45: {  	_ =	shalt  }
0x46: {  	_ =	shalt  }
0x47: {  	_ =	shalt  }
0x48: {  	_ =	shalt  }
0x49: {  	_ =	shalt  }
0x4a: {  	_ =	shalt  }
0x4b: {  	_ =	shalt  }
0x4c: {  	_ =	shalt  }
0x4d: {  	_ =	shalt  }
0x4e: {  	_ =	shalt  }
0x4f: {  	_ =	shalt  }
0x50: {  	_ =	shalt  }
0x51: {  	_ =	shalt  }
0x52: {  	_ =	shalt  }
0x53: {  	_ =	shalt  }
0x54: {  	_ =	shalt  }
0x55: {  	_ =	shalt  }
0x56: {  	_ =	shalt  }
0x57: {  	_ =	shalt  }
0x58: {  	_ =	shalt  }
0x59: {  	_ =	shalt  }
0x5a: {  	_ =	shalt  }
0x5b: {  	_ =	shalt  }
0x5c: {  	_ =	shalt  }
0x5d: {  	_ =	shalt  }
0x5e: {  	_ =	shalt  }
0x5f: {  	_ =	shalt  }
0x60: {  	_ =	shalt  }
0x61: {  	_ =	shalt  }
0x62: {  	_ =	shalt  }
0x63: {  	_ =	shalt  }
0x64: {  	_ =	shalt  }
0x65: {  	_ =	shalt  }
0x66: {  	_ =	shalt  }
0x67: {  	_ =	shalt  }
0x68: {  	_ =	shalt  }
0x69: {  	_ =	shalt  }
0x6a: {  	_ =	shalt  }
0x6b: {  	_ =	shalt  }
0x6c: {  	_ =	shalt  }
0x6d: {  	_ =	shalt  }
0x6e: {  	_ =	shalt  }
0x6f: {  	_ =	shalt  }
0x70: {  	_ =	shalt  }
0x71: {  	_ =	shalt  }
0x72: {  	_ =	shalt  }
0x73: {  	_ =	shalt  }
0x74: {  	_ =	shalt  }
0x75: {  	_ =	shalt  }
0x76: {  	_ =	shalt  }
0x77: {  	_ =	shalt  }
0x78: {  	_ =	shalt  }
0x79: {  	_ =	shalt  }
0x7a: {  	_ =	shalt  }
0x7b: {  	_ =	shalt  }
0x7c: {  	_ =	shalt  }
0x7d: {  	_ =	shalt  }
0x7e: {  	_ =	shalt  }
0x7f: {  	_ =	shalt  }
0x80: {  	_ =	shalt  }
0x81: {  	_ =	shalt  }
0x82: {  	_ =	shalt  }
0x83: {  	_ =	shalt  }
0x84: {  	_ =	shalt  }
0x85: {  	_ =	shalt  }
0x86: {  	_ =	shalt  }
0x87: {  	_ =	shalt  }
.Lfunc_end0:
.L_simem_size_0:
called_computation_lowered:
.L_overlay_start_0:
0x88: {  	s2 =	sld [smem:$0x3FD9]  }
0x89: {  	s3 =	sld [smem:$0x3FFE];
	_ =	sdelay $0x1  }
0x8a: {  	s1 =	srdreg.scid  }
0x8b: {  	s0 =	sand.u32 $0x1, s1  }
0x8c: {  	s17 =	sshll.u32 s0, $0xA;
	s2 =	sadd.s32 s3, s2  }
0x8d: {  	s2 =	sadd.s32 s2, s17  }
0x8e: {  	[smem:$0x3FB8] =	sst s2  }
0x8f: {  	_ = 	snop  }
0x90: {  	(tm) =	ssettm $0x1  }
0x91: {  	s18 =	sld [smem:$0x3FFB];
	_ =	sdelay $0x3  }
0x92: {  	_ =	strace s18  }
0x93: {  	s2 =	sld [smem:$0x3FFC];
	_ =	sdelay $0x3  }
0x94: {  	_ =	strace s2  }
0x95: {  	s2 =	sld [smem:$0x3FFD];
	_ =	sdelay $0x3  }
0x96: {  	_ =	strace s2  }
0x97: {  	_ =	strace $0x8FFFFFFF  }
0x98: {  	s19 =	sld [smem:$0x3FDB];
	_ =	sdelay $0x1  }
0x99: {  	s20 =	simm.s32 $_scs_section_size  }
0x9a: {  	s4 =	simm.s32 $_size__tile_overlayer_lowered;
	s5 =	simm.s32 $_tile_overlayer_lowered  }
0x9b: {  	s6 =	simm.s32 $0x1BFF;
	s21 =	sshll.u32 s5, $0x1;
	s3 =	sadd.s32 s20, s19  }
0x9c: {  	s22 =	simm.s32 $0x0;
	s4 =	sshll.u32 s4, $0x1;
	s5 =	sadd.s32 s21, s3  }
0x9d: {  	[timem:s22], [sflag:s6] =	dma.local [hbm:s5], s4  }
0x9e: {  	_ =	swait.ge [sflag:s6], s4  }
0x9f: {  	s4 =	ssub.s32 $0x0, s4;
	[sflag:s6] =	ssyncset.done $0x0  }
0xa0: {  	[sflag:s6] =	ssyncadd.s32 s4;
	_ =	sdelay $0x1  }
0xa1: {  	s23 =	simm.s32 $0x1B8B  }
0xa2: {  	_ =	swait.ge [sflag:s23], $0x1  }
0xa3: {  	[sflag:s23] =	ssyncset.done $0x0  }
0xa4: {  	[sflag:s23] =	ssyncadd.s32 $0xFFFFFFFF  }
0xa5: {  	s4 =	sld [smem:$0x0]  }
0xa6: {  	s5 =	sand.u32 $0xFFFFFFFE, s1  }
0xa7: {  	p0 =	sne.s32 s1, s5  }
0xa8: {  	s5 =	sshll.u32 @p0 s5, $0xE  }
0xa9: {  	s5 =	sadd.s32 @p0 $0x11B8D, s5;
	s6 =	sshll.u32 @p0 s4, $0x11  }
0xaa: {  	s5 =	sor.u32 @p0 s6, s5  }
0xab: {  	[sflag:s5] =	ssyncadd.remote.s32 @p0 $0x1;
	_ =	sdelay $0x1  }
0xac: {  	s5 =	simm.s32 @p0 $0x1B8D  }
0xad: {  	_ =	swait.eq @p0 [sflag:s5], $0x1  }
0xae: {  	[sflag:s5] =	ssyncadd.s32 @p0 $0xFFFFFFFF  }
0xaf: {  	s6 =	sshll.u32 @!p0 s1, $0xE  }
0xb0: {  	s6 =	sor.u32 @!p0 $0x4000, s6;
	s5 =	simm.s32 @!p0 $0x1B8D  }
0xb1: {  	s4 =	sshll.u32 @!p0 s4, $0x11;
	s6 =	sadd.s32 @!p0 $0x11B8D, s6;
	_ =	swait.eq @!p0 [sflag:s5], $0x1  }
0xb2: {  	s4 =	sor.u32 @!p0 s4, s6;
	[sflag:s5] =	ssyncadd.s32 @!p0 $0xFFFFFFFF  }
0xb3: {  	s25 =	simm.s32 $0x1B8E;
	s24 =	sld [smem:$0x3FFE];
	[sflag:s4] =	ssyncadd.remote.s32 @!p0 $0x1  }
0xb4: {  	s26 =	simm.s32 $execute0_lowered;
	[smem:$0x3FD2] =	sst s25  }
0xb5: {  	s5 =	sshll.u32 s26, $0x1;
	_ =	strace $0x8000004C;
	[dreg:$0x1] =	wrdreg $0xFFFFFFFF  }
0xb6: {  	s28 =	simm.s32 $_size_execute0_lowered;
	s3 =	sadd.s32 s3, s5;
	[dreg:$0x0] =	wrdreg $0x0  }
0xb7: {  	s5 =	sshll.u32 s28, $0x1;
	[dreg:$0x2] =	wrdreg s3  }
0xb8: {  	[dreg:$0x3] =	wrdreg s5  }
0xb9: {  	[dreg:$0x4] =	wrdreg $0xC0  }
0xba: {  	_ =	task [dreg:s22], $0x5FFFF  }
0xbb: {  	[dreg:$0x1] =	wrdreg $0xFFFFFFFF  }
0xbc: {  	[dreg:$0x0] =	wrdreg $0x60  }
0xbd: {  	[dreg:$0x2] =	wrdreg s24  }
0xbe: {  	[dreg:$0x3] =	wrdreg $0x9  }
0xbf: {  	_ =	task.clear_ibuf [dreg:s22], $0x4FFFF;
	_ =	strace $0x9000004C  }
0xc0: {  	s29 =	simm.s32 $0x9;
	_ =	strace $0x8000004E  }
0xc1: {  	_ =	swait.ge [sflag:s29], $0x1  }
0xc2: {  	[sflag:s29] =	ssyncadd.s32 $0xFFFFFFFF  }
0xc3: {  	_ =	strace $0x9000004E  }
0xc4: {  	_ =	sfence  }
0xc5: {  	s30 =	sld [smem:$0x0];
	_ =	sdelay $0x2  }
0xc6: {  	s31 =	sshll.u32 s1, $0xD;
	s1 =	sshrl.u32 s1, $0x2  }
0xc7: {  	s4 =	sand.u32 $0x4000, s31;
	s1 =	sadd.s32 s1, s30  }
0xc8: {  	s0 =	sor.u32 s4, s0;
	s1 =	sshll.u32 s1, $0x11  }
0xc9: {  	s0 =	sor.u32 s1, s0  }
0xca: {  	s0 =	sadd.s32 $0x8F2B, s0  }
0xcb: {  	[sflag:s0] =	ssyncadd.remote.s32 $0x1  }
0xcc: {  	_ =	sfence.sel $0xFFFF  }
0xcd: {  	[dreg:$0x0] =	wrdreg $0xFFFFFFFF;
	(pc) =	sbr.abs _section_cstart, $3  }
0xce: {  	[dreg:$0x1] =	wrdreg $0xFFFFFFFF  }
0xcf: {  	_ =	task.clear_ibuf [dreg:s22], $0x2FFFF;
	_ =	strace $0x9FFFFFFF  }
0xd0: {  	(tm) =	ssettm $0x7FFFFFFF  }
0xd1: {  	_ =	shalt  }
tec
execute0_lowered:
.L_overlay_start_1:
0x0: {  	(tag) =	ssettag $0x1  }
0x1: {  	s0 =	srdreg.scid;
	s5 =	rddreg [dreg:$0x0]  }
0x2: {  	s1 =	rddreg [dreg:$0x1];
	s3 =	sand.u32 $0x1, s0  }
0x3: {  	s0 =	stileid.u32;
	s4 =	smul.u32 $0x62000, s3  }
0x4: {  	s2 =	simm.s32 $0x0;
	s6 =	smul.u32 $0x6200, s0;
	s7 =	sshll.u32 s3, $0x4  }
0x5: {  	s9 =	simm.s32 $0x0;
	[smem:$0x7FF] =	sst s2;
	s28 =	sor.u32 s0, s7  }
0x6: {  	s29 =	ssub.s32 $0x2, s3;
	s4 =	sadd.s32 s6, s4;
	s6 =	smul.u32 $0x1870, s28  }
0x7: {  	_ =	strace $0x8000004D;
	s3 =	sadd.s32 $0x1DE00, s5;
	s4 =	sshrl.u32 s4, $0x3  }
0x8: {  	s30 =	sshrl.u32 s29, $0x1;
	s8 =	sadd.s32 s4, s5;
	s5 =	sadd.s32 s6, s5  }
0x9: {  	s7 =	simm.s32 $0x1;
	s31 =	ssub.s32 s29, s30;
	s4 =	sadd.s32 $0x179000, s5  }
0xa: {  	v0 =	vimm.f32 $1.000000000e+00;
	s5 =	smax.u32 s31, $0x1;
	s6 =	sadd.s32 $0x160800, s8;
	s8 =	simm.s32 $0xC380  }
.LBB2_1:
0xb: {  	[tilespmem:s2], [sflag:$0x1] =	stream.linear.gather [hbm4b:s3+s2], $0xC380, $0x38;
	[tilespmem:$0xC580] =	vst v63  }
0xc: {  	_ =	swait.ge [sflag:s7], $0xC380  }
0xd: {  	[sflag:s7] =	ssyncset.done $0x0  }
0xe: {  	s10 =	simm.s32 $0x0;
	[sflag:s7] =	ssyncadd.s32 $0xFFFF3C80  }
.LBB2_2:
0xf: {  	s11 =	sadd.s32 s10, s6  }
0x10: {  	[tilespmem:s8], [sflag:$0x1] =	stream.linear.gather [hbm4b:s11+s2], $0x200, $0x38;
	[tilespmem:$0xC580] =	vst v63  }
0x11: {  	_ =	swait.ge [sflag:s7], $0x200  }
0x12: {  	[sflag:s7] =	ssyncset.done $0x0  }
0x13: {  	[sflag:s7] =	ssyncadd.s32 $0xFFFFFE00  }
0x14: {  	v1 =	vld [tilespmem:$0xC380];
	_ =	sdelay $0x7  }
0x15: {  	[tilespmem:v1+s2+$0x0] =	vst.idx.add.f32.msk $0xffff, v0  }
0x16: {  	v1 =	vld [tilespmem:$0xC390];
	_ =	sdelay $0x7  }
0x17: {  	[tilespmem:v1+s2+$0x0] =	vst.idx.add.f32.msk $0xffff, v0  }
0x18: {  	v1 =	vld [tilespmem:$0xC3A0];
	_ =	sdelay $0x7  }
0x19: {  	[tilespmem:v1+s2+$0x0] =	vst.idx.add.f32.msk $0xffff, v0  }
0x1a: {  	v1 =	vld [tilespmem:$0xC3B0];
	_ =	sdelay $0x7  }
0x1b: {  	[tilespmem:v1+s2+$0x0] =	vst.idx.add.f32.msk $0xffff, v0  }
0x1c: {  	v1 =	vld [tilespmem:$0xC3C0];
	_ =	sdelay $0x7  }
0x1d: {  	[tilespmem:v1+s2+$0x0] =	vst.idx.add.f32.msk $0xffff, v0  }
0x1e: {  	v1 =	vld [tilespmem:$0xC3D0];
	_ =	sdelay $0x7  }
0x1f: {  	[tilespmem:v1+s2+$0x0] =	vst.idx.add.f32.msk $0xffff, v0  }
0x20: {  	v1 =	vld [tilespmem:$0xC3E0];
	_ =	sdelay $0x7  }
0x21: {  	[tilespmem:v1+s2+$0x0] =	vst.idx.add.f32.msk $0xffff, v0  }
0x22: {  	v1 =	vld [tilespmem:$0xC3F0];
	_ =	sdelay $0x7  }
0x23: {  	[tilespmem:v1+s2+$0x0] =	vst.idx.add.f32.msk $0xffff, v0  }
0x24: {  	v1 =	vld [tilespmem:$0xC400];
	_ =	sdelay $0x7  }
0x25: {  	[tilespmem:v1+s2+$0x0] =	vst.idx.add.f32.msk $0xffff, v0  }
0x26: {  	v1 =	vld [tilespmem:$0xC410];
	_ =	sdelay $0x7  }
0x27: {  	[tilespmem:v1+s2+$0x0] =	vst.idx.add.f32.msk $0xffff, v0  }
0x28: {  	v1 =	vld [tilespmem:$0xC420];
	_ =	sdelay $0x7  }
0x29: {  	[tilespmem:v1+s2+$0x0] =	vst.idx.add.f32.msk $0xffff, v0  }
0x2a: {  	v1 =	vld [tilespmem:$0xC430];
	_ =	sdelay $0x7  }
0x2b: {  	[tilespmem:v1+s2+$0x0] =	vst.idx.add.f32.msk $0xffff, v0  }
0x2c: {  	v1 =	vld [tilespmem:$0xC440];
	_ =	sdelay $0x7  }
0x2d: {  	[tilespmem:v1+s2+$0x0] =	vst.idx.add.f32.msk $0xffff, v0  }
0x2e: {  	v1 =	vld [tilespmem:$0xC450];
	_ =	sdelay $0x7  }
0x2f: {  	[tilespmem:v1+s2+$0x0] =	vst.idx.add.f32.msk $0xffff, v0  }
0x30: {  	v1 =	vld [tilespmem:$0xC460];
	_ =	sdelay $0x7  }
0x31: {  	[tilespmem:v1+s2+$0x0] =	vst.idx.add.f32.msk $0xffff, v0  }
0x32: {  	v1 =	vld [tilespmem:$0xC470];
	_ =	sdelay $0x7  }
0x33: {  	[tilespmem:v1+s2+$0x0] =	vst.idx.add.f32.msk $0xffff, v0  }
0x34: {  	v1 =	vld [tilespmem:$0xC480];
	_ =	sdelay $0x7  }
0x35: {  	[tilespmem:v1+s2+$0x0] =	vst.idx.add.f32.msk $0xffff, v0  }
0x36: {  	v1 =	vld [tilespmem:$0xC490];
	_ =	sdelay $0x7  }
0x37: {  	[tilespmem:v1+s2+$0x0] =	vst.idx.add.f32.msk $0xffff, v0  }
0x38: {  	v1 =	vld [tilespmem:$0xC4A0];
	_ =	sdelay $0x7  }
0x39: {  	[tilespmem:v1+s2+$0x0] =	vst.idx.add.f32.msk $0xffff, v0  }
0x3a: {  	v1 =	vld [tilespmem:$0xC4B0];
	_ =	sdelay $0x7  }
0x3b: {  	[tilespmem:v1+s2+$0x0] =	vst.idx.add.f32.msk $0xffff, v0  }
0x3c: {  	v1 =	vld [tilespmem:$0xC4C0];
	_ =	sdelay $0x7  }
0x3d: {  	[tilespmem:v1+s2+$0x0] =	vst.idx.add.f32.msk $0xffff, v0  }
0x3e: {  	v1 =	vld [tilespmem:$0xC4D0];
	_ =	sdelay $0x7  }
0x3f: {  	[tilespmem:v1+s2+$0x0] =	vst.idx.add.f32.msk $0xffff, v0  }
0x40: {  	v1 =	vld [tilespmem:$0xC4E0];
	_ =	sdelay $0x7  }
0x41: {  	[tilespmem:v1+s2+$0x0] =	vst.idx.add.f32.msk $0xffff, v0  }
0x42: {  	v1 =	vld [tilespmem:$0xC4F0];
	_ =	sdelay $0x7  }
0x43: {  	[tilespmem:v1+s2+$0x0] =	vst.idx.add.f32.msk $0xffff, v0  }
0x44: {  	v1 =	vld [tilespmem:$0xC500];
	_ =	sdelay $0x7  }
0x45: {  	[tilespmem:v1+s2+$0x0] =	vst.idx.add.f32.msk $0xffff, v0  }
0x46: {  	v1 =	vld [tilespmem:$0xC510];
	_ =	sdelay $0x7  }
0x47: {  	[tilespmem:v1+s2+$0x0] =	vst.idx.add.f32.msk $0xffff, v0  }
0x48: {  	v1 =	vld [tilespmem:$0xC520];
	_ =	sdelay $0x7  }
0x49: {  	[tilespmem:v1+s2+$0x0] =	vst.idx.add.f32.msk $0xffff, v0  }
0x4a: {  	v1 =	vld [tilespmem:$0xC530];
	_ =	sdelay $0x7  }
0x4b: {  	[tilespmem:v1+s2+$0x0] =	vst.idx.add.f32.msk $0xffff, v0  }
0x4c: {  	v1 =	vld [tilespmem:$0xC540];
	_ =	sdelay $0x7  }
0x4d: {  	[tilespmem:v1+s2+$0x0] =	vst.idx.add.f32.msk $0xffff, v0  }
0x4e: {  	v1 =	vld [tilespmem:$0xC550];
	_ =	sdelay $0x7  }
0x4f: {  	[tilespmem:v1+s2+$0x0] =	vst.idx.add.f32.msk $0xffff, v0  }
0x50: {  	v1 =	vld [tilespmem:$0xC560];
	_ =	sdelay $0x7  }
0x51: {  	[tilespmem:v1+s2+$0x0] =	vst.idx.add.f32.msk $0xffff, v0  }
0x52: {  	v1 =	vld [tilespmem:$0xC570];
	_ =	sdelay $0x2  }
0x53: {  	p0 =	sne.s32 s10, $0xC00  }
.Ltmp0:
0x54: {  	_ = 	snop;
	(pc) =	sbr.rel @p0 .LBB2_2-.Ltmp0, $2  }
0x55: {  	_ =	sdelay $0x2  }
0x56: {  	s10 =	sadd.s32 $0x40, s10;
	[tilespmem:v1+s2+$0x0] =	vst.idx.add.f32.msk $0xffff, v0  }
0x57: {  	s9 =	sadd.s32 $0x1, s9  }
0x58: {  	p0 =	sne.s32 s9, s5  }
.Ltmp1:
0x59: {  	_ = 	snop;
	(pc) =	sbr.rel @p0 .LBB2_1-.Ltmp1, $4  }
0x5a: {  	[hbm4b:s4+s2] =	stream.linear.scatter [tilespmem:s2], [sflag:$0x1], $0xC380, $0x38;
	[tilespmem:$0xC580] =	vst v63  }
0x5b: {  	_ =	swait.ge [sflag:s7], $0xC380  }
0x5c: {  	[sflag:s7] =	ssyncset.done $0x0  }
0x5d: {  	[sflag:s7] =	ssyncadd.s32 $0xFFFF3C80  }
0x5e: {  	_ =	sfence.sel $0x180000  }
0x5f: {  	[bflag:$0x0] =	sbarrier.arrive $0xFFFF  }
0x60: {  	p0 =	sne.s32 s0, $0x0;
	_ =	strace $0x9000004D  }
0x61: {  	s0 =	sadd.s32 @!p0 $0x100000, s1;
	[bflag:$0x2] =	sbarrier.arrive $0xFFFF  }
0x62: {  	[sflag:s0] =	ssyncadd.tile.s32 @!p0 $0x1;
	_ =	shalt  }
.Lfunc_end2:
_tile_overlayer_lowered:
.L_overlay_start_2:
0x63: {  	(tag) =	ssettag $0x2  }
0x64: {  	s0 =	rddreg [dreg:$0x0];
	s2 =	stileid.u32  }
0x65: {  	s1 =	rddreg [dreg:$0x1];
	p0 =	sne.s32 s2, $0x0  }
0x66: {  	s3 =	rddreg [dreg:$0x2];
	[bflag:$0x3] =	sbarrier.arrive $0xFFFF;
	s2 =	simm.s32 @!p0 $0x1C01  }
0x67: {  	[timem:s3], [sflag:s2] =	dma.local @!p0 [hbm:s0], s1  }
0x68: {  	s0 =	simm.s32 @!p0 $0x1  }
0x69: {  	_ =	swait.ge @!p0 [sflag:s0], s1  }
0x6a: {  	s1 =	ssub.s32 @!p0 $0x0, s1;
	[sflag:s0] =	ssyncset.done @!p0 $0x0  }
0x6b: {  	[sflag:s0] =	ssyncadd.s32 @!p0 s1  }
0x6c: {  	[bflag:$0x3] =	sbarrier.arrive $0xFFFF  }
0x6d: {  	_ =	shalt  }

// kernel: kernel.23.cloned.1.call-start
scs
__scs_entry_jumppad:
0x0: {  	(pc) =	sbr.rel $0x88, $3  }
0x1: {  	(tag) =	ssettag $0x0;
	lr =	simm.s32 $0x1  }
0x2: {  	[smem:$0x3F91] =	sst lr;
	_ =	strace $0xD0000000  }
0x3: {  	_ = 	snop  }
0x4: {  	_ = 	snop  }
0x5: {  	_ = 	snop  }
0x6: {  	_ = 	snop  }
0x7: {  	_ = 	snop  }
__scs_overlays_trampoline_lowered:
0x8: {  	[smem:$0x3FA0] =	sst s0  }
0x9: {  	[smem:$0x3FA1] =	sst s1  }
0xa: {  	[smem:$0x3FA2] =	sst s2  }
0xb: {  	[smem:$0x3FA3] =	sst s3  }
0xc: {  	[smem:$0x3FA4] =	sst s4  }
0xd: {  	[smem:$0x3FA5] =	sst s5  }
0xe: {  	[smem:$0x3FA6] =	sst s6  }
0xf: {  	[smem:$0x3FA7] =	sst s7  }
0x10: {  	[smem:$0x3FA8] =	sst s8  }
0x11: {  	[smem:$0x3FA9] =	sst s9;
	s0 =	simm.s32 @!p0 $0x0  }
0x12: {  	s1 =	sld [smem:$0x3F8F];
	s0 =	simm.s32 @p0 $0x1  }
0x13: {  	[smem:$0x3FAA] =	sst s0;
	s0 =	simm.s32 @!p1 $0x0  }
0x14: {  	s2 =	sld [smem:$0x3F8E];
	s0 =	simm.s32 @p1 $0x1  }
0x15: {  	[smem:$0x3FAB] =	sst s0;
	s0 =	simm.s32 @!p2 $0x0  }
0x16: {  	s3 =	sld [smem:$0x3FDB];
	s0 =	simm.s32 @p2 $0x1  }
0x17: {  	s4 =	simm.s32 $0x1BF5;
	[smem:$0x3FAD] =	sst s0  }
0x18: {  	s0 =	sld [smem:$0x3F90];
	_ =	swait.ge [sflag:s4], $0x0  }
0x19: {  	s7 =	sld [smem:$0x3F91]  }
0x1a: {  	s8 =	sadd.s32 $0xFFFFE003, lr  }
0x1b: {  	s9 =	sadd.s32 $0xFFFFFEF7, lr;
	s5 =	simm.s32 $0xFFFFFFFF;
	p2 =	slt.u32 s8, $0xFFFFF086  }
0x1c: {  	p1 =	slt.u32 s9, $0xF7A;
	s5 =	simm.s32 @!p2 $0x0  }
0x1d: {  	s5 =	simm.s32 @p1 $0x1;
	p0 =	seq.s32 s7, s2  }
0x1e: {  	s7 =	smul.u32 @!p0 $0xF7A, s2;
	p2 =	seq.s32 @!p0 s5, $0x0  }
0x1f: {  	s9 =	smul.u32 $0xF7A, s1;
	s8 =	simm.s32 @!p0 $0x1BF5;
	p2 =	por !p2, p0  }
0x20: {  	[sflag:s8] =	ssyncset.s32 @!p0 $0xFFFFF086;
	s6 =	sadd.s32 @!p0 s3, s7;
	s7 =	simm.s32 @!p0 $0x108  }
0x21: {  	s3 =	sadd.s32 s3, s9;
	s6 =	sadd.s32 @!p0 $0x88, s6;
	s7 =	simm.s32 @p2 $0x1082  }
0x22: {  	[simem:s7], [sflag:s8] =	dma.local @!p0 [hbm:s6], $0xF7A  }
0x23: {  	s9 =	sor.u32 $0xD0000000, s2;
	s6 =	simm.s32 $0x108;
	_ =	swait.ge @!p0 [sflag:s8], $0x0  }
0x24: {  	s3 =	sadd.s32 $0x88, s3;
	s6 =	simm.s32 @!p1 $0x1082;
	[sflag:s4] =	ssyncset.s32 $0xFFFFF086  }
0x25: {  	[simem:s6], [sflag:s4] =	dma.local [hbm:s3], $0xF7A  }
0x26: {  	[smem:$0x3F91] =	sst s1;
	(tag) =	ssettag s2;
	_ =	strace s9  }
0x27: {  	s1 =	sld [smem:$0x3FA1]  }
0x28: {  	s2 =	sld [smem:$0x3FA2]  }
0x29: {  	s4 =	sld [smem:$0x3FA4]  }
0x2a: {  	p0 =	seq.s32 s5, $0x0;
	s5 =	sld [smem:$0x3FA5]  }
0x2b: {  	s6 =	sld [smem:$0x3FA6]  }
0x2c: {  	s7 =	sld [smem:$0x3FA7]  }
0x2d: {  	s3 =	simm.s32 $0x108;
	s8 =	sld [smem:$0x3FA8]  }
0x2e: {  	s3 =	simm.s32 @!p0 $0x1082;
	s9 =	sld [smem:$0x3FA9]  }
0x2f: {  	lr =	sadd.s32 s0, s3;
	s0 =	sld [smem:$0x3FA0]  }
0x30: {  	s3 =	sld [smem:$0x3FA3]  }
0x31: {  	[smem:$0x3FAC] =	sst s10  }
0x32: {  	s10 =	sld [smem:$0x3FAA];
	_ =	sdelay $0x3  }
0x33: {  	p0 =	seq.s32 s10, $0x1;
	s10 =	sld [smem:$0x3FAC];
	_ =	sdelay $0x3  }
0x34: {  	[smem:$0x3FAC] =	sst s10  }
0x35: {  	s10 =	sld [smem:$0x3FAB];
	_ =	sdelay $0x3  }
0x36: {  	p1 =	seq.s32 s10, $0x1;
	s10 =	sld [smem:$0x3FAC];
	_ =	sdelay $0x3  }
0x37: {  	[smem:$0x3FAC] =	sst s10  }
0x38: {  	s10 =	sld [smem:$0x3FAD]  }
0x39: {  	_ = 	snop;
	(pc) =	sbr.ind lr, $3  }
0x3a: {  	_ = 	snop  }
0x3b: {  	_ = 	snop  }
0x3c: {  	p2 =	seq.s32 s10, $0x1;
	s10 =	sld [smem:$0x3FAC]  }
0x3d: {  	_ =	shalt  }
0x3e: {  	_ =	shalt  }
0x3f: {  	_ =	shalt  }
0x40: {  	_ =	shalt  }
0x41: {  	_ =	shalt  }
0x42: {  	_ =	shalt  }
0x43: {  	_ =	shalt  }
0x44: {  	_ =	shalt  }
0x45: {  	_ =	shalt  }
0x46: {  	_ =	shalt  }
0x47: {  	_ =	shalt  }
0x48: {  	_ =	shalt  }
0x49: {  	_ =	shalt  }
0x4a: {  	_ =	shalt  }
0x4b: {  	_ =	shalt  }
0x4c: {  	_ =	shalt  }
0x4d: {  	_ =	shalt  }
0x4e: {  	_ =	shalt  }
0x4f: {  	_ =	shalt  }
0x50: {  	_ =	shalt  }
0x51: {  	_ =	shalt  }
0x52: {  	_ =	shalt  }
0x53: {  	_ =	shalt  }
0x54: {  	_ =	shalt  }
0x55: {  	_ =	shalt  }
0x56: {  	_ =	shalt  }
0x57: {  	_ =	shalt  }
0x58: {  	_ =	shalt  }
0x59: {  	_ =	shalt  }
0x5a: {  	_ =	shalt  }
0x5b: {  	_ =	shalt  }
0x5c: {  	_ =	shalt  }
0x5d: {  	_ =	shalt  }
0x5e: {  	_ =	shalt  }
0x5f: {  	_ =	shalt  }
0x60: {  	_ =	shalt  }
0x61: {  	_ =	shalt  }
0x62: {  	_ =	shalt  }
0x63: {  	_ =	shalt  }
0x64: {  	_ =	shalt  }
0x65: {  	_ =	shalt  }
0x66: {  	_ =	shalt  }
0x67: {  	_ =	shalt  }
0x68: {  	_ =	shalt  }
0x69: {  	_ =	shalt  }
0x6a: {  	_ =	shalt  }
0x6b: {  	_ =	shalt  }
0x6c: {  	_ =	shalt  }
0x6d: {  	_ =	shalt  }
0x6e: {  	_ =	shalt  }
0x6f: {  	_ =	shalt  }
0x70: {  	_ =	shalt  }
0x71: {  	_ =	shalt  }
0x72: {  	_ =	shalt  }
0x73: {  	_ =	shalt  }
0x74: {  	_ =	shalt  }
0x75: {  	_ =	shalt  }
0x76: {  	_ =	shalt  }
0x77: {  	_ =	shalt  }
0x78: {  	_ =	shalt  }
0x79: {  	_ =	shalt  }
0x7a: {  	_ =	shalt  }
0x7b: {  	_ =	shalt  }
0x7c: {  	_ =	shalt  }
0x7d: {  	_ =	shalt  }
0x7e: {  	_ =	shalt  }
0x7f: {  	_ =	shalt  }
0x80: {  	_ =	shalt  }
0x81: {  	_ =	shalt  }
0x82: {  	_ =	shalt  }
0x83: {  	_ =	shalt  }
0x84: {  	_ =	shalt  }
0x85: {  	_ =	shalt  }
0x86: {  	_ =	shalt  }
0x87: {  	_ =	shalt  }
.Lfunc_end0:
.L_simem_size_0:
called_computation.1_lowered:
.L_overlay_start_0:
0x88: {  	s2 =	sld [smem:$0x3FD9]  }
0x89: {  	s3 =	sld [smem:$0x3FFE];
	_ =	sdelay $0x1  }
0x8a: {  	s1 =	srdreg.scid  }
0x8b: {  	s0 =	sand.u32 $0x1, s1  }
0x8c: {  	s16 =	sshll.u32 s0, $0xA;
	s2 =	sadd.s32 s3, s2  }
0x8d: {  	s2 =	sadd.s32 s2, s16  }
0x8e: {  	[smem:$0x3FB8] =	sst s2  }
0x8f: {  	_ = 	snop  }
0x90: {  	(tm) =	ssettm $0x1  }
0x91: {  	s17 =	sld [smem:$0x3FFB];
	_ =	sdelay $0x3  }
0x92: {  	_ =	strace s17  }
0x93: {  	s2 =	sld [smem:$0x3FFC];
	_ =	sdelay $0x3  }
0x94: {  	_ =	strace s2  }
0x95: {  	s2 =	sld [smem:$0x3FFD];
	_ =	sdelay $0x3  }
0x96: {  	_ =	strace s2  }
0x97: {  	_ =	strace $0x8FFFFFFF  }
0x98: {  	s18 =	sld [smem:$0x3FDB];
	_ =	sdelay $0x1  }
0x99: {  	s19 =	simm.s32 $_scs_section_size  }
0x9a: {  	s4 =	simm.s32 $_size__tile_overlayer_lowered;
	s5 =	simm.s32 $_tile_overlayer_lowered  }
0x9b: {  	s22 =	simm.s32 $0x1BFF;
	s21 =	sshll.u32 s5, $0x1;
	s2 =	sadd.s32 s19, s18  }
0x9c: {  	s6 =	simm.s32 $0x0;
	s20 =	sshll.u32 s4, $0x1;
	s4 =	sadd.s32 s21, s2  }
0x9d: {  	[timem:s6], [sflag:s22] =	dma.local [hbm:s4], s20  }
0x9e: {  	_ =	swait.ge [sflag:s22], s20  }
0x9f: {  	s3 =	ssub.s32 $0x0, s20;
	[sflag:s22] =	ssyncset.done $0x0  }
0xa0: {  	[sflag:s22] =	ssyncadd.s32 s3;
	_ =	sdelay $0x1  }
0xa1: {  	s23 =	simm.s32 $0x1B8B  }
0xa2: {  	_ =	swait.ge [sflag:s23], $0x1  }
0xa3: {  	[sflag:s23] =	ssyncset.done $0x0  }
0xa4: {  	s25 =	simm.s32 $0x1B8E;
	s24 =	sld [smem:$0x3FFE];
	[sflag:s23] =	ssyncadd.s32 $0xFFFFFFFF  }
0xa5: {  	s26 =	simm.s32 $execute0_lowered;
	[smem:$0x3FD2] =	sst s25  }
0xa6: {  	s4 =	sshll.u32 s26, $0x1;
	_ =	strace $0x80000046;
	[dreg:$0x1] =	wrdreg $0xFFFFFFFF  }
0xa7: {  	s28 =	simm.s32 $_size_execute0_lowered;
	s2 =	sadd.s32 s2, s4;
	[dreg:$0x0] =	wrdreg $0x0  }
0xa8: {  	s4 =	sshll.u32 s28, $0x1;
	[dreg:$0x2] =	wrdreg s2  }
0xa9: {  	[dreg:$0x3] =	wrdreg s4  }
0xaa: {  	[dreg:$0x4] =	wrdreg $0xC0  }
0xab: {  	_ =	task [dreg:s6], $0x5FFFF  }
0xac: {  	[dreg:$0x1] =	wrdreg $0xFFFFFFFF  }
0xad: {  	[dreg:$0x0] =	wrdreg $0x60  }
0xae: {  	[dreg:$0x2] =	wrdreg s24  }
0xaf: {  	[dreg:$0x3] =	wrdreg $0xB  }
0xb0: {  	_ =	task.clear_ibuf [dreg:s6], $0x4FFFF;
	_ =	strace $0x90000046  }
0xb1: {  	s29 =	simm.s32 $0xB;
	_ =	strace $0x80000048  }
0xb2: {  	_ =	swait.ge [sflag:s29], $0x1  }
0xb3: {  	[sflag:s29] =	ssyncadd.s32 $0xFFFFFFFF  }
0xb4: {  	_ =	strace $0x90000048  }
0xb5: {  	_ =	sfence  }
0xb6: {  	s30 =	sld [smem:$0x0];
	_ =	sdelay $0x2  }
0xb7: {  	s31 =	sshll.u32 s1, $0xD;
	s1 =	sshrl.u32 s1, $0x2  }
0xb8: {  	s3 =	sand.u32 $0x4000, s31;
	s1 =	sadd.s32 s1, s30  }
0xb9: {  	s0 =	sor.u32 s3, s0;
	s1 =	sshll.u32 s1, $0x11  }
0xba: {  	s0 =	sor.u32 s1, s0  }
0xbb: {  	s0 =	sadd.s32 $0x8F2B, s0  }
0xbc: {  	[sflag:s0] =	ssyncadd.remote.s32 $0x1  }
0xbd: {  	_ =	sfence.sel $0xFFFF  }
0xbe: {  	[dreg:$0x0] =	wrdreg $0xFFFFFFFF;
	(pc) =	sbr.abs _section_cstart, $3  }
0xbf: {  	[dreg:$0x1] =	wrdreg $0xFFFFFFFF  }
0xc0: {  	_ =	task.clear_ibuf [dreg:s6], $0x2FFFF;
	_ =	strace $0x9FFFFFFF  }
0xc1: {  	(tm) =	ssettm $0x7FFFFFFF  }
tec
execute0_lowered:
.L_overlay_start_1:
0x0: {  	(tag) =	ssettag $0x1  }
0x1: {  	s0 =	srdreg.scid;
	s5 =	rddreg [dreg:$0x0]  }
0x2: {  	s1 =	rddreg [dreg:$0x1];
	s3 =	sand.u32 $0x1, s0  }
0x3: {  	s0 =	stileid.u32;
	s4 =	smul.u32 $0x62000, s3  }
0x4: {  	s2 =	simm.s32 $0x0;
	s6 =	smul.u32 $0x6200, s0;
	s7 =	sshll.u32 s3, $0x4  }
0x5: {  	s9 =	simm.s32 $0x0;
	[smem:$0x7FF] =	sst s2;
	s28 =	sor.u32 s0, s7  }
0x6: {  	s29 =	ssub.s32 $0x2, s3;
	s4 =	sadd.s32 s6, s4;
	s6 =	smul.u32 $0x1870, s28  }
0x7: {  	_ =	strace $0x80000047;
	s3 =	sadd.s32 $0x1DE00, s5;
	s4 =	sshrl.u32 s4, $0x3  }
0x8: {  	s30 =	sshrl.u32 s29, $0x1;
	s8 =	sadd.s32 s4, s5;
	s5 =	sadd.s32 s6, s5  }
0x9: {  	s7 =	simm.s32 $0x1;
	s31 =	ssub.s32 s29, s30;
	s4 =	sadd.s32 $0x1F800, s5  }
0xa: {  	v0 =	vimm.f32 $1.000000000e+00;
	s5 =	smax.u32 s31, $0x1;
	s6 =	sadd.s32 $0x5600, s8;
	s8 =	simm.s32 $0xC380  }
.LBB2_1:
0xb: {  	[tilespmem:s2], [sflag:$0x1] =	stream.linear.gather [hbm4b:s3+s2], $0xC380, $0x38;
	[tilespmem:$0xC580] =	vst v63  }
0xc: {  	_ =	swait.ge [sflag:s7], $0xC380  }
0xd: {  	[sflag:s7] =	ssyncset.done $0x0  }
0xe: {  	s10 =	simm.s32 $0x0;
	[sflag:s7] =	ssyncadd.s32 $0xFFFF3C80  }
.LBB2_2:
0xf: {  	s11 =	sadd.s32 s10, s6  }
0x10: {  	[tilespmem:s8], [sflag:$0x1] =	stream.linear.gather [hbm4b:s11+s2], $0x200, $0x38;
	[tilespmem:$0xC580] =	vst v63  }
0x11: {  	_ =	swait.ge [sflag:s7], $0x200  }
0x12: {  	[sflag:s7] =	ssyncset.done $0x0  }
0x13: {  	[sflag:s7] =	ssyncadd.s32 $0xFFFFFE00  }
0x14: {  	v1 =	vld [tilespmem:$0xC380];
	_ =	sdelay $0x7  }
0x15: {  	[tilespmem:v1+s2+$0x0] =	vst.idx.add.f32.msk $0xffff, v0  }
0x16: {  	v1 =	vld [tilespmem:$0xC390];
	_ =	sdelay $0x7  }
0x17: {  	[tilespmem:v1+s2+$0x0] =	vst.idx.add.f32.msk $0xffff, v0  }
0x18: {  	v1 =	vld [tilespmem:$0xC3A0];
	_ =	sdelay $0x7  }
0x19: {  	[tilespmem:v1+s2+$0x0] =	vst.idx.add.f32.msk $0xffff, v0  }
0x1a: {  	v1 =	vld [tilespmem:$0xC3B0];
	_ =	sdelay $0x7  }
0x1b: {  	[tilespmem:v1+s2+$0x0] =	vst.idx.add.f32.msk $0xffff, v0  }
0x1c: {  	v1 =	vld [tilespmem:$0xC3C0];
	_ =	sdelay $0x7  }
0x1d: {  	[tilespmem:v1+s2+$0x0] =	vst.idx.add.f32.msk $0xffff, v0  }
0x1e: {  	v1 =	vld [tilespmem:$0xC3D0];
	_ =	sdelay $0x7  }
0x1f: {  	[tilespmem:v1+s2+$0x0] =	vst.idx.add.f32.msk $0xffff, v0  }
0x20: {  	v1 =	vld [tilespmem:$0xC3E0];
	_ =	sdelay $0x7  }
0x21: {  	[tilespmem:v1+s2+$0x0] =	vst.idx.add.f32.msk $0xffff, v0  }
0x22: {  	v1 =	vld [tilespmem:$0xC3F0];
	_ =	sdelay $0x7  }
0x23: {  	[tilespmem:v1+s2+$0x0] =	vst.idx.add.f32.msk $0xffff, v0  }
0x24: {  	v1 =	vld [tilespmem:$0xC400];
	_ =	sdelay $0x7  }
0x25: {  	[tilespmem:v1+s2+$0x0] =	vst.idx.add.f32.msk $0xffff, v0  }
0x26: {  	v1 =	vld [tilespmem:$0xC410];
	_ =	sdelay $0x7  }
0x27: {  	[tilespmem:v1+s2+$0x0] =	vst.idx.add.f32.msk $0xffff, v0  }
0x28: {  	v1 =	vld [tilespmem:$0xC420];
	_ =	sdelay $0x7  }
0x29: {  	[tilespmem:v1+s2+$0x0] =	vst.idx.add.f32.msk $0xffff, v0  }
0x2a: {  	v1 =	vld [tilespmem:$0xC430];
	_ =	sdelay $0x7  }
0x2b: {  	[tilespmem:v1+s2+$0x0] =	vst.idx.add.f32.msk $0xffff, v0  }
0x2c: {  	v1 =	vld [tilespmem:$0xC440];
	_ =	sdelay $0x7  }
0x2d: {  	[tilespmem:v1+s2+$0x0] =	vst.idx.add.f32.msk $0xffff, v0  }
0x2e: {  	v1 =	vld [tilespmem:$0xC450];
	_ =	sdelay $0x7  }
0x2f: {  	[tilespmem:v1+s2+$0x0] =	vst.idx.add.f32.msk $0xffff, v0  }
0x30: {  	v1 =	vld [tilespmem:$0xC460];
	_ =	sdelay $0x7  }
0x31: {  	[tilespmem:v1+s2+$0x0] =	vst.idx.add.f32.msk $0xffff, v0  }
0x32: {  	v1 =	vld [tilespmem:$0xC470];
	_ =	sdelay $0x7  }
0x33: {  	[tilespmem:v1+s2+$0x0] =	vst.idx.add.f32.msk $0xffff, v0  }
0x34: {  	v1 =	vld [tilespmem:$0xC480];
	_ =	sdelay $0x7  }
0x35: {  	[tilespmem:v1+s2+$0x0] =	vst.idx.add.f32.msk $0xffff, v0  }
0x36: {  	v1 =	vld [tilespmem:$0xC490];
	_ =	sdelay $0x7  }
0x37: {  	[tilespmem:v1+s2+$0x0] =	vst.idx.add.f32.msk $0xffff, v0  }
0x38: {  	v1 =	vld [tilespmem:$0xC4A0];
	_ =	sdelay $0x7  }
0x39: {  	[tilespmem:v1+s2+$0x0] =	vst.idx.add.f32.msk $0xffff, v0  }
0x3a: {  	v1 =	vld [tilespmem:$0xC4B0];
	_ =	sdelay $0x7  }
0x3b: {  	[tilespmem:v1+s2+$0x0] =	vst.idx.add.f32.msk $0xffff, v0  }
0x3c: {  	v1 =	vld [tilespmem:$0xC4C0];
	_ =	sdelay $0x7  }
0x3d: {  	[tilespmem:v1+s2+$0x0] =	vst.idx.add.f32.msk $0xffff, v0  }
0x3e: {  	v1 =	vld [tilespmem:$0xC4D0];
	_ =	sdelay $0x7  }
0x3f: {  	[tilespmem:v1+s2+$0x0] =	vst.idx.add.f32.msk $0xffff, v0  }
0x40: {  	v1 =	vld [tilespmem:$0xC4E0];
	_ =	sdelay $0x7  }
0x41: {  	[tilespmem:v1+s2+$0x0] =	vst.idx.add.f32.msk $0xffff, v0  }
0x42: {  	v1 =	vld [tilespmem:$0xC4F0];
	_ =	sdelay $0x7  }
0x43: {  	[tilespmem:v1+s2+$0x0] =	vst.idx.add.f32.msk $0xffff, v0  }
0x44: {  	v1 =	vld [tilespmem:$0xC500];
	_ =	sdelay $0x7  }
0x45: {  	[tilespmem:v1+s2+$0x0] =	vst.idx.add.f32.msk $0xffff, v0  }
0x46: {  	v1 =	vld [tilespmem:$0xC510];
	_ =	sdelay $0x7  }
0x47: {  	[tilespmem:v1+s2+$0x0] =	vst.idx.add.f32.msk $0xffff, v0  }
0x48: {  	v1 =	vld [tilespmem:$0xC520];
	_ =	sdelay $0x7  }
0x49: {  	[tilespmem:v1+s2+$0x0] =	vst.idx.add.f32.msk $0xffff, v0  }
0x4a: {  	v1 =	vld [tilespmem:$0xC530];
	_ =	sdelay $0x7  }
0x4b: {  	[tilespmem:v1+s2+$0x0] =	vst.idx.add.f32.msk $0xffff, v0  }
0x4c: {  	v1 =	vld [tilespmem:$0xC540];
	_ =	sdelay $0x7  }
0x4d: {  	[tilespmem:v1+s2+$0x0] =	vst.idx.add.f32.msk $0xffff, v0  }
0x4e: {  	v1 =	vld [tilespmem:$0xC550];
	_ =	sdelay $0x7  }
0x4f: {  	[tilespmem:v1+s2+$0x0] =	vst.idx.add.f32.msk $0xffff, v0  }
0x50: {  	v1 =	vld [tilespmem:$0xC560];
	_ =	sdelay $0x7  }
0x51: {  	[tilespmem:v1+s2+$0x0] =	vst.idx.add.f32.msk $0xffff, v0  }
0x52: {  	v1 =	vld [tilespmem:$0xC570];
	_ =	sdelay $0x2  }
0x53: {  	p0 =	sne.s32 s10, $0xC00  }
.Ltmp0:
0x54: {  	_ = 	snop;
	(pc) =	sbr.rel @p0 .LBB2_2-.Ltmp0, $2  }
0x55: {  	_ =	sdelay $0x2  }
0x56: {  	s10 =	sadd.s32 $0x40, s10;
	[tilespmem:v1+s2+$0x0] =	vst.idx.add.f32.msk $0xffff, v0  }
0x57: {  	s9 =	sadd.s32 $0x1, s9  }
0x58: {  	p0 =	sne.s32 s9, s5  }
.Ltmp1:
0x59: {  	_ = 	snop;
	(pc) =	sbr.rel @p0 .LBB2_1-.Ltmp1, $4  }
0x5a: {  	[hbm4b:s4+s2] =	stream.linear.scatter [tilespmem:s2], [sflag:$0x1], $0xC380, $0x38;
	[tilespmem:$0xC580] =	vst v63  }
0x5b: {  	_ =	swait.ge [sflag:s7], $0xC380  }
0x5c: {  	[sflag:s7] =	ssyncset.done $0x0  }
0x5d: {  	[sflag:s7] =	ssyncadd.s32 $0xFFFF3C80  }
0x5e: {  	_ =	sfence.sel $0x180000  }
0x5f: {  	[bflag:$0x0] =	sbarrier.arrive $0xFFFF  }
0x60: {  	p0 =	sne.s32 s0, $0x0;
	_ =	strace $0x90000047  }
0x61: {  	s0 =	sadd.s32 @!p0 $0x100000, s1;
	[bflag:$0x2] =	sbarrier.arrive $0xFFFF  }
0x62: {  	[sflag:s0] =	ssyncadd.tile.s32 @!p0 $0x1;
	_ =	shalt  }
.Lfunc_end2:
_tile_overlayer_lowered:
.L_overlay_start_2:
0x63: {  	(tag) =	ssettag $0x2  }
0x64: {  	s0 =	rddreg [dreg:$0x0];
	s2 =	stileid.u32  }
0x65: {  	s1 =	rddreg [dreg:$0x1];
	p0 =	sne.s32 s2, $0x0  }
0x66: {  	s3 =	rddreg [dreg:$0x2];
	[bflag:$0x3] =	sbarrier.arrive $0xFFFF;
	s2 =	simm.s32 @!p0 $0x1C01  }
0x67: {  	[timem:s3], [sflag:s2] =	dma.local @!p0 [hbm:s0], s1  }
0x68: {  	s0 =	simm.s32 @!p0 $0x1  }
0x69: {  	_ =	swait.ge @!p0 [sflag:s0], s1  }
0x6a: {  	s1 =	ssub.s32 @!p0 $0x0, s1;
	[sflag:s0] =	ssyncset.done @!p0 $0x0  }
0x6b: {  	[sflag:s0] =	ssyncadd.s32 @!p0 s1  }
0x6c: {  	[bflag:$0x3] =	sbarrier.arrive $0xFFFF  }
0x6d: {  	_ =	shalt  }

// kernel: kernel.26.cloned.1.call-start
scs
__scs_entry_jumppad:
0x0: {  	(pc) =	sbr.rel $0x88, $3  }
0x1: {  	(tag) =	ssettag $0x0;
	lr =	simm.s32 $0x1  }
0x2: {  	[smem:$0x3F91] =	sst lr;
	_ =	strace $0xD0000000  }
0x3: {  	_ = 	snop  }
0x4: {  	_ = 	snop  }
0x5: {  	_ = 	snop  }
0x6: {  	_ = 	snop  }
0x7: {  	_ = 	snop  }
__scs_overlays_trampoline_lowered:
0x8: {  	[smem:$0x3FA0] =	sst s0  }
0x9: {  	[smem:$0x3FA1] =	sst s1  }
0xa: {  	[smem:$0x3FA2] =	sst s2  }
0xb: {  	[smem:$0x3FA3] =	sst s3  }
0xc: {  	[smem:$0x3FA4] =	sst s4  }
0xd: {  	[smem:$0x3FA5] =	sst s5  }
0xe: {  	[smem:$0x3FA6] =	sst s6  }
0xf: {  	[smem:$0x3FA7] =	sst s7  }
0x10: {  	[smem:$0x3FA8] =	sst s8  }
0x11: {  	[smem:$0x3FA9] =	sst s9;
	s0 =	simm.s32 @!p0 $0x0  }
0x12: {  	s1 =	sld [smem:$0x3F8F];
	s0 =	simm.s32 @p0 $0x1  }
0x13: {  	[smem:$0x3FAA] =	sst s0;
	s0 =	simm.s32 @!p1 $0x0  }
0x14: {  	s2 =	sld [smem:$0x3F8E];
	s0 =	simm.s32 @p1 $0x1  }
0x15: {  	[smem:$0x3FAB] =	sst s0;
	s0 =	simm.s32 @!p2 $0x0  }
0x16: {  	s3 =	sld [smem:$0x3FDB];
	s0 =	simm.s32 @p2 $0x1  }
0x17: {  	s4 =	simm.s32 $0x1BF5;
	[smem:$0x3FAD] =	sst s0  }
0x18: {  	s0 =	sld [smem:$0x3F90];
	_ =	swait.ge [sflag:s4], $0x0  }
0x19: {  	s7 =	sld [smem:$0x3F91]  }
0x1a: {  	s8 =	sadd.s32 $0xFFFFE003, lr  }
0x1b: {  	s9 =	sadd.s32 $0xFFFFFEF7, lr;
	s5 =	simm.s32 $0xFFFFFFFF;
	p2 =	slt.u32 s8, $0xFFFFF086  }
0x1c: {  	p1 =	slt.u32 s9, $0xF7A;
	s5 =	simm.s32 @!p2 $0x0  }
0x1d: {  	s5 =	simm.s32 @p1 $0x1;
	p0 =	seq.s32 s7, s2  }
0x1e: {  	s7 =	smul.u32 @!p0 $0xF7A, s2;
	p2 =	seq.s32 @!p0 s5, $0x0  }
0x1f: {  	s9 =	smul.u32 $0xF7A, s1;
	s8 =	simm.s32 @!p0 $0x1BF5;
	p2 =	por !p2, p0  }
0x20: {  	[sflag:s8] =	ssyncset.s32 @!p0 $0xFFFFF086;
	s6 =	sadd.s32 @!p0 s3, s7;
	s7 =	simm.s32 @!p0 $0x108  }
0x21: {  	s3 =	sadd.s32 s3, s9;
	s6 =	sadd.s32 @!p0 $0x88, s6;
	s7 =	simm.s32 @p2 $0x1082  }
0x22: {  	[simem:s7], [sflag:s8] =	dma.local @!p0 [hbm:s6], $0xF7A  }
0x23: {  	s9 =	sor.u32 $0xD0000000, s2;
	s6 =	simm.s32 $0x108;
	_ =	swait.ge @!p0 [sflag:s8], $0x0  }
0x24: {  	s3 =	sadd.s32 $0x88, s3;
	s6 =	simm.s32 @!p1 $0x1082;
	[sflag:s4] =	ssyncset.s32 $0xFFFFF086  }
0x25: {  	[simem:s6], [sflag:s4] =	dma.local [hbm:s3], $0xF7A  }
0x26: {  	[smem:$0x3F91] =	sst s1;
	(tag) =	ssettag s2;
	_ =	strace s9  }
0x27: {  	s1 =	sld [smem:$0x3FA1]  }
0x28: {  	s2 =	sld [smem:$0x3FA2]  }
0x29: {  	s4 =	sld [smem:$0x3FA4]  }
0x2a: {  	p0 =	seq.s32 s5, $0x0;
	s5 =	sld [smem:$0x3FA5]  }
0x2b: {  	s6 =	sld [smem:$0x3FA6]  }
0x2c: {  	s7 =	sld [smem:$0x3FA7]  }
0x2d: {  	s3 =	simm.s32 $0x108;
	s8 =	sld [smem:$0x3FA8]  }
0x2e: {  	s3 =	simm.s32 @!p0 $0x1082;
	s9 =	sld [smem:$0x3FA9]  }
0x2f: {  	lr =	sadd.s32 s0, s3;
	s0 =	sld [smem:$0x3FA0]  }
0x30: {  	s3 =	sld [smem:$0x3FA3]  }
0x31: {  	[smem:$0x3FAC] =	sst s10  }
0x32: {  	s10 =	sld [smem:$0x3FAA];
	_ =	sdelay $0x3  }
0x33: {  	p0 =	seq.s32 s10, $0x1;
	s10 =	sld [smem:$0x3FAC];
	_ =	sdelay $0x3  }
0x34: {  	[smem:$0x3FAC] =	sst s10  }
0x35: {  	s10 =	sld [smem:$0x3FAB];
	_ =	sdelay $0x3  }
0x36: {  	p1 =	seq.s32 s10, $0x1;
	s10 =	sld [smem:$0x3FAC];
	_ =	sdelay $0x3  }
0x37: {  	[smem:$0x3FAC] =	sst s10  }
0x38: {  	s10 =	sld [smem:$0x3FAD]  }
0x39: {  	_ = 	snop;
	(pc) =	sbr.ind lr, $3  }
0x3a: {  	_ = 	snop  }
0x3b: {  	_ = 	snop  }
0x3c: {  	p2 =	seq.s32 s10, $0x1;
	s10 =	sld [smem:$0x3FAC]  }
0x3d: {  	_ =	shalt  }
0x3e: {  	_ =	shalt  }
0x3f: {  	_ =	shalt  }
0x40: {  	_ =	shalt  }
0x41: {  	_ =	shalt  }
0x42: {  	_ =	shalt  }
0x43: {  	_ =	shalt  }
0x44: {  	_ =	shalt  }
0x45: {  	_ =	shalt  }
0x46: {  	_ =	shalt  }
0x47: {  	_ =	shalt  }
0x48: {  	_ =	shalt  }
0x49: {  	_ =	shalt  }
0x4a: {  	_ =	shalt  }
0x4b: {  	_ =	shalt  }
0x4c: {  	_ =	shalt  }
0x4d: {  	_ =	shalt  }
0x4e: {  	_ =	shalt  }
0x4f: {  	_ =	shalt  }
0x50: {  	_ =	shalt  }
0x51: {  	_ =	shalt  }
0x52: {  	_ =	shalt  }
0x53: {  	_ =	shalt  }
0x54: {  	_ =	shalt  }
0x55: {  	_ =	shalt  }
0x56: {  	_ =	shalt  }
0x57: {  	_ =	shalt  }
0x58: {  	_ =	shalt  }
0x59: {  	_ =	shalt  }
0x5a: {  	_ =	shalt  }
0x5b: {  	_ =	shalt  }
0x5c: {  	_ =	shalt  }
0x5d: {  	_ =	shalt  }
0x5e: {  	_ =	shalt  }
0x5f: {  	_ =	shalt  }
0x60: {  	_ =	shalt  }
0x61: {  	_ =	shalt  }
0x62: {  	_ =	shalt  }
0x63: {  	_ =	shalt  }
0x64: {  	_ =	shalt  }
0x65: {  	_ =	shalt  }
0x66: {  	_ =	shalt  }
0x67: {  	_ =	shalt  }
0x68: {  	_ =	shalt  }
0x69: {  	_ =	shalt  }
0x6a: {  	_ =	shalt  }
0x6b: {  	_ =	shalt  }
0x6c: {  	_ =	shalt  }
0x6d: {  	_ =	shalt  }
0x6e: {  	_ =	shalt  }
0x6f: {  	_ =	shalt  }
0x70: {  	_ =	shalt  }
0x71: {  	_ =	shalt  }
0x72: {  	_ =	shalt  }
0x73: {  	_ =	shalt  }
0x74: {  	_ =	shalt  }
0x75: {  	_ =	shalt  }
0x76: {  	_ =	shalt  }
0x77: {  	_ =	shalt  }
0x78: {  	_ =	shalt  }
0x79: {  	_ =	shalt  }
0x7a: {  	_ =	shalt  }
0x7b: {  	_ =	shalt  }
0x7c: {  	_ =	shalt  }
0x7d: {  	_ =	shalt  }
0x7e: {  	_ =	shalt  }
0x7f: {  	_ =	shalt  }
0x80: {  	_ =	shalt  }
0x81: {  	_ =	shalt  }
0x82: {  	_ =	shalt  }
0x83: {  	_ =	shalt  }
0x84: {  	_ =	shalt  }
0x85: {  	_ =	shalt  }
0x86: {  	_ =	shalt  }
0x87: {  	_ =	shalt  }
.Lfunc_end0:
.L_simem_size_0:
called_computation.2_lowered:
.L_overlay_start_0:
0x88: {  	s2 =	sld [smem:$0x3FD9]  }
0x89: {  	s3 =	sld [smem:$0x3FFE];
	_ =	sdelay $0x1  }
0x8a: {  	s1 =	srdreg.scid  }
0x8b: {  	s0 =	sand.u32 $0x1, s1  }
0x8c: {  	s15 =	sshll.u32 s0, $0xA;
	s2 =	sadd.s32 s3, s2  }
0x8d: {  	s2 =	sadd.s32 s2, s15  }
0x8e: {  	[smem:$0x3FB8] =	sst s2  }
0x8f: {  	_ = 	snop  }
0x90: {  	s2 =	sld [smem:$0x3FD0];
	_ =	sdelay $0x2  }
0x91: {  	s16 =	simm.s32 $0xD;
	s4 =	simm.s32 $0x10  }
0x92: {  	[smem:s4], [sflag:s16] =	dma.local [hbm:s2], $0x1  }
0x93: {  	_ =	swait.eq [sflag:s16], $0x1  }
0x94: {  	[sflag:s16] =	ssyncset.done $0x0  }
0x95: {  	[sflag:s16] =	ssyncadd.s32 $0xFFFFFFFF  }
0x96: {  	s17 =	sld [smem:$0x10];
	(tm) =	ssettm $0x1  }
0x97: {  	s18 =	sld [smem:$0x3FFB];
	_ =	sdelay $0x3  }
0x98: {  	_ =	strace s18  }
0x99: {  	s2 =	sld [smem:$0x3FFC];
	_ =	sdelay $0x3  }
0x9a: {  	_ =	strace s2  }
0x9b: {  	s2 =	sld [smem:$0x3FFD];
	_ =	sdelay $0x3  }
0x9c: {  	_ =	strace s2  }
0x9d: {  	_ =	strace $0x8FFFFFFF  }
0x9e: {  	s19 =	sld [smem:$0x3FDB];
	_ =	sdelay $0x1  }
0x9f: {  	s20 =	simm.s32 $_scs_section_size  }
0xa0: {  	s5 =	simm.s32 $_size__tile_overlayer_lowered;
	s6 =	simm.s32 $_tile_overlayer_lowered  }
0xa1: {  	s7 =	simm.s32 $0x1BFF;
	s21 =	sshll.u32 s6, $0x1;
	s4 =	sadd.s32 s20, s19  }
0xa2: {  	s22 =	simm.s32 $0x0;
	s5 =	sshll.u32 s5, $0x1;
	s6 =	sadd.s32 s21, s4  }
0xa3: {  	[timem:s22], [sflag:s7] =	dma.local [hbm:s6], s5  }
0xa4: {  	_ =	swait.ge [sflag:s7], s5  }
0xa5: {  	s5 =	ssub.s32 $0x0, s5;
	[sflag:s7] =	ssyncset.done $0x0  }
0xa6: {  	[sflag:s7] =	ssyncadd.s32 s5;
	_ =	sdelay $0x1  }
0xa7: {  	s23 =	simm.s32 $0x1B8B  }
0xa8: {  	_ =	swait.ge [sflag:s23], $0x1  }
0xa9: {  	[sflag:s23] =	ssyncset.done $0x0  }
0xaa: {  	[sflag:s23] =	ssyncadd.s32 $0xFFFFFFFF  }
0xab: {  	s5 =	sld [smem:$0x0]  }
0xac: {  	s6 =	sand.u32 $0xFFFFFFFE, s1  }
0xad: {  	p0 =	sne.s32 s1, s6  }
0xae: {  	s6 =	sshll.u32 @p0 s6, $0xE  }
0xaf: {  	s6 =	sadd.s32 @p0 $0x11B8D, s6;
	s7 =	sshll.u32 @p0 s5, $0x11  }
0xb0: {  	s6 =	sor.u32 @p0 s7, s6  }
0xb1: {  	[sflag:s6] =	ssyncadd.remote.s32 @p0 $0x1;
	_ =	sdelay $0x1  }
0xb2: {  	s6 =	simm.s32 @p0 $0x1B8D  }
0xb3: {  	_ =	swait.eq @p0 [sflag:s6], $0x1  }
0xb4: {  	[sflag:s6] =	ssyncadd.s32 @p0 $0xFFFFFFFF  }
0xb5: {  	s7 =	sshll.u32 @!p0 s1, $0xE  }
0xb6: {  	s7 =	sor.u32 @!p0 $0x4000, s7;
	s6 =	simm.s32 @!p0 $0x1B8D  }
0xb7: {  	s5 =	sshll.u32 @!p0 s5, $0x11;
	s7 =	sadd.s32 @!p0 $0x11B8D, s7;
	_ =	swait.eq @!p0 [sflag:s6], $0x1  }
0xb8: {  	s5 =	sor.u32 @!p0 s5, s7;
	[sflag:s6] =	ssyncadd.s32 @!p0 $0xFFFFFFFF  }
0xb9: {  	s25 =	simm.s32 $0x1B8E;
	s24 =	sld [smem:$0x3FFE];
	[sflag:s5] =	ssyncadd.remote.s32 @!p0 $0x1  }
0xba: {  	s26 =	simm.s32 $execute0_lowered;
	[smem:$0x3FD2] =	sst s25  }
0xbb: {  	s6 =	sshll.u32 s26, $0x1;
	_ =	strace $0x8000004F;
	[dreg:$0x1] =	wrdreg $0xFFFFFFFF  }
0xbc: {  	s28 =	simm.s32 $_size_execute0_lowered;
	s4 =	sadd.s32 s4, s6;
	[dreg:$0x0] =	wrdreg $0x0  }
0xbd: {  	s6 =	sshll.u32 s28, $0x1;
	[dreg:$0x2] =	wrdreg s4  }
0xbe: {  	[dreg:$0x3] =	wrdreg s6  }
0xbf: {  	[dreg:$0x4] =	wrdreg $0xC0  }
0xc0: {  	_ =	task [dreg:s22], $0x5FFFF  }
0xc1: {  	[dreg:$0x1] =	wrdreg $0xFFFFFFFF  }
0xc2: {  	[dreg:$0x0] =	wrdreg $0x60  }
0xc3: {  	[dreg:$0x2] =	wrdreg s24  }
0xc4: {  	[dreg:$0x3] =	wrdreg s17  }
0xc5: {  	[dreg:$0x4] =	wrdreg $0x0  }
0xc6: {  	[dreg:$0x5] =	wrdreg $0xA  }
0xc7: {  	_ =	task.clear_ibuf [dreg:s22], $0x6FFFF;
	_ =	strace $0x9000004F  }
0xc8: {  	s29 =	simm.s32 $0xA;
	_ =	strace $0x80000051  }
0xc9: {  	_ =	swait.ge [sflag:s29], $0x1  }
0xca: {  	[sflag:s29] =	ssyncadd.s32 $0xFFFFFFFF  }
0xcb: {  	_ =	strace $0x90000051  }
0xcc: {  	_ =	sfence  }
0xcd: {  	s30 =	sld [smem:$0x0];
	_ =	sdelay $0x2  }
0xce: {  	s31 =	sshll.u32 s1, $0xD;
	s1 =	sshrl.u32 s1, $0x2  }
0xcf: {  	s4 =	sand.u32 $0x4000, s31;
	s1 =	sadd.s32 s1, s30  }
0xd0: {  	s0 =	sor.u32 s4, s0;
	s1 =	sshll.u32 s1, $0x11  }
0xd1: {  	s0 =	sor.u32 s1, s0  }
0xd2: {  	s0 =	sadd.s32 $0x8F2B, s0  }
0xd3: {  	[sflag:s0] =	ssyncadd.remote.s32 $0x1  }
0xd4: {  	_ =	sfence.sel $0xFFFF  }
0xd5: {  	[dreg:$0x0] =	wrdreg $0xFFFFFFFF;
	(pc) =	sbr.abs _section_cstart, $3  }
0xd6: {  	[dreg:$0x1] =	wrdreg $0xFFFFFFFF  }
0xd7: {  	_ =	task.clear_ibuf [dreg:s22], $0x2FFFF;
	_ =	strace $0x9FFFFFFF  }
0xd8: {  	(tm) =	ssettm $0x7FFFFFFF  }
0xd9: {  	_ =	shalt  }
tec
execute0_lowered:
.L_overlay_start_1:
0x0: {  	(tag) =	ssettag $0x1  }
0x1: {  	s8 =	rddreg [dreg:$0x0]  }
0x2: {  	s6 =	rddreg [dreg:$0x1]  }
0x3: {  	s2 =	rddreg [dreg:$0x2]  }
0x4: {  	s3 =	simm.s32 $0x0;
	s0 =	stileid.u32;
	s5 =	srdreg.scid  }
0x5: {  	s14 =	simm.s32 $0x18900;
	s15 =	simm.s32 $0x80;
	s16 =	simm.s32 $0x18B00  }
0x6: {  	s17 =	simm.s32 $0x18780;
	s18 =	simm.s32 $0x19B00;
	s19 =	simm.s32 $0x18800  }
0x7: {  	s20 =	simm.s32 $0x1AB00;
	s21 =	simm.s32 $0x18880;
	s22 =	simm.s32 $0x1BB00  }
0x8: {  	s23 =	simm.s32 $0x1;
	s24 =	simm.s32 $0x18980;
	s25 =	simm.s32 $0x18A00  }
0x9: {  	s26 =	simm.s32 $0x18A80;
	s28 =	simm.s32 $0x0;
	s4 =	smul.u32 $0x1880, s0  }
0xa: {  	[smem:$0x7FF] =	sst s3;
	s5 =	sand.u32 $0x1, s5;
	s7 =	smul.u32 $0x61C00, s0  }
0xb: {  	s11 =	smul.u32 $0x30E0, s0;
	s31 =	sshll.u32 s0, $0x6;
	_ =	strace $0x80000050  }
0xc: {  	s9 =	ssub.s32 $0x2, s5;
	s13 =	smul.u32 $0x30E00, s5;
	p0 =	seq.s32 s5, $0x1  }
0xd: {  	s5 =	sor.u32 $0x1C02, s31;
	s10 =	sadd.s32 s4, s8;
	s12 =	sshrl.u32 s9, $0x1  }
0xe: {  	s4 =	sadd.s32 $0x15D600, s8;
	s7 =	sshrl.u32 s7, $0x2;
	s9 =	ssub.s32 s9, s12  }
0xf: {  	s30 =	sadd.s32 s7, s2;
	s11 =	sadd.s32 s11, s13;
	s13 =	simm.s32 $0x2CBA00  }
0x10: {  	s12 =	simm.s32 $0x2;
	s6 =	sadd.s32 s6, s11;
	s13 =	simm.s32 @!p0 $0x452600  }
0x11: {  	s7 =	smax.u32 s9, $0x1;
	s9 =	sadd.s32 $0x160800, s10;
	s10 =	sadd.s32 $0x1A9E00, s10  }
0x12: {  	s11 =	sshrl.u32 s30, $0x3;
	s8 =	sadd.s32 s13, s8;
	s13 =	simm.s32 $0x18700  }
.LBB2_1:
0x13: {  	[spmem:s11], [sflag:s5] =	dma.local [hbm:s4], $0x30E0  }
0x14: {  	_ =	swait.ge [sflag:s12], $0x30E0  }
0x15: {  	[sflag:s12] =	ssyncset.done $0x0  }
0x16: {  	[sflag:s12] =	ssyncadd.s32 $0xFFFFCF20  }
0x17: {  	s29 =	sadd.s32 $0x0, s10;
	[bflag:$0x0] =	sbarrier.arrive $0xFFFF  }
0x18: {  	[tilespmem:s13], [sflag:$0x2] =	stream.linear.gather [hbm4b:s29+s3], $0x200, $0x38;
	[tilespmem:$0x1CB00] =	vst v63  }
0x19: {  	_ =	swait.ge [sflag:s12], $0x200  }
0x1a: {  	[sflag:s12] =	ssyncset.done $0x0  }
0x1b: {  	s29 =	sadd.s32 $0x0, s9;
	[sflag:s12] =	ssyncadd.s32 $0xFFFFFE00  }
0x1c: {  	[tilespmem:s14], [sflag:$0x2] =	stream.linear.gather [hbm4b:s29+s3], $0x200, $0x38;
	[tilespmem:$0x1CB00] =	vst v63  }
0x1d: {  	_ =	swait.ge [sflag:s12], $0x200  }
0x1e: {  	[sflag:s12] =	ssyncset.done $0x0  }
0x1f: {  	[sflag:s12] =	ssyncadd.s32 $0xFFFFFE00  }
0x20: {  	[tilespmem:s16], [sflag:$0x1] =	stream.indirect.gather [hbm4b:s8+s15], $0x20, s13, s15, $0xb8;
	[tilespmem:$0x1CB00] =	vst v63  }
0x21: {  	_ = 	snop  }
0x22: {  	[tilespmem:s18], [sflag:$0x1] =	stream.indirect.gather [hbm4b:s8+s15], $0x20, s17, s15, $0xb8;
	[tilespmem:$0x1CB00] =	vst v63  }
0x23: {  	_ = 	snop  }
0x24: {  	[tilespmem:s20], [sflag:$0x1] =	stream.indirect.gather [hbm4b:s8+s15], $0x20, s19, s15, $0xb8;
	[tilespmem:$0x1CB00] =	vst v63  }
0x25: {  	_ = 	snop  }
0x26: {  	[tilespmem:s22], [sflag:$0x1] =	stream.indirect.gather [hbm4b:s8+s15], $0x20, s21, s15, $0xb8;
	[tilespmem:$0x1CB00] =	vst v63  }
0x27: {  	_ =	swait.ge [sflag:s23], $0x1000  }
0x28: {  	[sflag:s23] =	ssyncset.done $0x0  }
0x29: {  	[sflag:s23] =	ssyncadd.s32 $0xFFFFF000  }
0x2a: {  	_ =	swait.ge [sflag:s23], $0x1000  }
0x2b: {  	[sflag:s23] =	ssyncset.done $0x0  }
0x2c: {  	[sflag:s23] =	ssyncadd.s32 $0xFFFFF000  }
0x2d: {  	_ =	swait.ge [sflag:s23], $0x1000  }
0x2e: {  	[sflag:s23] =	ssyncset.done $0x0  }
0x2f: {  	[sflag:s23] =	ssyncadd.s32 $0xFFFFF000  }
0x30: {  	_ =	swait.ge [sflag:s23], $0x1000  }
0x31: {  	[sflag:s23] =	ssyncset.done $0x0  }
0x32: {  	[sflag:s23] =	ssyncadd.s32 $0xFFFFF000  }
0x33: {  	[spmem:s2] =	stream.indirect.scatter.add.f32 [tilespmem:s16], [sflag:$0x2], $0x20, s14, s15, $0xb8;
	[tilespmem:$0x1CB00] =	vst v63  }
0x34: {  	_ =	swait.ge [sflag:s12], $0x1000  }
0x35: {  	[sflag:s12] =	ssyncset.done $0x0  }
0x36: {  	[sflag:s12] =	ssyncadd.s32 $0xFFFFF000  }
0x37: {  	[spmem:s2] =	stream.indirect.scatter.add.f32 [tilespmem:s18], [sflag:$0x2], $0x20, s24, s15, $0xb8;
	[tilespmem:$0x1CB00] =	vst v63  }
0x38: {  	_ =	swait.ge [sflag:s12], $0x1000  }
0x39: {  	[sflag:s12] =	ssyncset.done $0x0  }
0x3a: {  	[sflag:s12] =	ssyncadd.s32 $0xFFFFF000  }
0x3b: {  	[spmem:s2] =	stream.indirect.scatter.add.f32 [tilespmem:s20], [sflag:$0x2], $0x20, s25, s15, $0xb8;
	[tilespmem:$0x1CB00] =	vst v63  }
0x3c: {  	_ =	swait.ge [sflag:s12], $0x1000  }
0x3d: {  	[sflag:s12] =	ssyncset.done $0x0  }
0x3e: {  	[sflag:s12] =	ssyncadd.s32 $0xFFFFF000  }
0x3f: {  	[spmem:s2] =	stream.indirect.scatter.add.f32 [tilespmem:s22], [sflag:$0x2], $0x20, s26, s15, $0xb8;
	[tilespmem:$0x1CB00] =	vst v63  }
0x40: {  	_ =	swait.ge [sflag:s12], $0x1000  }
0x41: {  	s31 =	simm.s32 $0x80;
	s29 =	simm.s32 $0x40;
	[sflag:s12] =	ssyncset.done $0x0  }
.LBB2_2:
0x42: {  	s0 =	sadd.s32 s29, s10  }
0x43: {  	[sflag:s12] =	ssyncadd.s32 $0xFFFFF000;
	s1 =	smov.u32 s31;
	s30 =	sadd.s32 $0x40, s31  }
0x44: {  	[tilespmem:s13], [sflag:$0x2] =	stream.linear.gather [hbm4b:s0+s3], $0x200, $0x38;
	[tilespmem:$0x1CB00] =	vst v63  }
0x45: {  	p0 =	sne.s32 s31, $0x1840;
	_ =	swait.ge [sflag:s12], $0x200  }
0x46: {  	[sflag:s12] =	ssyncset.done $0x0  }
0x47: {  	s0 =	sadd.s32 s29, s9;
	s29 =	smov.u32 s1;
	[sflag:s12] =	ssyncadd.s32 $0xFFFFFE00  }
0x48: {  	[tilespmem:s14], [sflag:$0x2] =	stream.linear.gather [hbm4b:s0+s3], $0x200, $0x38;
	[tilespmem:$0x1CB00] =	vst v63  }
0x49: {  	_ =	swait.ge [sflag:s12], $0x200  }
0x4a: {  	[sflag:s12] =	ssyncset.done $0x0  }
0x4b: {  	[sflag:s12] =	ssyncadd.s32 $0xFFFFFE00  }
0x4c: {  	[tilespmem:s16], [sflag:$0x1] =	stream.indirect.gather [hbm4b:s8+s15], $0x20, s13, s15, $0xb8;
	[tilespmem:$0x1CB00] =	vst v63  }
0x4d: {  	_ = 	snop  }
0x4e: {  	[tilespmem:s18], [sflag:$0x1] =	stream.indirect.gather [hbm4b:s8+s15], $0x20, s17, s15, $0xb8;
	[tilespmem:$0x1CB00] =	vst v63  }
0x4f: {  	_ = 	snop  }
0x50: {  	[tilespmem:s20], [sflag:$0x1] =	stream.indirect.gather [hbm4b:s8+s15], $0x20, s19, s15, $0xb8;
	[tilespmem:$0x1CB00] =	vst v63  }
0x51: {  	_ = 	snop  }
0x52: {  	[tilespmem:s22], [sflag:$0x1] =	stream.indirect.gather [hbm4b:s8+s15], $0x20, s21, s15, $0xb8;
	[tilespmem:$0x1CB00] =	vst v63  }
0x53: {  	_ =	swait.ge [sflag:s23], $0x1000  }
0x54: {  	[sflag:s23] =	ssyncset.done $0x0  }
0x55: {  	[sflag:s23] =	ssyncadd.s32 $0xFFFFF000  }
0x56: {  	_ =	swait.ge [sflag:s23], $0x1000  }
0x57: {  	[sflag:s23] =	ssyncset.done $0x0  }
0x58: {  	[sflag:s23] =	ssyncadd.s32 $0xFFFFF000  }
0x59: {  	_ =	swait.ge [sflag:s23], $0x1000  }
0x5a: {  	[sflag:s23] =	ssyncset.done $0x0  }
0x5b: {  	[sflag:s23] =	ssyncadd.s32 $0xFFFFF000  }
0x5c: {  	_ =	swait.ge [sflag:s23], $0x1000  }
0x5d: {  	[sflag:s23] =	ssyncset.done $0x0  }
0x5e: {  	[sflag:s23] =	ssyncadd.s32 $0xFFFFF000  }
0x5f: {  	[spmem:s2] =	stream.indirect.scatter.add.f32 [tilespmem:s16], [sflag:$0x2], $0x20, s14, s15, $0xb8;
	[tilespmem:$0x1CB00] =	vst v63  }
0x60: {  	_ =	swait.ge [sflag:s12], $0x1000  }
0x61: {  	[sflag:s12] =	ssyncset.done $0x0  }
0x62: {  	[sflag:s12] =	ssyncadd.s32 $0xFFFFF000  }
0x63: {  	[spmem:s2] =	stream.indirect.scatter.add.f32 [tilespmem:s18], [sflag:$0x2], $0x20, s24, s15, $0xb8;
	[tilespmem:$0x1CB00] =	vst v63  }
0x64: {  	_ =	swait.ge [sflag:s12], $0x1000  }
0x65: {  	[sflag:s12] =	ssyncset.done $0x0  }
0x66: {  	[sflag:s12] =	ssyncadd.s32 $0xFFFFF000  }
0x67: {  	[spmem:s2] =	stream.indirect.scatter.add.f32 [tilespmem:s20], [sflag:$0x2], $0x20, s25, s15, $0xb8;
	[tilespmem:$0x1CB00] =	vst v63  }
0x68: {  	_ =	swait.ge [sflag:s12], $0x1000  }
.Ltmp0:
0x69: {  	[sflag:s12] =	ssyncset.done $0x0;
	(pc) =	sbr.rel @p0 .LBB2_2-.Ltmp0, $4  }
0x6a: {  	[sflag:s12] =	ssyncadd.s32 $0xFFFFF000  }
0x6b: {  	[spmem:s2] =	stream.indirect.scatter.add.f32 [tilespmem:s22], [sflag:$0x2], $0x20, s26, s15, $0xb8;
	[tilespmem:$0x1CB00] =	vst v63  }
0x6c: {  	_ =	swait.ge [sflag:s12], $0x1000  }
0x6d: {  	s31 =	smov.u32 s30;
	[sflag:s12] =	ssyncset.done $0x0  }
0x6e: {  	s0 =	sadd.s32 s29, s10;
	[sflag:s12] =	ssyncadd.s32 $0xFFFFF000  }
0x6f: {  	[tilespmem:s13], [sflag:$0x2] =	stream.linear.gather [hbm4b:s0+s3], $0x200, $0x38;
	[tilespmem:$0x1CB00] =	vst v63  }
0x70: {  	_ =	swait.ge [sflag:s12], $0x200  }
0x71: {  	[sflag:s12] =	ssyncset.done $0x0  }
0x72: {  	s31 =	sadd.s32 s29, s9;
	[sflag:s12] =	ssyncadd.s32 $0xFFFFFE00  }
0x73: {  	[tilespmem:s14], [sflag:$0x2] =	stream.linear.gather [hbm4b:s31+s3], $0x200, $0x38;
	[tilespmem:$0x1CB00] =	vst v63  }
0x74: {  	_ =	swait.ge [sflag:s12], $0x200  }
0x75: {  	[sflag:s12] =	ssyncset.done $0x0  }
0x76: {  	[sflag:s12] =	ssyncadd.s32 $0xFFFFFE00  }
0x77: {  	[tilespmem:s16], [sflag:$0x1] =	stream.indirect.gather [hbm4b:s8+s15], $0x20, s13, s15, $0xb8;
	[tilespmem:$0x1CB00] =	vst v63  }
0x78: {  	_ = 	snop  }
0x79: {  	[tilespmem:s18], [sflag:$0x1] =	stream.indirect.gather [hbm4b:s8+s15], $0x20, s17, s15, $0xb8;
	[tilespmem:$0x1CB00] =	vst v63  }
0x7a: {  	_ = 	snop  }
0x7b: {  	[tilespmem:s20], [sflag:$0x1] =	stream.indirect.gather [hbm4b:s8+s15], $0x20, s19, s15, $0xb8;
	[tilespmem:$0x1CB00] =	vst v63  }
0x7c: {  	_ = 	snop  }
0x7d: {  	[tilespmem:s22], [sflag:$0x1] =	stream.indirect.gather [hbm4b:s8+s15], $0x20, s21, s15, $0xb8;
	[tilespmem:$0x1CB00] =	vst v63  }
0x7e: {  	_ =	swait.ge [sflag:s23], $0x1000  }
0x7f: {  	[sflag:s23] =	ssyncset.done $0x0  }
0x80: {  	[sflag:s23] =	ssyncadd.s32 $0xFFFFF000  }
0x81: {  	_ =	swait.ge [sflag:s23], $0x1000  }
0x82: {  	[sflag:s23] =	ssyncset.done $0x0  }
0x83: {  	[sflag:s23] =	ssyncadd.s32 $0xFFFFF000  }
0x84: {  	_ =	swait.ge [sflag:s23], $0x1000  }
0x85: {  	[sflag:s23] =	ssyncset.done $0x0  }
0x86: {  	[sflag:s23] =	ssyncadd.s32 $0xFFFFF000  }
0x87: {  	_ =	swait.ge [sflag:s23], $0x1000  }
0x88: {  	[sflag:s23] =	ssyncset.done $0x0  }
0x89: {  	[sflag:s23] =	ssyncadd.s32 $0xFFFFF000  }
0x8a: {  	[spmem:s2] =	stream.indirect.scatter.add.f32 [tilespmem:s16], [sflag:$0x2], $0x20, s14, s15, $0xb8;
	[tilespmem:$0x1CB00] =	vst v63  }
0x8b: {  	_ =	swait.ge [sflag:s12], $0x1000  }
0x8c: {  	[sflag:s12] =	ssyncset.done $0x0  }
0x8d: {  	[sflag:s12] =	ssyncadd.s32 $0xFFFFF000  }
0x8e: {  	[spmem:s2] =	stream.indirect.scatter.add.f32 [tilespmem:s18], [sflag:$0x2], $0x20, s24, s15, $0xb8;
	[tilespmem:$0x1CB00] =	vst v63  }
0x8f: {  	_ =	swait.ge [sflag:s12], $0x1000  }
0x90: {  	[sflag:s12] =	ssyncset.done $0x0  }
0x91: {  	[sflag:s12] =	ssyncadd.s32 $0xFFFFF000  }
0x92: {  	[spmem:s2] =	stream.indirect.scatter.add.f32 [tilespmem:s20], [sflag:$0x2], $0x20, s25, s15, $0xb8;
	[tilespmem:$0x1CB00] =	vst v63  }
0x93: {  	_ =	swait.ge [sflag:s12], $0x1000  }
0x94: {  	[sflag:s12] =	ssyncset.done $0x0  }
0x95: {  	[sflag:s12] =	ssyncadd.s32 $0xFFFFF000  }
0x96: {  	[spmem:s2] =	stream.indirect.scatter.add.f32 [tilespmem:s22], [sflag:$0x2], $0x20, s26, s15, $0xb8;
	[tilespmem:$0x1CB00] =	vst v63  }
0x97: {  	_ =	swait.ge [sflag:s12], $0x1000  }
0x98: {  	s28 =	sadd.s32 $0x1, s28;
	[sflag:s12] =	ssyncset.done $0x0  }
0x99: {  	p0 =	sne.s32 s28, s7;
	[sflag:s12] =	ssyncadd.s32 $0xFFFFF000  }
.Ltmp1:
0x9a: {  	[bflag:$0x0] =	sbarrier.arrive $0xFFFF;
	(pc) =	sbr.rel @p0 .LBB2_1-.Ltmp1, $4  }
0x9b: {  	[hbm:s6], [sflag:s5] =	dma.local [spmem:s11], $0x30E0  }
0x9c: {  	_ =	swait.ge [sflag:s12], $0x30E0  }
0x9d: {  	[sflag:s12] =	ssyncset.done $0x0  }
0x9e: {  	[sflag:s12] =	ssyncadd.s32 $0xFFFFCF20  }
0x9f: {  	_ =	sfence.sel $0x180000  }
0xa0: {  	[bflag:$0x0] =	sbarrier.arrive $0xFFFF  }
0xa1: {  	_ =	strace $0x90000050  }
0xa2: {  	s0 =	stileid.u32;
	[bflag:$0x2] =	sbarrier.arrive $0xFFFF  }
0xa3: {  	p0 =	sne.s32 s0, $0x0;
	s0 =	rddreg [dreg:$0x3]  }
0xa4: {  	s0 =	sadd.s32 @!p0 $0x100000, s0  }
0xa5: {  	[sflag:s0] =	ssyncadd.tile.s32 @!p0 $0x1;
	_ =	shalt  }
.Lfunc_end2:
_tile_overlayer_lowered:
.L_overlay_start_2:
0xa6: {  	(tag) =	ssettag $0x2  }
0xa7: {  	s0 =	rddreg [dreg:$0x0];
	s2 =	stileid.u32  }
0xa8: {  	s1 =	rddreg [dreg:$0x1];
	p0 =	sne.s32 s2, $0x0  }
0xa9: {  	s3 =	rddreg [dreg:$0x2];
	[bflag:$0x3] =	sbarrier.arrive $0xFFFF;
	s2 =	simm.s32 @!p0 $0x1C02  }
0xaa: {  	[timem:s3], [sflag:s2] =	dma.local @!p0 [hbm:s0], s1  }
0xab: {  	s0 =	simm.s32 @!p0 $0x2  }
0xac: {  	_ =	swait.ge @!p0 [sflag:s0], s1  }
0xad: {  	s1 =	ssub.s32 @!p0 $0x0, s1;
	[sflag:s0] =	ssyncset.done @!p0 $0x0  }
0xae: {  	[sflag:s0] =	ssyncadd.s32 @!p0 s1  }
0xaf: {  	[bflag:$0x3] =	sbarrier.arrive $0xFFFF  }
0xb0: {  	_ =	shalt  }

// kernel: kernel.29.cloned.1.call-start
scs
__scs_entry_jumppad:
0x0: {  	(pc) =	sbr.rel $0x88, $3  }
0x1: {  	(tag) =	ssettag $0x0;
	lr =	simm.s32 $0x1  }
0x2: {  	[smem:$0x3F91] =	sst lr;
	_ =	strace $0xD0000000  }
0x3: {  	_ = 	snop  }
0x4: {  	_ = 	snop  }
0x5: {  	_ = 	snop  }
0x6: {  	_ = 	snop  }
0x7: {  	_ = 	snop  }
__scs_overlays_trampoline_lowered:
0x8: {  	[smem:$0x3FA0] =	sst s0  }
0x9: {  	[smem:$0x3FA1] =	sst s1  }
0xa: {  	[smem:$0x3FA2] =	sst s2  }
0xb: {  	[smem:$0x3FA3] =	sst s3  }
0xc: {  	[smem:$0x3FA4] =	sst s4  }
0xd: {  	[smem:$0x3FA5] =	sst s5  }
0xe: {  	[smem:$0x3FA6] =	sst s6  }
0xf: {  	[smem:$0x3FA7] =	sst s7  }
0x10: {  	[smem:$0x3FA8] =	sst s8  }
0x11: {  	[smem:$0x3FA9] =	sst s9;
	s0 =	simm.s32 @!p0 $0x0  }
0x12: {  	s1 =	sld [smem:$0x3F8F];
	s0 =	simm.s32 @p0 $0x1  }
0x13: {  	[smem:$0x3FAA] =	sst s0;
	s0 =	simm.s32 @!p1 $0x0  }
0x14: {  	s2 =	sld [smem:$0x3F8E];
	s0 =	simm.s32 @p1 $0x1  }
0x15: {  	[smem:$0x3FAB] =	sst s0;
	s0 =	simm.s32 @!p2 $0x0  }
0x16: {  	s3 =	sld [smem:$0x3FDB];
	s0 =	simm.s32 @p2 $0x1  }
0x17: {  	s4 =	simm.s32 $0x1BF5;
	[smem:$0x3FAD] =	sst s0  }
0x18: {  	s0 =	sld [smem:$0x3F90];
	_ =	swait.ge [sflag:s4], $0x0  }
0x19: {  	s7 =	sld [smem:$0x3F91]  }
0x1a: {  	s8 =	sadd.s32 $0xFFFFE003, lr  }
0x1b: {  	s9 =	sadd.s32 $0xFFFFFEF7, lr;
	s5 =	simm.s32 $0xFFFFFFFF;
	p2 =	slt.u32 s8, $0xFFFFF086  }
0x1c: {  	p1 =	slt.u32 s9, $0xF7A;
	s5 =	simm.s32 @!p2 $0x0  }
0x1d: {  	s5 =	simm.s32 @p1 $0x1;
	p0 =	seq.s32 s7, s2  }
0x1e: {  	s7 =	smul.u32 @!p0 $0xF7A, s2;
	p2 =	seq.s32 @!p0 s5, $0x0  }
0x1f: {  	s9 =	smul.u32 $0xF7A, s1;
	s8 =	simm.s32 @!p0 $0x1BF5;
	p2 =	por !p2, p0  }
0x20: {  	[sflag:s8] =	ssyncset.s32 @!p0 $0xFFFFF086;
	s6 =	sadd.s32 @!p0 s3, s7;
	s7 =	simm.s32 @!p0 $0x108  }
0x21: {  	s3 =	sadd.s32 s3, s9;
	s6 =	sadd.s32 @!p0 $0x88, s6;
	s7 =	simm.s32 @p2 $0x1082  }
0x22: {  	[simem:s7], [sflag:s8] =	dma.local @!p0 [hbm:s6], $0xF7A  }
0x23: {  	s9 =	sor.u32 $0xD0000000, s2;
	s6 =	simm.s32 $0x108;
	_ =	swait.ge @!p0 [sflag:s8], $0x0  }
0x24: {  	s3 =	sadd.s32 $0x88, s3;
	s6 =	simm.s32 @!p1 $0x1082;
	[sflag:s4] =	ssyncset.s32 $0xFFFFF086  }
0x25: {  	[simem:s6], [sflag:s4] =	dma.local [hbm:s3], $0xF7A  }
0x26: {  	[smem:$0x3F91] =	sst s1;
	(tag) =	ssettag s2;
	_ =	strace s9  }
0x27: {  	s1 =	sld [smem:$0x3FA1]  }
0x28: {  	s2 =	sld [smem:$0x3FA2]  }
0x29: {  	s4 =	sld [smem:$0x3FA4]  }
0x2a: {  	p0 =	seq.s32 s5, $0x0;
	s5 =	sld [smem:$0x3FA5]  }
0x2b: {  	s6 =	sld [smem:$0x3FA6]  }
0x2c: {  	s7 =	sld [smem:$0x3FA7]  }
0x2d: {  	s3 =	simm.s32 $0x108;
	s8 =	sld [smem:$0x3FA8]  }
0x2e: {  	s3 =	simm.s32 @!p0 $0x1082;
	s9 =	sld [smem:$0x3FA9]  }
0x2f: {  	lr =	sadd.s32 s0, s3;
	s0 =	sld [smem:$0x3FA0]  }
0x30: {  	s3 =	sld [smem:$0x3FA3]  }
0x31: {  	[smem:$0x3FAC] =	sst s10  }
0x32: {  	s10 =	sld [smem:$0x3FAA];
	_ =	sdelay $0x3  }
0x33: {  	p0 =	seq.s32 s10, $0x1;
	s10 =	sld [smem:$0x3FAC];
	_ =	sdelay $0x3  }
0x34: {  	[smem:$0x3FAC] =	sst s10  }
0x35: {  	s10 =	sld [smem:$0x3FAB];
	_ =	sdelay $0x3  }
0x36: {  	p1 =	seq.s32 s10, $0x1;
	s10 =	sld [smem:$0x3FAC];
	_ =	sdelay $0x3  }
0x37: {  	[smem:$0x3FAC] =	sst s10  }
0x38: {  	s10 =	sld [smem:$0x3FAD]  }
0x39: {  	_ = 	snop;
	(pc) =	sbr.ind lr, $3  }
0x3a: {  	_ = 	snop  }
0x3b: {  	_ = 	snop  }
0x3c: {  	p2 =	seq.s32 s10, $0x1;
	s10 =	sld [smem:$0x3FAC]  }
0x3d: {  	_ =	shalt  }
0x3e: {  	_ =	shalt  }
0x3f: {  	_ =	shalt  }
0x40: {  	_ =	shalt  }
0x41: {  	_ =	shalt  }
0x42: {  	_ =	shalt  }
0x43: {  	_ =	shalt  }
0x44: {  	_ =	shalt  }
0x45: {  	_ =	shalt  }
0x46: {  	_ =	shalt  }
0x47: {  	_ =	shalt  }
0x48: {  	_ =	shalt  }
0x49: {  	_ =	shalt  }
0x4a: {  	_ =	shalt  }
0x4b: {  	_ =	shalt  }
0x4c: {  	_ =	shalt  }
0x4d: {  	_ =	shalt  }
0x4e: {  	_ =	shalt  }
0x4f: {  	_ =	shalt  }
0x50: {  	_ =	shalt  }
0x51: {  	_ =	shalt  }
0x52: {  	_ =	shalt  }
0x53: {  	_ =	shalt  }
0x54: {  	_ =	shalt  }
0x55: {  	_ =	shalt  }
0x56: {  	_ =	shalt  }
0x57: {  	_ =	shalt  }
0x58: {  	_ =	shalt  }
0x59: {  	_ =	shalt  }
0x5a: {  	_ =	shalt  }
0x5b: {  	_ =	shalt  }
0x5c: {  	_ =	shalt  }
0x5d: {  	_ =	shalt  }
0x5e: {  	_ =	shalt  }
0x5f: {  	_ =	shalt  }
0x60: {  	_ =	shalt  }
0x61: {  	_ =	shalt  }
0x62: {  	_ =	shalt  }
0x63: {  	_ =	shalt  }
0x64: {  	_ =	shalt  }
0x65: {  	_ =	shalt  }
0x66: {  	_ =	shalt  }
0x67: {  	_ =	shalt  }
0x68: {  	_ =	shalt  }
0x69: {  	_ =	shalt  }
0x6a: {  	_ =	shalt  }
0x6b: {  	_ =	shalt  }
0x6c: {  	_ =	shalt  }
0x6d: {  	_ =	shalt  }
0x6e: {  	_ =	shalt  }
0x6f: {  	_ =	shalt  }
0x70: {  	_ =	shalt  }
0x71: {  	_ =	shalt  }
0x72: {  	_ =	shalt  }
0x73: {  	_ =	shalt  }
0x74: {  	_ =	shalt  }
0x75: {  	_ =	shalt  }
0x76: {  	_ =	shalt  }
0x77: {  	_ =	shalt  }
0x78: {  	_ =	shalt  }
0x79: {  	_ =	shalt  }
0x7a: {  	_ =	shalt  }
0x7b: {  	_ =	shalt  }
0x7c: {  	_ =	shalt  }
0x7d: {  	_ =	shalt  }
0x7e: {  	_ =	shalt  }
0x7f: {  	_ =	shalt  }
0x80: {  	_ =	shalt  }
0x81: {  	_ =	shalt  }
0x82: {  	_ =	shalt  }
0x83: {  	_ =	shalt  }
0x84: {  	_ =	shalt  }
0x85: {  	_ =	shalt  }
0x86: {  	_ =	shalt  }
0x87: {  	_ =	shalt  }
.Lfunc_end0:
.L_simem_size_0:
called_computation.3_lowered:
.L_overlay_start_0:
0x88: {  	s2 =	sld [smem:$0x3FD9]  }
0x89: {  	s3 =	sld [smem:$0x3FFE];
	_ =	sdelay $0x1  }
0x8a: {  	s1 =	srdreg.scid  }
0x8b: {  	s0 =	sand.u32 $0x1, s1  }
0x8c: {  	s15 =	sshll.u32 s0, $0xA;
	s2 =	sadd.s32 s3, s2  }
0x8d: {  	s2 =	sadd.s32 s2, s15  }
0x8e: {  	[smem:$0x3FB8] =	sst s2  }
0x8f: {  	_ = 	snop  }
0x90: {  	s2 =	sld [smem:$0x3FD0];
	_ =	sdelay $0x2  }
0x91: {  	s16 =	simm.s32 $0xD;
	s4 =	simm.s32 $0x10  }
0x92: {  	[smem:s4], [sflag:s16] =	dma.local [hbm:s2], $0x1  }
0x93: {  	_ =	swait.eq [sflag:s16], $0x1  }
0x94: {  	[sflag:s16] =	ssyncset.done $0x0  }
0x95: {  	[sflag:s16] =	ssyncadd.s32 $0xFFFFFFFF  }
0x96: {  	s17 =	sld [smem:$0x11];
	(tm) =	ssettm $0x1  }
0x97: {  	s18 =	sld [smem:$0x3FFB];
	_ =	sdelay $0x3  }
0x98: {  	_ =	strace s18  }
0x99: {  	s2 =	sld [smem:$0x3FFC];
	_ =	sdelay $0x3  }
0x9a: {  	_ =	strace s2  }
0x9b: {  	s2 =	sld [smem:$0x3FFD];
	_ =	sdelay $0x3  }
0x9c: {  	_ =	strace s2  }
0x9d: {  	_ =	strace $0x8FFFFFFF  }
0x9e: {  	s19 =	sld [smem:$0x3FDB];
	_ =	sdelay $0x1  }
0x9f: {  	s20 =	simm.s32 $_scs_section_size  }
0xa0: {  	s5 =	simm.s32 $_size__tile_overlayer_lowered;
	s6 =	simm.s32 $_tile_overlayer_lowered  }
0xa1: {  	s7 =	simm.s32 $0x1BFF;
	s21 =	sshll.u32 s6, $0x1;
	s4 =	sadd.s32 s20, s19  }
0xa2: {  	s22 =	simm.s32 $0x0;
	s5 =	sshll.u32 s5, $0x1;
	s6 =	sadd.s32 s21, s4  }
0xa3: {  	[timem:s22], [sflag:s7] =	dma.local [hbm:s6], s5  }
0xa4: {  	_ =	swait.ge [sflag:s7], s5  }
0xa5: {  	s5 =	ssub.s32 $0x0, s5;
	[sflag:s7] =	ssyncset.done $0x0  }
0xa6: {  	[sflag:s7] =	ssyncadd.s32 s5;
	_ =	sdelay $0x1  }
0xa7: {  	s23 =	simm.s32 $0x1B8B  }
0xa8: {  	_ =	swait.ge [sflag:s23], $0x1  }
0xa9: {  	[sflag:s23] =	ssyncset.done $0x0  }
0xaa: {  	[sflag:s23] =	ssyncadd.s32 $0xFFFFFFFF  }
0xab: {  	s5 =	sld [smem:$0x0]  }
0xac: {  	s6 =	sand.u32 $0xFFFFFFFE, s1  }
0xad: {  	p0 =	sne.s32 s1, s6  }
0xae: {  	s6 =	sshll.u32 @p0 s6, $0xE  }
0xaf: {  	s6 =	sadd.s32 @p0 $0x11B8D, s6;
	s7 =	sshll.u32 @p0 s5, $0x11  }
0xb0: {  	s6 =	sor.u32 @p0 s7, s6  }
0xb1: {  	[sflag:s6] =	ssyncadd.remote.s32 @p0 $0x1;
	_ =	sdelay $0x1  }
0xb2: {  	s6 =	simm.s32 @p0 $0x1B8D  }
0xb3: {  	_ =	swait.eq @p0 [sflag:s6], $0x1  }
0xb4: {  	[sflag:s6] =	ssyncadd.s32 @p0 $0xFFFFFFFF  }
0xb5: {  	s7 =	sshll.u32 @!p0 s1, $0xE  }
0xb6: {  	s7 =	sor.u32 @!p0 $0x4000, s7;
	s6 =	simm.s32 @!p0 $0x1B8D  }
0xb7: {  	s5 =	sshll.u32 @!p0 s5, $0x11;
	s7 =	sadd.s32 @!p0 $0x11B8D, s7;
	_ =	swait.eq @!p0 [sflag:s6], $0x1  }
0xb8: {  	s5 =	sor.u32 @!p0 s5, s7;
	[sflag:s6] =	ssyncadd.s32 @!p0 $0xFFFFFFFF  }
0xb9: {  	s25 =	simm.s32 $0x1B8E;
	s24 =	sld [smem:$0x3FFE];
	[sflag:s5] =	ssyncadd.remote.s32 @!p0 $0x1  }
0xba: {  	s26 =	simm.s32 $execute0_lowered;
	[smem:$0x3FD2] =	sst s25  }
0xbb: {  	s6 =	sshll.u32 s26, $0x1;
	_ =	strace $0x80000049;
	[dreg:$0x1] =	wrdreg $0xFFFFFFFF  }
0xbc: {  	s28 =	simm.s32 $_size_execute0_lowered;
	s4 =	sadd.s32 s4, s6;
	[dreg:$0x0] =	wrdreg $0x0  }
0xbd: {  	s6 =	sshll.u32 s28, $0x1;
	[dreg:$0x2] =	wrdreg s4  }
0xbe: {  	[dreg:$0x3] =	wrdreg s6  }
0xbf: {  	[dreg:$0x4] =	wrdreg $0xC0  }
0xc0: {  	_ =	task [dreg:s22], $0x5FFFF  }
0xc1: {  	[dreg:$0x1] =	wrdreg $0xFFFFFFFF  }
0xc2: {  	[dreg:$0x0] =	wrdreg $0x60  }
0xc3: {  	[dreg:$0x2] =	wrdreg s24  }
0xc4: {  	[dreg:$0x3] =	wrdreg s17  }
0xc5: {  	[dreg:$0x4] =	wrdreg $0x0  }
0xc6: {  	[dreg:$0x5] =	wrdreg $0xC  }
0xc7: {  	_ =	task.clear_ibuf [dreg:s22], $0x6FFFF;
	_ =	strace $0x90000049  }
0xc8: {  	s29 =	simm.s32 $0xC;
	_ =	strace $0x8000004B  }
0xc9: {  	_ =	swait.ge [sflag:s29], $0x1  }
0xca: {  	[sflag:s29] =	ssyncadd.s32 $0xFFFFFFFF  }
0xcb: {  	_ =	strace $0x9000004B  }
0xcc: {  	_ =	sfence  }
0xcd: {  	s30 =	sld [smem:$0x0];
	_ =	sdelay $0x2  }
0xce: {  	s31 =	sshll.u32 s1, $0xD;
	s1 =	sshrl.u32 s1, $0x2  }
0xcf: {  	s4 =	sand.u32 $0x4000, s31;
	s1 =	sadd.s32 s1, s30  }
0xd0: {  	s0 =	sor.u32 s4, s0;
	s1 =	sshll.u32 s1, $0x11  }
0xd1: {  	s0 =	sor.u32 s1, s0  }
0xd2: {  	s0 =	sadd.s32 $0x8F2B, s0  }
0xd3: {  	[sflag:s0] =	ssyncadd.remote.s32 $0x1  }
0xd4: {  	_ =	sfence.sel $0xFFFF  }
0xd5: {  	[dreg:$0x0] =	wrdreg $0xFFFFFFFF;
	(pc) =	sbr.abs _section_cstart, $3  }
0xd6: {  	[dreg:$0x1] =	wrdreg $0xFFFFFFFF  }
0xd7: {  	_ =	task.clear_ibuf [dreg:s22], $0x2FFFF;
	_ =	strace $0x9FFFFFFF  }
0xd8: {  	(tm) =	ssettm $0x7FFFFFFF  }
0xd9: {  	_ =	shalt  }
tec
execute0_lowered:
.L_overlay_start_1:
0x0: {  	(tag) =	ssettag $0x1  }
0x1: {  	s8 =	rddreg [dreg:$0x0]  }
0x2: {  	s6 =	rddreg [dreg:$0x1]  }
0x3: {  	s2 =	rddreg [dreg:$0x2]  }
0x4: {  	s3 =	simm.s32 $0x0;
	s0 =	stileid.u32;
	s5 =	srdreg.scid  }
0x5: {  	s14 =	simm.s32 $0x18900;
	s15 =	simm.s32 $0x80;
	s16 =	simm.s32 $0x18B00  }
0x6: {  	s17 =	simm.s32 $0x18780;
	s18 =	simm.s32 $0x19B00;
	s19 =	simm.s32 $0x18800  }
0x7: {  	s20 =	simm.s32 $0x1AB00;
	s21 =	simm.s32 $0x18880;
	s22 =	simm.s32 $0x1BB00  }
0x8: {  	s23 =	simm.s32 $0x1;
	s24 =	simm.s32 $0x18980;
	s25 =	simm.s32 $0x18A00  }
0x9: {  	s26 =	simm.s32 $0x18A80;
	s28 =	simm.s32 $0x0;
	s4 =	smul.u32 $0x1880, s0  }
0xa: {  	[smem:$0x7FF] =	sst s3;
	s5 =	sand.u32 $0x1, s5;
	s7 =	smul.u32 $0x61C00, s0  }
0xb: {  	s11 =	smul.u32 $0x30E0, s0;
	s31 =	sshll.u32 s0, $0x6;
	_ =	strace $0x8000004A  }
0xc: {  	s9 =	ssub.s32 $0x2, s5;
	s13 =	smul.u32 $0x30E00, s5;
	p0 =	seq.s32 s5, $0x1  }
0xd: {  	s5 =	sor.u32 $0x1C02, s31;
	s10 =	sadd.s32 s4, s8;
	s12 =	sshrl.u32 s9, $0x1  }
0xe: {  	s4 =	sadd.s32 $0x15D600, s8;
	s7 =	sshrl.u32 s7, $0x2;
	s9 =	ssub.s32 s9, s12  }
0xf: {  	s30 =	sadd.s32 s7, s2;
	s11 =	sadd.s32 s11, s13;
	s13 =	simm.s32 $0x114000  }
0x10: {  	s12 =	simm.s32 $0x2;
	s6 =	sadd.s32 s6, s11;
	s13 =	simm.s32 @!p0 $0x29AC00  }
0x11: {  	s7 =	smax.u32 s9, $0x1;
	s9 =	sadd.s32 $0x5600, s10;
	s10 =	sadd.s32 $0x144E00, s10  }
0x12: {  	s11 =	sshrl.u32 s30, $0x3;
	s8 =	sadd.s32 s13, s8;
	s13 =	simm.s32 $0x18700  }
.LBB2_1:
0x13: {  	[spmem:s11], [sflag:s5] =	dma.local [hbm:s4], $0x30E0  }
0x14: {  	_ =	swait.ge [sflag:s12], $0x30E0  }
0x15: {  	[sflag:s12] =	ssyncset.done $0x0  }
0x16: {  	[sflag:s12] =	ssyncadd.s32 $0xFFFFCF20  }
0x17: {  	s29 =	sadd.s32 $0x0, s10;
	[bflag:$0x0] =	sbarrier.arrive $0xFFFF  }
0x18: {  	[tilespmem:s13], [sflag:$0x2] =	stream.linear.gather [hbm4b:s29+s3], $0x200, $0x38;
	[tilespmem:$0x1CB00] =	vst v63  }
0x19: {  	_ =	swait.ge [sflag:s12], $0x200  }
0x1a: {  	[sflag:s12] =	ssyncset.done $0x0  }
0x1b: {  	s29 =	sadd.s32 $0x0, s9;
	[sflag:s12] =	ssyncadd.s32 $0xFFFFFE00  }
0x1c: {  	[tilespmem:s14], [sflag:$0x2] =	stream.linear.gather [hbm4b:s29+s3], $0x200, $0x38;
	[tilespmem:$0x1CB00] =	vst v63  }
0x1d: {  	_ =	swait.ge [sflag:s12], $0x200  }
0x1e: {  	[sflag:s12] =	ssyncset.done $0x0  }
0x1f: {  	[sflag:s12] =	ssyncadd.s32 $0xFFFFFE00  }
0x20: {  	[tilespmem:s16], [sflag:$0x1] =	stream.indirect.gather [hbm4b:s8+s15], $0x20, s13, s15, $0xb8;
	[tilespmem:$0x1CB00] =	vst v63  }
0x21: {  	_ = 	snop  }
0x22: {  	[tilespmem:s18], [sflag:$0x1] =	stream.indirect.gather [hbm4b:s8+s15], $0x20, s17, s15, $0xb8;
	[tilespmem:$0x1CB00] =	vst v63  }
0x23: {  	_ = 	snop  }
0x24: {  	[tilespmem:s20], [sflag:$0x1] =	stream.indirect.gather [hbm4b:s8+s15], $0x20, s19, s15, $0xb8;
	[tilespmem:$0x1CB00] =	vst v63  }
0x25: {  	_ = 	snop  }
0x26: {  	[tilespmem:s22], [sflag:$0x1] =	stream.indirect.gather [hbm4b:s8+s15], $0x20, s21, s15, $0xb8;
	[tilespmem:$0x1CB00] =	vst v63  }
0x27: {  	_ =	swait.ge [sflag:s23], $0x1000  }
0x28: {  	[sflag:s23] =	ssyncset.done $0x0  }
0x29: {  	[sflag:s23] =	ssyncadd.s32 $0xFFFFF000  }
0x2a: {  	_ =	swait.ge [sflag:s23], $0x1000  }
0x2b: {  	[sflag:s23] =	ssyncset.done $0x0  }
0x2c: {  	[sflag:s23] =	ssyncadd.s32 $0xFFFFF000  }
0x2d: {  	_ =	swait.ge [sflag:s23], $0x1000  }
0x2e: {  	[sflag:s23] =	ssyncset.done $0x0  }
0x2f: {  	[sflag:s23] =	ssyncadd.s32 $0xFFFFF000  }
0x30: {  	_ =	swait.ge [sflag:s23], $0x1000  }
0x31: {  	[sflag:s23] =	ssyncset.done $0x0  }
0x32: {  	[sflag:s23] =	ssyncadd.s32 $0xFFFFF000  }
0x33: {  	[spmem:s2] =	stream.indirect.scatter.add.f32 [tilespmem:s16], [sflag:$0x2], $0x20, s14, s15, $0xb8;
	[tilespmem:$0x1CB00] =	vst v63  }
0x34: {  	_ =	swait.ge [sflag:s12], $0x1000  }
0x35: {  	[sflag:s12] =	ssyncset.done $0x0  }
0x36: {  	[sflag:s12] =	ssyncadd.s32 $0xFFFFF000  }
0x37: {  	[spmem:s2] =	stream.indirect.scatter.add.f32 [tilespmem:s18], [sflag:$0x2], $0x20, s24, s15, $0xb8;
	[tilespmem:$0x1CB00] =	vst v63  }
0x38: {  	_ =	swait.ge [sflag:s12], $0x1000  }
0x39: {  	[sflag:s12] =	ssyncset.done $0x0  }
0x3a: {  	[sflag:s12] =	ssyncadd.s32 $0xFFFFF000  }
0x3b: {  	[spmem:s2] =	stream.indirect.scatter.add.f32 [tilespmem:s20], [sflag:$0x2], $0x20, s25, s15, $0xb8;
	[tilespmem:$0x1CB00] =	vst v63  }
0x3c: {  	_ =	swait.ge [sflag:s12], $0x1000  }
0x3d: {  	[sflag:s12] =	ssyncset.done $0x0  }
0x3e: {  	[sflag:s12] =	ssyncadd.s32 $0xFFFFF000  }
0x3f: {  	[spmem:s2] =	stream.indirect.scatter.add.f32 [tilespmem:s22], [sflag:$0x2], $0x20, s26, s15, $0xb8;
	[tilespmem:$0x1CB00] =	vst v63  }
0x40: {  	_ =	swait.ge [sflag:s12], $0x1000  }
0x41: {  	s31 =	simm.s32 $0x80;
	s29 =	simm.s32 $0x40;
	[sflag:s12] =	ssyncset.done $0x0  }
.LBB2_2:
0x42: {  	s0 =	sadd.s32 s29, s10  }
0x43: {  	[sflag:s12] =	ssyncadd.s32 $0xFFFFF000;
	s1 =	smov.u32 s31;
	s30 =	sadd.s32 $0x40, s31  }
0x44: {  	[tilespmem:s13], [sflag:$0x2] =	stream.linear.gather [hbm4b:s0+s3], $0x200, $0x38;
	[tilespmem:$0x1CB00] =	vst v63  }
0x45: {  	p0 =	sne.s32 s31, $0x1840;
	_ =	swait.ge [sflag:s12], $0x200  }
0x46: {  	[sflag:s12] =	ssyncset.done $0x0  }
0x47: {  	s0 =	sadd.s32 s29, s9;
	s29 =	smov.u32 s1;
	[sflag:s12] =	ssyncadd.s32 $0xFFFFFE00  }
0x48: {  	[tilespmem:s14], [sflag:$0x2] =	stream.linear.gather [hbm4b:s0+s3], $0x200, $0x38;
	[tilespmem:$0x1CB00] =	vst v63  }
0x49: {  	_ =	swait.ge [sflag:s12], $0x200  }
0x4a: {  	[sflag:s12] =	ssyncset.done $0x0  }
0x4b: {  	[sflag:s12] =	ssyncadd.s32 $0xFFFFFE00  }
0x4c: {  	[tilespmem:s16], [sflag:$0x1] =	stream.indirect.gather [hbm4b:s8+s15], $0x20, s13, s15, $0xb8;
	[tilespmem:$0x1CB00] =	vst v63  }
0x4d: {  	_ = 	snop  }
0x4e: {  	[tilespmem:s18], [sflag:$0x1] =	stream.indirect.gather [hbm4b:s8+s15], $0x20, s17, s15, $0xb8;
	[tilespmem:$0x1CB00] =	vst v63  }
0x4f: {  	_ = 	snop  }
0x50: {  	[tilespmem:s20], [sflag:$0x1] =	stream.indirect.gather [hbm4b:s8+s15], $0x20, s19, s15, $0xb8;
	[tilespmem:$0x1CB00] =	vst v63  }
0x51: {  	_ = 	snop  }
0x52: {  	[tilespmem:s22], [sflag:$0x1] =	stream.indirect.gather [hbm4b:s8+s15], $0x20, s21, s15, $0xb8;
	[tilespmem:$0x1CB00] =	vst v63  }
0x53: {  	_ =	swait.ge [sflag:s23], $0x1000  }
0x54: {  	[sflag:s23] =	ssyncset.done $0x0  }
0x55: {  	[sflag:s23] =	ssyncadd.s32 $0xFFFFF000  }
0x56: {  	_ =	swait.ge [sflag:s23], $0x1000  }
0x57: {  	[sflag:s23] =	ssyncset.done $0x0  }
0x58: {  	[sflag:s23] =	ssyncadd.s32 $0xFFFFF000  }
0x59: {  	_ =	swait.ge [sflag:s23], $0x1000  }
0x5a: {  	[sflag:s23] =	ssyncset.done $0x0  }
0x5b: {  	[sflag:s23] =	ssyncadd.s32 $0xFFFFF000  }
0x5c: {  	_ =	swait.ge [sflag:s23], $0x1000  }
0x5d: {  	[sflag:s23] =	ssyncset.done $0x0  }
0x5e: {  	[sflag:s23] =	ssyncadd.s32 $0xFFFFF000  }
0x5f: {  	[spmem:s2] =	stream.indirect.scatter.add.f32 [tilespmem:s16], [sflag:$0x2], $0x20, s14, s15, $0xb8;
	[tilespmem:$0x1CB00] =	vst v63  }
0x60: {  	_ =	swait.ge [sflag:s12], $0x1000  }
0x61: {  	[sflag:s12] =	ssyncset.done $0x0  }
0x62: {  	[sflag:s12] =	ssyncadd.s32 $0xFFFFF000  }
0x63: {  	[spmem:s2] =	stream.indirect.scatter.add.f32 [tilespmem:s18], [sflag:$0x2], $0x20, s24, s15, $0xb8;
	[tilespmem:$0x1CB00] =	vst v63  }
0x64: {  	_ =	swait.ge [sflag:s12], $0x1000  }
0x65: {  	[sflag:s12] =	ssyncset.done $0x0  }
0x66: {  	[sflag:s12] =	ssyncadd.s32 $0xFFFFF000  }
0x67: {  	[spmem:s2] =	stream.indirect.scatter.add.f32 [tilespmem:s20], [sflag:$0x2], $0x20, s25, s15, $0xb8;
	[tilespmem:$0x1CB00] =	vst v63  }
0x68: {  	_ =	swait.ge [sflag:s12], $0x1000  }
.Ltmp0:
0x69: {  	[sflag:s12] =	ssyncset.done $0x0;
	(pc) =	sbr.rel @p0 .LBB2_2-.Ltmp0, $4  }
0x6a: {  	[sflag:s12] =	ssyncadd.s32 $0xFFFFF000  }
0x6b: {  	[spmem:s2] =	stream.indirect.scatter.add.f32 [tilespmem:s22], [sflag:$0x2], $0x20, s26, s15, $0xb8;
	[tilespmem:$0x1CB00] =	vst v63  }
0x6c: {  	_ =	swait.ge [sflag:s12], $0x1000  }
0x6d: {  	s31 =	smov.u32 s30;
	[sflag:s12] =	ssyncset.done $0x0  }
0x6e: {  	s0 =	sadd.s32 s29, s10;
	[sflag:s12] =	ssyncadd.s32 $0xFFFFF000  }
0x6f: {  	[tilespmem:s13], [sflag:$0x2] =	stream.linear.gather [hbm4b:s0+s3], $0x200, $0x38;
	[tilespmem:$0x1CB00] =	vst v63  }
0x70: {  	_ =	swait.ge [sflag:s12], $0x200  }
0x71: {  	[sflag:s12] =	ssyncset.done $0x0  }
0x72: {  	s31 =	sadd.s32 s29, s9;
	[sflag:s12] =	ssyncadd.s32 $0xFFFFFE00  }
0x73: {  	[tilespmem:s14], [sflag:$0x2] =	stream.linear.gather [hbm4b:s31+s3], $0x200, $0x38;
	[tilespmem:$0x1CB00] =	vst v63  }
0x74: {  	_ =	swait.ge [sflag:s12], $0x200  }
0x75: {  	[sflag:s12] =	ssyncset.done $0x0  }
0x76: {  	[sflag:s12] =	ssyncadd.s32 $0xFFFFFE00  }
0x77: {  	[tilespmem:s16], [sflag:$0x1] =	stream.indirect.gather [hbm4b:s8+s15], $0x20, s13, s15, $0xb8;
	[tilespmem:$0x1CB00] =	vst v63  }
0x78: {  	_ = 	snop  }
0x79: {  	[tilespmem:s18], [sflag:$0x1] =	stream.indirect.gather [hbm4b:s8+s15], $0x20, s17, s15, $0xb8;
	[tilespmem:$0x1CB00] =	vst v63  }
0x7a: {  	_ = 	snop  }
0x7b: {  	[tilespmem:s20], [sflag:$0x1] =	stream.indirect.gather [hbm4b:s8+s15], $0x20, s19, s15, $0xb8;
	[tilespmem:$0x1CB00] =	vst v63  }
0x7c: {  	_ = 	snop  }
0x7d: {  	[tilespmem:s22], [sflag:$0x1] =	stream.indirect.gather [hbm4b:s8+s15], $0x20, s21, s15, $0xb8;
	[tilespmem:$0x1CB00] =	vst v63  }
0x7e: {  	_ =	swait.ge [sflag:s23], $0x1000  }
0x7f: {  	[sflag:s23] =	ssyncset.done $0x0  }
0x80: {  	[sflag:s23] =	ssyncadd.s32 $0xFFFFF000  }
0x81: {  	_ =	swait.ge [sflag:s23], $0x1000  }
0x82: {  	[sflag:s23] =	ssyncset.done $0x0  }
0x83: {  	[sflag:s23] =	ssyncadd.s32 $0xFFFFF000  }
0x84: {  	_ =	swait.ge [sflag:s23], $0x1000  }
0x85: {  	[sflag:s23] =	ssyncset.done $0x0  }
0x86: {  	[sflag:s23] =	ssyncadd.s32 $0xFFFFF000  }
0x87: {  	_ =	swait.ge [sflag:s23], $0x1000  }
0x88: {  	[sflag:s23] =	ssyncset.done $0x0  }
0x89: {  	[sflag:s23] =	ssyncadd.s32 $0xFFFFF000  }
0x8a: {  	[spmem:s2] =	stream.indirect.scatter.add.f32 [tilespmem:s16], [sflag:$0x2], $0x20, s14, s15, $0xb8;
	[tilespmem:$0x1CB00] =	vst v63  }
0x8b: {  	_ =	swait.ge [sflag:s12], $0x1000  }
0x8c: {  	[sflag:s12] =	ssyncset.done $0x0  }
0x8d: {  	[sflag:s12] =	ssyncadd.s32 $0xFFFFF000  }
0x8e: {  	[spmem:s2] =	stream.indirect.scatter.add.f32 [tilespmem:s18], [sflag:$0x2], $0x20, s24, s15, $0xb8;
	[tilespmem:$0x1CB00] =	vst v63  }
0x8f: {  	_ =	swait.ge [sflag:s12], $0x1000  }
0x90: {  	[sflag:s12] =	ssyncset.done $0x0  }
0x91: {  	[sflag:s12] =	ssyncadd.s32 $0xFFFFF000  }
0x92: {  	[spmem:s2] =	stream.indirect.scatter.add.f32 [tilespmem:s20], [sflag:$0x2], $0x20, s25, s15, $0xb8;
	[tilespmem:$0x1CB00] =	vst v63  }
0x93: {  	_ =	swait.ge [sflag:s12], $0x1000  }
0x94: {  	[sflag:s12] =	ssyncset.done $0x0  }
0x95: {  	[sflag:s12] =	ssyncadd.s32 $0xFFFFF000  }
0x96: {  	[spmem:s2] =	stream.indirect.scatter.add.f32 [tilespmem:s22], [sflag:$0x2], $0x20, s26, s15, $0xb8;
	[tilespmem:$0x1CB00] =	vst v63  }
0x97: {  	_ =	swait.ge [sflag:s12], $0x1000  }
0x98: {  	s28 =	sadd.s32 $0x1, s28;
	[sflag:s12] =	ssyncset.done $0x0  }
0x99: {  	p0 =	sne.s32 s28, s7;
	[sflag:s12] =	ssyncadd.s32 $0xFFFFF000  }
.Ltmp1:
0x9a: {  	[bflag:$0x0] =	sbarrier.arrive $0xFFFF;
	(pc) =	sbr.rel @p0 .LBB2_1-.Ltmp1, $4  }
0x9b: {  	[hbm:s6], [sflag:s5] =	dma.local [spmem:s11], $0x30E0  }
0x9c: {  	_ =	swait.ge [sflag:s12], $0x30E0  }
0x9d: {  	[sflag:s12] =	ssyncset.done $0x0  }
0x9e: {  	[sflag:s12] =	ssyncadd.s32 $0xFFFFCF20  }
0x9f: {  	_ =	sfence.sel $0x180000  }
0xa0: {  	[bflag:$0x0] =	sbarrier.arrive $0xFFFF  }
0xa1: {  	_ =	strace $0x9000004A  }
0xa2: {  	s0 =	stileid.u32;
	[bflag:$0x2] =	sbarrier.arrive $0xFFFF  }
0xa3: {  	p0 =	sne.s32 s0, $0x0;
	s0 =	rddreg [dreg:$0x3]  }
0xa4: {  	s0 =	sadd.s32 @!p0 $0x100000, s0  }
0xa5: {  	[sflag:s0] =	ssyncadd.tile.s32 @!p0 $0x1;
	_ =	shalt  }
.Lfunc_end2:
_tile_overlayer_lowered:
.L_overlay_start_2:
0xa6: {  	(tag) =	ssettag $0x2  }
0xa7: {  	s0 =	rddreg [dreg:$0x0];
	s2 =	stileid.u32  }
0xa8: {  	s1 =	rddreg [dreg:$0x1];
	p0 =	sne.s32 s2, $0x0  }
0xa9: {  	s3 =	rddreg [dreg:$0x2];
	[bflag:$0x3] =	sbarrier.arrive $0xFFFF;
	s2 =	simm.s32 @!p0 $0x1C02  }
0xaa: {  	[timem:s3], [sflag:s2] =	dma.local @!p0 [hbm:s0], s1  }
0xab: {  	s0 =	simm.s32 @!p0 $0x2  }
0xac: {  	_ =	swait.ge @!p0 [sflag:s0], s1  }
0xad: {  	s1 =	ssub.s32 @!p0 $0x0, s1;
	[sflag:s0] =	ssyncset.done @!p0 $0x0  }
0xae: {  	[sflag:s0] =	ssyncadd.s32 @!p0 s1  }
0xaf: {  	[bflag:$0x3] =	sbarrier.arrive $0xFFFF  }
0xb0: {  	_ =	shalt  }

// kernel: kernel.32.cloned.1.call-start
scs
__scs_entry_jumppad:
0x0: {  	(pc) =	sbr.rel $0x88, $3  }
0x1: {  	(tag) =	ssettag $0x0;
	lr =	simm.s32 $0x1  }
0x2: {  	[smem:$0x3F91] =	sst lr;
	_ =	strace $0xD0000000  }
0x3: {  	_ = 	snop  }
0x4: {  	_ = 	snop  }
0x5: {  	_ = 	snop  }
0x6: {  	_ = 	snop  }
0x7: {  	_ = 	snop  }
__scs_overlays_trampoline_lowered:
0x8: {  	[smem:$0x3FA0] =	sst s0  }
0x9: {  	[smem:$0x3FA1] =	sst s1  }
0xa: {  	[smem:$0x3FA2] =	sst s2  }
0xb: {  	[smem:$0x3FA3] =	sst s3  }
0xc: {  	[smem:$0x3FA4] =	sst s4  }
0xd: {  	[smem:$0x3FA5] =	sst s5  }
0xe: {  	[smem:$0x3FA6] =	sst s6  }
0xf: {  	[smem:$0x3FA7] =	sst s7  }
0x10: {  	[smem:$0x3FA8] =	sst s8  }
0x11: {  	[smem:$0x3FA9] =	sst s9;
	s0 =	simm.s32 @!p0 $0x0  }
0x12: {  	s1 =	sld [smem:$0x3F8F];
	s0 =	simm.s32 @p0 $0x1  }
0x13: {  	[smem:$0x3FAA] =	sst s0;
	s0 =	simm.s32 @!p1 $0x0  }
0x14: {  	s2 =	sld [smem:$0x3F8E];
	s0 =	simm.s32 @p1 $0x1  }
0x15: {  	[smem:$0x3FAB] =	sst s0;
	s0 =	simm.s32 @!p2 $0x0  }
0x16: {  	s3 =	sld [smem:$0x3FDB];
	s0 =	simm.s32 @p2 $0x1  }
0x17: {  	s4 =	simm.s32 $0x1BF5;
	[smem:$0x3FAD] =	sst s0  }
0x18: {  	s0 =	sld [smem:$0x3F90];
	_ =	swait.ge [sflag:s4], $0x0  }
0x19: {  	s7 =	sld [smem:$0x3F91]  }
0x1a: {  	s8 =	sadd.s32 $0xFFFFE003, lr  }
0x1b: {  	s9 =	sadd.s32 $0xFFFFFEF7, lr;
	s5 =	simm.s32 $0xFFFFFFFF;
	p2 =	slt.u32 s8, $0xFFFFF086  }
0x1c: {  	p1 =	slt.u32 s9, $0xF7A;
	s5 =	simm.s32 @!p2 $0x0  }
0x1d: {  	s5 =	simm.s32 @p1 $0x1;
	p0 =	seq.s32 s7, s2  }
0x1e: {  	s7 =	smul.u32 @!p0 $0xF7A, s2;
	p2 =	seq.s32 @!p0 s5, $0x0  }
0x1f: {  	s9 =	smul.u32 $0xF7A, s1;
	s8 =	simm.s32 @!p0 $0x1BF5;
	p2 =	por !p2, p0  }
0x20: {  	[sflag:s8] =	ssyncset.s32 @!p0 $0xFFFFF086;
	s6 =	sadd.s32 @!p0 s3, s7;
	s7 =	simm.s32 @!p0 $0x108  }
0x21: {  	s3 =	sadd.s32 s3, s9;
	s6 =	sadd.s32 @!p0 $0x88, s6;
	s7 =	simm.s32 @p2 $0x1082  }
0x22: {  	[simem:s7], [sflag:s8] =	dma.local @!p0 [hbm:s6], $0xF7A  }
0x23: {  	s9 =	sor.u32 $0xD0000000, s2;
	s6 =	simm.s32 $0x108;
	_ =	swait.ge @!p0 [sflag:s8], $0x0  }
0x24: {  	s3 =	sadd.s32 $0x88, s3;
	s6 =	simm.s32 @!p1 $0x1082;
	[sflag:s4] =	ssyncset.s32 $0xFFFFF086  }
0x25: {  	[simem:s6], [sflag:s4] =	dma.local [hbm:s3], $0xF7A  }
0x26: {  	[smem:$0x3F91] =	sst s1;
	(tag) =	ssettag s2;
	_ =	strace s9  }
0x27: {  	s1 =	sld [smem:$0x3FA1]  }
0x28: {  	s2 =	sld [smem:$0x3FA2]  }
0x29: {  	s4 =	sld [smem:$0x3FA4]  }
0x2a: {  	p0 =	seq.s32 s5, $0x0;
	s5 =	sld [smem:$0x3FA5]  }
0x2b: {  	s6 =	sld [smem:$0x3FA6]  }
0x2c: {  	s7 =	sld [smem:$0x3FA7]  }
0x2d: {  	s3 =	simm.s32 $0x108;
	s8 =	sld [smem:$0x3FA8]  }
0x2e: {  	s3 =	simm.s32 @!p0 $0x1082;
	s9 =	sld [smem:$0x3FA9]  }
0x2f: {  	lr =	sadd.s32 s0, s3;
	s0 =	sld [smem:$0x3FA0]  }
0x30: {  	s3 =	sld [smem:$0x3FA3]  }
0x31: {  	[smem:$0x3FAC] =	sst s10  }
0x32: {  	s10 =	sld [smem:$0x3FAA];
	_ =	sdelay $0x3  }
0x33: {  	p0 =	seq.s32 s10, $0x1;
	s10 =	sld [smem:$0x3FAC];
	_ =	sdelay $0x3  }
0x34: {  	[smem:$0x3FAC] =	sst s10  }
0x35: {  	s10 =	sld [smem:$0x3FAB];
	_ =	sdelay $0x3  }
0x36: {  	p1 =	seq.s32 s10, $0x1;
	s10 =	sld [smem:$0x3FAC];
	_ =	sdelay $0x3  }
0x37: {  	[smem:$0x3FAC] =	sst s10  }
0x38: {  	s10 =	sld [smem:$0x3FAD]  }
0x39: {  	_ = 	snop;
	(pc) =	sbr.ind lr, $3  }
0x3a: {  	_ = 	snop  }
0x3b: {  	_ = 	snop  }
0x3c: {  	p2 =	seq.s32 s10, $0x1;
	s10 =	sld [smem:$0x3FAC]  }
0x3d: {  	_ =	shalt  }
0x3e: {  	_ =	shalt  }
0x3f: {  	_ =	shalt  }
0x40: {  	_ =	shalt  }
0x41: {  	_ =	shalt  }
0x42: {  	_ =	shalt  }
0x43: {  	_ =	shalt  }
0x44: {  	_ =	shalt  }
0x45: {  	_ =	shalt  }
0x46: {  	_ =	shalt  }
0x47: {  	_ =	shalt  }
0x48: {  	_ =	shalt  }
0x49: {  	_ =	shalt  }
0x4a: {  	_ =	shalt  }
0x4b: {  	_ =	shalt  }
0x4c: {  	_ =	shalt  }
0x4d: {  	_ =	shalt  }
0x4e: {  	_ =	shalt  }
0x4f: {  	_ =	shalt  }
0x50: {  	_ =	shalt  }
0x51: {  	_ =	shalt  }
0x52: {  	_ =	shalt  }
0x53: {  	_ =	shalt  }
0x54: {  	_ =	shalt  }
0x55: {  	_ =	shalt  }
0x56: {  	_ =	shalt  }
0x57: {  	_ =	shalt  }
0x58: {  	_ =	shalt  }
0x59: {  	_ =	shalt  }
0x5a: {  	_ =	shalt  }
0x5b: {  	_ =	shalt  }
0x5c: {  	_ =	shalt  }
0x5d: {  	_ =	shalt  }
0x5e: {  	_ =	shalt  }
0x5f: {  	_ =	shalt  }
0x60: {  	_ =	shalt  }
0x61: {  	_ =	shalt  }
0x62: {  	_ =	shalt  }
0x63: {  	_ =	shalt  }
0x64: {  	_ =	shalt  }
0x65: {  	_ =	shalt  }
0x66: {  	_ =	shalt  }
0x67: {  	_ =	shalt  }
0x68: {  	_ =	shalt  }
0x69: {  	_ =	shalt  }
0x6a: {  	_ =	shalt  }
0x6b: {  	_ =	shalt  }
0x6c: {  	_ =	shalt  }
0x6d: {  	_ =	shalt  }
0x6e: {  	_ =	shalt  }
0x6f: {  	_ =	shalt  }
0x70: {  	_ =	shalt  }
0x71: {  	_ =	shalt  }
0x72: {  	_ =	shalt  }
0x73: {  	_ =	shalt  }
0x74: {  	_ =	shalt  }
0x75: {  	_ =	shalt  }
0x76: {  	_ =	shalt  }
0x77: {  	_ =	shalt  }
0x78: {  	_ =	shalt  }
0x79: {  	_ =	shalt  }
0x7a: {  	_ =	shalt  }
0x7b: {  	_ =	shalt  }
0x7c: {  	_ =	shalt  }
0x7d: {  	_ =	shalt  }
0x7e: {  	_ =	shalt  }
0x7f: {  	_ =	shalt  }
0x80: {  	_ =	shalt  }
0x81: {  	_ =	shalt  }
0x82: {  	_ =	shalt  }
0x83: {  	_ =	shalt  }
0x84: {  	_ =	shalt  }
0x85: {  	_ =	shalt  }
0x86: {  	_ =	shalt  }
0x87: {  	_ =	shalt  }
.Lfunc_end0:
.L_simem_size_0:
called_computation.4_lowered:
.L_overlay_start_0:
0x88: {  	s2 =	sld [smem:$0x3FD9]  }
0x89: {  	s3 =	sld [smem:$0x3FFE];
	_ =	sdelay $0x1  }
0x8a: {  	s1 =	srdreg.scid  }
0x8b: {  	s0 =	sand.u32 $0x1, s1  }
0x8c: {  	s15 =	sshll.u32 s0, $0xA;
	s2 =	sadd.s32 s3, s2  }
0x8d: {  	s2 =	sadd.s32 s2, s15  }
0x8e: {  	[smem:$0x3FB8] =	sst s2  }
0x8f: {  	_ = 	snop  }
0x90: {  	s2 =	sld [smem:$0x3FD0];
	_ =	sdelay $0x2  }
0x91: {  	s16 =	simm.s32 $0xD;
	s4 =	simm.s32 $0x10  }
0x92: {  	[smem:s4], [sflag:s16] =	dma.local [hbm:s2], $0x1  }
0x93: {  	_ =	swait.eq [sflag:s16], $0x1  }
0x94: {  	[sflag:s16] =	ssyncset.done $0x0  }
0x95: {  	[sflag:s16] =	ssyncadd.s32 $0xFFFFFFFF  }
0x96: {  	s17 =	sld [smem:$0x11];
	(tm) =	ssettm $0x1  }
0x97: {  	s18 =	sld [smem:$0x3FFB];
	_ =	sdelay $0x3  }
0x98: {  	_ =	strace s18  }
0x99: {  	s2 =	sld [smem:$0x3FFC];
	_ =	sdelay $0x3  }
0x9a: {  	_ =	strace s2  }
0x9b: {  	s2 =	sld [smem:$0x3FFD];
	_ =	sdelay $0x3  }
0x9c: {  	_ =	strace s2  }
0x9d: {  	_ =	strace $0x8FFFFFFF  }
0x9e: {  	s19 =	sld [smem:$0x3FDB];
	_ =	sdelay $0x1  }
0x9f: {  	s20 =	simm.s32 $_scs_section_size  }
0xa0: {  	s5 =	simm.s32 $_size__tile_overlayer_lowered;
	s6 =	simm.s32 $_tile_overlayer_lowered  }
0xa1: {  	s7 =	simm.s32 $0x1BFF;
	s21 =	sshll.u32 s6, $0x1;
	s4 =	sadd.s32 s20, s19  }
0xa2: {  	s22 =	simm.s32 $0x0;
	s5 =	sshll.u32 s5, $0x1;
	s6 =	sadd.s32 s21, s4  }
0xa3: {  	[timem:s22], [sflag:s7] =	dma.local [hbm:s6], s5  }
0xa4: {  	_ =	swait.ge [sflag:s7], s5  }
0xa5: {  	s5 =	ssub.s32 $0x0, s5;
	[sflag:s7] =	ssyncset.done $0x0  }
0xa6: {  	[sflag:s7] =	ssyncadd.s32 s5;
	_ =	sdelay $0x1  }
0xa7: {  	s23 =	simm.s32 $0x1B8B  }
0xa8: {  	_ =	swait.ge [sflag:s23], $0x1  }
0xa9: {  	[sflag:s23] =	ssyncset.done $0x0  }
0xaa: {  	[sflag:s23] =	ssyncadd.s32 $0xFFFFFFFF  }
0xab: {  	s5 =	sld [smem:$0x0]  }
0xac: {  	s6 =	sand.u32 $0xFFFFFFFE, s1  }
0xad: {  	p0 =	sne.s32 s1, s6  }
0xae: {  	s6 =	sshll.u32 @p0 s6, $0xE  }
0xaf: {  	s6 =	sadd.s32 @p0 $0x11B8D, s6;
	s7 =	sshll.u32 @p0 s5, $0x11  }
0xb0: {  	s6 =	sor.u32 @p0 s7, s6  }
0xb1: {  	[sflag:s6] =	ssyncadd.remote.s32 @p0 $0x1;
	_ =	sdelay $0x1  }
0xb2: {  	s6 =	simm.s32 @p0 $0x1B8D  }
0xb3: {  	_ =	swait.eq @p0 [sflag:s6], $0x1  }
0xb4: {  	[sflag:s6] =	ssyncadd.s32 @p0 $0xFFFFFFFF  }
0xb5: {  	s7 =	sshll.u32 @!p0 s1, $0xE  }
0xb6: {  	s7 =	sor.u32 @!p0 $0x4000, s7;
	s6 =	simm.s32 @!p0 $0x1B8D  }
0xb7: {  	s5 =	sshll.u32 @!p0 s5, $0x11;
	s7 =	sadd.s32 @!p0 $0x11B8D, s7;
	_ =	swait.eq @!p0 [sflag:s6], $0x1  }
0xb8: {  	s5 =	sor.u32 @!p0 s5, s7;
	[sflag:s6] =	ssyncadd.s32 @!p0 $0xFFFFFFFF  }
0xb9: {  	s25 =	simm.s32 $0x1B8E;
	s24 =	sld [smem:$0x3FFE];
	[sflag:s5] =	ssyncadd.remote.s32 @!p0 $0x1  }
0xba: {  	s26 =	simm.s32 $execute0_lowered;
	[smem:$0x3FD2] =	sst s25  }
0xbb: {  	s6 =	sshll.u32 s26, $0x1;
	_ =	strace $0x80000052;
	[dreg:$0x1] =	wrdreg $0xFFFFFFFF  }
0xbc: {  	s28 =	simm.s32 $_size_execute0_lowered;
	s4 =	sadd.s32 s4, s6;
	[dreg:$0x0] =	wrdreg $0x0  }
0xbd: {  	s6 =	sshll.u32 s28, $0x1;
	[dreg:$0x2] =	wrdreg s4  }
0xbe: {  	[dreg:$0x3] =	wrdreg s6  }
0xbf: {  	[dreg:$0x4] =	wrdreg $0xC0  }
0xc0: {  	_ =	task [dreg:s22], $0x5FFFF  }
0xc1: {  	[dreg:$0x1] =	wrdreg $0xFFFFFFFF  }
0xc2: {  	[dreg:$0x0] =	wrdreg $0x60  }
0xc3: {  	[dreg:$0x2] =	wrdreg s24  }
0xc4: {  	[dreg:$0x3] =	wrdreg s17  }
0xc5: {  	[dreg:$0x4] =	wrdreg $0x0  }
0xc6: {  	[dreg:$0x5] =	wrdreg $0xB  }
0xc7: {  	_ =	task.clear_ibuf [dreg:s22], $0x6FFFF;
	_ =	strace $0x90000052  }
0xc8: {  	s29 =	simm.s32 $0xB;
	_ =	strace $0x80000054  }
0xc9: {  	_ =	swait.ge [sflag:s29], $0x1  }
0xca: {  	[sflag:s29] =	ssyncadd.s32 $0xFFFFFFFF  }
0xcb: {  	_ =	strace $0x90000054  }
0xcc: {  	_ =	sfence  }
0xcd: {  	s30 =	sld [smem:$0x0];
	_ =	sdelay $0x2  }
0xce: {  	s31 =	sshll.u32 s1, $0xD;
	s1 =	sshrl.u32 s1, $0x2  }
0xcf: {  	s4 =	sand.u32 $0x4000, s31;
	s1 =	sadd.s32 s1, s30  }
0xd0: {  	s0 =	sor.u32 s4, s0;
	s1 =	sshll.u32 s1, $0x11  }
0xd1: {  	s0 =	sor.u32 s1, s0  }
0xd2: {  	s0 =	sadd.s32 $0x8F2B, s0  }
0xd3: {  	[sflag:s0] =	ssyncadd.remote.s32 $0x1  }
0xd4: {  	_ =	sfence.sel $0xFFFF  }
0xd5: {  	[dreg:$0x0] =	wrdreg $0xFFFFFFFF;
	(pc) =	sbr.abs _section_cstart, $3  }
0xd6: {  	[dreg:$0x1] =	wrdreg $0xFFFFFFFF  }
0xd7: {  	_ =	task.clear_ibuf [dreg:s22], $0x2FFFF;
	_ =	strace $0x9FFFFFFF  }
0xd8: {  	(tm) =	ssettm $0x7FFFFFFF  }
0xd9: {  	_ =	shalt  }
tec
execute0_lowered:
.L_overlay_start_1:
0x0: {  	(tag) =	ssettag $0x1  }
0x1: {  	s8 =	rddreg [dreg:$0x0]  }
0x2: {  	s6 =	rddreg [dreg:$0x1]  }
0x3: {  	s2 =	rddreg [dreg:$0x2]  }
0x4: {  	s3 =	simm.s32 $0x0;
	s0 =	stileid.u32;
	s5 =	srdreg.scid  }
0x5: {  	s14 =	simm.s32 $0x18900;
	s15 =	simm.s32 $0x80;
	s16 =	simm.s32 $0x18B00  }
0x6: {  	s17 =	simm.s32 $0x18780;
	s18 =	simm.s32 $0x19B00;
	s19 =	simm.s32 $0x18800  }
0x7: {  	s20 =	simm.s32 $0x1AB00;
	s21 =	simm.s32 $0x18880;
	s22 =	simm.s32 $0x1BB00  }
0x8: {  	s23 =	simm.s32 $0x1;
	s24 =	simm.s32 $0x18980;
	s25 =	simm.s32 $0x18A00  }
0x9: {  	s26 =	simm.s32 $0x18A80;
	s28 =	simm.s32 $0x0;
	s4 =	smul.u32 $0x1880, s0  }
0xa: {  	[smem:$0x7FF] =	sst s3;
	s5 =	sand.u32 $0x1, s5;
	s7 =	smul.u32 $0x61C00, s0  }
0xb: {  	s11 =	smul.u32 $0x30E0, s0;
	s31 =	sshll.u32 s0, $0x6;
	_ =	strace $0x80000053  }
0xc: {  	s9 =	ssub.s32 $0x2, s5;
	s13 =	smul.u32 $0x30E00, s5;
	p0 =	seq.s32 s5, $0x1  }
0xd: {  	s5 =	sor.u32 $0x1C02, s31;
	s10 =	sadd.s32 s4, s8;
	s12 =	sshrl.u32 s9, $0x1  }
0xe: {  	s4 =	sadd.s32 $0x15D600, s8;
	s7 =	sshrl.u32 s7, $0x2;
	s9 =	ssub.s32 s9, s12  }
0xf: {  	s30 =	sadd.s32 s7, s2;
	s11 =	sadd.s32 s11, s13;
	s13 =	simm.s32 $0x1F800  }
0x10: {  	s12 =	simm.s32 $0x2;
	s6 =	sadd.s32 s6, s11;
	s13 =	simm.s32 @!p0 $0x114000  }
0x11: {  	s7 =	smax.u32 s9, $0x1;
	s9 =	sadd.s32 $0x160800, s10;
	s10 =	sadd.s32 $0x1A9E00, s10  }
0x12: {  	s11 =	sshrl.u32 s30, $0x3;
	s8 =	sadd.s32 s13, s8;
	s13 =	simm.s32 $0x18700  }
.LBB2_1:
0x13: {  	[spmem:s11], [sflag:s5] =	dma.local [hbm:s4], $0x30E0  }
0x14: {  	_ =	swait.ge [sflag:s12], $0x30E0  }
0x15: {  	[sflag:s12] =	ssyncset.done $0x0  }
0x16: {  	[sflag:s12] =	ssyncadd.s32 $0xFFFFCF20  }
0x17: {  	s29 =	sadd.s32 $0x0, s10;
	[bflag:$0x0] =	sbarrier.arrive $0xFFFF  }
0x18: {  	[tilespmem:s13], [sflag:$0x2] =	stream.linear.gather [hbm4b:s29+s3], $0x200, $0x38;
	[tilespmem:$0x1CB00] =	vst v63  }
0x19: {  	_ =	swait.ge [sflag:s12], $0x200  }
0x1a: {  	[sflag:s12] =	ssyncset.done $0x0  }
0x1b: {  	s29 =	sadd.s32 $0x0, s9;
	[sflag:s12] =	ssyncadd.s32 $0xFFFFFE00  }
0x1c: {  	[tilespmem:s14], [sflag:$0x2] =	stream.linear.gather [hbm4b:s29+s3], $0x200, $0x38;
	[tilespmem:$0x1CB00] =	vst v63  }
0x1d: {  	_ =	swait.ge [sflag:s12], $0x200  }
0x1e: {  	[sflag:s12] =	ssyncset.done $0x0  }
0x1f: {  	[sflag:s12] =	ssyncadd.s32 $0xFFFFFE00  }
0x20: {  	[tilespmem:s16], [sflag:$0x1] =	stream.indirect.gather [hbm4b:s8+s15], $0x20, s13, s15, $0xb8;
	[tilespmem:$0x1CB00] =	vst v63  }
0x21: {  	_ = 	snop  }
0x22: {  	[tilespmem:s18], [sflag:$0x1] =	stream.indirect.gather [hbm4b:s8+s15], $0x20, s17, s15, $0xb8;
	[tilespmem:$0x1CB00] =	vst v63  }
0x23: {  	_ = 	snop  }
0x24: {  	[tilespmem:s20], [sflag:$0x1] =	stream.indirect.gather [hbm4b:s8+s15], $0x20, s19, s15, $0xb8;
	[tilespmem:$0x1CB00] =	vst v63  }
0x25: {  	_ = 	snop  }
0x26: {  	[tilespmem:s22], [sflag:$0x1] =	stream.indirect.gather [hbm4b:s8+s15], $0x20, s21, s15, $0xb8;
	[tilespmem:$0x1CB00] =	vst v63  }
0x27: {  	_ =	swait.ge [sflag:s23], $0x1000  }
0x28: {  	[sflag:s23] =	ssyncset.done $0x0  }
0x29: {  	[sflag:s23] =	ssyncadd.s32 $0xFFFFF000  }
0x2a: {  	_ =	swait.ge [sflag:s23], $0x1000  }
0x2b: {  	[sflag:s23] =	ssyncset.done $0x0  }
0x2c: {  	[sflag:s23] =	ssyncadd.s32 $0xFFFFF000  }
0x2d: {  	_ =	swait.ge [sflag:s23], $0x1000  }
0x2e: {  	[sflag:s23] =	ssyncset.done $0x0  }
0x2f: {  	[sflag:s23] =	ssyncadd.s32 $0xFFFFF000  }
0x30: {  	_ =	swait.ge [sflag:s23], $0x1000  }
0x31: {  	[sflag:s23] =	ssyncset.done $0x0  }
0x32: {  	[sflag:s23] =	ssyncadd.s32 $0xFFFFF000  }
0x33: {  	[spmem:s2] =	stream.indirect.scatter.add.f32 [tilespmem:s16], [sflag:$0x2], $0x20, s14, s15, $0xb8;
	[tilespmem:$0x1CB00] =	vst v63  }
0x34: {  	_ =	swait.ge [sflag:s12], $0x1000  }
0x35: {  	[sflag:s12] =	ssyncset.done $0x0  }
0x36: {  	[sflag:s12] =	ssyncadd.s32 $0xFFFFF000  }
0x37: {  	[spmem:s2] =	stream.indirect.scatter.add.f32 [tilespmem:s18], [sflag:$0x2], $0x20, s24, s15, $0xb8;
	[tilespmem:$0x1CB00] =	vst v63  }
0x38: {  	_ =	swait.ge [sflag:s12], $0x1000  }
0x39: {  	[sflag:s12] =	ssyncset.done $0x0  }
0x3a: {  	[sflag:s12] =	ssyncadd.s32 $0xFFFFF000  }
0x3b: {  	[spmem:s2] =	stream.indirect.scatter.add.f32 [tilespmem:s20], [sflag:$0x2], $0x20, s25, s15, $0xb8;
	[tilespmem:$0x1CB00] =	vst v63  }
0x3c: {  	_ =	swait.ge [sflag:s12], $0x1000  }
0x3d: {  	[sflag:s12] =	ssyncset.done $0x0  }
0x3e: {  	[sflag:s12] =	ssyncadd.s32 $0xFFFFF000  }
0x3f: {  	[spmem:s2] =	stream.indirect.scatter.add.f32 [tilespmem:s22], [sflag:$0x2], $0x20, s26, s15, $0xb8;
	[tilespmem:$0x1CB00] =	vst v63  }
0x40: {  	_ =	swait.ge [sflag:s12], $0x1000  }
0x41: {  	s31 =	simm.s32 $0x80;
	s29 =	simm.s32 $0x40;
	[sflag:s12] =	ssyncset.done $0x0  }
.LBB2_2:
0x42: {  	s0 =	sadd.s32 s29, s10  }
0x43: {  	[sflag:s12] =	ssyncadd.s32 $0xFFFFF000;
	s1 =	smov.u32 s31;
	s30 =	sadd.s32 $0x40, s31  }
0x44: {  	[tilespmem:s13], [sflag:$0x2] =	stream.linear.gather [hbm4b:s0+s3], $0x200, $0x38;
	[tilespmem:$0x1CB00] =	vst v63  }
0x45: {  	p0 =	sne.s32 s31, $0x1840;
	_ =	swait.ge [sflag:s12], $0x200  }
0x46: {  	[sflag:s12] =	ssyncset.done $0x0  }
0x47: {  	s0 =	sadd.s32 s29, s9;
	s29 =	smov.u32 s1;
	[sflag:s12] =	ssyncadd.s32 $0xFFFFFE00  }
0x48: {  	[tilespmem:s14], [sflag:$0x2] =	stream.linear.gather [hbm4b:s0+s3], $0x200, $0x38;
	[tilespmem:$0x1CB00] =	vst v63  }
0x49: {  	_ =	swait.ge [sflag:s12], $0x200  }
0x4a: {  	[sflag:s12] =	ssyncset.done $0x0  }
0x4b: {  	[sflag:s12] =	ssyncadd.s32 $0xFFFFFE00  }
0x4c: {  	[tilespmem:s16], [sflag:$0x1] =	stream.indirect.gather [hbm4b:s8+s15], $0x20, s13, s15, $0xb8;
	[tilespmem:$0x1CB00] =	vst v63  }
0x4d: {  	_ = 	snop  }
0x4e: {  	[tilespmem:s18], [sflag:$0x1] =	stream.indirect.gather [hbm4b:s8+s15], $0x20, s17, s15, $0xb8;
	[tilespmem:$0x1CB00] =	vst v63  }
0x4f: {  	_ = 	snop  }
0x50: {  	[tilespmem:s20], [sflag:$0x1] =	stream.indirect.gather [hbm4b:s8+s15], $0x20, s19, s15, $0xb8;
	[tilespmem:$0x1CB00] =	vst v63  }
0x51: {  	_ = 	snop  }
0x52: {  	[tilespmem:s22], [sflag:$0x1] =	stream.indirect.gather [hbm4b:s8+s15], $0x20, s21, s15, $0xb8;
	[tilespmem:$0x1CB00] =	vst v63  }
0x53: {  	_ =	swait.ge [sflag:s23], $0x1000  }
0x54: {  	[sflag:s23] =	ssyncset.done $0x0  }
0x55: {  	[sflag:s23] =	ssyncadd.s32 $0xFFFFF000  }
0x56: {  	_ =	swait.ge [sflag:s23], $0x1000  }
0x57: {  	[sflag:s23] =	ssyncset.done $0x0  }
0x58: {  	[sflag:s23] =	ssyncadd.s32 $0xFFFFF000  }
0x59: {  	_ =	swait.ge [sflag:s23], $0x1000  }
0x5a: {  	[sflag:s23] =	ssyncset.done $0x0  }
0x5b: {  	[sflag:s23] =	ssyncadd.s32 $0xFFFFF000  }
0x5c: {  	_ =	swait.ge [sflag:s23], $0x1000  }
0x5d: {  	[sflag:s23] =	ssyncset.done $0x0  }
0x5e: {  	[sflag:s23] =	ssyncadd.s32 $0xFFFFF000  }
0x5f: {  	[spmem:s2] =	stream.indirect.scatter.add.f32 [tilespmem:s16], [sflag:$0x2], $0x20, s14, s15, $0xb8;
	[tilespmem:$0x1CB00] =	vst v63  }
0x60: {  	_ =	swait.ge [sflag:s12], $0x1000  }
0x61: {  	[sflag:s12] =	ssyncset.done $0x0  }
0x62: {  	[sflag:s12] =	ssyncadd.s32 $0xFFFFF000  }
0x63: {  	[spmem:s2] =	stream.indirect.scatter.add.f32 [tilespmem:s18], [sflag:$0x2], $0x20, s24, s15, $0xb8;
	[tilespmem:$0x1CB00] =	vst v63  }
0x64: {  	_ =	swait.ge [sflag:s12], $0x1000  }
0x65: {  	[sflag:s12] =	ssyncset.done $0x0  }
0x66: {  	[sflag:s12] =	ssyncadd.s32 $0xFFFFF000  }
0x67: {  	[spmem:s2] =	stream.indirect.scatter.add.f32 [tilespmem:s20], [sflag:$0x2], $0x20, s25, s15, $0xb8;
	[tilespmem:$0x1CB00] =	vst v63  }
0x68: {  	_ =	swait.ge [sflag:s12], $0x1000  }
.Ltmp0:
0x69: {  	[sflag:s12] =	ssyncset.done $0x0;
	(pc) =	sbr.rel @p0 .LBB2_2-.Ltmp0, $4  }
0x6a: {  	[sflag:s12] =	ssyncadd.s32 $0xFFFFF000  }
0x6b: {  	[spmem:s2] =	stream.indirect.scatter.add.f32 [tilespmem:s22], [sflag:$0x2], $0x20, s26, s15, $0xb8;
	[tilespmem:$0x1CB00] =	vst v63  }
0x6c: {  	_ =	swait.ge [sflag:s12], $0x1000  }
0x6d: {  	s31 =	smov.u32 s30;
	[sflag:s12] =	ssyncset.done $0x0  }
0x6e: {  	s0 =	sadd.s32 s29, s10;
	[sflag:s12] =	ssyncadd.s32 $0xFFFFF000  }
0x6f: {  	[tilespmem:s13], [sflag:$0x2] =	stream.linear.gather [hbm4b:s0+s3], $0x200, $0x38;
	[tilespmem:$0x1CB00] =	vst v63  }
0x70: {  	_ =	swait.ge [sflag:s12], $0x200  }
0x71: {  	[sflag:s12] =	ssyncset.done $0x0  }
0x72: {  	s31 =	sadd.s32 s29, s9;
	[sflag:s12] =	ssyncadd.s32 $0xFFFFFE00  }
0x73: {  	[tilespmem:s14], [sflag:$0x2] =	stream.linear.gather [hbm4b:s31+s3], $0x200, $0x38;
	[tilespmem:$0x1CB00] =	vst v63  }
0x74: {  	_ =	swait.ge [sflag:s12], $0x200  }
0x75: {  	[sflag:s12] =	ssyncset.done $0x0  }
0x76: {  	[sflag:s12] =	ssyncadd.s32 $0xFFFFFE00  }
0x77: {  	[tilespmem:s16], [sflag:$0x1] =	stream.indirect.gather [hbm4b:s8+s15], $0x20, s13, s15, $0xb8;
	[tilespmem:$0x1CB00] =	vst v63  }
0x78: {  	_ = 	snop  }
0x79: {  	[tilespmem:s18], [sflag:$0x1] =	stream.indirect.gather [hbm4b:s8+s15], $0x20, s17, s15, $0xb8;
	[tilespmem:$0x1CB00] =	vst v63  }
0x7a: {  	_ = 	snop  }
0x7b: {  	[tilespmem:s20], [sflag:$0x1] =	stream.indirect.gather [hbm4b:s8+s15], $0x20, s19, s15, $0xb8;
	[tilespmem:$0x1CB00] =	vst v63  }
0x7c: {  	_ = 	snop  }
0x7d: {  	[tilespmem:s22], [sflag:$0x1] =	stream.indirect.gather [hbm4b:s8+s15], $0x20, s21, s15, $0xb8;
	[tilespmem:$0x1CB00] =	vst v63  }
0x7e: {  	_ =	swait.ge [sflag:s23], $0x1000  }
0x7f: {  	[sflag:s23] =	ssyncset.done $0x0  }
0x80: {  	[sflag:s23] =	ssyncadd.s32 $0xFFFFF000  }
0x81: {  	_ =	swait.ge [sflag:s23], $0x1000  }
0x82: {  	[sflag:s23] =	ssyncset.done $0x0  }
0x83: {  	[sflag:s23] =	ssyncadd.s32 $0xFFFFF000  }
0x84: {  	_ =	swait.ge [sflag:s23], $0x1000  }
0x85: {  	[sflag:s23] =	ssyncset.done $0x0  }
0x86: {  	[sflag:s23] =	ssyncadd.s32 $0xFFFFF000  }
0x87: {  	_ =	swait.ge [sflag:s23], $0x1000  }
0x88: {  	[sflag:s23] =	ssyncset.done $0x0  }
0x89: {  	[sflag:s23] =	ssyncadd.s32 $0xFFFFF000  }
0x8a: {  	[spmem:s2] =	stream.indirect.scatter.add.f32 [tilespmem:s16], [sflag:$0x2], $0x20, s14, s15, $0xb8;
	[tilespmem:$0x1CB00] =	vst v63  }
0x8b: {  	_ =	swait.ge [sflag:s12], $0x1000  }
0x8c: {  	[sflag:s12] =	ssyncset.done $0x0  }
0x8d: {  	[sflag:s12] =	ssyncadd.s32 $0xFFFFF000  }
0x8e: {  	[spmem:s2] =	stream.indirect.scatter.add.f32 [tilespmem:s18], [sflag:$0x2], $0x20, s24, s15, $0xb8;
	[tilespmem:$0x1CB00] =	vst v63  }
0x8f: {  	_ =	swait.ge [sflag:s12], $0x1000  }
0x90: {  	[sflag:s12] =	ssyncset.done $0x0  }
0x91: {  	[sflag:s12] =	ssyncadd.s32 $0xFFFFF000  }
0x92: {  	[spmem:s2] =	stream.indirect.scatter.add.f32 [tilespmem:s20], [sflag:$0x2], $0x20, s25, s15, $0xb8;
	[tilespmem:$0x1CB00] =	vst v63  }
0x93: {  	_ =	swait.ge [sflag:s12], $0x1000  }
0x94: {  	[sflag:s12] =	ssyncset.done $0x0  }
0x95: {  	[sflag:s12] =	ssyncadd.s32 $0xFFFFF000  }
0x96: {  	[spmem:s2] =	stream.indirect.scatter.add.f32 [tilespmem:s22], [sflag:$0x2], $0x20, s26, s15, $0xb8;
	[tilespmem:$0x1CB00] =	vst v63  }
0x97: {  	_ =	swait.ge [sflag:s12], $0x1000  }
0x98: {  	s28 =	sadd.s32 $0x1, s28;
	[sflag:s12] =	ssyncset.done $0x0  }
0x99: {  	p0 =	sne.s32 s28, s7;
	[sflag:s12] =	ssyncadd.s32 $0xFFFFF000  }
.Ltmp1:
0x9a: {  	[bflag:$0x0] =	sbarrier.arrive $0xFFFF;
	(pc) =	sbr.rel @p0 .LBB2_1-.Ltmp1, $4  }
0x9b: {  	[hbm:s6], [sflag:s5] =	dma.local [spmem:s11], $0x30E0  }
0x9c: {  	_ =	swait.ge [sflag:s12], $0x30E0  }
0x9d: {  	[sflag:s12] =	ssyncset.done $0x0  }
0x9e: {  	[sflag:s12] =	ssyncadd.s32 $0xFFFFCF20  }
0x9f: {  	_ =	sfence.sel $0x180000  }
0xa0: {  	[bflag:$0x0] =	sbarrier.arrive $0xFFFF  }
0xa1: {  	_ =	strace $0x90000053  }
0xa2: {  	s0 =	stileid.u32;
	[bflag:$0x2] =	sbarrier.arrive $0xFFFF  }
0xa3: {  	p0 =	sne.s32 s0, $0x0;
	s0 =	rddreg [dreg:$0x3]  }
0xa4: {  	s0 =	sadd.s32 @!p0 $0x100000, s0  }
0xa5: {  	[sflag:s0] =	ssyncadd.tile.s32 @!p0 $0x1;
	_ =	shalt  }
.Lfunc_end2:
_tile_overlayer_lowered:
.L_overlay_start_2:
0xa6: {  	(tag) =	ssettag $0x2  }
0xa7: {  	s0 =	rddreg [dreg:$0x0];
	s2 =	stileid.u32  }
0xa8: {  	s1 =	rddreg [dreg:$0x1];
	p0 =	sne.s32 s2, $0x0  }
0xa9: {  	s3 =	rddreg [dreg:$0x2];
	[bflag:$0x3] =	sbarrier.arrive $0xFFFF;
	s2 =	simm.s32 @!p0 $0x1C02  }
0xaa: {  	[timem:s3], [sflag:s2] =	dma.local @!p0 [hbm:s0], s1  }
0xab: {  	s0 =	simm.s32 @!p0 $0x2  }
0xac: {  	_ =	swait.ge @!p0 [sflag:s0], s1  }
0xad: {  	s1 =	ssub.s32 @!p0 $0x0, s1;
	[sflag:s0] =	ssyncset.done @!p0 $0x0  }
0xae: {  	[sflag:s0] =	ssyncadd.s32 @!p0 s1  }
0xaf: {  	[bflag:$0x3] =	sbarrier.arrive $0xFFFF  }
0xb0: {  	_ =	shalt  }

// kernel: kernel.35.cloned.1.call-start
scs
__scs_entry_jumppad:
0x0: {  	(pc) =	sbr.rel $0x88, $3  }
0x1: {  	(tag) =	ssettag $0x0;
	lr =	simm.s32 $0x1  }
0x2: {  	[smem:$0x3F91] =	sst lr;
	_ =	strace $0xD0000000  }
0x3: {  	_ = 	snop  }
0x4: {  	_ = 	snop  }
0x5: {  	_ = 	snop  }
0x6: {  	_ = 	snop  }
0x7: {  	_ = 	snop  }
__scs_overlays_trampoline_lowered:
0x8: {  	[smem:$0x3FA0] =	sst s0  }
0x9: {  	[smem:$0x3FA1] =	sst s1  }
0xa: {  	[smem:$0x3FA2] =	sst s2  }
0xb: {  	[smem:$0x3FA3] =	sst s3  }
0xc: {  	[smem:$0x3FA4] =	sst s4  }
0xd: {  	[smem:$0x3FA5] =	sst s5  }
0xe: {  	[smem:$0x3FA6] =	sst s6  }
0xf: {  	[smem:$0x3FA7] =	sst s7  }
0x10: {  	[smem:$0x3FA8] =	sst s8  }
0x11: {  	[smem:$0x3FA9] =	sst s9;
	s0 =	simm.s32 @!p0 $0x0  }
0x12: {  	s1 =	sld [smem:$0x3F8F];
	s0 =	simm.s32 @p0 $0x1  }
0x13: {  	[smem:$0x3FAA] =	sst s0;
	s0 =	simm.s32 @!p1 $0x0  }
0x14: {  	s2 =	sld [smem:$0x3F8E];
	s0 =	simm.s32 @p1 $0x1  }
0x15: {  	[smem:$0x3FAB] =	sst s0;
	s0 =	simm.s32 @!p2 $0x0  }
0x16: {  	s3 =	sld [smem:$0x3FDB];
	s0 =	simm.s32 @p2 $0x1  }
0x17: {  	s4 =	simm.s32 $0x1BF5;
	[smem:$0x3FAD] =	sst s0  }
0x18: {  	s0 =	sld [smem:$0x3F90];
	_ =	swait.ge [sflag:s4], $0x0  }
0x19: {  	s7 =	sld [smem:$0x3F91]  }
0x1a: {  	s8 =	sadd.s32 $0xFFFFE003, lr  }
0x1b: {  	s9 =	sadd.s32 $0xFFFFFEF7, lr;
	s5 =	simm.s32 $0xFFFFFFFF;
	p2 =	slt.u32 s8, $0xFFFFF086  }
0x1c: {  	p1 =	slt.u32 s9, $0xF7A;
	s5 =	simm.s32 @!p2 $0x0  }
0x1d: {  	s5 =	simm.s32 @p1 $0x1;
	p0 =	seq.s32 s7, s2  }
0x1e: {  	s7 =	smul.u32 @!p0 $0xF7A, s2;
	p2 =	seq.s32 @!p0 s5, $0x0  }
0x1f: {  	s9 =	smul.u32 $0xF7A, s1;
	s8 =	simm.s32 @!p0 $0x1BF5;
	p2 =	por !p2, p0  }
0x20: {  	[sflag:s8] =	ssyncset.s32 @!p0 $0xFFFFF086;
	s6 =	sadd.s32 @!p0 s3, s7;
	s7 =	simm.s32 @!p0 $0x108  }
0x21: {  	s3 =	sadd.s32 s3, s9;
	s6 =	sadd.s32 @!p0 $0x88, s6;
	s7 =	simm.s32 @p2 $0x1082  }
0x22: {  	[simem:s7], [sflag:s8] =	dma.local @!p0 [hbm:s6], $0xF7A  }
0x23: {  	s9 =	sor.u32 $0xD0000000, s2;
	s6 =	simm.s32 $0x108;
	_ =	swait.ge @!p0 [sflag:s8], $0x0  }
0x24: {  	s3 =	sadd.s32 $0x88, s3;
	s6 =	simm.s32 @!p1 $0x1082;
	[sflag:s4] =	ssyncset.s32 $0xFFFFF086  }
0x25: {  	[simem:s6], [sflag:s4] =	dma.local [hbm:s3], $0xF7A  }
0x26: {  	[smem:$0x3F91] =	sst s1;
	(tag) =	ssettag s2;
	_ =	strace s9  }
0x27: {  	s1 =	sld [smem:$0x3FA1]  }
0x28: {  	s2 =	sld [smem:$0x3FA2]  }
0x29: {  	s4 =	sld [smem:$0x3FA4]  }
0x2a: {  	p0 =	seq.s32 s5, $0x0;
	s5 =	sld [smem:$0x3FA5]  }
0x2b: {  	s6 =	sld [smem:$0x3FA6]  }
0x2c: {  	s7 =	sld [smem:$0x3FA7]  }
0x2d: {  	s3 =	simm.s32 $0x108;
	s8 =	sld [smem:$0x3FA8]  }
0x2e: {  	s3 =	simm.s32 @!p0 $0x1082;
	s9 =	sld [smem:$0x3FA9]  }
0x2f: {  	lr =	sadd.s32 s0, s3;
	s0 =	sld [smem:$0x3FA0]  }
0x30: {  	s3 =	sld [smem:$0x3FA3]  }
0x31: {  	[smem:$0x3FAC] =	sst s10  }
0x32: {  	s10 =	sld [smem:$0x3FAA];
	_ =	sdelay $0x3  }
0x33: {  	p0 =	seq.s32 s10, $0x1;
	s10 =	sld [smem:$0x3FAC];
	_ =	sdelay $0x3  }
0x34: {  	[smem:$0x3FAC] =	sst s10  }
0x35: {  	s10 =	sld [smem:$0x3FAB];
	_ =	sdelay $0x3  }
0x36: {  	p1 =	seq.s32 s10, $0x1;
	s10 =	sld [smem:$0x3FAC];
	_ =	sdelay $0x3  }
0x37: {  	[smem:$0x3FAC] =	sst s10  }
0x38: {  	s10 =	sld [smem:$0x3FAD]  }
0x39: {  	_ = 	snop;
	(pc) =	sbr.ind lr, $3  }
0x3a: {  	_ = 	snop  }
0x3b: {  	_ = 	snop  }
0x3c: {  	p2 =	seq.s32 s10, $0x1;
	s10 =	sld [smem:$0x3FAC]  }
0x3d: {  	_ =	shalt  }
0x3e: {  	_ =	shalt  }
0x3f: {  	_ =	shalt  }
0x40: {  	_ =	shalt  }
0x41: {  	_ =	shalt  }
0x42: {  	_ =	shalt  }
0x43: {  	_ =	shalt  }
0x44: {  	_ =	shalt  }
0x45: {  	_ =	shalt  }
0x46: {  	_ =	shalt  }
0x47: {  	_ =	shalt  }
0x48: {  	_ =	shalt  }
0x49: {  	_ =	shalt  }
0x4a: {  	_ =	shalt  }
0x4b: {  	_ =	shalt  }
0x4c: {  	_ =	shalt  }
0x4d: {  	_ =	shalt  }
0x4e: {  	_ =	shalt  }
0x4f: {  	_ =	shalt  }
0x50: {  	_ =	shalt  }
0x51: {  	_ =	shalt  }
0x52: {  	_ =	shalt  }
0x53: {  	_ =	shalt  }
0x54: {  	_ =	shalt  }
0x55: {  	_ =	shalt  }
0x56: {  	_ =	shalt  }
0x57: {  	_ =	shalt  }
0x58: {  	_ =	shalt  }
0x59: {  	_ =	shalt  }
0x5a: {  	_ =	shalt  }
0x5b: {  	_ =	shalt  }
0x5c: {  	_ =	shalt  }
0x5d: {  	_ =	shalt  }
0x5e: {  	_ =	shalt  }
0x5f: {  	_ =	shalt  }
0x60: {  	_ =	shalt  }
0x61: {  	_ =	shalt  }
0x62: {  	_ =	shalt  }
0x63: {  	_ =	shalt  }
0x64: {  	_ =	shalt  }
0x65: {  	_ =	shalt  }
0x66: {  	_ =	shalt  }
0x67: {  	_ =	shalt  }
0x68: {  	_ =	shalt  }
0x69: {  	_ =	shalt  }
0x6a: {  	_ =	shalt  }
0x6b: {  	_ =	shalt  }
0x6c: {  	_ =	shalt  }
0x6d: {  	_ =	shalt  }
0x6e: {  	_ =	shalt  }
0x6f: {  	_ =	shalt  }
0x70: {  	_ =	shalt  }
0x71: {  	_ =	shalt  }
0x72: {  	_ =	shalt  }
0x73: {  	_ =	shalt  }
0x74: {  	_ =	shalt  }
0x75: {  	_ =	shalt  }
0x76: {  	_ =	shalt  }
0x77: {  	_ =	shalt  }
0x78: {  	_ =	shalt  }
0x79: {  	_ =	shalt  }
0x7a: {  	_ =	shalt  }
0x7b: {  	_ =	shalt  }
0x7c: {  	_ =	shalt  }
0x7d: {  	_ =	shalt  }
0x7e: {  	_ =	shalt  }
0x7f: {  	_ =	shalt  }
0x80: {  	_ =	shalt  }
0x81: {  	_ =	shalt  }
0x82: {  	_ =	shalt  }
0x83: {  	_ =	shalt  }
0x84: {  	_ =	shalt  }
0x85: {  	_ =	shalt  }
0x86: {  	_ =	shalt  }
0x87: {  	_ =	shalt  }
.Lfunc_end0:
.L_simem_size_0:
called_computation.5_lowered:
.L_overlay_start_0:
0x88: {  	s2 =	sld [smem:$0x3FD9]  }
0x89: {  	s3 =	sld [smem:$0x3FFE];
	_ =	sdelay $0x1  }
0x8a: {  	s1 =	srdreg.scid  }
0x8b: {  	s0 =	sand.u32 $0x1, s1  }
0x8c: {  	s15 =	sshll.u32 s0, $0xA;
	s2 =	sadd.s32 s3, s2  }
0x8d: {  	s2 =	sadd.s32 s2, s15  }
0x8e: {  	[smem:$0x3FB8] =	sst s2  }
0x8f: {  	_ = 	snop  }
0x90: {  	s2 =	sld [smem:$0x3FD0];
	_ =	sdelay $0x2  }
0x91: {  	s16 =	simm.s32 $0xD;
	s4 =	simm.s32 $0x10  }
0x92: {  	[smem:s4], [sflag:s16] =	dma.local [hbm:s2], $0x1  }
0x93: {  	_ =	swait.eq [sflag:s16], $0x1  }
0x94: {  	[sflag:s16] =	ssyncset.done $0x0  }
0x95: {  	[sflag:s16] =	ssyncadd.s32 $0xFFFFFFFF  }
0x96: {  	s17 =	sld [smem:$0x10];
	(tm) =	ssettm $0x1  }
0x97: {  	s18 =	sld [smem:$0x3FFB];
	_ =	sdelay $0x3  }
0x98: {  	_ =	strace s18  }
0x99: {  	s2 =	sld [smem:$0x3FFC];
	_ =	sdelay $0x3  }
0x9a: {  	_ =	strace s2  }
0x9b: {  	s2 =	sld [smem:$0x3FFD];
	_ =	sdelay $0x3  }
0x9c: {  	_ =	strace s2  }
0x9d: {  	_ =	strace $0x8FFFFFFF  }
0x9e: {  	s19 =	sld [smem:$0x3FDB];
	_ =	sdelay $0x1  }
0x9f: {  	s20 =	simm.s32 $_scs_section_size  }
0xa0: {  	s5 =	simm.s32 $_size__tile_overlayer_lowered;
	s6 =	simm.s32 $_tile_overlayer_lowered  }
0xa1: {  	s7 =	simm.s32 $0x1BFF;
	s21 =	sshll.u32 s6, $0x1;
	s4 =	sadd.s32 s20, s19  }
0xa2: {  	s22 =	simm.s32 $0x0;
	s5 =	sshll.u32 s5, $0x1;
	s6 =	sadd.s32 s21, s4  }
0xa3: {  	[timem:s22], [sflag:s7] =	dma.local [hbm:s6], s5  }
0xa4: {  	_ =	swait.ge [sflag:s7], s5  }
0xa5: {  	s5 =	ssub.s32 $0x0, s5;
	[sflag:s7] =	ssyncset.done $0x0  }
0xa6: {  	[sflag:s7] =	ssyncadd.s32 s5;
	_ =	sdelay $0x1  }
0xa7: {  	s23 =	simm.s32 $0x1B8B  }
0xa8: {  	_ =	swait.ge [sflag:s23], $0x1  }
0xa9: {  	[sflag:s23] =	ssyncset.done $0x0  }
0xaa: {  	[sflag:s23] =	ssyncadd.s32 $0xFFFFFFFF  }
0xab: {  	s5 =	sld [smem:$0x0]  }
0xac: {  	s6 =	sand.u32 $0xFFFFFFFE, s1  }
0xad: {  	p0 =	sne.s32 s1, s6  }
0xae: {  	s6 =	sshll.u32 @p0 s6, $0xE  }
0xaf: {  	s6 =	sadd.s32 @p0 $0x11B8D, s6;
	s7 =	sshll.u32 @p0 s5, $0x11  }
0xb0: {  	s6 =	sor.u32 @p0 s7, s6  }
0xb1: {  	[sflag:s6] =	ssyncadd.remote.s32 @p0 $0x1;
	_ =	sdelay $0x1  }
0xb2: {  	s6 =	simm.s32 @p0 $0x1B8D  }
0xb3: {  	_ =	swait.eq @p0 [sflag:s6], $0x1  }
0xb4: {  	[sflag:s6] =	ssyncadd.s32 @p0 $0xFFFFFFFF  }
0xb5: {  	s7 =	sshll.u32 @!p0 s1, $0xE  }
0xb6: {  	s7 =	sor.u32 @!p0 $0x4000, s7;
	s6 =	simm.s32 @!p0 $0x1B8D  }
0xb7: {  	s5 =	sshll.u32 @!p0 s5, $0x11;
	s7 =	sadd.s32 @!p0 $0x11B8D, s7;
	_ =	swait.eq @!p0 [sflag:s6], $0x1  }
0xb8: {  	s5 =	sor.u32 @!p0 s5, s7;
	[sflag:s6] =	ssyncadd.s32 @!p0 $0xFFFFFFFF  }
0xb9: {  	s25 =	simm.s32 $0x1B8E;
	s24 =	sld [smem:$0x3FFE];
	[sflag:s5] =	ssyncadd.remote.s32 @!p0 $0x1  }
0xba: {  	s26 =	simm.s32 $execute0_lowered;
	[smem:$0x3FD2] =	sst s25  }
0xbb: {  	s6 =	sshll.u32 s26, $0x1;
	_ =	strace $0x80000055;
	[dreg:$0x1] =	wrdreg $0xFFFFFFFF  }
0xbc: {  	s28 =	simm.s32 $_size_execute0_lowered;
	s4 =	sadd.s32 s4, s6;
	[dreg:$0x0] =	wrdreg $0x0  }
0xbd: {  	s6 =	sshll.u32 s28, $0x1;
	[dreg:$0x2] =	wrdreg s4  }
0xbe: {  	[dreg:$0x3] =	wrdreg s6  }
0xbf: {  	[dreg:$0x4] =	wrdreg $0xC0  }
0xc0: {  	_ =	task [dreg:s22], $0x5FFFF  }
0xc1: {  	[dreg:$0x1] =	wrdreg $0xFFFFFFFF  }
0xc2: {  	[dreg:$0x0] =	wrdreg $0x60  }
0xc3: {  	[dreg:$0x2] =	wrdreg s24  }
0xc4: {  	[dreg:$0x3] =	wrdreg s17  }
0xc5: {  	[dreg:$0x4] =	wrdreg $0x0  }
0xc6: {  	[dreg:$0x5] =	wrdreg $0x9  }
0xc7: {  	_ =	task.clear_ibuf [dreg:s22], $0x6FFFF;
	_ =	strace $0x90000055  }
0xc8: {  	s29 =	simm.s32 $0x9;
	_ =	strace $0x80000057  }
0xc9: {  	_ =	swait.ge [sflag:s29], $0x1  }
0xca: {  	[sflag:s29] =	ssyncadd.s32 $0xFFFFFFFF  }
0xcb: {  	_ =	strace $0x90000057  }
0xcc: {  	_ =	sfence  }
0xcd: {  	s30 =	sld [smem:$0x0];
	_ =	sdelay $0x2  }
0xce: {  	s31 =	sshll.u32 s1, $0xD;
	s1 =	sshrl.u32 s1, $0x2  }
0xcf: {  	s4 =	sand.u32 $0x4000, s31;
	s1 =	sadd.s32 s1, s30  }
0xd0: {  	s0 =	sor.u32 s4, s0;
	s1 =	sshll.u32 s1, $0x11  }
0xd1: {  	s0 =	sor.u32 s1, s0  }
0xd2: {  	s0 =	sadd.s32 $0x8F2B, s0  }
0xd3: {  	[sflag:s0] =	ssyncadd.remote.s32 $0x1  }
0xd4: {  	_ =	sfence.sel $0xFFFF  }
0xd5: {  	[dreg:$0x0] =	wrdreg $0xFFFFFFFF;
	(pc) =	sbr.abs _section_cstart, $3  }
0xd6: {  	[dreg:$0x1] =	wrdreg $0xFFFFFFFF  }
0xd7: {  	_ =	task.clear_ibuf [dreg:s22], $0x2FFFF;
	_ =	strace $0x9FFFFFFF  }
0xd8: {  	(tm) =	ssettm $0x7FFFFFFF  }
0xd9: {  	_ =	shalt  }
tec
execute0_lowered:
.L_overlay_start_1:
0x0: {  	(tag) =	ssettag $0x1  }
0x1: {  	s8 =	rddreg [dreg:$0x0]  }
0x2: {  	s6 =	rddreg [dreg:$0x1]  }
0x3: {  	s2 =	rddreg [dreg:$0x2]  }
0x4: {  	s3 =	simm.s32 $0x0;
	s0 =	stileid.u32;
	s5 =	srdreg.scid  }
0x5: {  	s14 =	simm.s32 $0x18900;
	s15 =	simm.s32 $0x80;
	s16 =	simm.s32 $0x18B00  }
0x6: {  	s17 =	simm.s32 $0x18780;
	s18 =	simm.s32 $0x19B00;
	s19 =	simm.s32 $0x18800  }
0x7: {  	s20 =	simm.s32 $0x1AB00;
	s21 =	simm.s32 $0x18880;
	s22 =	simm.s32 $0x1BB00  }
0x8: {  	s23 =	simm.s32 $0x1;
	s24 =	simm.s32 $0x18980;
	s25 =	simm.s32 $0x18A00  }
0x9: {  	s26 =	simm.s32 $0x18A80;
	s28 =	simm.s32 $0x0;
	s4 =	smul.u32 $0x1880, s0  }
0xa: {  	[smem:$0x7FF] =	sst s3;
	s5 =	sand.u32 $0x1, s5;
	s7 =	smul.u32 $0x61C00, s0  }
0xb: {  	s11 =	smul.u32 $0x30E0, s0;
	s31 =	sshll.u32 s0, $0x6;
	_ =	strace $0x80000056  }
0xc: {  	s9 =	ssub.s32 $0x2, s5;
	s13 =	smul.u32 $0x30E00, s5;
	p0 =	seq.s32 s5, $0x1  }
0xd: {  	s5 =	sor.u32 $0x1C02, s31;
	s10 =	sadd.s32 s4, s8;
	s12 =	sshrl.u32 s9, $0x1  }
0xe: {  	s4 =	sadd.s32 $0x15D600, s8;
	s7 =	sshrl.u32 s7, $0x2;
	s9 =	ssub.s32 s9, s12  }
0xf: {  	s30 =	sadd.s32 s7, s2;
	s11 =	sadd.s32 s11, s13;
	s13 =	simm.s32 $0x286C00  }
0x10: {  	s12 =	simm.s32 $0x2;
	s6 =	sadd.s32 s6, s11;
	s13 =	simm.s32 @!p0 $0x179000  }
0x11: {  	s7 =	smax.u32 s9, $0x1;
	s9 =	sadd.s32 $0x5600, s10;
	s10 =	sadd.s32 $0x144E00, s10  }
0x12: {  	s11 =	sshrl.u32 s30, $0x3;
	s8 =	sadd.s32 s13, s8;
	s13 =	simm.s32 $0x18700  }
.LBB2_1:
0x13: {  	[spmem:s11], [sflag:s5] =	dma.local [hbm:s4], $0x30E0  }
0x14: {  	_ =	swait.ge [sflag:s12], $0x30E0  }
0x15: {  	[sflag:s12] =	ssyncset.done $0x0  }
0x16: {  	[sflag:s12] =	ssyncadd.s32 $0xFFFFCF20  }
0x17: {  	s29 =	sadd.s32 $0x0, s10;
	[bflag:$0x0] =	sbarrier.arrive $0xFFFF  }
0x18: {  	[tilespmem:s13], [sflag:$0x2] =	stream.linear.gather [hbm4b:s29+s3], $0x200, $0x38;
	[tilespmem:$0x1CB00] =	vst v63  }
0x19: {  	_ =	swait.ge [sflag:s12], $0x200  }
0x1a: {  	[sflag:s12] =	ssyncset.done $0x0  }
0x1b: {  	s29 =	sadd.s32 $0x0, s9;
	[sflag:s12] =	ssyncadd.s32 $0xFFFFFE00  }
0x1c: {  	[tilespmem:s14], [sflag:$0x2] =	stream.linear.gather [hbm4b:s29+s3], $0x200, $0x38;
	[tilespmem:$0x1CB00] =	vst v63  }
0x1d: {  	_ =	swait.ge [sflag:s12], $0x200  }
0x1e: {  	[sflag:s12] =	ssyncset.done $0x0  }
0x1f: {  	[sflag:s12] =	ssyncadd.s32 $0xFFFFFE00  }
0x20: {  	[tilespmem:s16], [sflag:$0x1] =	stream.indirect.gather [hbm4b:s8+s15], $0x20, s13, s15, $0xb8;
	[tilespmem:$0x1CB00] =	vst v63  }
0x21: {  	_ = 	snop  }
0x22: {  	[tilespmem:s18], [sflag:$0x1] =	stream.indirect.gather [hbm4b:s8+s15], $0x20, s17, s15, $0xb8;
	[tilespmem:$0x1CB00] =	vst v63  }
0x23: {  	_ = 	snop  }
0x24: {  	[tilespmem:s20], [sflag:$0x1] =	stream.indirect.gather [hbm4b:s8+s15], $0x20, s19, s15, $0xb8;
	[tilespmem:$0x1CB00] =	vst v63  }
0x25: {  	_ = 	snop  }
0x26: {  	[tilespmem:s22], [sflag:$0x1] =	stream.indirect.gather [hbm4b:s8+s15], $0x20, s21, s15, $0xb8;
	[tilespmem:$0x1CB00] =	vst v63  }
0x27: {  	_ =	swait.ge [sflag:s23], $0x1000  }
0x28: {  	[sflag:s23] =	ssyncset.done $0x0  }
0x29: {  	[sflag:s23] =	ssyncadd.s32 $0xFFFFF000  }
0x2a: {  	_ =	swait.ge [sflag:s23], $0x1000  }
0x2b: {  	[sflag:s23] =	ssyncset.done $0x0  }
0x2c: {  	[sflag:s23] =	ssyncadd.s32 $0xFFFFF000  }
0x2d: {  	_ =	swait.ge [sflag:s23], $0x1000  }
0x2e: {  	[sflag:s23] =	ssyncset.done $0x0  }
0x2f: {  	[sflag:s23] =	ssyncadd.s32 $0xFFFFF000  }
0x30: {  	_ =	swait.ge [sflag:s23], $0x1000  }
0x31: {  	[sflag:s23] =	ssyncset.done $0x0  }
0x32: {  	[sflag:s23] =	ssyncadd.s32 $0xFFFFF000  }
0x33: {  	[spmem:s2] =	stream.indirect.scatter.add.f32 [tilespmem:s16], [sflag:$0x2], $0x20, s14, s15, $0xb8;
	[tilespmem:$0x1CB00] =	vst v63  }
0x34: {  	_ =	swait.ge [sflag:s12], $0x1000  }
0x35: {  	[sflag:s12] =	ssyncset.done $0x0  }
0x36: {  	[sflag:s12] =	ssyncadd.s32 $0xFFFFF000  }
0x37: {  	[spmem:s2] =	stream.indirect.scatter.add.f32 [tilespmem:s18], [sflag:$0x2], $0x20, s24, s15, $0xb8;
	[tilespmem:$0x1CB00] =	vst v63  }
0x38: {  	_ =	swait.ge [sflag:s12], $0x1000  }
0x39: {  	[sflag:s12] =	ssyncset.done $0x0  }
0x3a: {  	[sflag:s12] =	ssyncadd.s32 $0xFFFFF000  }
0x3b: {  	[spmem:s2] =	stream.indirect.scatter.add.f32 [tilespmem:s20], [sflag:$0x2], $0x20, s25, s15, $0xb8;
	[tilespmem:$0x1CB00] =	vst v63  }
0x3c: {  	_ =	swait.ge [sflag:s12], $0x1000  }
0x3d: {  	[sflag:s12] =	ssyncset.done $0x0  }
0x3e: {  	[sflag:s12] =	ssyncadd.s32 $0xFFFFF000  }
0x3f: {  	[spmem:s2] =	stream.indirect.scatter.add.f32 [tilespmem:s22], [sflag:$0x2], $0x20, s26, s15, $0xb8;
	[tilespmem:$0x1CB00] =	vst v63  }
0x40: {  	_ =	swait.ge [sflag:s12], $0x1000  }
0x41: {  	s31 =	simm.s32 $0x80;
	s29 =	simm.s32 $0x40;
	[sflag:s12] =	ssyncset.done $0x0  }
.LBB2_2:
0x42: {  	s0 =	sadd.s32 s29, s10  }
0x43: {  	[sflag:s12] =	ssyncadd.s32 $0xFFFFF000;
	s1 =	smov.u32 s31;
	s30 =	sadd.s32 $0x40, s31  }
0x44: {  	[tilespmem:s13], [sflag:$0x2] =	stream.linear.gather [hbm4b:s0+s3], $0x200, $0x38;
	[tilespmem:$0x1CB00] =	vst v63  }
0x45: {  	p0 =	sne.s32 s31, $0x1840;
	_ =	swait.ge [sflag:s12], $0x200  }
0x46: {  	[sflag:s12] =	ssyncset.done $0x0  }
0x47: {  	s0 =	sadd.s32 s29, s9;
	s29 =	smov.u32 s1;
	[sflag:s12] =	ssyncadd.s32 $0xFFFFFE00  }
0x48: {  	[tilespmem:s14], [sflag:$0x2] =	stream.linear.gather [hbm4b:s0+s3], $0x200, $0x38;
	[tilespmem:$0x1CB00] =	vst v63  }
0x49: {  	_ =	swait.ge [sflag:s12], $0x200  }
0x4a: {  	[sflag:s12] =	ssyncset.done $0x0  }
0x4b: {  	[sflag:s12] =	ssyncadd.s32 $0xFFFFFE00  }
0x4c: {  	[tilespmem:s16], [sflag:$0x1] =	stream.indirect.gather [hbm4b:s8+s15], $0x20, s13, s15, $0xb8;
	[tilespmem:$0x1CB00] =	vst v63  }
0x4d: {  	_ = 	snop  }
0x4e: {  	[tilespmem:s18], [sflag:$0x1] =	stream.indirect.gather [hbm4b:s8+s15], $0x20, s17, s15, $0xb8;
	[tilespmem:$0x1CB00] =	vst v63  }
0x4f: {  	_ = 	snop  }
0x50: {  	[tilespmem:s20], [sflag:$0x1] =	stream.indirect.gather [hbm4b:s8+s15], $0x20, s19, s15, $0xb8;
	[tilespmem:$0x1CB00] =	vst v63  }
0x51: {  	_ = 	snop  }
0x52: {  	[tilespmem:s22], [sflag:$0x1] =	stream.indirect.gather [hbm4b:s8+s15], $0x20, s21, s15, $0xb8;
	[tilespmem:$0x1CB00] =	vst v63  }
0x53: {  	_ =	swait.ge [sflag:s23], $0x1000  }
0x54: {  	[sflag:s23] =	ssyncset.done $0x0  }
0x55: {  	[sflag:s23] =	ssyncadd.s32 $0xFFFFF000  }
0x56: {  	_ =	swait.ge [sflag:s23], $0x1000  }
0x57: {  	[sflag:s23] =	ssyncset.done $0x0  }
0x58: {  	[sflag:s23] =	ssyncadd.s32 $0xFFFFF000  }
0x59: {  	_ =	swait.ge [sflag:s23], $0x1000  }
0x5a: {  	[sflag:s23] =	ssyncset.done $0x0  }
0x5b: {  	[sflag:s23] =	ssyncadd.s32 $0xFFFFF000  }
0x5c: {  	_ =	swait.ge [sflag:s23], $0x1000  }
0x5d: {  	[sflag:s23] =	ssyncset.done $0x0  }
0x5e: {  	[sflag:s23] =	ssyncadd.s32 $0xFFFFF000  }
0x5f: {  	[spmem:s2] =	stream.indirect.scatter.add.f32 [tilespmem:s16], [sflag:$0x2], $0x20, s14, s15, $0xb8;
	[tilespmem:$0x1CB00] =	vst v63  }
0x60: {  	_ =	swait.ge [sflag:s12], $0x1000  }
0x61: {  	[sflag:s12] =	ssyncset.done $0x0  }
0x62: {  	[sflag:s12] =	ssyncadd.s32 $0xFFFFF000  }
0x63: {  	[spmem:s2] =	stream.indirect.scatter.add.f32 [tilespmem:s18], [sflag:$0x2], $0x20, s24, s15, $0xb8;
	[tilespmem:$0x1CB00] =	vst v63  }
0x64: {  	_ =	swait.ge [sflag:s12], $0x1000  }
0x65: {  	[sflag:s12] =	ssyncset.done $0x0  }
0x66: {  	[sflag:s12] =	ssyncadd.s32 $0xFFFFF000  }
0x67: {  	[spmem:s2] =	stream.indirect.scatter.add.f32 [tilespmem:s20], [sflag:$0x2], $0x20, s25, s15, $0xb8;
	[tilespmem:$0x1CB00] =	vst v63  }
0x68: {  	_ =	swait.ge [sflag:s12], $0x1000  }
.Ltmp0:
0x69: {  	[sflag:s12] =	ssyncset.done $0x0;
	(pc) =	sbr.rel @p0 .LBB2_2-.Ltmp0, $4  }
0x6a: {  	[sflag:s12] =	ssyncadd.s32 $0xFFFFF000  }
0x6b: {  	[spmem:s2] =	stream.indirect.scatter.add.f32 [tilespmem:s22], [sflag:$0x2], $0x20, s26, s15, $0xb8;
	[tilespmem:$0x1CB00] =	vst v63  }
0x6c: {  	_ =	swait.ge [sflag:s12], $0x1000  }
0x6d: {  	s31 =	smov.u32 s30;
	[sflag:s12] =	ssyncset.done $0x0  }
0x6e: {  	s0 =	sadd.s32 s29, s10;
	[sflag:s12] =	ssyncadd.s32 $0xFFFFF000  }
0x6f: {  	[tilespmem:s13], [sflag:$0x2] =	stream.linear.gather [hbm4b:s0+s3], $0x200, $0x38;
	[tilespmem:$0x1CB00] =	vst v63  }
0x70: {  	_ =	swait.ge [sflag:s12], $0x200  }
0x71: {  	[sflag:s12] =	ssyncset.done $0x0  }
0x72: {  	s31 =	sadd.s32 s29, s9;
	[sflag:s12] =	ssyncadd.s32 $0xFFFFFE00  }
0x73: {  	[tilespmem:s14], [sflag:$0x2] =	stream.linear.gather [hbm4b:s31+s3], $0x200, $0x38;
	[tilespmem:$0x1CB00] =	vst v63  }
0x74: {  	_ =	swait.ge [sflag:s12], $0x200  }
0x75: {  	[sflag:s12] =	ssyncset.done $0x0  }
0x76: {  	[sflag:s12] =	ssyncadd.s32 $0xFFFFFE00  }
0x77: {  	[tilespmem:s16], [sflag:$0x1] =	stream.indirect.gather [hbm4b:s8+s15], $0x20, s13, s15, $0xb8;
	[tilespmem:$0x1CB00] =	vst v63  }
0x78: {  	_ = 	snop  }
0x79: {  	[tilespmem:s18], [sflag:$0x1] =	stream.indirect.gather [hbm4b:s8+s15], $0x20, s17, s15, $0xb8;
	[tilespmem:$0x1CB00] =	vst v63  }
0x7a: {  	_ = 	snop  }
0x7b: {  	[tilespmem:s20], [sflag:$0x1] =	stream.indirect.gather [hbm4b:s8+s15], $0x20, s19, s15, $0xb8;
	[tilespmem:$0x1CB00] =	vst v63  }
0x7c: {  	_ = 	snop  }
0x7d: {  	[tilespmem:s22], [sflag:$0x1] =	stream.indirect.gather [hbm4b:s8+s15], $0x20, s21, s15, $0xb8;
	[tilespmem:$0x1CB00] =	vst v63  }
0x7e: {  	_ =	swait.ge [sflag:s23], $0x1000  }
0x7f: {  	[sflag:s23] =	ssyncset.done $0x0  }
0x80: {  	[sflag:s23] =	ssyncadd.s32 $0xFFFFF000  }
0x81: {  	_ =	swait.ge [sflag:s23], $0x1000  }
0x82: {  	[sflag:s23] =	ssyncset.done $0x0  }
0x83: {  	[sflag:s23] =	ssyncadd.s32 $0xFFFFF000  }
0x84: {  	_ =	swait.ge [sflag:s23], $0x1000  }
0x85: {  	[sflag:s23] =	ssyncset.done $0x0  }
0x86: {  	[sflag:s23] =	ssyncadd.s32 $0xFFFFF000  }
0x87: {  	_ =	swait.ge [sflag:s23], $0x1000  }
0x88: {  	[sflag:s23] =	ssyncset.done $0x0  }
0x89: {  	[sflag:s23] =	ssyncadd.s32 $0xFFFFF000  }
0x8a: {  	[spmem:s2] =	stream.indirect.scatter.add.f32 [tilespmem:s16], [sflag:$0x2], $0x20, s14, s15, $0xb8;
	[tilespmem:$0x1CB00] =	vst v63  }
0x8b: {  	_ =	swait.ge [sflag:s12], $0x1000  }
0x8c: {  	[sflag:s12] =	ssyncset.done $0x0  }
0x8d: {  	[sflag:s12] =	ssyncadd.s32 $0xFFFFF000  }
0x8e: {  	[spmem:s2] =	stream.indirect.scatter.add.f32 [tilespmem:s18], [sflag:$0x2], $0x20, s24, s15, $0xb8;
	[tilespmem:$0x1CB00] =	vst v63  }
0x8f: {  	_ =	swait.ge [sflag:s12], $0x1000  }
0x90: {  	[sflag:s12] =	ssyncset.done $0x0  }
0x91: {  	[sflag:s12] =	ssyncadd.s32 $0xFFFFF000  }
0x92: {  	[spmem:s2] =	stream.indirect.scatter.add.f32 [tilespmem:s20], [sflag:$0x2], $0x20, s25, s15, $0xb8;
	[tilespmem:$0x1CB00] =	vst v63  }
0x93: {  	_ =	swait.ge [sflag:s12], $0x1000  }
0x94: {  	[sflag:s12] =	ssyncset.done $0x0  }
0x95: {  	[sflag:s12] =	ssyncadd.s32 $0xFFFFF000  }
0x96: {  	[spmem:s2] =	stream.indirect.scatter.add.f32 [tilespmem:s22], [sflag:$0x2], $0x20, s26, s15, $0xb8;
	[tilespmem:$0x1CB00] =	vst v63  }
0x97: {  	_ =	swait.ge [sflag:s12], $0x1000  }
0x98: {  	s28 =	sadd.s32 $0x1, s28;
	[sflag:s12] =	ssyncset.done $0x0  }
0x99: {  	p0 =	sne.s32 s28, s7;
	[sflag:s12] =	ssyncadd.s32 $0xFFFFF000  }
.Ltmp1:
0x9a: {  	[bflag:$0x0] =	sbarrier.arrive $0xFFFF;
	(pc) =	sbr.rel @p0 .LBB2_1-.Ltmp1, $4  }
0x9b: {  	[hbm:s6], [sflag:s5] =	dma.local [spmem:s11], $0x30E0  }
0x9c: {  	_ =	swait.ge [sflag:s12], $0x30E0  }
0x9d: {  	[sflag:s12] =	ssyncset.done $0x0  }
0x9e: {  	[sflag:s12] =	ssyncadd.s32 $0xFFFFCF20  }
0x9f: {  	_ =	sfence.sel $0x180000  }
0xa0: {  	[bflag:$0x0] =	sbarrier.arrive $0xFFFF  }
0xa1: {  	_ =	strace $0x90000056  }
0xa2: {  	s0 =	stileid.u32;
	[bflag:$0x2] =	sbarrier.arrive $0xFFFF  }
0xa3: {  	p0 =	sne.s32 s0, $0x0;
	s0 =	rddreg [dreg:$0x3]  }
0xa4: {  	s0 =	sadd.s32 @!p0 $0x100000, s0  }
0xa5: {  	[sflag:s0] =	ssyncadd.tile.s32 @!p0 $0x1;
	_ =	shalt  }
.Lfunc_end2:
_tile_overlayer_lowered:
.L_overlay_start_2:
0xa6: {  	(tag) =	ssettag $0x2  }
0xa7: {  	s0 =	rddreg [dreg:$0x0];
	s2 =	stileid.u32  }
0xa8: {  	s1 =	rddreg [dreg:$0x1];
	p0 =	sne.s32 s2, $0x0  }
0xa9: {  	s3 =	rddreg [dreg:$0x2];
	[bflag:$0x3] =	sbarrier.arrive $0xFFFF;
	s2 =	simm.s32 @!p0 $0x1C02  }
0xaa: {  	[timem:s3], [sflag:s2] =	dma.local @!p0 [hbm:s0], s1  }
0xab: {  	s0 =	simm.s32 @!p0 $0x2  }
0xac: {  	_ =	swait.ge @!p0 [sflag:s0], s1  }
0xad: {  	s1 =	ssub.s32 @!p0 $0x0, s1;
	[sflag:s0] =	ssyncset.done @!p0 $0x0  }
0xae: {  	[sflag:s0] =	ssyncadd.s32 @!p0 s1  }
0xaf: {  	[bflag:$0x3] =	sbarrier.arrive $0xFFFF  }
0xb0: {  	_ =	shalt  }

</sc_bundles>
